<compile_context>
chip_gen: v7x
topology: tpu7x:2x2x1
jax: 0.10.2.dev20260603
libtpu: 0.0.44.dev20260713+nightly
codegen_flags: <defaults>
</compile_context>

<pallas_src>
import jax
import jax.numpy as jnp
from jax import lax
from jax.experimental import pallas as pl
from jax.experimental.pallas import tpu as pltpu
from jax.experimental.pallas import tpu_sc as plsc

_CONF_DELTA = 0.05
_NUM_OBJ_CLASSES = 42

_N_ROWS = 262144
_N_FEATS = 204

_NC = 2
_NS = 16
_NW = _NC * _NS

_BATCH_PER_W = _N_ROWS // _NW
_W = 1024
_NCHUNKS = _BATCH_PER_W // _W
_LANES = 16
_SEGS = _W // _LANES
_NBUF = 13


def _activation_cols(D):
    num_obj_feats = _NUM_OBJ_CLASSES - 2
    num_obj_points = num_obj_feats * 2
    obj_acts_idx = num_obj_points + 1 + num_obj_points + 2 + 1
    return [0, num_obj_points + 1] + list(range(obj_acts_idx, D))


_ROWS = _activation_cols(_N_FEATS)

_NFB = (_N_FEATS + 7) // 8
_TOUCH = {}
for _r in _ROWS:
    _TOUCH.setdefault(_r // 8, []).append(_r % 8)
_FBH = {fb: min(8, _N_FEATS - fb * 8) for fb in range(_NFB)}
_UNITS = _NCHUNKS * _NFB


def _sc_body(feat_hbm, dvec_hbm, out_hbm, bufs, dvec_v, sems_in, sems_out):
    wid = lax.axis_index("c") * _NS + lax.axis_index("s")
    col0 = wid * _BATCH_PER_W

    pltpu.sync_copy(dvec_hbm, dvec_v)
    dv = dvec_v[...]

    def fb_slice(ref, fb, chunk):
        return ref.at[pl.ds(fb * 8, _FBH[fb]),
                      pl.ds(col0 + chunk * _W, _W)]

    def buf_ref(b, fb):
        h = _FBH[fb]
        return bufs[b] if h == 8 else bufs[b].at[pl.ds(0, h), :]

    def start_in(b, fb, chunk):
        pltpu.async_copy(fb_slice(feat_hbm, fb, chunk), buf_ref(b, fb),
                         sems_in[b])

    def wait_in(b, fb):
        pltpu.make_async_copy(fb_slice(feat_hbm, fb, 0), buf_ref(b, fb),
                              sems_in[b]).wait()

    def start_out(b, fb, chunk):
        pltpu.async_copy(buf_ref(b, fb), fb_slice(out_hbm, fb, chunk),
                         sems_out[b])

    def wait_out(b, fb):
        pltpu.make_async_copy(buf_ref(b, fb), fb_slice(out_hbm, fb, 0),
                              sems_out[b]).wait()

    def compute(b, fb):
        buf = bufs[b]
        rows = _TOUCH[fb]

        @plsc.parallel_loop(0, _SEGS, 1, unroll=1)
        def seg_body(i):
            c = i * _LANES
            for r in rows:
                v = buf[r, pl.ds(c, _LANES)]
                t = jnp.minimum(jnp.maximum(v + dv, 0.0), 1.0)
                buf[r, pl.ds(c, _LANES)] = jnp.where(v == 0.0, v, t)

    for fb in range(_NBUF):
        start_in(fb, fb, 0)

    def chunk_body(g, carry):
        for fb in range(_NFB):
            b = fb % _NBUF
            wait_in(b, fb)
            if fb in _TOUCH:
                compute(b, fb)
            start_out(b, fb, g)
            u2 = g * _NFB + fb + (_NBUF - 2)
            fb2 = (fb + _NBUF - 2) % _NFB
            b2 = fb2 % _NBUF
            fb3 = (fb2 + _NBUF) % _NFB
            g2 = g + (fb + _NBUF - 2) // _NFB

            @pl.when(jnp.logical_and(u2 >= _NBUF, u2 < _UNITS))
            def _():
                wait_out(b2, fb3)
                start_in(b2, fb2, g2)

        return carry

    lax.fori_loop(0, _NCHUNKS, chunk_body, 0)

    for j in range(_NBUF):
        wait_out(j, _NBUF + j)


@jax.jit
def kernel(features):
    delta = jax.random.uniform(
        jax.random.key(1), (), dtype=jnp.float32,
        minval=-_CONF_DELTA, maxval=_CONF_DELTA,
    )
    dvec = jnp.full((_LANES,), delta, jnp.float32)

    mesh = plsc.VectorSubcoreMesh(
        core_axis_name="c", subcore_axis_name="s",
        num_cores=_NC, num_subcores=_NS)

    run = pl.kernel(
        _sc_body,
        out_type=jax.ShapeDtypeStruct((_N_FEATS, _N_ROWS), jnp.float32),
        mesh=mesh,
        compiler_params=pltpu.CompilerParams(needs_layout_passes=False),
        scratch_types=dict(
            bufs=[pltpu.VMEM((8, _W), jnp.float32) for _ in range(_NBUF)],
            dvec_v=pltpu.VMEM((_LANES,), jnp.float32),
            sems_in=[pltpu.SemaphoreType.DMA for _ in range(_NBUF)],
            sems_out=[pltpu.SemaphoreType.DMA for _ in range(_NBUF)],
        ),
    )
    out_t = run(features.T, dvec)
    return out_t.T

# --- scband reference (transcript-rebuilt; emitter-appended) ---
"""Pipeline reference for scband-activation-delta-7722351198855 (READ-ONLY COPY).

The authoritative reference and input builder live on the scoring server;
editing this copy changes nothing except your own understanding.
"""

import jax, jax.numpy as jnp
import numpy as np

CONF_DELTA = 0.05
NUM_OBJ_CLASSES = 42
FEAT_VERSION = 2
N_ROWS = 262144
N_FEATS = 204


def _activation_idxs(D):
    # feat_version == 2 branch of the original torch module
    num_obj_feats = NUM_OBJ_CLASSES - 2
    num_obj_points = num_obj_feats * 2
    obj_acts_idx = num_obj_points + 1 + num_obj_points + 2 + 1
    idxs = [0, num_obj_points + 1] + list(range(obj_acts_idx, D))
    return np.asarray(idxs, dtype=np.int32)


def setup_inputs(seed: int = 0) -> dict:
    key = jax.random.key(seed)
    features = jax.random.uniform(key, (N_ROWS, N_FEATS), dtype=jnp.float32)
    return {"features": features}


def reference(features):
    D = features.shape[1]
    idxs = jnp.asarray(_activation_idxs(D))
    # init_delta(): random.uniform(-conf_delta, conf_delta) -> deterministic jax equivalent
    delta = jax.random.uniform(
        jax.random.key(1), (), dtype=jnp.float32,
        minval=-CONF_DELTA, maxval=CONF_DELTA,
    )
    sub = features[:, idxs]
    updated = jnp.where(sub != 0, jnp.clip(sub + delta, 0.0, 1.0), sub)
    out = features.at[:, idxs].set(updated)
    return out

if __name__ == "__main__":
    import jax
    _d = setup_inputs()
    print(jax.jit(kernel)(*tuple(_d.values())))

</pallas_src>

<mosaic_0001>
#map = affine_map<(d0, d1) -> (0, 0)>
#map1 = affine_map<(d0, d1) -> (0)>
module attributes {stable_mosaic.version = 14 : i64} {
  func.func @_sc_body(%arg0: i32, %arg1: i32, %arg2: memref<204x262144xf32, #tpu.memory_space<hbm>>, %arg3: memref<16xf32, #tpu.memory_space<hbm>>, %arg4: memref<204x262144xf32, #tpu.memory_space<hbm>>, %arg5: memref<8x1024xf32, #tpu.memory_space<vmem>>, %arg6: memref<8x1024xf32, #tpu.memory_space<vmem>>, %arg7: memref<8x1024xf32, #tpu.memory_space<vmem>>, %arg8: memref<8x1024xf32, #tpu.memory_space<vmem>>, %arg9: memref<8x1024xf32, #tpu.memory_space<vmem>>, %arg10: memref<8x1024xf32, #tpu.memory_space<vmem>>, %arg11: memref<8x1024xf32, #tpu.memory_space<vmem>>, %arg12: memref<8x1024xf32, #tpu.memory_space<vmem>>, %arg13: memref<8x1024xf32, #tpu.memory_space<vmem>>, %arg14: memref<8x1024xf32, #tpu.memory_space<vmem>>, %arg15: memref<8x1024xf32, #tpu.memory_space<vmem>>, %arg16: memref<8x1024xf32, #tpu.memory_space<vmem>>, %arg17: memref<8x1024xf32, #tpu.memory_space<vmem>>, %arg18: memref<16xf32, #tpu.memory_space<vmem>>, %arg19: memref<!tpu.dma_semaphore, #tpu.memory_space<semaphore_mem>>, %arg20: memref<!tpu.dma_semaphore, #tpu.memory_space<semaphore_mem>>, %arg21: memref<!tpu.dma_semaphore, #tpu.memory_space<semaphore_mem>>, %arg22: memref<!tpu.dma_semaphore, #tpu.memory_space<semaphore_mem>>, %arg23: memref<!tpu.dma_semaphore, #tpu.memory_space<semaphore_mem>>, %arg24: memref<!tpu.dma_semaphore, #tpu.memory_space<semaphore_mem>>, %arg25: memref<!tpu.dma_semaphore, #tpu.memory_space<semaphore_mem>>, %arg26: memref<!tpu.dma_semaphore, #tpu.memory_space<semaphore_mem>>, %arg27: memref<!tpu.dma_semaphore, #tpu.memory_space<semaphore_mem>>, %arg28: memref<!tpu.dma_semaphore, #tpu.memory_space<semaphore_mem>>, %arg29: memref<!tpu.dma_semaphore, #tpu.memory_space<semaphore_mem>>, %arg30: memref<!tpu.dma_semaphore, #tpu.memory_space<semaphore_mem>>, %arg31: memref<!tpu.dma_semaphore, #tpu.memory_space<semaphore_mem>>, %arg32: memref<!tpu.dma_semaphore, #tpu.memory_space<semaphore_mem>>, %arg33: memref<!tpu.dma_semaphore, #tpu.memory_space<semaphore_mem>>, %arg34: memref<!tpu.dma_semaphore, #tpu.memory_space<semaphore_mem>>, %arg35: memref<!tpu.dma_semaphore, #tpu.memory_space<semaphore_mem>>, %arg36: memref<!tpu.dma_semaphore, #tpu.memory_space<semaphore_mem>>, %arg37: memref<!tpu.dma_semaphore, #tpu.memory_space<semaphore_mem>>, %arg38: memref<!tpu.dma_semaphore, #tpu.memory_space<semaphore_mem>>, %arg39: memref<!tpu.dma_semaphore, #tpu.memory_space<semaphore_mem>>, %arg40: memref<!tpu.dma_semaphore, #tpu.memory_space<semaphore_mem>>, %arg41: memref<!tpu.dma_semaphore, #tpu.memory_space<semaphore_mem>>, %arg42: memref<!tpu.dma_semaphore, #tpu.memory_space<semaphore_mem>>, %arg43: memref<!tpu.dma_semaphore, #tpu.memory_space<semaphore_mem>>, %arg44: memref<!tpu.dma_semaphore, #tpu.memory_space<semaphore_mem>>) attributes {dimension_semantics = [#tpu.dimension_semantics<core_parallel>, #tpu.dimension_semantics<subcore_parallel>], iteration_bounds = array<i64: 2, 16>, scalar_prefetch = 0 : i64, scratch_operands = 40 : i64, tpu.core_type = #tpu.core_type<sc_vector_subcore>, window_params = [{transform_indices = #map}, {transform_indices = #map1}, {transform_indices = #map}]} {
    %mul3A = arith.constant 16 : i32
    %mul3A_0 = arith.muli %arg0, %mul3A : i32
    %add3A = arith.addi %mul3A_0, %arg1 : i32
    %mul3A_1 = arith.constant 8192 : i32
    %mul3A_2 = arith.muli %add3A, %mul3A_1 : i32
    "tpu.region"() ({
      %run_scoped3A = tpu.sem_alloc : memref<!tpu.dma_semaphore, #tpu.memory_space<semaphore_mem>>
      tpu.enqueue_dma source(%arg3 : memref<16xf32, #tpu.memory_space<hbm>>) target(%arg18 : memref<16xf32, #tpu.memory_space<vmem>>) target_semaphore(%run_scoped3A : memref<!tpu.dma_semaphore, #tpu.memory_space<semaphore_mem>>)
      tpu.wait_dma2 semaphore(%run_scoped3A : memref<!tpu.dma_semaphore, #tpu.memory_space<semaphore_mem>>) src(%arg3 : memref<16xf32, #tpu.memory_space<hbm>>) dst(%arg18 : memref<16xf32, #tpu.memory_space<vmem>>)
      tpu.yield
    }) : () -> ()
    %get3A = arith.constant 0 : index
    %get3A_3 = tpu.vector_load %arg18[%get3A] {strides = array<i32>} : memref<16xf32, #tpu.memory_space<vmem>>, vector<16xf32>,
    %add3A_4 = arith.constant 0 : i32
    %add3A_5 = arith.addi %mul3A_2, %add3A_4 : i32
    %dma_start3A = arith.constant 0 : i32
    %dma_start3A_6 = tpu.memref_slice %arg2[%dma_start3A, %add3A_5] : memref<204x262144xf32, #tpu.memory_space<hbm>> -> memref<8x1024xf32, #tpu.memory_space<hbm>>
    %dma_start3A_7 = arith.constant 0 : i32
    %dma_start3A_8 = tpu.memref_slice %arg2[%dma_start3A_7, %add3A_5] : memref<204x262144xf32, #tpu.memory_space<hbm>> -> memref<8x1024xf32, #tpu.memory_space<hbm>>
    tpu.enqueue_dma source(%dma_start3A_8 : memref<8x1024xf32, #tpu.memory_space<hbm>>) target(%arg5 : memref<8x1024xf32, #tpu.memory_space<vmem>>) target_semaphore(%arg19 : memref<!tpu.dma_semaphore, #tpu.memory_space<semaphore_mem>>)
    %add3A_9 = arith.constant 0 : i32
    %add3A_10 = arith.addi %mul3A_2, %add3A_9 : i32
    %dma_start3A_11 = arith.constant 8 : i32
    %dma_start3A_12 = tpu.memref_slice %arg2[%dma_start3A_11, %add3A_10] : memref<204x262144xf32, #tpu.memory_space<hbm>> -> memref<8x1024xf32, #tpu.memory_space<hbm>>
    %dma_start3A_13 = arith.constant 8 : i32
    %dma_start3A_14 = tpu.memref_slice %arg2[%dma_start3A_13, %add3A_10] : memref<204x262144xf32, #tpu.memory_space<hbm>> -> memref<8x1024xf32, #tpu.memory_space<hbm>>
    tpu.enqueue_dma source(%dma_start3A_14 : memref<8x1024xf32, #tpu.memory_space<hbm>>) target(%arg6 : memref<8x1024xf32, #tpu.memory_space<vmem>>) target_semaphore(%arg20 : memref<!tpu.dma_semaphore, #tpu.memory_space<semaphore_mem>>)
    %add3A_15 = arith.constant 0 : i32
    %add3A_16 = arith.addi %mul3A_2, %add3A_15 : i32
    %dma_start3A_17 = arith.constant 16 : i32
    %dma_start3A_18 = tpu.memref_slice %arg2[%dma_start3A_17, %add3A_16] : memref<204x262144xf32, #tpu.memory_space<hbm>> -> memref<8x1024xf32, #tpu.memory_space<hbm>>
    %dma_start3A_19 = arith.constant 16 : i32
    %dma_start3A_20 = tpu.memref_slice %arg2[%dma_start3A_19, %add3A_16] : memref<204x262144xf32, #tpu.memory_space<hbm>> -> memref<8x1024xf32, #tpu.memory_space<hbm>>
    tpu.enqueue_dma source(%dma_start3A_20 : memref<8x1024xf32, #tpu.memory_space<hbm>>) target(%arg7 : memref<8x1024xf32, #tpu.memory_space<vmem>>) target_semaphore(%arg21 : memref<!tpu.dma_semaphore, #tpu.memory_space<semaphore_mem>>)
    %add3A_21 = arith.constant 0 : i32
    %add3A_22 = arith.addi %mul3A_2, %add3A_21 : i32
    %dma_start3A_23 = arith.constant 24 : i32
    %dma_start3A_24 = tpu.memref_slice %arg2[%dma_start3A_23, %add3A_22] : memref<204x262144xf32, #tpu.memory_space<hbm>> -> memref<8x1024xf32, #tpu.memory_space<hbm>>
    %dma_start3A_25 = arith.constant 24 : i32
    %dma_start3A_26 = tpu.memref_slice %arg2[%dma_start3A_25, %add3A_22] : memref<204x262144xf32, #tpu.memory_space<hbm>> -> memref<8x1024xf32, #tpu.memory_space<hbm>>
    tpu.enqueue_dma source(%dma_start3A_26 : memref<8x1024xf32, #tpu.memory_space<hbm>>) target(%arg8 : memref<8x1024xf32, #tpu.memory_space<vmem>>) target_semaphore(%arg22 : memref<!tpu.dma_semaphore, #tpu.memory_space<semaphore_mem>>)
    %add3A_27 = arith.constant 0 : i32
    %add3A_28 = arith.addi %mul3A_2, %add3A_27 : i32
    %dma_start3A_29 = arith.constant 32 : i32
    %dma_start3A_30 = tpu.memref_slice %arg2[%dma_start3A_29, %add3A_28] : memref<204x262144xf32, #tpu.memory_space<hbm>> -> memref<8x1024xf32, #tpu.memory_space<hbm>>
    %dma_start3A_31 = arith.constant 32 : i32
    %dma_start3A_32 = tpu.memref_slice %arg2[%dma_start3A_31, %add3A_28] : memref<204x262144xf32, #tpu.memory_space<hbm>> -> memref<8x1024xf32, #tpu.memory_space<hbm>>
    tpu.enqueue_dma source(%dma_start3A_32 : memref<8x1024xf32, #tpu.memory_space<hbm>>) target(%arg9 : memref<8x1024xf32, #tpu.memory_space<vmem>>) target_semaphore(%arg23 : memref<!tpu.dma_semaphore, #tpu.memory_space<semaphore_mem>>)
    %add3A_33 = arith.constant 0 : i32
    %add3A_34 = arith.addi %mul3A_2, %add3A_33 : i32
    %dma_start3A_35 = arith.constant 40 : i32
    %dma_start3A_36 = tpu.memref_slice %arg2[%dma_start3A_35, %add3A_34] : memref<204x262144xf32, #tpu.memory_space<hbm>> -> memref<8x1024xf32, #tpu.memory_space<hbm>>
    %dma_start3A_37 = arith.constant 40 : i32
    %dma_start3A_38 = tpu.memref_slice %arg2[%dma_start3A_37, %add3A_34] : memref<204x262144xf32, #tpu.memory_space<hbm>> -> memref<8x1024xf32, #tpu.memory_space<hbm>>
    tpu.enqueue_dma source(%dma_start3A_38 : memref<8x1024xf32, #tpu.memory_space<hbm>>) target(%arg10 : memref<8x1024xf32, #tpu.memory_space<vmem>>) target_semaphore(%arg24 : memref<!tpu.dma_semaphore, #tpu.memory_space<semaphore_mem>>)
    %add3A_39 = arith.constant 0 : i32
    %add3A_40 = arith.addi %mul3A_2, %add3A_39 : i32
    %dma_start3A_41 = arith.constant 48 : i32
    %dma_start3A_42 = tpu.memref_slice %arg2[%dma_start3A_41, %add3A_40] : memref<204x262144xf32, #tpu.memory_space<hbm>> -> memref<8x1024xf32, #tpu.memory_space<hbm>>
    %dma_start3A_43 = arith.constant 48 : i32
    %dma_start3A_44 = tpu.memref_slice %arg2[%dma_start3A_43, %add3A_40] : memref<204x262144xf32, #tpu.memory_space<hbm>> -> memref<8x1024xf32, #tpu.memory_space<hbm>>
    tpu.enqueue_dma source(%dma_start3A_44 : memref<8x1024xf32, #tpu.memory_space<hbm>>) target(%arg11 : memref<8x1024xf32, #tpu.memory_space<vmem>>) target_semaphore(%arg25 : memref<!tpu.dma_semaphore, #tpu.memory_space<semaphore_mem>>)
    %add3A_45 = arith.constant 0 : i32
    %add3A_46 = arith.addi %mul3A_2, %add3A_45 : i32
    %dma_start3A_47 = arith.constant 56 : i32
    %dma_start3A_48 = tpu.memref_slice %arg2[%dma_start3A_47, %add3A_46] : memref<204x262144xf32, #tpu.memory_space<hbm>> -> memref<8x1024xf32, #tpu.memory_space<hbm>>
    %dma_start3A_49 = arith.constant 56 : i32
    %dma_start3A_50 = tpu.memref_slice %arg2[%dma_start3A_49, %add3A_46] : memref<204x262144xf32, #tpu.memory_space<hbm>> -> memref<8x1024xf32, #tpu.memory_space<hbm>>
    tpu.enqueue_dma source(%dma_start3A_50 : memref<8x1024xf32, #tpu.memory_space<hbm>>) target(%arg12 : memref<8x1024xf32, #tpu.memory_space<vmem>>) target_semaphore(%arg26 : memref<!tpu.dma_semaphore, #tpu.memory_space<semaphore_mem>>)
    %add3A_51 = arith.constant 0 : i32
    %add3A_52 = arith.addi %mul3A_2, %add3A_51 : i32
    %dma_start3A_53 = arith.constant 64 : i32
    %dma_start3A_54 = tpu.memref_slice %arg2[%dma_start3A_53, %add3A_52] : memref<204x262144xf32, #tpu.memory_space<hbm>> -> memref<8x1024xf32, #tpu.memory_space<hbm>>
    %dma_start3A_55 = arith.constant 64 : i32
    %dma_start3A_56 = tpu.memref_slice %arg2[%dma_start3A_55, %add3A_52] : memref<204x262144xf32, #tpu.memory_space<hbm>> -> memref<8x1024xf32, #tpu.memory_space<hbm>>
    tpu.enqueue_dma source(%dma_start3A_56 : memref<8x1024xf32, #tpu.memory_space<hbm>>) target(%arg13 : memref<8x1024xf32, #tpu.memory_space<vmem>>) target_semaphore(%arg27 : memref<!tpu.dma_semaphore, #tpu.memory_space<semaphore_mem>>)
    %add3A_57 = arith.constant 0 : i32
    %add3A_58 = arith.addi %mul3A_2, %add3A_57 : i32
    %dma_start3A_59 = arith.constant 72 : i32
    %dma_start3A_60 = tpu.memref_slice %arg2[%dma_start3A_59, %add3A_58] : memref<204x262144xf32, #tpu.memory_space<hbm>> -> memref<8x1024xf32, #tpu.memory_space<hbm>>
    %dma_start3A_61 = arith.constant 72 : i32
    %dma_start3A_62 = tpu.memref_slice %arg2[%dma_start3A_61, %add3A_58] : memref<204x262144xf32, #tpu.memory_space<hbm>> -> memref<8x1024xf32, #tpu.memory_space<hbm>>
    tpu.enqueue_dma source(%dma_start3A_62 : memref<8x1024xf32, #tpu.memory_space<hbm>>) target(%arg14 : memref<8x1024xf32, #tpu.memory_space<vmem>>) target_semaphore(%arg28 : memref<!tpu.dma_semaphore, #tpu.memory_space<semaphore_mem>>)
    %add3A_63 = arith.constant 0 : i32
    %add3A_64 = arith.addi %mul3A_2, %add3A_63 : i32
    %dma_start3A_65 = arith.constant 80 : i32
    %dma_start3A_66 = tpu.memref_slice %arg2[%dma_start3A_65, %add3A_64] : memref<204x262144xf32, #tpu.memory_space<hbm>> -> memref<8x1024xf32, #tpu.memory_space<hbm>>
    %dma_start3A_67 = arith.constant 80 : i32
    %dma_start3A_68 = tpu.memref_slice %arg2[%dma_start3A_67, %add3A_64] : memref<204x262144xf32, #tpu.memory_space<hbm>> -> memref<8x1024xf32, #tpu.memory_space<hbm>>
    tpu.enqueue_dma source(%dma_start3A_68 : memref<8x1024xf32, #tpu.memory_space<hbm>>) target(%arg15 : memref<8x1024xf32, #tpu.memory_space<vmem>>) target_semaphore(%arg29 : memref<!tpu.dma_semaphore, #tpu.memory_space<semaphore_mem>>)
    %add3A_69 = arith.constant 0 : i32
    %add3A_70 = arith.addi %mul3A_2, %add3A_69 : i32
    %dma_start3A_71 = arith.constant 88 : i32
    %dma_start3A_72 = tpu.memref_slice %arg2[%dma_start3A_71, %add3A_70] : memref<204x262144xf32, #tpu.memory_space<hbm>> -> memref<8x1024xf32, #tpu.memory_space<hbm>>
    %dma_start3A_73 = arith.constant 88 : i32
    %dma_start3A_74 = tpu.memref_slice %arg2[%dma_start3A_73, %add3A_70] : memref<204x262144xf32, #tpu.memory_space<hbm>> -> memref<8x1024xf32, #tpu.memory_space<hbm>>
    tpu.enqueue_dma source(%dma_start3A_74 : memref<8x1024xf32, #tpu.memory_space<hbm>>) target(%arg16 : memref<8x1024xf32, #tpu.memory_space<vmem>>) target_semaphore(%arg30 : memref<!tpu.dma_semaphore, #tpu.memory_space<semaphore_mem>>)
    %add3A_75 = arith.constant 0 : i32
    %add3A_76 = arith.addi %mul3A_2, %add3A_75 : i32
    %dma_start3A_77 = arith.constant 96 : i32
    %dma_start3A_78 = tpu.memref_slice %arg2[%dma_start3A_77, %add3A_76] : memref<204x262144xf32, #tpu.memory_space<hbm>> -> memref<8x1024xf32, #tpu.memory_space<hbm>>
    %dma_start3A_79 = arith.constant 96 : i32
    %dma_start3A_80 = tpu.memref_slice %arg2[%dma_start3A_79, %add3A_76] : memref<204x262144xf32, #tpu.memory_space<hbm>> -> memref<8x1024xf32, #tpu.memory_space<hbm>>
    tpu.enqueue_dma source(%dma_start3A_80 : memref<8x1024xf32, #tpu.memory_space<hbm>>) target(%arg17 : memref<8x1024xf32, #tpu.memory_space<vmem>>) target_semaphore(%arg31 : memref<!tpu.dma_semaphore, #tpu.memory_space<semaphore_mem>>)
    %scan3A = arith.constant 0 : i32
    %scan3A_81 = arith.constant 0 : i32
    %scan3A_82 = arith.constant 8 : i32
    %scan3A_83 = arith.addi %scan3A_81, %scan3A_82 : i32
    %scan3A_84 = arith.constant 1 : i32
    scf.for %scan3A_169 = %scan3A_81 to %scan3A_83 step %scan3A_84  : i32 {
      %add3A_170 = arith.constant 0 : i32
      %add3A_171 = arith.addi %mul3A_2, %add3A_170 : i32
      %dma_wait3A_172 = arith.constant 0 : i32
      %dma_wait3A_173 = tpu.memref_slice %arg2[%dma_wait3A_172, %add3A_171] : memref<204x262144xf32, #tpu.memory_space<hbm>> -> memref<8x1024xf32, #tpu.memory_space<hbm>>
      %dma_wait3A_174 = arith.constant 0 : i32
      %dma_wait3A_175 = tpu.memref_slice %arg2[%dma_wait3A_174, %add3A_171] : memref<204x262144xf32, #tpu.memory_space<hbm>> -> memref<8x1024xf32, #tpu.memory_space<hbm>>
      tpu.wait_dma2 semaphore(%arg19 : memref<!tpu.dma_semaphore, #tpu.memory_space<semaphore_mem>>) src(%dma_wait3A_175 : memref<8x1024xf32, #tpu.memory_space<hbm>>) dst(%arg5 : memref<8x1024xf32, #tpu.memory_space<vmem>>)
      %parallel_loop3A = arith.constant 0 : i32
      %parallel_loop3A_176 = arith.constant 64 : i32
      %parallel_loop3A_177 = arith.constant 1 : i32
      scf.for %parallel_loop3A_954 = %parallel_loop3A to %parallel_loop3A_176 step %parallel_loop3A_177  : i32 {
        %parallel_loop3A_955 = arith.constant 16 : i32
        %parallel_loop3A_956 = arith.muli %parallel_loop3A_954, %parallel_loop3A_955 : i32
        %parallel_loop3A_957 = arith.constant 0 : i32
        %parallel_loop3A_958 = arith.index_cast %parallel_loop3A_957 : i32 to index
        %parallel_loop3A_959 = arith.index_cast %parallel_loop3A_956 : i32 to index
        %parallel_loop3A_960 = tpu.vector_load %arg5[%parallel_loop3A_958, %parallel_loop3A_959] {strides = array<i32>} : memref<8x1024xf32, #tpu.memory_space<vmem>>, vector<16xf32>,
        %parallel_loop3A_961 = arith.addf %parallel_loop3A_960, %get3A_3 : vector<16xf32>
        %parallel_loop3A_962 = arith.constant 0.000000e+00 : f32
        %parallel_loop3A_963 = vector.broadcast %parallel_loop3A_962 : f32 to vector<16xf32>
        %parallel_loop3A_964 = arith.maximumf %parallel_loop3A_961, %parallel_loop3A_963 : vector<16xf32>
        %parallel_loop3A_965 = arith.constant 1.000000e+00 : f32
        %parallel_loop3A_966 = vector.broadcast %parallel_loop3A_965 : f32 to vector<16xf32>
        %parallel_loop3A_967 = arith.minimumf %parallel_loop3A_964, %parallel_loop3A_966 : vector<16xf32>
        %parallel_loop3A_968 = arith.constant 0.000000e+00 : f32
        %parallel_loop3A_969 = vector.broadcast %parallel_loop3A_968 : f32 to vector<16xf32>
        %parallel_loop3A_970 = arith.cmpf oeq, %parallel_loop3A_960, %parallel_loop3A_969 : vector<16xf32>
        %parallel_loop3A_971 = arith.select %parallel_loop3A_970, %parallel_loop3A_960, %parallel_loop3A_967 : vector<16xi1>, vector<16xf32>
        %parallel_loop3A_972 = arith.constant 0 : i32
        %parallel_loop3A_973 = arith.index_cast %parallel_loop3A_972 : i32 to index
        %parallel_loop3A_974 = arith.index_cast %parallel_loop3A_956 : i32 to index
        %parallel_loop3A_975 = tpu.vector_load %arg5[%parallel_loop3A_973, %parallel_loop3A_974] {strides = array<i32>} : memref<8x1024xf32, #tpu.memory_space<vmem>>, vector<16xf32>,
        tpu.vector_store %arg5[%parallel_loop3A_973, %parallel_loop3A_974], %parallel_loop3A_971 {strides = array<i32>} : memref<8x1024xf32, #tpu.memory_space<vmem>>, vector<16xf32>,
      } {sc.loop_unroll_factor = 1 : i64, sc.parallel_access}
      %mul3A_178 = arith.constant 1024 : i32
      %mul3A_179 = arith.muli %scan3A_169, %mul3A_178 : i32
      %add3A_180 = arith.addi %mul3A_2, %mul3A_179 : i32
      %dma_start3A_181 = arith.constant 0 : i32
      %dma_start3A_182 = tpu.memref_slice %arg4[%dma_start3A_181, %add3A_180] : memref<204x262144xf32, #tpu.memory_space<hbm>> -> memref<8x1024xf32, #tpu.memory_space<hbm>>
      %dma_start3A_183 = arith.constant 0 : i32
      %dma_start3A_184 = tpu.memref_slice %arg4[%dma_start3A_183, %add3A_180] : memref<204x262144xf32, #tpu.memory_space<hbm>> -> memref<8x1024xf32, #tpu.memory_space<hbm>>
      tpu.enqueue_dma source(%arg5 : memref<8x1024xf32, #tpu.memory_space<vmem>>) target(%dma_start3A_184 : memref<8x1024xf32, #tpu.memory_space<hbm>>) target_semaphore(%arg32 : memref<!tpu.dma_semaphore, #tpu.memory_space<semaphore_mem>>)
      %mul3A_185 = arith.constant 26 : i32
      %mul3A_186 = arith.muli %scan3A_169, %mul3A_185 : i32
      %add3A_187 = arith.constant 0 : i32
      %add3A_188 = arith.addi %mul3A_186, %add3A_187 : i32
      %add3A_189 = arith.constant 11 : i32
      %add3A_190 = arith.addi %add3A_188, %add3A_189 : i32
      %add3A_191 = arith.constant 0 : i32
      %add3A_192 = arith.addi %scan3A_169, %add3A_191 : i32
      %ge3A = arith.constant 13 : i32
      %ge3A_193 = arith.cmpi sge, %add3A_190, %ge3A : i32
      %lt3A = arith.constant 208 : i32
      %lt3A_194 = arith.cmpi slt, %add3A_190, %lt3A : i32
      %and3A = arith.andi %ge3A_193, %lt3A_194 : i1
      %convert_element_type3A = arith.extui %and3A : i1 to i32
      %cond3A = arith.constant 0 : i32
      %cond3A_195 = arith.cmpi ne, %convert_element_type3A, %cond3A : i32
      scf.if %cond3A_195 {
        %add3A_954 = arith.constant 0 : i32
        %add3A_955 = arith.addi %mul3A_2, %add3A_954 : i32
        %dma_wait3A_956 = arith.constant 192 : i32
        %dma_wait3A_957 = tpu.memref_slice %arg4[%dma_wait3A_956, %add3A_955] : memref<204x262144xf32, #tpu.memory_space<hbm>> -> memref<8x1024xf32, #tpu.memory_space<hbm>>
        %dma_wait3A_958 = arith.constant 192 : i32
        %dma_wait3A_959 = tpu.memref_slice %arg4[%dma_wait3A_958, %add3A_955] : memref<204x262144xf32, #tpu.memory_space<hbm>> -> memref<8x1024xf32, #tpu.memory_space<hbm>>
        tpu.wait_dma2 semaphore(%arg43 : memref<!tpu.dma_semaphore, #tpu.memory_space<semaphore_mem>>) src(%arg16 : memref<8x1024xf32, #tpu.memory_space<vmem>>) dst(%dma_wait3A_959 : memref<8x1024xf32, #tpu.memory_space<hbm>>)
        %mul3A_960 = arith.constant 1024 : i32
        %mul3A_961 = arith.muli %add3A_192, %mul3A_960 : i32
        %add3A_962 = arith.addi %mul3A_2, %mul3A_961 : i32
        %dma_start3A_963 = arith.constant 88 : i32
        %dma_start3A_964 = tpu.memref_slice %arg2[%dma_start3A_963, %add3A_962] : memref<204x262144xf32, #tpu.memory_space<hbm>> -> memref<8x1024xf32, #tpu.memory_space<hbm>>
        %dma_start3A_965 = arith.constant 88 : i32
        %dma_start3A_966 = tpu.memref_slice %arg2[%dma_start3A_965, %add3A_962] : memref<204x262144xf32, #tpu.memory_space<hbm>> -> memref<8x1024xf32, #tpu.memory_space<hbm>>
        tpu.enqueue_dma source(%dma_start3A_966 : memref<8x1024xf32, #tpu.memory_space<hbm>>) target(%arg16 : memref<8x1024xf32, #tpu.memory_space<vmem>>) target_semaphore(%arg30 : memref<!tpu.dma_semaphore, #tpu.memory_space<semaphore_mem>>)
      } else {
      }
      %add3A_196 = arith.constant 0 : i32
      %add3A_197 = arith.addi %mul3A_2, %add3A_196 : i32
      %dma_wait3A_198 = arith.constant 8 : i32
      %dma_wait3A_199 = tpu.memref_slice %arg2[%dma_wait3A_198, %add3A_197] : memref<204x262144xf32, #tpu.memory_space<hbm>> -> memref<8x1024xf32, #tpu.memory_space<hbm>>
      %dma_wait3A_200 = arith.constant 8 : i32
      %dma_wait3A_201 = tpu.memref_slice %arg2[%dma_wait3A_200, %add3A_197] : memref<204x262144xf32, #tpu.memory_space<hbm>> -> memref<8x1024xf32, #tpu.memory_space<hbm>>
      tpu.wait_dma2 semaphore(%arg20 : memref<!tpu.dma_semaphore, #tpu.memory_space<semaphore_mem>>) src(%dma_wait3A_201 : memref<8x1024xf32, #tpu.memory_space<hbm>>) dst(%arg6 : memref<8x1024xf32, #tpu.memory_space<vmem>>)
      %mul3A_202 = arith.constant 1024 : i32
      %mul3A_203 = arith.muli %scan3A_169, %mul3A_202 : i32
      %add3A_204 = arith.addi %mul3A_2, %mul3A_203 : i32
      %dma_start3A_205 = arith.constant 8 : i32
      %dma_start3A_206 = tpu.memref_slice %arg4[%dma_start3A_205, %add3A_204] : memref<204x262144xf32, #tpu.memory_space<hbm>> -> memref<8x1024xf32, #tpu.memory_space<hbm>>
      %dma_start3A_207 = arith.constant 8 : i32
      %dma_start3A_208 = tpu.memref_slice %arg4[%dma_start3A_207, %add3A_204] : memref<204x262144xf32, #tpu.memory_space<hbm>> -> memref<8x1024xf32, #tpu.memory_space<hbm>>
      tpu.enqueue_dma source(%arg6 : memref<8x1024xf32, #tpu.memory_space<vmem>>) target(%dma_start3A_208 : memref<8x1024xf32, #tpu.memory_space<hbm>>) target_semaphore(%arg33 : memref<!tpu.dma_semaphore, #tpu.memory_space<semaphore_mem>>)
      %mul3A_209 = arith.constant 26 : i32
      %mul3A_210 = arith.muli %scan3A_169, %mul3A_209 : i32
      %add3A_211 = arith.constant 1 : i32
      %add3A_212 = arith.addi %mul3A_210, %add3A_211 : i32
      %add3A_213 = arith.constant 11 : i32
      %add3A_214 = arith.addi %add3A_212, %add3A_213 : i32
      %add3A_215 = arith.constant 0 : i32
      %add3A_216 = arith.addi %scan3A_169, %add3A_215 : i32
      %ge3A_217 = arith.constant 13 : i32
      %ge3A_218 = arith.cmpi sge, %add3A_214, %ge3A_217 : i32
      %lt3A_219 = arith.constant 208 : i32
      %lt3A_220 = arith.cmpi slt, %add3A_214, %lt3A_219 : i32
      %and3A_221 = arith.andi %ge3A_218, %lt3A_220 : i1
      %convert_element_type3A_222 = arith.extui %and3A_221 : i1 to i32
      %cond3A_223 = arith.constant 0 : i32
      %cond3A_224 = arith.cmpi ne, %convert_element_type3A_222, %cond3A_223 : i32
      scf.if %cond3A_224 {
        %add3A_954 = arith.constant 0 : i32
        %add3A_955 = arith.addi %mul3A_2, %add3A_954 : i32
        %dma_wait3A_956 = arith.constant 0 : i32
        %dma_wait3A_957 = arith.constant 0 : i32
        %dma_wait3A_958 = tpu.memref_slice %arg17[%dma_wait3A_956, %dma_wait3A_957] : memref<8x1024xf32, #tpu.memory_space<vmem>> -> memref<4x1024xf32, #tpu.memory_space<vmem>>
        %dma_wait3A_959 = arith.constant 200 : i32
        %dma_wait3A_960 = tpu.memref_slice %arg4[%dma_wait3A_959, %add3A_955] : memref<204x262144xf32, #tpu.memory_space<hbm>> -> memref<4x1024xf32, #tpu.memory_space<hbm>>
        %dma_wait3A_961 = arith.constant 200 : i32
        %dma_wait3A_962 = tpu.memref_slice %arg4[%dma_wait3A_961, %add3A_955] : memref<204x262144xf32, #tpu.memory_space<hbm>> -> memref<4x1024xf32, #tpu.memory_space<hbm>>
        %dma_wait3A_963 = arith.constant 0 : i32
        %dma_wait3A_964 = arith.constant 0 : i32
        %dma_wait3A_965 = tpu.memref_slice %arg17[%dma_wait3A_963, %dma_wait3A_964] : memref<8x1024xf32, #tpu.memory_space<vmem>> -> memref<4x1024xf32, #tpu.memory_space<vmem>>
        tpu.wait_dma2 semaphore(%arg44 : memref<!tpu.dma_semaphore, #tpu.memory_space<semaphore_mem>>) src(%dma_wait3A_965 : memref<4x1024xf32, #tpu.memory_space<vmem>>) dst(%dma_wait3A_962 : memref<4x1024xf32, #tpu.memory_space<hbm>>)
        %mul3A_966 = arith.constant 1024 : i32
        %mul3A_967 = arith.muli %add3A_216, %mul3A_966 : i32
        %add3A_968 = arith.addi %mul3A_2, %mul3A_967 : i32
        %dma_start3A_969 = arith.constant 96 : i32
        %dma_start3A_970 = tpu.memref_slice %arg2[%dma_start3A_969, %add3A_968] : memref<204x262144xf32, #tpu.memory_space<hbm>> -> memref<8x1024xf32, #tpu.memory_space<hbm>>
        %dma_start3A_971 = arith.constant 96 : i32
        %dma_start3A_972 = tpu.memref_slice %arg2[%dma_start3A_971, %add3A_968] : memref<204x262144xf32, #tpu.memory_space<hbm>> -> memref<8x1024xf32, #tpu.memory_space<hbm>>
        tpu.enqueue_dma source(%dma_start3A_972 : memref<8x1024xf32, #tpu.memory_space<hbm>>) target(%arg17 : memref<8x1024xf32, #tpu.memory_space<vmem>>) target_semaphore(%arg31 : memref<!tpu.dma_semaphore, #tpu.memory_space<semaphore_mem>>)
      } else {
      }
      %add3A_225 = arith.constant 0 : i32
      %add3A_226 = arith.addi %mul3A_2, %add3A_225 : i32
      %dma_wait3A_227 = arith.constant 16 : i32
      %dma_wait3A_228 = tpu.memref_slice %arg2[%dma_wait3A_227, %add3A_226] : memref<204x262144xf32, #tpu.memory_space<hbm>> -> memref<8x1024xf32, #tpu.memory_space<hbm>>
      %dma_wait3A_229 = arith.constant 16 : i32
      %dma_wait3A_230 = tpu.memref_slice %arg2[%dma_wait3A_229, %add3A_226] : memref<204x262144xf32, #tpu.memory_space<hbm>> -> memref<8x1024xf32, #tpu.memory_space<hbm>>
      tpu.wait_dma2 semaphore(%arg21 : memref<!tpu.dma_semaphore, #tpu.memory_space<semaphore_mem>>) src(%dma_wait3A_230 : memref<8x1024xf32, #tpu.memory_space<hbm>>) dst(%arg7 : memref<8x1024xf32, #tpu.memory_space<vmem>>)
      %mul3A_231 = arith.constant 1024 : i32
      %mul3A_232 = arith.muli %scan3A_169, %mul3A_231 : i32
      %add3A_233 = arith.addi %mul3A_2, %mul3A_232 : i32
      %dma_start3A_234 = arith.constant 16 : i32
      %dma_start3A_235 = tpu.memref_slice %arg4[%dma_start3A_234, %add3A_233] : memref<204x262144xf32, #tpu.memory_space<hbm>> -> memref<8x1024xf32, #tpu.memory_space<hbm>>
      %dma_start3A_236 = arith.constant 16 : i32
      %dma_start3A_237 = tpu.memref_slice %arg4[%dma_start3A_236, %add3A_233] : memref<204x262144xf32, #tpu.memory_space<hbm>> -> memref<8x1024xf32, #tpu.memory_space<hbm>>
      tpu.enqueue_dma source(%arg7 : memref<8x1024xf32, #tpu.memory_space<vmem>>) target(%dma_start3A_237 : memref<8x1024xf32, #tpu.memory_space<hbm>>) target_semaphore(%arg34 : memref<!tpu.dma_semaphore, #tpu.memory_space<semaphore_mem>>)
      %mul3A_238 = arith.constant 26 : i32
      %mul3A_239 = arith.muli %scan3A_169, %mul3A_238 : i32
      %add3A_240 = arith.constant 2 : i32
      %add3A_241 = arith.addi %mul3A_239, %add3A_240 : i32
      %add3A_242 = arith.constant 11 : i32
      %add3A_243 = arith.addi %add3A_241, %add3A_242 : i32
      %add3A_244 = arith.constant 0 : i32
      %add3A_245 = arith.addi %scan3A_169, %add3A_244 : i32
      %ge3A_246 = arith.constant 13 : i32
      %ge3A_247 = arith.cmpi sge, %add3A_243, %ge3A_246 : i32
      %lt3A_248 = arith.constant 208 : i32
      %lt3A_249 = arith.cmpi slt, %add3A_243, %lt3A_248 : i32
      %and3A_250 = arith.andi %ge3A_247, %lt3A_249 : i1
      %convert_element_type3A_251 = arith.extui %and3A_250 : i1 to i32
      %cond3A_252 = arith.constant 0 : i32
      %cond3A_253 = arith.cmpi ne, %convert_element_type3A_251, %cond3A_252 : i32
      scf.if %cond3A_253 {
        %add3A_954 = arith.constant 0 : i32
        %add3A_955 = arith.addi %mul3A_2, %add3A_954 : i32
        %dma_wait3A_956 = arith.constant 0 : i32
        %dma_wait3A_957 = tpu.memref_slice %arg4[%dma_wait3A_956, %add3A_955] : memref<204x262144xf32, #tpu.memory_space<hbm>> -> memref<8x1024xf32, #tpu.memory_space<hbm>>
        %dma_wait3A_958 = arith.constant 0 : i32
        %dma_wait3A_959 = tpu.memref_slice %arg4[%dma_wait3A_958, %add3A_955] : memref<204x262144xf32, #tpu.memory_space<hbm>> -> memref<8x1024xf32, #tpu.memory_space<hbm>>
        tpu.wait_dma2 semaphore(%arg32 : memref<!tpu.dma_semaphore, #tpu.memory_space<semaphore_mem>>) src(%arg5 : memref<8x1024xf32, #tpu.memory_space<vmem>>) dst(%dma_wait3A_959 : memref<8x1024xf32, #tpu.memory_space<hbm>>)
        %mul3A_960 = arith.constant 1024 : i32
        %mul3A_961 = arith.muli %add3A_245, %mul3A_960 : i32
        %add3A_962 = arith.addi %mul3A_2, %mul3A_961 : i32
        %dma_start3A_963 = arith.constant 104 : i32
        %dma_start3A_964 = tpu.memref_slice %arg2[%dma_start3A_963, %add3A_962] : memref<204x262144xf32, #tpu.memory_space<hbm>> -> memref<8x1024xf32, #tpu.memory_space<hbm>>
        %dma_start3A_965 = arith.constant 104 : i32
        %dma_start3A_966 = tpu.memref_slice %arg2[%dma_start3A_965, %add3A_962] : memref<204x262144xf32, #tpu.memory_space<hbm>> -> memref<8x1024xf32, #tpu.memory_space<hbm>>
        tpu.enqueue_dma source(%dma_start3A_966 : memref<8x1024xf32, #tpu.memory_space<hbm>>) target(%arg5 : memref<8x1024xf32, #tpu.memory_space<vmem>>) target_semaphore(%arg19 : memref<!tpu.dma_semaphore, #tpu.memory_space<semaphore_mem>>)
      } else {
      }
      %add3A_254 = arith.constant 0 : i32
      %add3A_255 = arith.addi %mul3A_2, %add3A_254 : i32
      %dma_wait3A_256 = arith.constant 24 : i32
      %dma_wait3A_257 = tpu.memref_slice %arg2[%dma_wait3A_256, %add3A_255] : memref<204x262144xf32, #tpu.memory_space<hbm>> -> memref<8x1024xf32, #tpu.memory_space<hbm>>
      %dma_wait3A_258 = arith.constant 24 : i32
      %dma_wait3A_259 = tpu.memref_slice %arg2[%dma_wait3A_258, %add3A_255] : memref<204x262144xf32, #tpu.memory_space<hbm>> -> memref<8x1024xf32, #tpu.memory_space<hbm>>
      tpu.wait_dma2 semaphore(%arg22 : memref<!tpu.dma_semaphore, #tpu.memory_space<semaphore_mem>>) src(%dma_wait3A_259 : memref<8x1024xf32, #tpu.memory_space<hbm>>) dst(%arg8 : memref<8x1024xf32, #tpu.memory_space<vmem>>)
      %mul3A_260 = arith.constant 1024 : i32
      %mul3A_261 = arith.muli %scan3A_169, %mul3A_260 : i32
      %add3A_262 = arith.addi %mul3A_2, %mul3A_261 : i32
      %dma_start3A_263 = arith.constant 24 : i32
      %dma_start3A_264 = tpu.memref_slice %arg4[%dma_start3A_263, %add3A_262] : memref<204x262144xf32, #tpu.memory_space<hbm>> -> memref<8x1024xf32, #tpu.memory_space<hbm>>
      %dma_start3A_265 = arith.constant 24 : i32
      %dma_start3A_266 = tpu.memref_slice %arg4[%dma_start3A_265, %add3A_262] : memref<204x262144xf32, #tpu.memory_space<hbm>> -> memref<8x1024xf32, #tpu.memory_space<hbm>>
      tpu.enqueue_dma source(%arg8 : memref<8x1024xf32, #tpu.memory_space<vmem>>) target(%dma_start3A_266 : memref<8x1024xf32, #tpu.memory_space<hbm>>) target_semaphore(%arg35 : memref<!tpu.dma_semaphore, #tpu.memory_space<semaphore_mem>>)
      %mul3A_267 = arith.constant 26 : i32
      %mul3A_268 = arith.muli %scan3A_169, %mul3A_267 : i32
      %add3A_269 = arith.constant 3 : i32
      %add3A_270 = arith.addi %mul3A_268, %add3A_269 : i32
      %add3A_271 = arith.constant 11 : i32
      %add3A_272 = arith.addi %add3A_270, %add3A_271 : i32
      %add3A_273 = arith.constant 0 : i32
      %add3A_274 = arith.addi %scan3A_169, %add3A_273 : i32
      %ge3A_275 = arith.constant 13 : i32
      %ge3A_276 = arith.cmpi sge, %add3A_272, %ge3A_275 : i32
      %lt3A_277 = arith.constant 208 : i32
      %lt3A_278 = arith.cmpi slt, %add3A_272, %lt3A_277 : i32
      %and3A_279 = arith.andi %ge3A_276, %lt3A_278 : i1
      %convert_element_type3A_280 = arith.extui %and3A_279 : i1 to i32
      %cond3A_281 = arith.constant 0 : i32
      %cond3A_282 = arith.cmpi ne, %convert_element_type3A_280, %cond3A_281 : i32
      scf.if %cond3A_282 {
        %add3A_954 = arith.constant 0 : i32
        %add3A_955 = arith.addi %mul3A_2, %add3A_954 : i32
        %dma_wait3A_956 = arith.constant 8 : i32
        %dma_wait3A_957 = tpu.memref_slice %arg4[%dma_wait3A_956, %add3A_955] : memref<204x262144xf32, #tpu.memory_space<hbm>> -> memref<8x1024xf32, #tpu.memory_space<hbm>>
        %dma_wait3A_958 = arith.constant 8 : i32
        %dma_wait3A_959 = tpu.memref_slice %arg4[%dma_wait3A_958, %add3A_955] : memref<204x262144xf32, #tpu.memory_space<hbm>> -> memref<8x1024xf32, #tpu.memory_space<hbm>>
        tpu.wait_dma2 semaphore(%arg33 : memref<!tpu.dma_semaphore, #tpu.memory_space<semaphore_mem>>) src(%arg6 : memref<8x1024xf32, #tpu.memory_space<vmem>>) dst(%dma_wait3A_959 : memref<8x1024xf32, #tpu.memory_space<hbm>>)
        %mul3A_960 = arith.constant 1024 : i32
        %mul3A_961 = arith.muli %add3A_274, %mul3A_960 : i32
        %add3A_962 = arith.addi %mul3A_2, %mul3A_961 : i32
        %dma_start3A_963 = arith.constant 112 : i32
        %dma_start3A_964 = tpu.memref_slice %arg2[%dma_start3A_963, %add3A_962] : memref<204x262144xf32, #tpu.memory_space<hbm>> -> memref<8x1024xf32, #tpu.memory_space<hbm>>
        %dma_start3A_965 = arith.constant 112 : i32
        %dma_start3A_966 = tpu.memref_slice %arg2[%dma_start3A_965, %add3A_962] : memref<204x262144xf32, #tpu.memory_space<hbm>> -> memref<8x1024xf32, #tpu.memory_space<hbm>>
        tpu.enqueue_dma source(%dma_start3A_966 : memref<8x1024xf32, #tpu.memory_space<hbm>>) target(%arg6 : memref<8x1024xf32, #tpu.memory_space<vmem>>) target_semaphore(%arg20 : memref<!tpu.dma_semaphore, #tpu.memory_space<semaphore_mem>>)
      } else {
      }
      %add3A_283 = arith.constant 0 : i32
      %add3A_284 = arith.addi %mul3A_2, %add3A_283 : i32
      %dma_wait3A_285 = arith.constant 32 : i32
      %dma_wait3A_286 = tpu.memref_slice %arg2[%dma_wait3A_285, %add3A_284] : memref<204x262144xf32, #tpu.memory_space<hbm>> -> memref<8x1024xf32, #tpu.memory_space<hbm>>
      %dma_wait3A_287 = arith.constant 32 : i32
      %dma_wait3A_288 = tpu.memref_slice %arg2[%dma_wait3A_287, %add3A_284] : memref<204x262144xf32, #tpu.memory_space<hbm>> -> memref<8x1024xf32, #tpu.memory_space<hbm>>
      tpu.wait_dma2 semaphore(%arg23 : memref<!tpu.dma_semaphore, #tpu.memory_space<semaphore_mem>>) src(%dma_wait3A_288 : memref<8x1024xf32, #tpu.memory_space<hbm>>) dst(%arg9 : memref<8x1024xf32, #tpu.memory_space<vmem>>)
      %mul3A_289 = arith.constant 1024 : i32
      %mul3A_290 = arith.muli %scan3A_169, %mul3A_289 : i32
      %add3A_291 = arith.addi %mul3A_2, %mul3A_290 : i32
      %dma_start3A_292 = arith.constant 32 : i32
      %dma_start3A_293 = tpu.memref_slice %arg4[%dma_start3A_292, %add3A_291] : memref<204x262144xf32, #tpu.memory_space<hbm>> -> memref<8x1024xf32, #tpu.memory_space<hbm>>
      %dma_start3A_294 = arith.constant 32 : i32
      %dma_start3A_295 = tpu.memref_slice %arg4[%dma_start3A_294, %add3A_291] : memref<204x262144xf32, #tpu.memory_space<hbm>> -> memref<8x1024xf32, #tpu.memory_space<hbm>>
      tpu.enqueue_dma source(%arg9 : memref<8x1024xf32, #tpu.memory_space<vmem>>) target(%dma_start3A_295 : memref<8x1024xf32, #tpu.memory_space<hbm>>) target_semaphore(%arg36 : memref<!tpu.dma_semaphore, #tpu.memory_space<semaphore_mem>>)
      %mul3A_296 = arith.constant 26 : i32
      %mul3A_297 = arith.muli %scan3A_169, %mul3A_296 : i32
      %add3A_298 = arith.constant 4 : i32
      %add3A_299 = arith.addi %mul3A_297, %add3A_298 : i32
      %add3A_300 = arith.constant 11 : i32
      %add3A_301 = arith.addi %add3A_299, %add3A_300 : i32
      %add3A_302 = arith.constant 0 : i32
      %add3A_303 = arith.addi %scan3A_169, %add3A_302 : i32
      %ge3A_304 = arith.constant 13 : i32
      %ge3A_305 = arith.cmpi sge, %add3A_301, %ge3A_304 : i32
      %lt3A_306 = arith.constant 208 : i32
      %lt3A_307 = arith.cmpi slt, %add3A_301, %lt3A_306 : i32
      %and3A_308 = arith.andi %ge3A_305, %lt3A_307 : i1
      %convert_element_type3A_309 = arith.extui %and3A_308 : i1 to i32
      %cond3A_310 = arith.constant 0 : i32
      %cond3A_311 = arith.cmpi ne, %convert_element_type3A_309, %cond3A_310 : i32
      scf.if %cond3A_311 {
        %add3A_954 = arith.constant 0 : i32
        %add3A_955 = arith.addi %mul3A_2, %add3A_954 : i32
        %dma_wait3A_956 = arith.constant 16 : i32
        %dma_wait3A_957 = tpu.memref_slice %arg4[%dma_wait3A_956, %add3A_955] : memref<204x262144xf32, #tpu.memory_space<hbm>> -> memref<8x1024xf32, #tpu.memory_space<hbm>>
        %dma_wait3A_958 = arith.constant 16 : i32
        %dma_wait3A_959 = tpu.memref_slice %arg4[%dma_wait3A_958, %add3A_955] : memref<204x262144xf32, #tpu.memory_space<hbm>> -> memref<8x1024xf32, #tpu.memory_space<hbm>>
        tpu.wait_dma2 semaphore(%arg34 : memref<!tpu.dma_semaphore, #tpu.memory_space<semaphore_mem>>) src(%arg7 : memref<8x1024xf32, #tpu.memory_space<vmem>>) dst(%dma_wait3A_959 : memref<8x1024xf32, #tpu.memory_space<hbm>>)
        %mul3A_960 = arith.constant 1024 : i32
        %mul3A_961 = arith.muli %add3A_303, %mul3A_960 : i32
        %add3A_962 = arith.addi %mul3A_2, %mul3A_961 : i32
        %dma_start3A_963 = arith.constant 120 : i32
        %dma_start3A_964 = tpu.memref_slice %arg2[%dma_start3A_963, %add3A_962] : memref<204x262144xf32, #tpu.memory_space<hbm>> -> memref<8x1024xf32, #tpu.memory_space<hbm>>
        %dma_start3A_965 = arith.constant 120 : i32
        %dma_start3A_966 = tpu.memref_slice %arg2[%dma_start3A_965, %add3A_962] : memref<204x262144xf32, #tpu.memory_space<hbm>> -> memref<8x1024xf32, #tpu.memory_space<hbm>>
        tpu.enqueue_dma source(%dma_start3A_966 : memref<8x1024xf32, #tpu.memory_space<hbm>>) target(%arg7 : memref<8x1024xf32, #tpu.memory_space<vmem>>) target_semaphore(%arg21 : memref<!tpu.dma_semaphore, #tpu.memory_space<semaphore_mem>>)
      } else {
      }
      %add3A_312 = arith.constant 0 : i32
      %add3A_313 = arith.addi %mul3A_2, %add3A_312 : i32
      %dma_wait3A_314 = arith.constant 40 : i32
      %dma_wait3A_315 = tpu.memref_slice %arg2[%dma_wait3A_314, %add3A_313] : memref<204x262144xf32, #tpu.memory_space<hbm>> -> memref<8x1024xf32, #tpu.memory_space<hbm>>
      %dma_wait3A_316 = arith.constant 40 : i32
      %dma_wait3A_317 = tpu.memref_slice %arg2[%dma_wait3A_316, %add3A_313] : memref<204x262144xf32, #tpu.memory_space<hbm>> -> memref<8x1024xf32, #tpu.memory_space<hbm>>
      tpu.wait_dma2 semaphore(%arg24 : memref<!tpu.dma_semaphore, #tpu.memory_space<semaphore_mem>>) src(%dma_wait3A_317 : memref<8x1024xf32, #tpu.memory_space<hbm>>) dst(%arg10 : memref<8x1024xf32, #tpu.memory_space<vmem>>)
      %mul3A_318 = arith.constant 1024 : i32
      %mul3A_319 = arith.muli %scan3A_169, %mul3A_318 : i32
      %add3A_320 = arith.addi %mul3A_2, %mul3A_319 : i32
      %dma_start3A_321 = arith.constant 40 : i32
      %dma_start3A_322 = tpu.memref_slice %arg4[%dma_start3A_321, %add3A_320] : memref<204x262144xf32, #tpu.memory_space<hbm>> -> memref<8x1024xf32, #tpu.memory_space<hbm>>
      %dma_start3A_323 = arith.constant 40 : i32
      %dma_start3A_324 = tpu.memref_slice %arg4[%dma_start3A_323, %add3A_320] : memref<204x262144xf32, #tpu.memory_space<hbm>> -> memref<8x1024xf32, #tpu.memory_space<hbm>>
      tpu.enqueue_dma source(%arg10 : memref<8x1024xf32, #tpu.memory_space<vmem>>) target(%dma_start3A_324 : memref<8x1024xf32, #tpu.memory_space<hbm>>) target_semaphore(%arg37 : memref<!tpu.dma_semaphore, #tpu.memory_space<semaphore_mem>>)
      %mul3A_325 = arith.constant 26 : i32
      %mul3A_326 = arith.muli %scan3A_169, %mul3A_325 : i32
      %add3A_327 = arith.constant 5 : i32
      %add3A_328 = arith.addi %mul3A_326, %add3A_327 : i32
      %add3A_329 = arith.constant 11 : i32
      %add3A_330 = arith.addi %add3A_328, %add3A_329 : i32
      %add3A_331 = arith.constant 0 : i32
      %add3A_332 = arith.addi %scan3A_169, %add3A_331 : i32
      %ge3A_333 = arith.constant 13 : i32
      %ge3A_334 = arith.cmpi sge, %add3A_330, %ge3A_333 : i32
      %lt3A_335 = arith.constant 208 : i32
      %lt3A_336 = arith.cmpi slt, %add3A_330, %lt3A_335 : i32
      %and3A_337 = arith.andi %ge3A_334, %lt3A_336 : i1
      %convert_element_type3A_338 = arith.extui %and3A_337 : i1 to i32
      %cond3A_339 = arith.constant 0 : i32
      %cond3A_340 = arith.cmpi ne, %convert_element_type3A_338, %cond3A_339 : i32
      scf.if %cond3A_340 {
        %add3A_954 = arith.constant 0 : i32
        %add3A_955 = arith.addi %mul3A_2, %add3A_954 : i32
        %dma_wait3A_956 = arith.constant 24 : i32
        %dma_wait3A_957 = tpu.memref_slice %arg4[%dma_wait3A_956, %add3A_955] : memref<204x262144xf32, #tpu.memory_space<hbm>> -> memref<8x1024xf32, #tpu.memory_space<hbm>>
        %dma_wait3A_958 = arith.constant 24 : i32
        %dma_wait3A_959 = tpu.memref_slice %arg4[%dma_wait3A_958, %add3A_955] : memref<204x262144xf32, #tpu.memory_space<hbm>> -> memref<8x1024xf32, #tpu.memory_space<hbm>>
        tpu.wait_dma2 semaphore(%arg35 : memref<!tpu.dma_semaphore, #tpu.memory_space<semaphore_mem>>) src(%arg8 : memref<8x1024xf32, #tpu.memory_space<vmem>>) dst(%dma_wait3A_959 : memref<8x1024xf32, #tpu.memory_space<hbm>>)
        %mul3A_960 = arith.constant 1024 : i32
        %mul3A_961 = arith.muli %add3A_332, %mul3A_960 : i32
        %add3A_962 = arith.addi %mul3A_2, %mul3A_961 : i32
        %dma_start3A_963 = arith.constant 128 : i32
        %dma_start3A_964 = tpu.memref_slice %arg2[%dma_start3A_963, %add3A_962] : memref<204x262144xf32, #tpu.memory_space<hbm>> -> memref<8x1024xf32, #tpu.memory_space<hbm>>
        %dma_start3A_965 = arith.constant 128 : i32
        %dma_start3A_966 = tpu.memref_slice %arg2[%dma_start3A_965, %add3A_962] : memref<204x262144xf32, #tpu.memory_space<hbm>> -> memref<8x1024xf32, #tpu.memory_space<hbm>>
        tpu.enqueue_dma source(%dma_start3A_966 : memref<8x1024xf32, #tpu.memory_space<hbm>>) target(%arg8 : memref<8x1024xf32, #tpu.memory_space<vmem>>) target_semaphore(%arg22 : memref<!tpu.dma_semaphore, #tpu.memory_space<semaphore_mem>>)
      } else {
      }
      %add3A_341 = arith.constant 0 : i32
      %add3A_342 = arith.addi %mul3A_2, %add3A_341 : i32
      %dma_wait3A_343 = arith.constant 48 : i32
      %dma_wait3A_344 = tpu.memref_slice %arg2[%dma_wait3A_343, %add3A_342] : memref<204x262144xf32, #tpu.memory_space<hbm>> -> memref<8x1024xf32, #tpu.memory_space<hbm>>
      %dma_wait3A_345 = arith.constant 48 : i32
      %dma_wait3A_346 = tpu.memref_slice %arg2[%dma_wait3A_345, %add3A_342] : memref<204x262144xf32, #tpu.memory_space<hbm>> -> memref<8x1024xf32, #tpu.memory_space<hbm>>
      tpu.wait_dma2 semaphore(%arg25 : memref<!tpu.dma_semaphore, #tpu.memory_space<semaphore_mem>>) src(%dma_wait3A_346 : memref<8x1024xf32, #tpu.memory_space<hbm>>) dst(%arg11 : memref<8x1024xf32, #tpu.memory_space<vmem>>)
      %mul3A_347 = arith.constant 1024 : i32
      %mul3A_348 = arith.muli %scan3A_169, %mul3A_347 : i32
      %add3A_349 = arith.addi %mul3A_2, %mul3A_348 : i32
      %dma_start3A_350 = arith.constant 48 : i32
      %dma_start3A_351 = tpu.memref_slice %arg4[%dma_start3A_350, %add3A_349] : memref<204x262144xf32, #tpu.memory_space<hbm>> -> memref<8x1024xf32, #tpu.memory_space<hbm>>
      %dma_start3A_352 = arith.constant 48 : i32
      %dma_start3A_353 = tpu.memref_slice %arg4[%dma_start3A_352, %add3A_349] : memref<204x262144xf32, #tpu.memory_space<hbm>> -> memref<8x1024xf32, #tpu.memory_space<hbm>>
      tpu.enqueue_dma source(%arg11 : memref<8x1024xf32, #tpu.memory_space<vmem>>) target(%dma_start3A_353 : memref<8x1024xf32, #tpu.memory_space<hbm>>) target_semaphore(%arg38 : memref<!tpu.dma_semaphore, #tpu.memory_space<semaphore_mem>>)
      %mul3A_354 = arith.constant 26 : i32
      %mul3A_355 = arith.muli %scan3A_169, %mul3A_354 : i32
      %add3A_356 = arith.constant 6 : i32
      %add3A_357 = arith.addi %mul3A_355, %add3A_356 : i32
      %add3A_358 = arith.constant 11 : i32
      %add3A_359 = arith.addi %add3A_357, %add3A_358 : i32
      %add3A_360 = arith.constant 0 : i32
      %add3A_361 = arith.addi %scan3A_169, %add3A_360 : i32
      %ge3A_362 = arith.constant 13 : i32
      %ge3A_363 = arith.cmpi sge, %add3A_359, %ge3A_362 : i32
      %lt3A_364 = arith.constant 208 : i32
      %lt3A_365 = arith.cmpi slt, %add3A_359, %lt3A_364 : i32
      %and3A_366 = arith.andi %ge3A_363, %lt3A_365 : i1
      %convert_element_type3A_367 = arith.extui %and3A_366 : i1 to i32
      %cond3A_368 = arith.constant 0 : i32
      %cond3A_369 = arith.cmpi ne, %convert_element_type3A_367, %cond3A_368 : i32
      scf.if %cond3A_369 {
        %add3A_954 = arith.constant 0 : i32
        %add3A_955 = arith.addi %mul3A_2, %add3A_954 : i32
        %dma_wait3A_956 = arith.constant 32 : i32
        %dma_wait3A_957 = tpu.memref_slice %arg4[%dma_wait3A_956, %add3A_955] : memref<204x262144xf32, #tpu.memory_space<hbm>> -> memref<8x1024xf32, #tpu.memory_space<hbm>>
        %dma_wait3A_958 = arith.constant 32 : i32
        %dma_wait3A_959 = tpu.memref_slice %arg4[%dma_wait3A_958, %add3A_955] : memref<204x262144xf32, #tpu.memory_space<hbm>> -> memref<8x1024xf32, #tpu.memory_space<hbm>>
        tpu.wait_dma2 semaphore(%arg36 : memref<!tpu.dma_semaphore, #tpu.memory_space<semaphore_mem>>) src(%arg9 : memref<8x1024xf32, #tpu.memory_space<vmem>>) dst(%dma_wait3A_959 : memref<8x1024xf32, #tpu.memory_space<hbm>>)
        %mul3A_960 = arith.constant 1024 : i32
        %mul3A_961 = arith.muli %add3A_361, %mul3A_960 : i32
        %add3A_962 = arith.addi %mul3A_2, %mul3A_961 : i32
        %dma_start3A_963 = arith.constant 136 : i32
        %dma_start3A_964 = tpu.memref_slice %arg2[%dma_start3A_963, %add3A_962] : memref<204x262144xf32, #tpu.memory_space<hbm>> -> memref<8x1024xf32, #tpu.memory_space<hbm>>
        %dma_start3A_965 = arith.constant 136 : i32
        %dma_start3A_966 = tpu.memref_slice %arg2[%dma_start3A_965, %add3A_962] : memref<204x262144xf32, #tpu.memory_space<hbm>> -> memref<8x1024xf32, #tpu.memory_space<hbm>>
        tpu.enqueue_dma source(%dma_start3A_966 : memref<8x1024xf32, #tpu.memory_space<hbm>>) target(%arg9 : memref<8x1024xf32, #tpu.memory_space<vmem>>) target_semaphore(%arg23 : memref<!tpu.dma_semaphore, #tpu.memory_space<semaphore_mem>>)
      } else {
      }
      %add3A_370 = arith.constant 0 : i32
      %add3A_371 = arith.addi %mul3A_2, %add3A_370 : i32
      %dma_wait3A_372 = arith.constant 56 : i32
      %dma_wait3A_373 = tpu.memref_slice %arg2[%dma_wait3A_372, %add3A_371] : memref<204x262144xf32, #tpu.memory_space<hbm>> -> memref<8x1024xf32, #tpu.memory_space<hbm>>
      %dma_wait3A_374 = arith.constant 56 : i32
      %dma_wait3A_375 = tpu.memref_slice %arg2[%dma_wait3A_374, %add3A_371] : memref<204x262144xf32, #tpu.memory_space<hbm>> -> memref<8x1024xf32, #tpu.memory_space<hbm>>
      tpu.wait_dma2 semaphore(%arg26 : memref<!tpu.dma_semaphore, #tpu.memory_space<semaphore_mem>>) src(%dma_wait3A_375 : memref<8x1024xf32, #tpu.memory_space<hbm>>) dst(%arg12 : memref<8x1024xf32, #tpu.memory_space<vmem>>)
      %mul3A_376 = arith.constant 1024 : i32
      %mul3A_377 = arith.muli %scan3A_169, %mul3A_376 : i32
      %add3A_378 = arith.addi %mul3A_2, %mul3A_377 : i32
      %dma_start3A_379 = arith.constant 56 : i32
      %dma_start3A_380 = tpu.memref_slice %arg4[%dma_start3A_379, %add3A_378] : memref<204x262144xf32, #tpu.memory_space<hbm>> -> memref<8x1024xf32, #tpu.memory_space<hbm>>
      %dma_start3A_381 = arith.constant 56 : i32
      %dma_start3A_382 = tpu.memref_slice %arg4[%dma_start3A_381, %add3A_378] : memref<204x262144xf32, #tpu.memory_space<hbm>> -> memref<8x1024xf32, #tpu.memory_space<hbm>>
      tpu.enqueue_dma source(%arg12 : memref<8x1024xf32, #tpu.memory_space<vmem>>) target(%dma_start3A_382 : memref<8x1024xf32, #tpu.memory_space<hbm>>) target_semaphore(%arg39 : memref<!tpu.dma_semaphore, #tpu.memory_space<semaphore_mem>>)
      %mul3A_383 = arith.constant 26 : i32
      %mul3A_384 = arith.muli %scan3A_169, %mul3A_383 : i32
      %add3A_385 = arith.constant 7 : i32
      %add3A_386 = arith.addi %mul3A_384, %add3A_385 : i32
      %add3A_387 = arith.constant 11 : i32
      %add3A_388 = arith.addi %add3A_386, %add3A_387 : i32
      %add3A_389 = arith.constant 0 : i32
      %add3A_390 = arith.addi %scan3A_169, %add3A_389 : i32
      %ge3A_391 = arith.constant 13 : i32
      %ge3A_392 = arith.cmpi sge, %add3A_388, %ge3A_391 : i32
      %lt3A_393 = arith.constant 208 : i32
      %lt3A_394 = arith.cmpi slt, %add3A_388, %lt3A_393 : i32
      %and3A_395 = arith.andi %ge3A_392, %lt3A_394 : i1
      %convert_element_type3A_396 = arith.extui %and3A_395 : i1 to i32
      %cond3A_397 = arith.constant 0 : i32
      %cond3A_398 = arith.cmpi ne, %convert_element_type3A_396, %cond3A_397 : i32
      scf.if %cond3A_398 {
        %add3A_954 = arith.constant 0 : i32
        %add3A_955 = arith.addi %mul3A_2, %add3A_954 : i32
        %dma_wait3A_956 = arith.constant 40 : i32
        %dma_wait3A_957 = tpu.memref_slice %arg4[%dma_wait3A_956, %add3A_955] : memref<204x262144xf32, #tpu.memory_space<hbm>> -> memref<8x1024xf32, #tpu.memory_space<hbm>>
        %dma_wait3A_958 = arith.constant 40 : i32
        %dma_wait3A_959 = tpu.memref_slice %arg4[%dma_wait3A_958, %add3A_955] : memref<204x262144xf32, #tpu.memory_space<hbm>> -> memref<8x1024xf32, #tpu.memory_space<hbm>>
        tpu.wait_dma2 semaphore(%arg37 : memref<!tpu.dma_semaphore, #tpu.memory_space<semaphore_mem>>) src(%arg10 : memref<8x1024xf32, #tpu.memory_space<vmem>>) dst(%dma_wait3A_959 : memref<8x1024xf32, #tpu.memory_space<hbm>>)
        %mul3A_960 = arith.constant 1024 : i32
        %mul3A_961 = arith.muli %add3A_390, %mul3A_960 : i32
        %add3A_962 = arith.addi %mul3A_2, %mul3A_961 : i32
        %dma_start3A_963 = arith.constant 144 : i32
        %dma_start3A_964 = tpu.memref_slice %arg2[%dma_start3A_963, %add3A_962] : memref<204x262144xf32, #tpu.memory_space<hbm>> -> memref<8x1024xf32, #tpu.memory_space<hbm>>
        %dma_start3A_965 = arith.constant 144 : i32
        %dma_start3A_966 = tpu.memref_slice %arg2[%dma_start3A_965, %add3A_962] : memref<204x262144xf32, #tpu.memory_space<hbm>> -> memref<8x1024xf32, #tpu.memory_space<hbm>>
        tpu.enqueue_dma source(%dma_start3A_966 : memref<8x1024xf32, #tpu.memory_space<hbm>>) target(%arg10 : memref<8x1024xf32, #tpu.memory_space<vmem>>) target_semaphore(%arg24 : memref<!tpu.dma_semaphore, #tpu.memory_space<semaphore_mem>>)
      } else {
      }
      %add3A_399 = arith.constant 0 : i32
      %add3A_400 = arith.addi %mul3A_2, %add3A_399 : i32
      %dma_wait3A_401 = arith.constant 64 : i32
      %dma_wait3A_402 = tpu.memref_slice %arg2[%dma_wait3A_401, %add3A_400] : memref<204x262144xf32, #tpu.memory_space<hbm>> -> memref<8x1024xf32, #tpu.memory_space<hbm>>
      %dma_wait3A_403 = arith.constant 64 : i32
      %dma_wait3A_404 = tpu.memref_slice %arg2[%dma_wait3A_403, %add3A_400] : memref<204x262144xf32, #tpu.memory_space<hbm>> -> memref<8x1024xf32, #tpu.memory_space<hbm>>
      tpu.wait_dma2 semaphore(%arg27 : memref<!tpu.dma_semaphore, #tpu.memory_space<semaphore_mem>>) src(%dma_wait3A_404 : memref<8x1024xf32, #tpu.memory_space<hbm>>) dst(%arg13 : memref<8x1024xf32, #tpu.memory_space<vmem>>)
      %mul3A_405 = arith.constant 1024 : i32
      %mul3A_406 = arith.muli %scan3A_169, %mul3A_405 : i32
      %add3A_407 = arith.addi %mul3A_2, %mul3A_406 : i32
      %dma_start3A_408 = arith.constant 64 : i32
      %dma_start3A_409 = tpu.memref_slice %arg4[%dma_start3A_408, %add3A_407] : memref<204x262144xf32, #tpu.memory_space<hbm>> -> memref<8x1024xf32, #tpu.memory_space<hbm>>
      %dma_start3A_410 = arith.constant 64 : i32
      %dma_start3A_411 = tpu.memref_slice %arg4[%dma_start3A_410, %add3A_407] : memref<204x262144xf32, #tpu.memory_space<hbm>> -> memref<8x1024xf32, #tpu.memory_space<hbm>>
      tpu.enqueue_dma source(%arg13 : memref<8x1024xf32, #tpu.memory_space<vmem>>) target(%dma_start3A_411 : memref<8x1024xf32, #tpu.memory_space<hbm>>) target_semaphore(%arg40 : memref<!tpu.dma_semaphore, #tpu.memory_space<semaphore_mem>>)
      %mul3A_412 = arith.constant 26 : i32
      %mul3A_413 = arith.muli %scan3A_169, %mul3A_412 : i32
      %add3A_414 = arith.constant 8 : i32
      %add3A_415 = arith.addi %mul3A_413, %add3A_414 : i32
      %add3A_416 = arith.constant 11 : i32
      %add3A_417 = arith.addi %add3A_415, %add3A_416 : i32
      %add3A_418 = arith.constant 0 : i32
      %add3A_419 = arith.addi %scan3A_169, %add3A_418 : i32
      %ge3A_420 = arith.constant 13 : i32
      %ge3A_421 = arith.cmpi sge, %add3A_417, %ge3A_420 : i32
      %lt3A_422 = arith.constant 208 : i32
      %lt3A_423 = arith.cmpi slt, %add3A_417, %lt3A_422 : i32
      %and3A_424 = arith.andi %ge3A_421, %lt3A_423 : i1
      %convert_element_type3A_425 = arith.extui %and3A_424 : i1 to i32
      %cond3A_426 = arith.constant 0 : i32
      %cond3A_427 = arith.cmpi ne, %convert_element_type3A_425, %cond3A_426 : i32
      scf.if %cond3A_427 {
        %add3A_954 = arith.constant 0 : i32
        %add3A_955 = arith.addi %mul3A_2, %add3A_954 : i32
        %dma_wait3A_956 = arith.constant 48 : i32
        %dma_wait3A_957 = tpu.memref_slice %arg4[%dma_wait3A_956, %add3A_955] : memref<204x262144xf32, #tpu.memory_space<hbm>> -> memref<8x1024xf32, #tpu.memory_space<hbm>>
        %dma_wait3A_958 = arith.constant 48 : i32
        %dma_wait3A_959 = tpu.memref_slice %arg4[%dma_wait3A_958, %add3A_955] : memref<204x262144xf32, #tpu.memory_space<hbm>> -> memref<8x1024xf32, #tpu.memory_space<hbm>>
        tpu.wait_dma2 semaphore(%arg38 : memref<!tpu.dma_semaphore, #tpu.memory_space<semaphore_mem>>) src(%arg11 : memref<8x1024xf32, #tpu.memory_space<vmem>>) dst(%dma_wait3A_959 : memref<8x1024xf32, #tpu.memory_space<hbm>>)
        %mul3A_960 = arith.constant 1024 : i32
        %mul3A_961 = arith.muli %add3A_419, %mul3A_960 : i32
        %add3A_962 = arith.addi %mul3A_2, %mul3A_961 : i32
        %dma_start3A_963 = arith.constant 152 : i32
        %dma_start3A_964 = tpu.memref_slice %arg2[%dma_start3A_963, %add3A_962] : memref<204x262144xf32, #tpu.memory_space<hbm>> -> memref<8x1024xf32, #tpu.memory_space<hbm>>
        %dma_start3A_965 = arith.constant 152 : i32
        %dma_start3A_966 = tpu.memref_slice %arg2[%dma_start3A_965, %add3A_962] : memref<204x262144xf32, #tpu.memory_space<hbm>> -> memref<8x1024xf32, #tpu.memory_space<hbm>>
        tpu.enqueue_dma source(%dma_start3A_966 : memref<8x1024xf32, #tpu.memory_space<hbm>>) target(%arg11 : memref<8x1024xf32, #tpu.memory_space<vmem>>) target_semaphore(%arg25 : memref<!tpu.dma_semaphore, #tpu.memory_space<semaphore_mem>>)
      } else {
      }
      %add3A_428 = arith.constant 0 : i32
      %add3A_429 = arith.addi %mul3A_2, %add3A_428 : i32
      %dma_wait3A_430 = arith.constant 72 : i32
      %dma_wait3A_431 = tpu.memref_slice %arg2[%dma_wait3A_430, %add3A_429] : memref<204x262144xf32, #tpu.memory_space<hbm>> -> memref<8x1024xf32, #tpu.memory_space<hbm>>
      %dma_wait3A_432 = arith.constant 72 : i32
      %dma_wait3A_433 = tpu.memref_slice %arg2[%dma_wait3A_432, %add3A_429] : memref<204x262144xf32, #tpu.memory_space<hbm>> -> memref<8x1024xf32, #tpu.memory_space<hbm>>
      tpu.wait_dma2 semaphore(%arg28 : memref<!tpu.dma_semaphore, #tpu.memory_space<semaphore_mem>>) src(%dma_wait3A_433 : memref<8x1024xf32, #tpu.memory_space<hbm>>) dst(%arg14 : memref<8x1024xf32, #tpu.memory_space<vmem>>)
      %mul3A_434 = arith.constant 1024 : i32
      %mul3A_435 = arith.muli %scan3A_169, %mul3A_434 : i32
      %add3A_436 = arith.addi %mul3A_2, %mul3A_435 : i32
      %dma_start3A_437 = arith.constant 72 : i32
      %dma_start3A_438 = tpu.memref_slice %arg4[%dma_start3A_437, %add3A_436] : memref<204x262144xf32, #tpu.memory_space<hbm>> -> memref<8x1024xf32, #tpu.memory_space<hbm>>
      %dma_start3A_439 = arith.constant 72 : i32
      %dma_start3A_440 = tpu.memref_slice %arg4[%dma_start3A_439, %add3A_436] : memref<204x262144xf32, #tpu.memory_space<hbm>> -> memref<8x1024xf32, #tpu.memory_space<hbm>>
      tpu.enqueue_dma source(%arg14 : memref<8x1024xf32, #tpu.memory_space<vmem>>) target(%dma_start3A_440 : memref<8x1024xf32, #tpu.memory_space<hbm>>) target_semaphore(%arg41 : memref<!tpu.dma_semaphore, #tpu.memory_space<semaphore_mem>>)
      %mul3A_441 = arith.constant 26 : i32
      %mul3A_442 = arith.muli %scan3A_169, %mul3A_441 : i32
      %add3A_443 = arith.constant 9 : i32
      %add3A_444 = arith.addi %mul3A_442, %add3A_443 : i32
      %add3A_445 = arith.constant 11 : i32
      %add3A_446 = arith.addi %add3A_444, %add3A_445 : i32
      %add3A_447 = arith.constant 0 : i32
      %add3A_448 = arith.addi %scan3A_169, %add3A_447 : i32
      %ge3A_449 = arith.constant 13 : i32
      %ge3A_450 = arith.cmpi sge, %add3A_446, %ge3A_449 : i32
      %lt3A_451 = arith.constant 208 : i32
      %lt3A_452 = arith.cmpi slt, %add3A_446, %lt3A_451 : i32
      %and3A_453 = arith.andi %ge3A_450, %lt3A_452 : i1
      %convert_element_type3A_454 = arith.extui %and3A_453 : i1 to i32
      %cond3A_455 = arith.constant 0 : i32
      %cond3A_456 = arith.cmpi ne, %convert_element_type3A_454, %cond3A_455 : i32
      scf.if %cond3A_456 {
        %add3A_954 = arith.constant 0 : i32
        %add3A_955 = arith.addi %mul3A_2, %add3A_954 : i32
        %dma_wait3A_956 = arith.constant 56 : i32
        %dma_wait3A_957 = tpu.memref_slice %arg4[%dma_wait3A_956, %add3A_955] : memref<204x262144xf32, #tpu.memory_space<hbm>> -> memref<8x1024xf32, #tpu.memory_space<hbm>>
        %dma_wait3A_958 = arith.constant 56 : i32
        %dma_wait3A_959 = tpu.memref_slice %arg4[%dma_wait3A_958, %add3A_955] : memref<204x262144xf32, #tpu.memory_space<hbm>> -> memref<8x1024xf32, #tpu.memory_space<hbm>>
        tpu.wait_dma2 semaphore(%arg39 : memref<!tpu.dma_semaphore, #tpu.memory_space<semaphore_mem>>) src(%arg12 : memref<8x1024xf32, #tpu.memory_space<vmem>>) dst(%dma_wait3A_959 : memref<8x1024xf32, #tpu.memory_space<hbm>>)
        %mul3A_960 = arith.constant 1024 : i32
        %mul3A_961 = arith.muli %add3A_448, %mul3A_960 : i32
        %add3A_962 = arith.addi %mul3A_2, %mul3A_961 : i32
        %dma_start3A_963 = arith.constant 160 : i32
        %dma_start3A_964 = tpu.memref_slice %arg2[%dma_start3A_963, %add3A_962] : memref<204x262144xf32, #tpu.memory_space<hbm>> -> memref<8x1024xf32, #tpu.memory_space<hbm>>
        %dma_start3A_965 = arith.constant 160 : i32
        %dma_start3A_966 = tpu.memref_slice %arg2[%dma_start3A_965, %add3A_962] : memref<204x262144xf32, #tpu.memory_space<hbm>> -> memref<8x1024xf32, #tpu.memory_space<hbm>>
        tpu.enqueue_dma source(%dma_start3A_966 : memref<8x1024xf32, #tpu.memory_space<hbm>>) target(%arg12 : memref<8x1024xf32, #tpu.memory_space<vmem>>) target_semaphore(%arg26 : memref<!tpu.dma_semaphore, #tpu.memory_space<semaphore_mem>>)
      } else {
      }
      %add3A_457 = arith.constant 0 : i32
      %add3A_458 = arith.addi %mul3A_2, %add3A_457 : i32
      %dma_wait3A_459 = arith.constant 80 : i32
      %dma_wait3A_460 = tpu.memref_slice %arg2[%dma_wait3A_459, %add3A_458] : memref<204x262144xf32, #tpu.memory_space<hbm>> -> memref<8x1024xf32, #tpu.memory_space<hbm>>
      %dma_wait3A_461 = arith.constant 80 : i32
      %dma_wait3A_462 = tpu.memref_slice %arg2[%dma_wait3A_461, %add3A_458] : memref<204x262144xf32, #tpu.memory_space<hbm>> -> memref<8x1024xf32, #tpu.memory_space<hbm>>
      tpu.wait_dma2 semaphore(%arg29 : memref<!tpu.dma_semaphore, #tpu.memory_space<semaphore_mem>>) src(%dma_wait3A_462 : memref<8x1024xf32, #tpu.memory_space<hbm>>) dst(%arg15 : memref<8x1024xf32, #tpu.memory_space<vmem>>)
      %parallel_loop3A_463 = arith.constant 0 : i32
      %parallel_loop3A_464 = arith.constant 64 : i32
      %parallel_loop3A_465 = arith.constant 1 : i32
      scf.for %parallel_loop3A_954 = %parallel_loop3A_463 to %parallel_loop3A_464 step %parallel_loop3A_465  : i32 {
        %parallel_loop3A_955 = arith.constant 16 : i32
        %parallel_loop3A_956 = arith.muli %parallel_loop3A_954, %parallel_loop3A_955 : i32
        %parallel_loop3A_957 = arith.constant 1 : i32
        %parallel_loop3A_958 = arith.index_cast %parallel_loop3A_957 : i32 to index
        %parallel_loop3A_959 = arith.index_cast %parallel_loop3A_956 : i32 to index
        %parallel_loop3A_960 = tpu.vector_load %arg15[%parallel_loop3A_958, %parallel_loop3A_959] {strides = array<i32>} : memref<8x1024xf32, #tpu.memory_space<vmem>>, vector<16xf32>,
        %parallel_loop3A_961 = arith.addf %parallel_loop3A_960, %get3A_3 : vector<16xf32>
        %parallel_loop3A_962 = arith.constant 0.000000e+00 : f32
        %parallel_loop3A_963 = vector.broadcast %parallel_loop3A_962 : f32 to vector<16xf32>
        %parallel_loop3A_964 = arith.maximumf %parallel_loop3A_961, %parallel_loop3A_963 : vector<16xf32>
        %parallel_loop3A_965 = arith.constant 1.000000e+00 : f32
        %parallel_loop3A_966 = vector.broadcast %parallel_loop3A_965 : f32 to vector<16xf32>
        %parallel_loop3A_967 = arith.minimumf %parallel_loop3A_964, %parallel_loop3A_966 : vector<16xf32>
        %parallel_loop3A_968 = arith.constant 0.000000e+00 : f32
        %parallel_loop3A_969 = vector.broadcast %parallel_loop3A_968 : f32 to vector<16xf32>
        %parallel_loop3A_970 = arith.cmpf oeq, %parallel_loop3A_960, %parallel_loop3A_969 : vector<16xf32>
        %parallel_loop3A_971 = arith.select %parallel_loop3A_970, %parallel_loop3A_960, %parallel_loop3A_967 : vector<16xi1>, vector<16xf32>
        %parallel_loop3A_972 = arith.constant 1 : i32
        %parallel_loop3A_973 = arith.index_cast %parallel_loop3A_972 : i32 to index
        %parallel_loop3A_974 = arith.index_cast %parallel_loop3A_956 : i32 to index
        %parallel_loop3A_975 = tpu.vector_load %arg15[%parallel_loop3A_973, %parallel_loop3A_974] {strides = array<i32>} : memref<8x1024xf32, #tpu.memory_space<vmem>>, vector<16xf32>,
        tpu.vector_store %arg15[%parallel_loop3A_973, %parallel_loop3A_974], %parallel_loop3A_971 {strides = array<i32>} : memref<8x1024xf32, #tpu.memory_space<vmem>>, vector<16xf32>,
      } {sc.loop_unroll_factor = 1 : i64, sc.parallel_access}
      %mul3A_466 = arith.constant 1024 : i32
      %mul3A_467 = arith.muli %scan3A_169, %mul3A_466 : i32
      %add3A_468 = arith.addi %mul3A_2, %mul3A_467 : i32
      %dma_start3A_469 = arith.constant 80 : i32
      %dma_start3A_470 = tpu.memref_slice %arg4[%dma_start3A_469, %add3A_468] : memref<204x262144xf32, #tpu.memory_space<hbm>> -> memref<8x1024xf32, #tpu.memory_space<hbm>>
      %dma_start3A_471 = arith.constant 80 : i32
      %dma_start3A_472 = tpu.memref_slice %arg4[%dma_start3A_471, %add3A_468] : memref<204x262144xf32, #tpu.memory_space<hbm>> -> memref<8x1024xf32, #tpu.memory_space<hbm>>
      tpu.enqueue_dma source(%arg15 : memref<8x1024xf32, #tpu.memory_space<vmem>>) target(%dma_start3A_472 : memref<8x1024xf32, #tpu.memory_space<hbm>>) target_semaphore(%arg42 : memref<!tpu.dma_semaphore, #tpu.memory_space<semaphore_mem>>)
      %mul3A_473 = arith.constant 26 : i32
      %mul3A_474 = arith.muli %scan3A_169, %mul3A_473 : i32
      %add3A_475 = arith.constant 10 : i32
      %add3A_476 = arith.addi %mul3A_474, %add3A_475 : i32
      %add3A_477 = arith.constant 11 : i32
      %add3A_478 = arith.addi %add3A_476, %add3A_477 : i32
      %add3A_479 = arith.constant 0 : i32
      %add3A_480 = arith.addi %scan3A_169, %add3A_479 : i32
      %ge3A_481 = arith.constant 13 : i32
      %ge3A_482 = arith.cmpi sge, %add3A_478, %ge3A_481 : i32
      %lt3A_483 = arith.constant 208 : i32
      %lt3A_484 = arith.cmpi slt, %add3A_478, %lt3A_483 : i32
      %and3A_485 = arith.andi %ge3A_482, %lt3A_484 : i1
      %convert_element_type3A_486 = arith.extui %and3A_485 : i1 to i32
      %cond3A_487 = arith.constant 0 : i32
      %cond3A_488 = arith.cmpi ne, %convert_element_type3A_486, %cond3A_487 : i32
      scf.if %cond3A_488 {
        %add3A_954 = arith.constant 0 : i32
        %add3A_955 = arith.addi %mul3A_2, %add3A_954 : i32
        %dma_wait3A_956 = arith.constant 64 : i32
        %dma_wait3A_957 = tpu.memref_slice %arg4[%dma_wait3A_956, %add3A_955] : memref<204x262144xf32, #tpu.memory_space<hbm>> -> memref<8x1024xf32, #tpu.memory_space<hbm>>
        %dma_wait3A_958 = arith.constant 64 : i32
        %dma_wait3A_959 = tpu.memref_slice %arg4[%dma_wait3A_958, %add3A_955] : memref<204x262144xf32, #tpu.memory_space<hbm>> -> memref<8x1024xf32, #tpu.memory_space<hbm>>
        tpu.wait_dma2 semaphore(%arg40 : memref<!tpu.dma_semaphore, #tpu.memory_space<semaphore_mem>>) src(%arg13 : memref<8x1024xf32, #tpu.memory_space<vmem>>) dst(%dma_wait3A_959 : memref<8x1024xf32, #tpu.memory_space<hbm>>)
        %mul3A_960 = arith.constant 1024 : i32
        %mul3A_961 = arith.muli %add3A_480, %mul3A_960 : i32
        %add3A_962 = arith.addi %mul3A_2, %mul3A_961 : i32
        %dma_start3A_963 = arith.constant 168 : i32
        %dma_start3A_964 = tpu.memref_slice %arg2[%dma_start3A_963, %add3A_962] : memref<204x262144xf32, #tpu.memory_space<hbm>> -> memref<8x1024xf32, #tpu.memory_space<hbm>>
        %dma_start3A_965 = arith.constant 168 : i32
        %dma_start3A_966 = tpu.memref_slice %arg2[%dma_start3A_965, %add3A_962] : memref<204x262144xf32, #tpu.memory_space<hbm>> -> memref<8x1024xf32, #tpu.memory_space<hbm>>
        tpu.enqueue_dma source(%dma_start3A_966 : memref<8x1024xf32, #tpu.memory_space<hbm>>) target(%arg13 : memref<8x1024xf32, #tpu.memory_space<vmem>>) target_semaphore(%arg27 : memref<!tpu.dma_semaphore, #tpu.memory_space<semaphore_mem>>)
      } else {
      }
      %add3A_489 = arith.constant 0 : i32
      %add3A_490 = arith.addi %mul3A_2, %add3A_489 : i32
      %dma_wait3A_491 = arith.constant 88 : i32
      %dma_wait3A_492 = tpu.memref_slice %arg2[%dma_wait3A_491, %add3A_490] : memref<204x262144xf32, #tpu.memory_space<hbm>> -> memref<8x1024xf32, #tpu.memory_space<hbm>>
      %dma_wait3A_493 = arith.constant 88 : i32
      %dma_wait3A_494 = tpu.memref_slice %arg2[%dma_wait3A_493, %add3A_490] : memref<204x262144xf32, #tpu.memory_space<hbm>> -> memref<8x1024xf32, #tpu.memory_space<hbm>>
      tpu.wait_dma2 semaphore(%arg30 : memref<!tpu.dma_semaphore, #tpu.memory_space<semaphore_mem>>) src(%dma_wait3A_494 : memref<8x1024xf32, #tpu.memory_space<hbm>>) dst(%arg16 : memref<8x1024xf32, #tpu.memory_space<vmem>>)
      %mul3A_495 = arith.constant 1024 : i32
      %mul3A_496 = arith.muli %scan3A_169, %mul3A_495 : i32
      %add3A_497 = arith.addi %mul3A_2, %mul3A_496 : i32
      %dma_start3A_498 = arith.constant 88 : i32
      %dma_start3A_499 = tpu.memref_slice %arg4[%dma_start3A_498, %add3A_497] : memref<204x262144xf32, #tpu.memory_space<hbm>> -> memref<8x1024xf32, #tpu.memory_space<hbm>>
      %dma_start3A_500 = arith.constant 88 : i32
      %dma_start3A_501 = tpu.memref_slice %arg4[%dma_start3A_500, %add3A_497] : memref<204x262144xf32, #tpu.memory_space<hbm>> -> memref<8x1024xf32, #tpu.memory_space<hbm>>
      tpu.enqueue_dma source(%arg16 : memref<8x1024xf32, #tpu.memory_space<vmem>>) target(%dma_start3A_501 : memref<8x1024xf32, #tpu.memory_space<hbm>>) target_semaphore(%arg43 : memref<!tpu.dma_semaphore, #tpu.memory_space<semaphore_mem>>)
      %mul3A_502 = arith.constant 26 : i32
      %mul3A_503 = arith.muli %scan3A_169, %mul3A_502 : i32
      %add3A_504 = arith.constant 11 : i32
      %add3A_505 = arith.addi %mul3A_503, %add3A_504 : i32
      %add3A_506 = arith.constant 11 : i32
      %add3A_507 = arith.addi %add3A_505, %add3A_506 : i32
      %add3A_508 = arith.constant 0 : i32
      %add3A_509 = arith.addi %scan3A_169, %add3A_508 : i32
      %ge3A_510 = arith.constant 13 : i32
      %ge3A_511 = arith.cmpi sge, %add3A_507, %ge3A_510 : i32
      %lt3A_512 = arith.constant 208 : i32
      %lt3A_513 = arith.cmpi slt, %add3A_507, %lt3A_512 : i32
      %and3A_514 = arith.andi %ge3A_511, %lt3A_513 : i1
      %convert_element_type3A_515 = arith.extui %and3A_514 : i1 to i32
      %cond3A_516 = arith.constant 0 : i32
      %cond3A_517 = arith.cmpi ne, %convert_element_type3A_515, %cond3A_516 : i32
      scf.if %cond3A_517 {
        %add3A_954 = arith.constant 0 : i32
        %add3A_955 = arith.addi %mul3A_2, %add3A_954 : i32
        %dma_wait3A_956 = arith.constant 72 : i32
        %dma_wait3A_957 = tpu.memref_slice %arg4[%dma_wait3A_956, %add3A_955] : memref<204x262144xf32, #tpu.memory_space<hbm>> -> memref<8x1024xf32, #tpu.memory_space<hbm>>
        %dma_wait3A_958 = arith.constant 72 : i32
        %dma_wait3A_959 = tpu.memref_slice %arg4[%dma_wait3A_958, %add3A_955] : memref<204x262144xf32, #tpu.memory_space<hbm>> -> memref<8x1024xf32, #tpu.memory_space<hbm>>
        tpu.wait_dma2 semaphore(%arg41 : memref<!tpu.dma_semaphore, #tpu.memory_space<semaphore_mem>>) src(%arg14 : memref<8x1024xf32, #tpu.memory_space<vmem>>) dst(%dma_wait3A_959 : memref<8x1024xf32, #tpu.memory_space<hbm>>)
        %mul3A_960 = arith.constant 1024 : i32
        %mul3A_961 = arith.muli %add3A_509, %mul3A_960 : i32
        %add3A_962 = arith.addi %mul3A_2, %mul3A_961 : i32
        %dma_start3A_963 = arith.constant 176 : i32
        %dma_start3A_964 = tpu.memref_slice %arg2[%dma_start3A_963, %add3A_962] : memref<204x262144xf32, #tpu.memory_space<hbm>> -> memref<8x1024xf32, #tpu.memory_space<hbm>>
        %dma_start3A_965 = arith.constant 176 : i32
        %dma_start3A_966 = tpu.memref_slice %arg2[%dma_start3A_965, %add3A_962] : memref<204x262144xf32, #tpu.memory_space<hbm>> -> memref<8x1024xf32, #tpu.memory_space<hbm>>
        tpu.enqueue_dma source(%dma_start3A_966 : memref<8x1024xf32, #tpu.memory_space<hbm>>) target(%arg14 : memref<8x1024xf32, #tpu.memory_space<vmem>>) target_semaphore(%arg28 : memref<!tpu.dma_semaphore, #tpu.memory_space<semaphore_mem>>)
      } else {
      }
      %add3A_518 = arith.constant 0 : i32
      %add3A_519 = arith.addi %mul3A_2, %add3A_518 : i32
      %dma_wait3A_520 = arith.constant 96 : i32
      %dma_wait3A_521 = tpu.memref_slice %arg2[%dma_wait3A_520, %add3A_519] : memref<204x262144xf32, #tpu.memory_space<hbm>> -> memref<8x1024xf32, #tpu.memory_space<hbm>>
      %dma_wait3A_522 = arith.constant 96 : i32
      %dma_wait3A_523 = tpu.memref_slice %arg2[%dma_wait3A_522, %add3A_519] : memref<204x262144xf32, #tpu.memory_space<hbm>> -> memref<8x1024xf32, #tpu.memory_space<hbm>>
      tpu.wait_dma2 semaphore(%arg31 : memref<!tpu.dma_semaphore, #tpu.memory_space<semaphore_mem>>) src(%dma_wait3A_523 : memref<8x1024xf32, #tpu.memory_space<hbm>>) dst(%arg17 : memref<8x1024xf32, #tpu.memory_space<vmem>>)
      %mul3A_524 = arith.constant 1024 : i32
      %mul3A_525 = arith.muli %scan3A_169, %mul3A_524 : i32
      %add3A_526 = arith.addi %mul3A_2, %mul3A_525 : i32
      %dma_start3A_527 = arith.constant 96 : i32
      %dma_start3A_528 = tpu.memref_slice %arg4[%dma_start3A_527, %add3A_526] : memref<204x262144xf32, #tpu.memory_space<hbm>> -> memref<8x1024xf32, #tpu.memory_space<hbm>>
      %dma_start3A_529 = arith.constant 96 : i32
      %dma_start3A_530 = tpu.memref_slice %arg4[%dma_start3A_529, %add3A_526] : memref<204x262144xf32, #tpu.memory_space<hbm>> -> memref<8x1024xf32, #tpu.memory_space<hbm>>
      tpu.enqueue_dma source(%arg17 : memref<8x1024xf32, #tpu.memory_space<vmem>>) target(%dma_start3A_530 : memref<8x1024xf32, #tpu.memory_space<hbm>>) target_semaphore(%arg44 : memref<!tpu.dma_semaphore, #tpu.memory_space<semaphore_mem>>)
      %mul3A_531 = arith.constant 26 : i32
      %mul3A_532 = arith.muli %scan3A_169, %mul3A_531 : i32
      %add3A_533 = arith.constant 12 : i32
      %add3A_534 = arith.addi %mul3A_532, %add3A_533 : i32
      %add3A_535 = arith.constant 11 : i32
      %add3A_536 = arith.addi %add3A_534, %add3A_535 : i32
      %add3A_537 = arith.constant 0 : i32
      %add3A_538 = arith.addi %scan3A_169, %add3A_537 : i32
      %ge3A_539 = arith.constant 13 : i32
      %ge3A_540 = arith.cmpi sge, %add3A_536, %ge3A_539 : i32
      %lt3A_541 = arith.constant 208 : i32
      %lt3A_542 = arith.cmpi slt, %add3A_536, %lt3A_541 : i32
      %and3A_543 = arith.andi %ge3A_540, %lt3A_542 : i1
      %convert_element_type3A_544 = arith.extui %and3A_543 : i1 to i32
      %cond3A_545 = arith.constant 0 : i32
      %cond3A_546 = arith.cmpi ne, %convert_element_type3A_544, %cond3A_545 : i32
      scf.if %cond3A_546 {
        %add3A_954 = arith.constant 0 : i32
        %add3A_955 = arith.addi %mul3A_2, %add3A_954 : i32
        %dma_wait3A_956 = arith.constant 80 : i32
        %dma_wait3A_957 = tpu.memref_slice %arg4[%dma_wait3A_956, %add3A_955] : memref<204x262144xf32, #tpu.memory_space<hbm>> -> memref<8x1024xf32, #tpu.memory_space<hbm>>
        %dma_wait3A_958 = arith.constant 80 : i32
        %dma_wait3A_959 = tpu.memref_slice %arg4[%dma_wait3A_958, %add3A_955] : memref<204x262144xf32, #tpu.memory_space<hbm>> -> memref<8x1024xf32, #tpu.memory_space<hbm>>
        tpu.wait_dma2 semaphore(%arg42 : memref<!tpu.dma_semaphore, #tpu.memory_space<semaphore_mem>>) src(%arg15 : memref<8x1024xf32, #tpu.memory_space<vmem>>) dst(%dma_wait3A_959 : memref<8x1024xf32, #tpu.memory_space<hbm>>)
        %mul3A_960 = arith.constant 1024 : i32
        %mul3A_961 = arith.muli %add3A_538, %mul3A_960 : i32
        %add3A_962 = arith.addi %mul3A_2, %mul3A_961 : i32
        %dma_start3A_963 = arith.constant 184 : i32
        %dma_start3A_964 = tpu.memref_slice %arg2[%dma_start3A_963, %add3A_962] : memref<204x262144xf32, #tpu.memory_space<hbm>> -> memref<8x1024xf32, #tpu.memory_space<hbm>>
        %dma_start3A_965 = arith.constant 184 : i32
        %dma_start3A_966 = tpu.memref_slice %arg2[%dma_start3A_965, %add3A_962] : memref<204x262144xf32, #tpu.memory_space<hbm>> -> memref<8x1024xf32, #tpu.memory_space<hbm>>
        tpu.enqueue_dma source(%dma_start3A_966 : memref<8x1024xf32, #tpu.memory_space<hbm>>) target(%arg15 : memref<8x1024xf32, #tpu.memory_space<vmem>>) target_semaphore(%arg29 : memref<!tpu.dma_semaphore, #tpu.memory_space<semaphore_mem>>)
      } else {
      }
      %add3A_547 = arith.constant 0 : i32
      %add3A_548 = arith.addi %mul3A_2, %add3A_547 : i32
      %dma_wait3A_549 = arith.constant 104 : i32
      %dma_wait3A_550 = tpu.memref_slice %arg2[%dma_wait3A_549, %add3A_548] : memref<204x262144xf32, #tpu.memory_space<hbm>> -> memref<8x1024xf32, #tpu.memory_space<hbm>>
      %dma_wait3A_551 = arith.constant 104 : i32
      %dma_wait3A_552 = tpu.memref_slice %arg2[%dma_wait3A_551, %add3A_548] : memref<204x262144xf32, #tpu.memory_space<hbm>> -> memref<8x1024xf32, #tpu.memory_space<hbm>>
      tpu.wait_dma2 semaphore(%arg19 : memref<!tpu.dma_semaphore, #tpu.memory_space<semaphore_mem>>) src(%dma_wait3A_552 : memref<8x1024xf32, #tpu.memory_space<hbm>>) dst(%arg5 : memref<8x1024xf32, #tpu.memory_space<vmem>>)
      %mul3A_553 = arith.constant 1024 : i32
      %mul3A_554 = arith.muli %scan3A_169, %mul3A_553 : i32
      %add3A_555 = arith.addi %mul3A_2, %mul3A_554 : i32
      %dma_start3A_556 = arith.constant 104 : i32
      %dma_start3A_557 = tpu.memref_slice %arg4[%dma_start3A_556, %add3A_555] : memref<204x262144xf32, #tpu.memory_space<hbm>> -> memref<8x1024xf32, #tpu.memory_space<hbm>>
      %dma_start3A_558 = arith.constant 104 : i32
      %dma_start3A_559 = tpu.memref_slice %arg4[%dma_start3A_558, %add3A_555] : memref<204x262144xf32, #tpu.memory_space<hbm>> -> memref<8x1024xf32, #tpu.memory_space<hbm>>
      tpu.enqueue_dma source(%arg5 : memref<8x1024xf32, #tpu.memory_space<vmem>>) target(%dma_start3A_559 : memref<8x1024xf32, #tpu.memory_space<hbm>>) target_semaphore(%arg32 : memref<!tpu.dma_semaphore, #tpu.memory_space<semaphore_mem>>)
      %mul3A_560 = arith.constant 26 : i32
      %mul3A_561 = arith.muli %scan3A_169, %mul3A_560 : i32
      %add3A_562 = arith.constant 13 : i32
      %add3A_563 = arith.addi %mul3A_561, %add3A_562 : i32
      %add3A_564 = arith.constant 11 : i32
      %add3A_565 = arith.addi %add3A_563, %add3A_564 : i32
      %add3A_566 = arith.constant 0 : i32
      %add3A_567 = arith.addi %scan3A_169, %add3A_566 : i32
      %ge3A_568 = arith.constant 13 : i32
      %ge3A_569 = arith.cmpi sge, %add3A_565, %ge3A_568 : i32
      %lt3A_570 = arith.constant 208 : i32
      %lt3A_571 = arith.cmpi slt, %add3A_565, %lt3A_570 : i32
      %and3A_572 = arith.andi %ge3A_569, %lt3A_571 : i1
      %convert_element_type3A_573 = arith.extui %and3A_572 : i1 to i32
      %cond3A_574 = arith.constant 0 : i32
      %cond3A_575 = arith.cmpi ne, %convert_element_type3A_573, %cond3A_574 : i32
      scf.if %cond3A_575 {
        %add3A_954 = arith.constant 0 : i32
        %add3A_955 = arith.addi %mul3A_2, %add3A_954 : i32
        %dma_wait3A_956 = arith.constant 88 : i32
        %dma_wait3A_957 = tpu.memref_slice %arg4[%dma_wait3A_956, %add3A_955] : memref<204x262144xf32, #tpu.memory_space<hbm>> -> memref<8x1024xf32, #tpu.memory_space<hbm>>
        %dma_wait3A_958 = arith.constant 88 : i32
        %dma_wait3A_959 = tpu.memref_slice %arg4[%dma_wait3A_958, %add3A_955] : memref<204x262144xf32, #tpu.memory_space<hbm>> -> memref<8x1024xf32, #tpu.memory_space<hbm>>
        tpu.wait_dma2 semaphore(%arg43 : memref<!tpu.dma_semaphore, #tpu.memory_space<semaphore_mem>>) src(%arg16 : memref<8x1024xf32, #tpu.memory_space<vmem>>) dst(%dma_wait3A_959 : memref<8x1024xf32, #tpu.memory_space<hbm>>)
        %mul3A_960 = arith.constant 1024 : i32
        %mul3A_961 = arith.muli %add3A_567, %mul3A_960 : i32
        %add3A_962 = arith.addi %mul3A_2, %mul3A_961 : i32
        %dma_start3A_963 = arith.constant 192 : i32
        %dma_start3A_964 = tpu.memref_slice %arg2[%dma_start3A_963, %add3A_962] : memref<204x262144xf32, #tpu.memory_space<hbm>> -> memref<8x1024xf32, #tpu.memory_space<hbm>>
        %dma_start3A_965 = arith.constant 192 : i32
        %dma_start3A_966 = tpu.memref_slice %arg2[%dma_start3A_965, %add3A_962] : memref<204x262144xf32, #tpu.memory_space<hbm>> -> memref<8x1024xf32, #tpu.memory_space<hbm>>
        tpu.enqueue_dma source(%dma_start3A_966 : memref<8x1024xf32, #tpu.memory_space<hbm>>) target(%arg16 : memref<8x1024xf32, #tpu.memory_space<vmem>>) target_semaphore(%arg30 : memref<!tpu.dma_semaphore, #tpu.memory_space<semaphore_mem>>)
      } else {
      }
      %add3A_576 = arith.constant 0 : i32
      %add3A_577 = arith.addi %mul3A_2, %add3A_576 : i32
      %dma_wait3A_578 = arith.constant 112 : i32
      %dma_wait3A_579 = tpu.memref_slice %arg2[%dma_wait3A_578, %add3A_577] : memref<204x262144xf32, #tpu.memory_space<hbm>> -> memref<8x1024xf32, #tpu.memory_space<hbm>>
      %dma_wait3A_580 = arith.constant 112 : i32
      %dma_wait3A_581 = tpu.memref_slice %arg2[%dma_wait3A_580, %add3A_577] : memref<204x262144xf32, #tpu.memory_space<hbm>> -> memref<8x1024xf32, #tpu.memory_space<hbm>>
      tpu.wait_dma2 semaphore(%arg20 : memref<!tpu.dma_semaphore, #tpu.memory_space<semaphore_mem>>) src(%dma_wait3A_581 : memref<8x1024xf32, #tpu.memory_space<hbm>>) dst(%arg6 : memref<8x1024xf32, #tpu.memory_space<vmem>>)
      %mul3A_582 = arith.constant 1024 : i32
      %mul3A_583 = arith.muli %scan3A_169, %mul3A_582 : i32
      %add3A_584 = arith.addi %mul3A_2, %mul3A_583 : i32
      %dma_start3A_585 = arith.constant 112 : i32
      %dma_start3A_586 = tpu.memref_slice %arg4[%dma_start3A_585, %add3A_584] : memref<204x262144xf32, #tpu.memory_space<hbm>> -> memref<8x1024xf32, #tpu.memory_space<hbm>>
      %dma_start3A_587 = arith.constant 112 : i32
      %dma_start3A_588 = tpu.memref_slice %arg4[%dma_start3A_587, %add3A_584] : memref<204x262144xf32, #tpu.memory_space<hbm>> -> memref<8x1024xf32, #tpu.memory_space<hbm>>
      tpu.enqueue_dma source(%arg6 : memref<8x1024xf32, #tpu.memory_space<vmem>>) target(%dma_start3A_588 : memref<8x1024xf32, #tpu.memory_space<hbm>>) target_semaphore(%arg33 : memref<!tpu.dma_semaphore, #tpu.memory_space<semaphore_mem>>)
      %mul3A_589 = arith.constant 26 : i32
      %mul3A_590 = arith.muli %scan3A_169, %mul3A_589 : i32
      %add3A_591 = arith.constant 14 : i32
      %add3A_592 = arith.addi %mul3A_590, %add3A_591 : i32
      %add3A_593 = arith.constant 11 : i32
      %add3A_594 = arith.addi %add3A_592, %add3A_593 : i32
      %add3A_595 = arith.constant 0 : i32
      %add3A_596 = arith.addi %scan3A_169, %add3A_595 : i32
      %ge3A_597 = arith.constant 13 : i32
      %ge3A_598 = arith.cmpi sge, %add3A_594, %ge3A_597 : i32
      %lt3A_599 = arith.constant 208 : i32
      %lt3A_600 = arith.cmpi slt, %add3A_594, %lt3A_599 : i32
      %and3A_601 = arith.andi %ge3A_598, %lt3A_600 : i1
      %convert_element_type3A_602 = arith.extui %and3A_601 : i1 to i32
      %cond3A_603 = arith.constant 0 : i32
      %cond3A_604 = arith.cmpi ne, %convert_element_type3A_602, %cond3A_603 : i32
      scf.if %cond3A_604 {
        %add3A_954 = arith.constant 0 : i32
        %add3A_955 = arith.addi %mul3A_2, %add3A_954 : i32
        %dma_wait3A_956 = arith.constant 96 : i32
        %dma_wait3A_957 = tpu.memref_slice %arg4[%dma_wait3A_956, %add3A_955] : memref<204x262144xf32, #tpu.memory_space<hbm>> -> memref<8x1024xf32, #tpu.memory_space<hbm>>
        %dma_wait3A_958 = arith.constant 96 : i32
        %dma_wait3A_959 = tpu.memref_slice %arg4[%dma_wait3A_958, %add3A_955] : memref<204x262144xf32, #tpu.memory_space<hbm>> -> memref<8x1024xf32, #tpu.memory_space<hbm>>
        tpu.wait_dma2 semaphore(%arg44 : memref<!tpu.dma_semaphore, #tpu.memory_space<semaphore_mem>>) src(%arg17 : memref<8x1024xf32, #tpu.memory_space<vmem>>) dst(%dma_wait3A_959 : memref<8x1024xf32, #tpu.memory_space<hbm>>)
        %mul3A_960 = arith.constant 1024 : i32
        %mul3A_961 = arith.muli %add3A_596, %mul3A_960 : i32
        %add3A_962 = arith.addi %mul3A_2, %mul3A_961 : i32
        %dma_start3A_963 = arith.constant 0 : i32
        %dma_start3A_964 = arith.constant 0 : i32
        %dma_start3A_965 = tpu.memref_slice %arg17[%dma_start3A_963, %dma_start3A_964] : memref<8x1024xf32, #tpu.memory_space<vmem>> -> memref<4x1024xf32, #tpu.memory_space<vmem>>
        %dma_start3A_966 = arith.constant 200 : i32
        %dma_start3A_967 = tpu.memref_slice %arg2[%dma_start3A_966, %add3A_962] : memref<204x262144xf32, #tpu.memory_space<hbm>> -> memref<4x1024xf32, #tpu.memory_space<hbm>>
        %dma_start3A_968 = arith.constant 0 : i32
        %dma_start3A_969 = arith.constant 0 : i32
        %dma_start3A_970 = tpu.memref_slice %arg17[%dma_start3A_968, %dma_start3A_969] : memref<8x1024xf32, #tpu.memory_space<vmem>> -> memref<4x1024xf32, #tpu.memory_space<vmem>>
        %dma_start3A_971 = arith.constant 200 : i32
        %dma_start3A_972 = tpu.memref_slice %arg2[%dma_start3A_971, %add3A_962] : memref<204x262144xf32, #tpu.memory_space<hbm>> -> memref<4x1024xf32, #tpu.memory_space<hbm>>
        tpu.enqueue_dma source(%dma_start3A_972 : memref<4x1024xf32, #tpu.memory_space<hbm>>) target(%dma_start3A_970 : memref<4x1024xf32, #tpu.memory_space<vmem>>) target_semaphore(%arg31 : memref<!tpu.dma_semaphore, #tpu.memory_space<semaphore_mem>>)
      } else {
      }
      %add3A_605 = arith.constant 0 : i32
      %add3A_606 = arith.addi %mul3A_2, %add3A_605 : i32
      %dma_wait3A_607 = arith.constant 120 : i32
      %dma_wait3A_608 = tpu.memref_slice %arg2[%dma_wait3A_607, %add3A_606] : memref<204x262144xf32, #tpu.memory_space<hbm>> -> memref<8x1024xf32, #tpu.memory_space<hbm>>
      %dma_wait3A_609 = arith.constant 120 : i32
      %dma_wait3A_610 = tpu.memref_slice %arg2[%dma_wait3A_609, %add3A_606] : memref<204x262144xf32, #tpu.memory_space<hbm>> -> memref<8x1024xf32, #tpu.memory_space<hbm>>
      tpu.wait_dma2 semaphore(%arg21 : memref<!tpu.dma_semaphore, #tpu.memory_space<semaphore_mem>>) src(%dma_wait3A_610 : memref<8x1024xf32, #tpu.memory_space<hbm>>) dst(%arg7 : memref<8x1024xf32, #tpu.memory_space<vmem>>)
      %mul3A_611 = arith.constant 1024 : i32
      %mul3A_612 = arith.muli %scan3A_169, %mul3A_611 : i32
      %add3A_613 = arith.addi %mul3A_2, %mul3A_612 : i32
      %dma_start3A_614 = arith.constant 120 : i32
      %dma_start3A_615 = tpu.memref_slice %arg4[%dma_start3A_614, %add3A_613] : memref<204x262144xf32, #tpu.memory_space<hbm>> -> memref<8x1024xf32, #tpu.memory_space<hbm>>
      %dma_start3A_616 = arith.constant 120 : i32
      %dma_start3A_617 = tpu.memref_slice %arg4[%dma_start3A_616, %add3A_613] : memref<204x262144xf32, #tpu.memory_space<hbm>> -> memref<8x1024xf32, #tpu.memory_space<hbm>>
      tpu.enqueue_dma source(%arg7 : memref<8x1024xf32, #tpu.memory_space<vmem>>) target(%dma_start3A_617 : memref<8x1024xf32, #tpu.memory_space<hbm>>) target_semaphore(%arg34 : memref<!tpu.dma_semaphore, #tpu.memory_space<semaphore_mem>>)
      %mul3A_618 = arith.constant 26 : i32
      %mul3A_619 = arith.muli %scan3A_169, %mul3A_618 : i32
      %add3A_620 = arith.constant 15 : i32
      %add3A_621 = arith.addi %mul3A_619, %add3A_620 : i32
      %add3A_622 = arith.constant 11 : i32
      %add3A_623 = arith.addi %add3A_621, %add3A_622 : i32
      %add3A_624 = arith.constant 1 : i32
      %add3A_625 = arith.addi %scan3A_169, %add3A_624 : i32
      %ge3A_626 = arith.constant 13 : i32
      %ge3A_627 = arith.cmpi sge, %add3A_623, %ge3A_626 : i32
      %lt3A_628 = arith.constant 208 : i32
      %lt3A_629 = arith.cmpi slt, %add3A_623, %lt3A_628 : i32
      %and3A_630 = arith.andi %ge3A_627, %lt3A_629 : i1
      %convert_element_type3A_631 = arith.extui %and3A_630 : i1 to i32
      %cond3A_632 = arith.constant 0 : i32
      %cond3A_633 = arith.cmpi ne, %convert_element_type3A_631, %cond3A_632 : i32
      scf.if %cond3A_633 {
        %add3A_954 = arith.constant 0 : i32
        %add3A_955 = arith.addi %mul3A_2, %add3A_954 : i32
        %dma_wait3A_956 = arith.constant 104 : i32
        %dma_wait3A_957 = tpu.memref_slice %arg4[%dma_wait3A_956, %add3A_955] : memref<204x262144xf32, #tpu.memory_space<hbm>> -> memref<8x1024xf32, #tpu.memory_space<hbm>>
        %dma_wait3A_958 = arith.constant 104 : i32
        %dma_wait3A_959 = tpu.memref_slice %arg4[%dma_wait3A_958, %add3A_955] : memref<204x262144xf32, #tpu.memory_space<hbm>> -> memref<8x1024xf32, #tpu.memory_space<hbm>>
        tpu.wait_dma2 semaphore(%arg32 : memref<!tpu.dma_semaphore, #tpu.memory_space<semaphore_mem>>) src(%arg5 : memref<8x1024xf32, #tpu.memory_space<vmem>>) dst(%dma_wait3A_959 : memref<8x1024xf32, #tpu.memory_space<hbm>>)
        %mul3A_960 = arith.constant 1024 : i32
        %mul3A_961 = arith.muli %add3A_625, %mul3A_960 : i32
        %add3A_962 = arith.addi %mul3A_2, %mul3A_961 : i32
        %dma_start3A_963 = arith.constant 0 : i32
        %dma_start3A_964 = tpu.memref_slice %arg2[%dma_start3A_963, %add3A_962] : memref<204x262144xf32, #tpu.memory_space<hbm>> -> memref<8x1024xf32, #tpu.memory_space<hbm>>
        %dma_start3A_965 = arith.constant 0 : i32
        %dma_start3A_966 = tpu.memref_slice %arg2[%dma_start3A_965, %add3A_962] : memref<204x262144xf32, #tpu.memory_space<hbm>> -> memref<8x1024xf32, #tpu.memory_space<hbm>>
        tpu.enqueue_dma source(%dma_start3A_966 : memref<8x1024xf32, #tpu.memory_space<hbm>>) target(%arg5 : memref<8x1024xf32, #tpu.memory_space<vmem>>) target_semaphore(%arg19 : memref<!tpu.dma_semaphore, #tpu.memory_space<semaphore_mem>>)
      } else {
      }
      %add3A_634 = arith.constant 0 : i32
      %add3A_635 = arith.addi %mul3A_2, %add3A_634 : i32
      %dma_wait3A_636 = arith.constant 128 : i32
      %dma_wait3A_637 = tpu.memref_slice %arg2[%dma_wait3A_636, %add3A_635] : memref<204x262144xf32, #tpu.memory_space<hbm>> -> memref<8x1024xf32, #tpu.memory_space<hbm>>
      %dma_wait3A_638 = arith.constant 128 : i32
      %dma_wait3A_639 = tpu.memref_slice %arg2[%dma_wait3A_638, %add3A_635] : memref<204x262144xf32, #tpu.memory_space<hbm>> -> memref<8x1024xf32, #tpu.memory_space<hbm>>
      tpu.wait_dma2 semaphore(%arg22 : memref<!tpu.dma_semaphore, #tpu.memory_space<semaphore_mem>>) src(%dma_wait3A_639 : memref<8x1024xf32, #tpu.memory_space<hbm>>) dst(%arg8 : memref<8x1024xf32, #tpu.memory_space<vmem>>)
      %mul3A_640 = arith.constant 1024 : i32
      %mul3A_641 = arith.muli %scan3A_169, %mul3A_640 : i32
      %add3A_642 = arith.addi %mul3A_2, %mul3A_641 : i32
      %dma_start3A_643 = arith.constant 128 : i32
      %dma_start3A_644 = tpu.memref_slice %arg4[%dma_start3A_643, %add3A_642] : memref<204x262144xf32, #tpu.memory_space<hbm>> -> memref<8x1024xf32, #tpu.memory_space<hbm>>
      %dma_start3A_645 = arith.constant 128 : i32
      %dma_start3A_646 = tpu.memref_slice %arg4[%dma_start3A_645, %add3A_642] : memref<204x262144xf32, #tpu.memory_space<hbm>> -> memref<8x1024xf32, #tpu.memory_space<hbm>>
      tpu.enqueue_dma source(%arg8 : memref<8x1024xf32, #tpu.memory_space<vmem>>) target(%dma_start3A_646 : memref<8x1024xf32, #tpu.memory_space<hbm>>) target_semaphore(%arg35 : memref<!tpu.dma_semaphore, #tpu.memory_space<semaphore_mem>>)
      %mul3A_647 = arith.constant 26 : i32
      %mul3A_648 = arith.muli %scan3A_169, %mul3A_647 : i32
      %add3A_649 = arith.constant 16 : i32
      %add3A_650 = arith.addi %mul3A_648, %add3A_649 : i32
      %add3A_651 = arith.constant 11 : i32
      %add3A_652 = arith.addi %add3A_650, %add3A_651 : i32
      %add3A_653 = arith.constant 1 : i32
      %add3A_654 = arith.addi %scan3A_169, %add3A_653 : i32
      %ge3A_655 = arith.constant 13 : i32
      %ge3A_656 = arith.cmpi sge, %add3A_652, %ge3A_655 : i32
      %lt3A_657 = arith.constant 208 : i32
      %lt3A_658 = arith.cmpi slt, %add3A_652, %lt3A_657 : i32
      %and3A_659 = arith.andi %ge3A_656, %lt3A_658 : i1
      %convert_element_type3A_660 = arith.extui %and3A_659 : i1 to i32
      %cond3A_661 = arith.constant 0 : i32
      %cond3A_662 = arith.cmpi ne, %convert_element_type3A_660, %cond3A_661 : i32
      scf.if %cond3A_662 {
        %add3A_954 = arith.constant 0 : i32
        %add3A_955 = arith.addi %mul3A_2, %add3A_954 : i32
        %dma_wait3A_956 = arith.constant 112 : i32
        %dma_wait3A_957 = tpu.memref_slice %arg4[%dma_wait3A_956, %add3A_955] : memref<204x262144xf32, #tpu.memory_space<hbm>> -> memref<8x1024xf32, #tpu.memory_space<hbm>>
        %dma_wait3A_958 = arith.constant 112 : i32
        %dma_wait3A_959 = tpu.memref_slice %arg4[%dma_wait3A_958, %add3A_955] : memref<204x262144xf32, #tpu.memory_space<hbm>> -> memref<8x1024xf32, #tpu.memory_space<hbm>>
        tpu.wait_dma2 semaphore(%arg33 : memref<!tpu.dma_semaphore, #tpu.memory_space<semaphore_mem>>) src(%arg6 : memref<8x1024xf32, #tpu.memory_space<vmem>>) dst(%dma_wait3A_959 : memref<8x1024xf32, #tpu.memory_space<hbm>>)
        %mul3A_960 = arith.constant 1024 : i32
        %mul3A_961 = arith.muli %add3A_654, %mul3A_960 : i32
        %add3A_962 = arith.addi %mul3A_2, %mul3A_961 : i32
        %dma_start3A_963 = arith.constant 8 : i32
        %dma_start3A_964 = tpu.memref_slice %arg2[%dma_start3A_963, %add3A_962] : memref<204x262144xf32, #tpu.memory_space<hbm>> -> memref<8x1024xf32, #tpu.memory_space<hbm>>
        %dma_start3A_965 = arith.constant 8 : i32
        %dma_start3A_966 = tpu.memref_slice %arg2[%dma_start3A_965, %add3A_962] : memref<204x262144xf32, #tpu.memory_space<hbm>> -> memref<8x1024xf32, #tpu.memory_space<hbm>>
        tpu.enqueue_dma source(%dma_start3A_966 : memref<8x1024xf32, #tpu.memory_space<hbm>>) target(%arg6 : memref<8x1024xf32, #tpu.memory_space<vmem>>) target_semaphore(%arg20 : memref<!tpu.dma_semaphore, #tpu.memory_space<semaphore_mem>>)
      } else {
      }
      %add3A_663 = arith.constant 0 : i32
      %add3A_664 = arith.addi %mul3A_2, %add3A_663 : i32
      %dma_wait3A_665 = arith.constant 136 : i32
      %dma_wait3A_666 = tpu.memref_slice %arg2[%dma_wait3A_665, %add3A_664] : memref<204x262144xf32, #tpu.memory_space<hbm>> -> memref<8x1024xf32, #tpu.memory_space<hbm>>
      %dma_wait3A_667 = arith.constant 136 : i32
      %dma_wait3A_668 = tpu.memref_slice %arg2[%dma_wait3A_667, %add3A_664] : memref<204x262144xf32, #tpu.memory_space<hbm>> -> memref<8x1024xf32, #tpu.memory_space<hbm>>
      tpu.wait_dma2 semaphore(%arg23 : memref<!tpu.dma_semaphore, #tpu.memory_space<semaphore_mem>>) src(%dma_wait3A_668 : memref<8x1024xf32, #tpu.memory_space<hbm>>) dst(%arg9 : memref<8x1024xf32, #tpu.memory_space<vmem>>)
      %mul3A_669 = arith.constant 1024 : i32
      %mul3A_670 = arith.muli %scan3A_169, %mul3A_669 : i32
      %add3A_671 = arith.addi %mul3A_2, %mul3A_670 : i32
      %dma_start3A_672 = arith.constant 136 : i32
      %dma_start3A_673 = tpu.memref_slice %arg4[%dma_start3A_672, %add3A_671] : memref<204x262144xf32, #tpu.memory_space<hbm>> -> memref<8x1024xf32, #tpu.memory_space<hbm>>
      %dma_start3A_674 = arith.constant 136 : i32
      %dma_start3A_675 = tpu.memref_slice %arg4[%dma_start3A_674, %add3A_671] : memref<204x262144xf32, #tpu.memory_space<hbm>> -> memref<8x1024xf32, #tpu.memory_space<hbm>>
      tpu.enqueue_dma source(%arg9 : memref<8x1024xf32, #tpu.memory_space<vmem>>) target(%dma_start3A_675 : memref<8x1024xf32, #tpu.memory_space<hbm>>) target_semaphore(%arg36 : memref<!tpu.dma_semaphore, #tpu.memory_space<semaphore_mem>>)
      %mul3A_676 = arith.constant 26 : i32
      %mul3A_677 = arith.muli %scan3A_169, %mul3A_676 : i32
      %add3A_678 = arith.constant 17 : i32
      %add3A_679 = arith.addi %mul3A_677, %add3A_678 : i32
      %add3A_680 = arith.constant 11 : i32
      %add3A_681 = arith.addi %add3A_679, %add3A_680 : i32
      %add3A_682 = arith.constant 1 : i32
      %add3A_683 = arith.addi %scan3A_169, %add3A_682 : i32
      %ge3A_684 = arith.constant 13 : i32
      %ge3A_685 = arith.cmpi sge, %add3A_681, %ge3A_684 : i32
      %lt3A_686 = arith.constant 208 : i32
      %lt3A_687 = arith.cmpi slt, %add3A_681, %lt3A_686 : i32
      %and3A_688 = arith.andi %ge3A_685, %lt3A_687 : i1
      %convert_element_type3A_689 = arith.extui %and3A_688 : i1 to i32
      %cond3A_690 = arith.constant 0 : i32
      %cond3A_691 = arith.cmpi ne, %convert_element_type3A_689, %cond3A_690 : i32
      scf.if %cond3A_691 {
        %add3A_954 = arith.constant 0 : i32
        %add3A_955 = arith.addi %mul3A_2, %add3A_954 : i32
        %dma_wait3A_956 = arith.constant 120 : i32
        %dma_wait3A_957 = tpu.memref_slice %arg4[%dma_wait3A_956, %add3A_955] : memref<204x262144xf32, #tpu.memory_space<hbm>> -> memref<8x1024xf32, #tpu.memory_space<hbm>>
        %dma_wait3A_958 = arith.constant 120 : i32
        %dma_wait3A_959 = tpu.memref_slice %arg4[%dma_wait3A_958, %add3A_955] : memref<204x262144xf32, #tpu.memory_space<hbm>> -> memref<8x1024xf32, #tpu.memory_space<hbm>>
        tpu.wait_dma2 semaphore(%arg34 : memref<!tpu.dma_semaphore, #tpu.memory_space<semaphore_mem>>) src(%arg7 : memref<8x1024xf32, #tpu.memory_space<vmem>>) dst(%dma_wait3A_959 : memref<8x1024xf32, #tpu.memory_space<hbm>>)
        %mul3A_960 = arith.constant 1024 : i32
        %mul3A_961 = arith.muli %add3A_683, %mul3A_960 : i32
        %add3A_962 = arith.addi %mul3A_2, %mul3A_961 : i32
        %dma_start3A_963 = arith.constant 16 : i32
        %dma_start3A_964 = tpu.memref_slice %arg2[%dma_start3A_963, %add3A_962] : memref<204x262144xf32, #tpu.memory_space<hbm>> -> memref<8x1024xf32, #tpu.memory_space<hbm>>
        %dma_start3A_965 = arith.constant 16 : i32
        %dma_start3A_966 = tpu.memref_slice %arg2[%dma_start3A_965, %add3A_962] : memref<204x262144xf32, #tpu.memory_space<hbm>> -> memref<8x1024xf32, #tpu.memory_space<hbm>>
        tpu.enqueue_dma source(%dma_start3A_966 : memref<8x1024xf32, #tpu.memory_space<hbm>>) target(%arg7 : memref<8x1024xf32, #tpu.memory_space<vmem>>) target_semaphore(%arg21 : memref<!tpu.dma_semaphore, #tpu.memory_space<semaphore_mem>>)
      } else {
      }
      %add3A_692 = arith.constant 0 : i32
      %add3A_693 = arith.addi %mul3A_2, %add3A_692 : i32
      %dma_wait3A_694 = arith.constant 144 : i32
      %dma_wait3A_695 = tpu.memref_slice %arg2[%dma_wait3A_694, %add3A_693] : memref<204x262144xf32, #tpu.memory_space<hbm>> -> memref<8x1024xf32, #tpu.memory_space<hbm>>
      %dma_wait3A_696 = arith.constant 144 : i32
      %dma_wait3A_697 = tpu.memref_slice %arg2[%dma_wait3A_696, %add3A_693] : memref<204x262144xf32, #tpu.memory_space<hbm>> -> memref<8x1024xf32, #tpu.memory_space<hbm>>
      tpu.wait_dma2 semaphore(%arg24 : memref<!tpu.dma_semaphore, #tpu.memory_space<semaphore_mem>>) src(%dma_wait3A_697 : memref<8x1024xf32, #tpu.memory_space<hbm>>) dst(%arg10 : memref<8x1024xf32, #tpu.memory_space<vmem>>)
      %mul3A_698 = arith.constant 1024 : i32
      %mul3A_699 = arith.muli %scan3A_169, %mul3A_698 : i32
      %add3A_700 = arith.addi %mul3A_2, %mul3A_699 : i32
      %dma_start3A_701 = arith.constant 144 : i32
      %dma_start3A_702 = tpu.memref_slice %arg4[%dma_start3A_701, %add3A_700] : memref<204x262144xf32, #tpu.memory_space<hbm>> -> memref<8x1024xf32, #tpu.memory_space<hbm>>
      %dma_start3A_703 = arith.constant 144 : i32
      %dma_start3A_704 = tpu.memref_slice %arg4[%dma_start3A_703, %add3A_700] : memref<204x262144xf32, #tpu.memory_space<hbm>> -> memref<8x1024xf32, #tpu.memory_space<hbm>>
      tpu.enqueue_dma source(%arg10 : memref<8x1024xf32, #tpu.memory_space<vmem>>) target(%dma_start3A_704 : memref<8x1024xf32, #tpu.memory_space<hbm>>) target_semaphore(%arg37 : memref<!tpu.dma_semaphore, #tpu.memory_space<semaphore_mem>>)
      %mul3A_705 = arith.constant 26 : i32
      %mul3A_706 = arith.muli %scan3A_169, %mul3A_705 : i32
      %add3A_707 = arith.constant 18 : i32
      %add3A_708 = arith.addi %mul3A_706, %add3A_707 : i32
      %add3A_709 = arith.constant 11 : i32
      %add3A_710 = arith.addi %add3A_708, %add3A_709 : i32
      %add3A_711 = arith.constant 1 : i32
      %add3A_712 = arith.addi %scan3A_169, %add3A_711 : i32
      %ge3A_713 = arith.constant 13 : i32
      %ge3A_714 = arith.cmpi sge, %add3A_710, %ge3A_713 : i32
      %lt3A_715 = arith.constant 208 : i32
      %lt3A_716 = arith.cmpi slt, %add3A_710, %lt3A_715 : i32
      %and3A_717 = arith.andi %ge3A_714, %lt3A_716 : i1
      %convert_element_type3A_718 = arith.extui %and3A_717 : i1 to i32
      %cond3A_719 = arith.constant 0 : i32
      %cond3A_720 = arith.cmpi ne, %convert_element_type3A_718, %cond3A_719 : i32
      scf.if %cond3A_720 {
        %add3A_954 = arith.constant 0 : i32
        %add3A_955 = arith.addi %mul3A_2, %add3A_954 : i32
        %dma_wait3A_956 = arith.constant 128 : i32
        %dma_wait3A_957 = tpu.memref_slice %arg4[%dma_wait3A_956, %add3A_955] : memref<204x262144xf32, #tpu.memory_space<hbm>> -> memref<8x1024xf32, #tpu.memory_space<hbm>>
        %dma_wait3A_958 = arith.constant 128 : i32
        %dma_wait3A_959 = tpu.memref_slice %arg4[%dma_wait3A_958, %add3A_955] : memref<204x262144xf32, #tpu.memory_space<hbm>> -> memref<8x1024xf32, #tpu.memory_space<hbm>>
        tpu.wait_dma2 semaphore(%arg35 : memref<!tpu.dma_semaphore, #tpu.memory_space<semaphore_mem>>) src(%arg8 : memref<8x1024xf32, #tpu.memory_space<vmem>>) dst(%dma_wait3A_959 : memref<8x1024xf32, #tpu.memory_space<hbm>>)
        %mul3A_960 = arith.constant 1024 : i32
        %mul3A_961 = arith.muli %add3A_712, %mul3A_960 : i32
        %add3A_962 = arith.addi %mul3A_2, %mul3A_961 : i32
        %dma_start3A_963 = arith.constant 24 : i32
        %dma_start3A_964 = tpu.memref_slice %arg2[%dma_start3A_963, %add3A_962] : memref<204x262144xf32, #tpu.memory_space<hbm>> -> memref<8x1024xf32, #tpu.memory_space<hbm>>
        %dma_start3A_965 = arith.constant 24 : i32
        %dma_start3A_966 = tpu.memref_slice %arg2[%dma_start3A_965, %add3A_962] : memref<204x262144xf32, #tpu.memory_space<hbm>> -> memref<8x1024xf32, #tpu.memory_space<hbm>>
        tpu.enqueue_dma source(%dma_start3A_966 : memref<8x1024xf32, #tpu.memory_space<hbm>>) target(%arg8 : memref<8x1024xf32, #tpu.memory_space<vmem>>) target_semaphore(%arg22 : memref<!tpu.dma_semaphore, #tpu.memory_space<semaphore_mem>>)
      } else {
      }
      %add3A_721 = arith.constant 0 : i32
      %add3A_722 = arith.addi %mul3A_2, %add3A_721 : i32
      %dma_wait3A_723 = arith.constant 152 : i32
      %dma_wait3A_724 = tpu.memref_slice %arg2[%dma_wait3A_723, %add3A_722] : memref<204x262144xf32, #tpu.memory_space<hbm>> -> memref<8x1024xf32, #tpu.memory_space<hbm>>
      %dma_wait3A_725 = arith.constant 152 : i32
      %dma_wait3A_726 = tpu.memref_slice %arg2[%dma_wait3A_725, %add3A_722] : memref<204x262144xf32, #tpu.memory_space<hbm>> -> memref<8x1024xf32, #tpu.memory_space<hbm>>
      tpu.wait_dma2 semaphore(%arg25 : memref<!tpu.dma_semaphore, #tpu.memory_space<semaphore_mem>>) src(%dma_wait3A_726 : memref<8x1024xf32, #tpu.memory_space<hbm>>) dst(%arg11 : memref<8x1024xf32, #tpu.memory_space<vmem>>)
      %mul3A_727 = arith.constant 1024 : i32
      %mul3A_728 = arith.muli %scan3A_169, %mul3A_727 : i32
      %add3A_729 = arith.addi %mul3A_2, %mul3A_728 : i32
      %dma_start3A_730 = arith.constant 152 : i32
      %dma_start3A_731 = tpu.memref_slice %arg4[%dma_start3A_730, %add3A_729] : memref<204x262144xf32, #tpu.memory_space<hbm>> -> memref<8x1024xf32, #tpu.memory_space<hbm>>
      %dma_start3A_732 = arith.constant 152 : i32
      %dma_start3A_733 = tpu.memref_slice %arg4[%dma_start3A_732, %add3A_729] : memref<204x262144xf32, #tpu.memory_space<hbm>> -> memref<8x1024xf32, #tpu.memory_space<hbm>>
      tpu.enqueue_dma source(%arg11 : memref<8x1024xf32, #tpu.memory_space<vmem>>) target(%dma_start3A_733 : memref<8x1024xf32, #tpu.memory_space<hbm>>) target_semaphore(%arg38 : memref<!tpu.dma_semaphore, #tpu.memory_space<semaphore_mem>>)
      %mul3A_734 = arith.constant 26 : i32
      %mul3A_735 = arith.muli %scan3A_169, %mul3A_734 : i32
      %add3A_736 = arith.constant 19 : i32
      %add3A_737 = arith.addi %mul3A_735, %add3A_736 : i32
      %add3A_738 = arith.constant 11 : i32
      %add3A_739 = arith.addi %add3A_737, %add3A_738 : i32
      %add3A_740 = arith.constant 1 : i32
      %add3A_741 = arith.addi %scan3A_169, %add3A_740 : i32
      %ge3A_742 = arith.constant 13 : i32
      %ge3A_743 = arith.cmpi sge, %add3A_739, %ge3A_742 : i32
      %lt3A_744 = arith.constant 208 : i32
      %lt3A_745 = arith.cmpi slt, %add3A_739, %lt3A_744 : i32
      %and3A_746 = arith.andi %ge3A_743, %lt3A_745 : i1
      %convert_element_type3A_747 = arith.extui %and3A_746 : i1 to i32
      %cond3A_748 = arith.constant 0 : i32
      %cond3A_749 = arith.cmpi ne, %convert_element_type3A_747, %cond3A_748 : i32
      scf.if %cond3A_749 {
        %add3A_954 = arith.constant 0 : i32
        %add3A_955 = arith.addi %mul3A_2, %add3A_954 : i32
        %dma_wait3A_956 = arith.constant 136 : i32
        %dma_wait3A_957 = tpu.memref_slice %arg4[%dma_wait3A_956, %add3A_955] : memref<204x262144xf32, #tpu.memory_space<hbm>> -> memref<8x1024xf32, #tpu.memory_space<hbm>>
        %dma_wait3A_958 = arith.constant 136 : i32
        %dma_wait3A_959 = tpu.memref_slice %arg4[%dma_wait3A_958, %add3A_955] : memref<204x262144xf32, #tpu.memory_space<hbm>> -> memref<8x1024xf32, #tpu.memory_space<hbm>>
        tpu.wait_dma2 semaphore(%arg36 : memref<!tpu.dma_semaphore, #tpu.memory_space<semaphore_mem>>) src(%arg9 : memref<8x1024xf32, #tpu.memory_space<vmem>>) dst(%dma_wait3A_959 : memref<8x1024xf32, #tpu.memory_space<hbm>>)
        %mul3A_960 = arith.constant 1024 : i32
        %mul3A_961 = arith.muli %add3A_741, %mul3A_960 : i32
        %add3A_962 = arith.addi %mul3A_2, %mul3A_961 : i32
        %dma_start3A_963 = arith.constant 32 : i32
        %dma_start3A_964 = tpu.memref_slice %arg2[%dma_start3A_963, %add3A_962] : memref<204x262144xf32, #tpu.memory_space<hbm>> -> memref<8x1024xf32, #tpu.memory_space<hbm>>
        %dma_start3A_965 = arith.constant 32 : i32
        %dma_start3A_966 = tpu.memref_slice %arg2[%dma_start3A_965, %add3A_962] : memref<204x262144xf32, #tpu.memory_space<hbm>> -> memref<8x1024xf32, #tpu.memory_space<hbm>>
        tpu.enqueue_dma source(%dma_start3A_966 : memref<8x1024xf32, #tpu.memory_space<hbm>>) target(%arg9 : memref<8x1024xf32, #tpu.memory_space<vmem>>) target_semaphore(%arg23 : memref<!tpu.dma_semaphore, #tpu.memory_space<semaphore_mem>>)
      } else {
      }
      %add3A_750 = arith.constant 0 : i32
      %add3A_751 = arith.addi %mul3A_2, %add3A_750 : i32
      %dma_wait3A_752 = arith.constant 160 : i32
      %dma_wait3A_753 = tpu.memref_slice %arg2[%dma_wait3A_752, %add3A_751] : memref<204x262144xf32, #tpu.memory_space<hbm>> -> memref<8x1024xf32, #tpu.memory_space<hbm>>
      %dma_wait3A_754 = arith.constant 160 : i32
      %dma_wait3A_755 = tpu.memref_slice %arg2[%dma_wait3A_754, %add3A_751] : memref<204x262144xf32, #tpu.memory_space<hbm>> -> memref<8x1024xf32, #tpu.memory_space<hbm>>
      tpu.wait_dma2 semaphore(%arg26 : memref<!tpu.dma_semaphore, #tpu.memory_space<semaphore_mem>>) src(%dma_wait3A_755 : memref<8x1024xf32, #tpu.memory_space<hbm>>) dst(%arg12 : memref<8x1024xf32, #tpu.memory_space<vmem>>)
      %parallel_loop3A_756 = arith.constant 0 : i32
      %parallel_loop3A_757 = arith.constant 64 : i32
      %parallel_loop3A_758 = arith.constant 1 : i32
      scf.for %parallel_loop3A_954 = %parallel_loop3A_756 to %parallel_loop3A_757 step %parallel_loop3A_758  : i32 {
        %parallel_loop3A_955 = arith.constant 16 : i32
        %parallel_loop3A_956 = arith.muli %parallel_loop3A_954, %parallel_loop3A_955 : i32
        %parallel_loop3A_957 = arith.constant 4 : i32
        %parallel_loop3A_958 = arith.index_cast %parallel_loop3A_957 : i32 to index
        %parallel_loop3A_959 = arith.index_cast %parallel_loop3A_956 : i32 to index
        %parallel_loop3A_960 = tpu.vector_load %arg12[%parallel_loop3A_958, %parallel_loop3A_959] {strides = array<i32>} : memref<8x1024xf32, #tpu.memory_space<vmem>>, vector<16xf32>,
        %parallel_loop3A_961 = arith.addf %parallel_loop3A_960, %get3A_3 : vector<16xf32>
        %parallel_loop3A_962 = arith.constant 0.000000e+00 : f32
        %parallel_loop3A_963 = vector.broadcast %parallel_loop3A_962 : f32 to vector<16xf32>
        %parallel_loop3A_964 = arith.maximumf %parallel_loop3A_961, %parallel_loop3A_963 : vector<16xf32>
        %parallel_loop3A_965 = arith.constant 1.000000e+00 : f32
        %parallel_loop3A_966 = vector.broadcast %parallel_loop3A_965 : f32 to vector<16xf32>
        %parallel_loop3A_967 = arith.minimumf %parallel_loop3A_964, %parallel_loop3A_966 : vector<16xf32>
        %parallel_loop3A_968 = arith.constant 0.000000e+00 : f32
        %parallel_loop3A_969 = vector.broadcast %parallel_loop3A_968 : f32 to vector<16xf32>
        %parallel_loop3A_970 = arith.cmpf oeq, %parallel_loop3A_960, %parallel_loop3A_969 : vector<16xf32>
        %parallel_loop3A_971 = arith.select %parallel_loop3A_970, %parallel_loop3A_960, %parallel_loop3A_967 : vector<16xi1>, vector<16xf32>
        %parallel_loop3A_972 = arith.constant 4 : i32
        %parallel_loop3A_973 = arith.index_cast %parallel_loop3A_972 : i32 to index
        %parallel_loop3A_974 = arith.index_cast %parallel_loop3A_956 : i32 to index
        %parallel_loop3A_975 = tpu.vector_load %arg12[%parallel_loop3A_973, %parallel_loop3A_974] {strides = array<i32>} : memref<8x1024xf32, #tpu.memory_space<vmem>>, vector<16xf32>,
        tpu.vector_store %arg12[%parallel_loop3A_973, %parallel_loop3A_974], %parallel_loop3A_971 {strides = array<i32>} : memref<8x1024xf32, #tpu.memory_space<vmem>>, vector<16xf32>,
        %parallel_loop3A_976 = arith.constant 5 : i32
        %parallel_loop3A_977 = arith.index_cast %parallel_loop3A_976 : i32 to index
        %parallel_loop3A_978 = arith.index_cast %parallel_loop3A_956 : i32 to index
        %parallel_loop3A_979 = tpu.vector_load %arg12[%parallel_loop3A_977, %parallel_loop3A_978] {strides = array<i32>} : memref<8x1024xf32, #tpu.memory_space<vmem>>, vector<16xf32>,
        %parallel_loop3A_980 = arith.addf %parallel_loop3A_979, %get3A_3 : vector<16xf32>
        %parallel_loop3A_981 = arith.constant 0.000000e+00 : f32
        %parallel_loop3A_982 = vector.broadcast %parallel_loop3A_981 : f32 to vector<16xf32>
        %parallel_loop3A_983 = arith.maximumf %parallel_loop3A_980, %parallel_loop3A_982 : vector<16xf32>
        %parallel_loop3A_984 = arith.constant 1.000000e+00 : f32
        %parallel_loop3A_985 = vector.broadcast %parallel_loop3A_984 : f32 to vector<16xf32>
        %parallel_loop3A_986 = arith.minimumf %parallel_loop3A_983, %parallel_loop3A_985 : vector<16xf32>
        %parallel_loop3A_987 = arith.constant 0.000000e+00 : f32
        %parallel_loop3A_988 = vector.broadcast %parallel_loop3A_987 : f32 to vector<16xf32>
        %parallel_loop3A_989 = arith.cmpf oeq, %parallel_loop3A_979, %parallel_loop3A_988 : vector<16xf32>
        %parallel_loop3A_990 = arith.select %parallel_loop3A_989, %parallel_loop3A_979, %parallel_loop3A_986 : vector<16xi1>, vector<16xf32>
        %parallel_loop3A_991 = arith.constant 5 : i32
        %parallel_loop3A_992 = arith.index_cast %parallel_loop3A_991 : i32 to index
        %parallel_loop3A_993 = arith.index_cast %parallel_loop3A_956 : i32 to index
        %parallel_loop3A_994 = tpu.vector_load %arg12[%parallel_loop3A_992, %parallel_loop3A_993] {strides = array<i32>} : memref<8x1024xf32, #tpu.memory_space<vmem>>, vector<16xf32>,
        tpu.vector_store %arg12[%parallel_loop3A_992, %parallel_loop3A_993], %parallel_loop3A_990 {strides = array<i32>} : memref<8x1024xf32, #tpu.memory_space<vmem>>, vector<16xf32>,
        %parallel_loop3A_995 = arith.constant 6 : i32
        %parallel_loop3A_996 = arith.index_cast %parallel_loop3A_995 : i32 to index
        %parallel_loop3A_997 = arith.index_cast %parallel_loop3A_956 : i32 to index
        %parallel_loop3A_998 = tpu.vector_load %arg12[%parallel_loop3A_996, %parallel_loop3A_997] {strides = array<i32>} : memref<8x1024xf32, #tpu.memory_space<vmem>>, vector<16xf32>,
        %parallel_loop3A_999 = arith.addf %parallel_loop3A_998, %get3A_3 : vector<16xf32>
        %parallel_loop3A_1000 = arith.constant 0.000000e+00 : f32
        %parallel_loop3A_1001 = vector.broadcast %parallel_loop3A_1000 : f32 to vector<16xf32>
        %parallel_loop3A_1002 = arith.maximumf %parallel_loop3A_999, %parallel_loop3A_1001 : vector<16xf32>
        %parallel_loop3A_1003 = arith.constant 1.000000e+00 : f32
        %parallel_loop3A_1004 = vector.broadcast %parallel_loop3A_1003 : f32 to vector<16xf32>
        %parallel_loop3A_1005 = arith.minimumf %parallel_loop3A_1002, %parallel_loop3A_1004 : vector<16xf32>
        %parallel_loop3A_1006 = arith.constant 0.000000e+00 : f32
        %parallel_loop3A_1007 = vector.broadcast %parallel_loop3A_1006 : f32 to vector<16xf32>
        %parallel_loop3A_1008 = arith.cmpf oeq, %parallel_loop3A_998, %parallel_loop3A_1007 : vector<16xf32>
        %parallel_loop3A_1009 = arith.select %parallel_loop3A_1008, %parallel_loop3A_998, %parallel_loop3A_1005 : vector<16xi1>, vector<16xf32>
        %parallel_loop3A_1010 = arith.constant 6 : i32
        %parallel_loop3A_1011 = arith.index_cast %parallel_loop3A_1010 : i32 to index
        %parallel_loop3A_1012 = arith.index_cast %parallel_loop3A_956 : i32 to index
        %parallel_loop3A_1013 = tpu.vector_load %arg12[%parallel_loop3A_1011, %parallel_loop3A_1012] {strides = array<i32>} : memref<8x1024xf32, #tpu.memory_space<vmem>>, vector<16xf32>,
        tpu.vector_store %arg12[%parallel_loop3A_1011, %parallel_loop3A_1012], %parallel_loop3A_1009 {strides = array<i32>} : memref<8x1024xf32, #tpu.memory_space<vmem>>, vector<16xf32>,
        %parallel_loop3A_1014 = arith.constant 7 : i32
        %parallel_loop3A_1015 = arith.index_cast %parallel_loop3A_1014 : i32 to index
        %parallel_loop3A_1016 = arith.index_cast %parallel_loop3A_956 : i32 to index
        %parallel_loop3A_1017 = tpu.vector_load %arg12[%parallel_loop3A_1015, %parallel_loop3A_1016] {strides = array<i32>} : memref<8x1024xf32, #tpu.memory_space<vmem>>, vector<16xf32>,
        %parallel_loop3A_1018 = arith.addf %parallel_loop3A_1017, %get3A_3 : vector<16xf32>
        %parallel_loop3A_1019 = arith.constant 0.000000e+00 : f32
        %parallel_loop3A_1020 = vector.broadcast %parallel_loop3A_1019 : f32 to vector<16xf32>
        %parallel_loop3A_1021 = arith.maximumf %parallel_loop3A_1018, %parallel_loop3A_1020 : vector<16xf32>
        %parallel_loop3A_1022 = arith.constant 1.000000e+00 : f32
        %parallel_loop3A_1023 = vector.broadcast %parallel_loop3A_1022 : f32 to vector<16xf32>
        %parallel_loop3A_1024 = arith.minimumf %parallel_loop3A_1021, %parallel_loop3A_1023 : vector<16xf32>
        %parallel_loop3A_1025 = arith.constant 0.000000e+00 : f32
        %parallel_loop3A_1026 = vector.broadcast %parallel_loop3A_1025 : f32 to vector<16xf32>
        %parallel_loop3A_1027 = arith.cmpf oeq, %parallel_loop3A_1017, %parallel_loop3A_1026 : vector<16xf32>
        %parallel_loop3A_1028 = arith.select %parallel_loop3A_1027, %parallel_loop3A_1017, %parallel_loop3A_1024 : vector<16xi1>, vector<16xf32>
        %parallel_loop3A_1029 = arith.constant 7 : i32
        %parallel_loop3A_1030 = arith.index_cast %parallel_loop3A_1029 : i32 to index
        %parallel_loop3A_1031 = arith.index_cast %parallel_loop3A_956 : i32 to index
        %parallel_loop3A_1032 = tpu.vector_load %arg12[%parallel_loop3A_1030, %parallel_loop3A_1031] {strides = array<i32>} : memref<8x1024xf32, #tpu.memory_space<vmem>>, vector<16xf32>,
        tpu.vector_store %arg12[%parallel_loop3A_1030, %parallel_loop3A_1031], %parallel_loop3A_1028 {strides = array<i32>} : memref<8x1024xf32, #tpu.memory_space<vmem>>, vector<16xf32>,
      } {sc.loop_unroll_factor = 1 : i64, sc.parallel_access}
      %mul3A_759 = arith.constant 1024 : i32
      %mul3A_760 = arith.muli %scan3A_169, %mul3A_759 : i32
      %add3A_761 = arith.addi %mul3A_2, %mul3A_760 : i32
      %dma_start3A_762 = arith.constant 160 : i32
      %dma_start3A_763 = tpu.memref_slice %arg4[%dma_start3A_762, %add3A_761] : memref<204x262144xf32, #tpu.memory_space<hbm>> -> memref<8x1024xf32, #tpu.memory_space<hbm>>
      %dma_start3A_764 = arith.constant 160 : i32
      %dma_start3A_765 = tpu.memref_slice %arg4[%dma_start3A_764, %add3A_761] : memref<204x262144xf32, #tpu.memory_space<hbm>> -> memref<8x1024xf32, #tpu.memory_space<hbm>>
      tpu.enqueue_dma source(%arg12 : memref<8x1024xf32, #tpu.memory_space<vmem>>) target(%dma_start3A_765 : memref<8x1024xf32, #tpu.memory_space<hbm>>) target_semaphore(%arg39 : memref<!tpu.dma_semaphore, #tpu.memory_space<semaphore_mem>>)
      %mul3A_766 = arith.constant 26 : i32
      %mul3A_767 = arith.muli %scan3A_169, %mul3A_766 : i32
      %add3A_768 = arith.constant 20 : i32
      %add3A_769 = arith.addi %mul3A_767, %add3A_768 : i32
      %add3A_770 = arith.constant 11 : i32
      %add3A_771 = arith.addi %add3A_769, %add3A_770 : i32
      %add3A_772 = arith.constant 1 : i32
      %add3A_773 = arith.addi %scan3A_169, %add3A_772 : i32
      %ge3A_774 = arith.constant 13 : i32
      %ge3A_775 = arith.cmpi sge, %add3A_771, %ge3A_774 : i32
      %lt3A_776 = arith.constant 208 : i32
      %lt3A_777 = arith.cmpi slt, %add3A_771, %lt3A_776 : i32
      %and3A_778 = arith.andi %ge3A_775, %lt3A_777 : i1
      %convert_element_type3A_779 = arith.extui %and3A_778 : i1 to i32
      %cond3A_780 = arith.constant 0 : i32
      %cond3A_781 = arith.cmpi ne, %convert_element_type3A_779, %cond3A_780 : i32
      scf.if %cond3A_781 {
        %add3A_954 = arith.constant 0 : i32
        %add3A_955 = arith.addi %mul3A_2, %add3A_954 : i32
        %dma_wait3A_956 = arith.constant 144 : i32
        %dma_wait3A_957 = tpu.memref_slice %arg4[%dma_wait3A_956, %add3A_955] : memref<204x262144xf32, #tpu.memory_space<hbm>> -> memref<8x1024xf32, #tpu.memory_space<hbm>>
        %dma_wait3A_958 = arith.constant 144 : i32
        %dma_wait3A_959 = tpu.memref_slice %arg4[%dma_wait3A_958, %add3A_955] : memref<204x262144xf32, #tpu.memory_space<hbm>> -> memref<8x1024xf32, #tpu.memory_space<hbm>>
        tpu.wait_dma2 semaphore(%arg37 : memref<!tpu.dma_semaphore, #tpu.memory_space<semaphore_mem>>) src(%arg10 : memref<8x1024xf32, #tpu.memory_space<vmem>>) dst(%dma_wait3A_959 : memref<8x1024xf32, #tpu.memory_space<hbm>>)
        %mul3A_960 = arith.constant 1024 : i32
        %mul3A_961 = arith.muli %add3A_773, %mul3A_960 : i32
        %add3A_962 = arith.addi %mul3A_2, %mul3A_961 : i32
        %dma_start3A_963 = arith.constant 40 : i32
        %dma_start3A_964 = tpu.memref_slice %arg2[%dma_start3A_963, %add3A_962] : memref<204x262144xf32, #tpu.memory_space<hbm>> -> memref<8x1024xf32, #tpu.memory_space<hbm>>
        %dma_start3A_965 = arith.constant 40 : i32
        %dma_start3A_966 = tpu.memref_slice %arg2[%dma_start3A_965, %add3A_962] : memref<204x262144xf32, #tpu.memory_space<hbm>> -> memref<8x1024xf32, #tpu.memory_space<hbm>>
        tpu.enqueue_dma source(%dma_start3A_966 : memref<8x1024xf32, #tpu.memory_space<hbm>>) target(%arg10 : memref<8x1024xf32, #tpu.memory_space<vmem>>) target_semaphore(%arg24 : memref<!tpu.dma_semaphore, #tpu.memory_space<semaphore_mem>>)
      } else {
      }
      %add3A_782 = arith.constant 0 : i32
      %add3A_783 = arith.addi %mul3A_2, %add3A_782 : i32
      %dma_wait3A_784 = arith.constant 168 : i32
      %dma_wait3A_785 = tpu.memref_slice %arg2[%dma_wait3A_784, %add3A_783] : memref<204x262144xf32, #tpu.memory_space<hbm>> -> memref<8x1024xf32, #tpu.memory_space<hbm>>
      %dma_wait3A_786 = arith.constant 168 : i32
      %dma_wait3A_787 = tpu.memref_slice %arg2[%dma_wait3A_786, %add3A_783] : memref<204x262144xf32, #tpu.memory_space<hbm>> -> memref<8x1024xf32, #tpu.memory_space<hbm>>
      tpu.wait_dma2 semaphore(%arg27 : memref<!tpu.dma_semaphore, #tpu.memory_space<semaphore_mem>>) src(%dma_wait3A_787 : memref<8x1024xf32, #tpu.memory_space<hbm>>) dst(%arg13 : memref<8x1024xf32, #tpu.memory_space<vmem>>)
      %parallel_loop3A_788 = arith.constant 0 : i32
      %parallel_loop3A_789 = arith.constant 64 : i32
      %parallel_loop3A_790 = arith.constant 1 : i32
      scf.for %parallel_loop3A_954 = %parallel_loop3A_788 to %parallel_loop3A_789 step %parallel_loop3A_790  : i32 {
        %parallel_loop3A_955 = arith.constant 16 : i32
        %parallel_loop3A_956 = arith.muli %parallel_loop3A_954, %parallel_loop3A_955 : i32
        %parallel_loop3A_957 = arith.constant 0 : i32
        %parallel_loop3A_958 = arith.index_cast %parallel_loop3A_957 : i32 to index
        %parallel_loop3A_959 = arith.index_cast %parallel_loop3A_956 : i32 to index
        %parallel_loop3A_960 = tpu.vector_load %arg13[%parallel_loop3A_958, %parallel_loop3A_959] {strides = array<i32>} : memref<8x1024xf32, #tpu.memory_space<vmem>>, vector<16xf32>,
        %parallel_loop3A_961 = arith.addf %parallel_loop3A_960, %get3A_3 : vector<16xf32>
        %parallel_loop3A_962 = arith.constant 0.000000e+00 : f32
        %parallel_loop3A_963 = vector.broadcast %parallel_loop3A_962 : f32 to vector<16xf32>
        %parallel_loop3A_964 = arith.maximumf %parallel_loop3A_961, %parallel_loop3A_963 : vector<16xf32>
        %parallel_loop3A_965 = arith.constant 1.000000e+00 : f32
        %parallel_loop3A_966 = vector.broadcast %parallel_loop3A_965 : f32 to vector<16xf32>
        %parallel_loop3A_967 = arith.minimumf %parallel_loop3A_964, %parallel_loop3A_966 : vector<16xf32>
        %parallel_loop3A_968 = arith.constant 0.000000e+00 : f32
        %parallel_loop3A_969 = vector.broadcast %parallel_loop3A_968 : f32 to vector<16xf32>
        %parallel_loop3A_970 = arith.cmpf oeq, %parallel_loop3A_960, %parallel_loop3A_969 : vector<16xf32>
        %parallel_loop3A_971 = arith.select %parallel_loop3A_970, %parallel_loop3A_960, %parallel_loop3A_967 : vector<16xi1>, vector<16xf32>
        %parallel_loop3A_972 = arith.constant 0 : i32
        %parallel_loop3A_973 = arith.index_cast %parallel_loop3A_972 : i32 to index
        %parallel_loop3A_974 = arith.index_cast %parallel_loop3A_956 : i32 to index
        %parallel_loop3A_975 = tpu.vector_load %arg13[%parallel_loop3A_973, %parallel_loop3A_974] {strides = array<i32>} : memref<8x1024xf32, #tpu.memory_space<vmem>>, vector<16xf32>,
        tpu.vector_store %arg13[%parallel_loop3A_973, %parallel_loop3A_974], %parallel_loop3A_971 {strides = array<i32>} : memref<8x1024xf32, #tpu.memory_space<vmem>>, vector<16xf32>,
        %parallel_loop3A_976 = arith.constant 1 : i32
        %parallel_loop3A_977 = arith.index_cast %parallel_loop3A_976 : i32 to index
        %parallel_loop3A_978 = arith.index_cast %parallel_loop3A_956 : i32 to index
        %parallel_loop3A_979 = tpu.vector_load %arg13[%parallel_loop3A_977, %parallel_loop3A_978] {strides = array<i32>} : memref<8x1024xf32, #tpu.memory_space<vmem>>, vector<16xf32>,
        %parallel_loop3A_980 = arith.addf %parallel_loop3A_979, %get3A_3 : vector<16xf32>
        %parallel_loop3A_981 = arith.constant 0.000000e+00 : f32
        %parallel_loop3A_982 = vector.broadcast %parallel_loop3A_981 : f32 to vector<16xf32>
        %parallel_loop3A_983 = arith.maximumf %parallel_loop3A_980, %parallel_loop3A_982 : vector<16xf32>
        %parallel_loop3A_984 = arith.constant 1.000000e+00 : f32
        %parallel_loop3A_985 = vector.broadcast %parallel_loop3A_984 : f32 to vector<16xf32>
        %parallel_loop3A_986 = arith.minimumf %parallel_loop3A_983, %parallel_loop3A_985 : vector<16xf32>
        %parallel_loop3A_987 = arith.constant 0.000000e+00 : f32
        %parallel_loop3A_988 = vector.broadcast %parallel_loop3A_987 : f32 to vector<16xf32>
        %parallel_loop3A_989 = arith.cmpf oeq, %parallel_loop3A_979, %parallel_loop3A_988 : vector<16xf32>
        %parallel_loop3A_990 = arith.select %parallel_loop3A_989, %parallel_loop3A_979, %parallel_loop3A_986 : vector<16xi1>, vector<16xf32>
        %parallel_loop3A_991 = arith.constant 1 : i32
        %parallel_loop3A_992 = arith.index_cast %parallel_loop3A_991 : i32 to index
        %parallel_loop3A_993 = arith.index_cast %parallel_loop3A_956 : i32 to index
        %parallel_loop3A_994 = tpu.vector_load %arg13[%parallel_loop3A_992, %parallel_loop3A_993] {strides = array<i32>} : memref<8x1024xf32, #tpu.memory_space<vmem>>, vector<16xf32>,
        tpu.vector_store %arg13[%parallel_loop3A_992, %parallel_loop3A_993], %parallel_loop3A_990 {strides = array<i32>} : memref<8x1024xf32, #tpu.memory_space<vmem>>, vector<16xf32>,
        %parallel_loop3A_995 = arith.constant 2 : i32
        %parallel_loop3A_996 = arith.index_cast %parallel_loop3A_995 : i32 to index
        %parallel_loop3A_997 = arith.index_cast %parallel_loop3A_956 : i32 to index
        %parallel_loop3A_998 = tpu.vector_load %arg13[%parallel_loop3A_996, %parallel_loop3A_997] {strides = array<i32>} : memref<8x1024xf32, #tpu.memory_space<vmem>>, vector<16xf32>,
        %parallel_loop3A_999 = arith.addf %parallel_loop3A_998, %get3A_3 : vector<16xf32>
        %parallel_loop3A_1000 = arith.constant 0.000000e+00 : f32
        %parallel_loop3A_1001 = vector.broadcast %parallel_loop3A_1000 : f32 to vector<16xf32>
        %parallel_loop3A_1002 = arith.maximumf %parallel_loop3A_999, %parallel_loop3A_1001 : vector<16xf32>
        %parallel_loop3A_1003 = arith.constant 1.000000e+00 : f32
        %parallel_loop3A_1004 = vector.broadcast %parallel_loop3A_1003 : f32 to vector<16xf32>
        %parallel_loop3A_1005 = arith.minimumf %parallel_loop3A_1002, %parallel_loop3A_1004 : vector<16xf32>
        %parallel_loop3A_1006 = arith.constant 0.000000e+00 : f32
        %parallel_loop3A_1007 = vector.broadcast %parallel_loop3A_1006 : f32 to vector<16xf32>
        %parallel_loop3A_1008 = arith.cmpf oeq, %parallel_loop3A_998, %parallel_loop3A_1007 : vector<16xf32>
        %parallel_loop3A_1009 = arith.select %parallel_loop3A_1008, %parallel_loop3A_998, %parallel_loop3A_1005 : vector<16xi1>, vector<16xf32>
        %parallel_loop3A_1010 = arith.constant 2 : i32
        %parallel_loop3A_1011 = arith.index_cast %parallel_loop3A_1010 : i32 to index
        %parallel_loop3A_1012 = arith.index_cast %parallel_loop3A_956 : i32 to index
        %parallel_loop3A_1013 = tpu.vector_load %arg13[%parallel_loop3A_1011, %parallel_loop3A_1012] {strides = array<i32>} : memref<8x1024xf32, #tpu.memory_space<vmem>>, vector<16xf32>,
        tpu.vector_store %arg13[%parallel_loop3A_1011, %parallel_loop3A_1012], %parallel_loop3A_1009 {strides = array<i32>} : memref<8x1024xf32, #tpu.memory_space<vmem>>, vector<16xf32>,
        %parallel_loop3A_1014 = arith.constant 3 : i32
        %parallel_loop3A_1015 = arith.index_cast %parallel_loop3A_1014 : i32 to index
        %parallel_loop3A_1016 = arith.index_cast %parallel_loop3A_956 : i32 to index
        %parallel_loop3A_1017 = tpu.vector_load %arg13[%parallel_loop3A_1015, %parallel_loop3A_1016] {strides = array<i32>} : memref<8x1024xf32, #tpu.memory_space<vmem>>, vector<16xf32>,
        %parallel_loop3A_1018 = arith.addf %parallel_loop3A_1017, %get3A_3 : vector<16xf32>
        %parallel_loop3A_1019 = arith.constant 0.000000e+00 : f32
        %parallel_loop3A_1020 = vector.broadcast %parallel_loop3A_1019 : f32 to vector<16xf32>
        %parallel_loop3A_1021 = arith.maximumf %parallel_loop3A_1018, %parallel_loop3A_1020 : vector<16xf32>
        %parallel_loop3A_1022 = arith.constant 1.000000e+00 : f32
        %parallel_loop3A_1023 = vector.broadcast %parallel_loop3A_1022 : f32 to vector<16xf32>
        %parallel_loop3A_1024 = arith.minimumf %parallel_loop3A_1021, %parallel_loop3A_1023 : vector<16xf32>
        %parallel_loop3A_1025 = arith.constant 0.000000e+00 : f32
        %parallel_loop3A_1026 = vector.broadcast %parallel_loop3A_1025 : f32 to vector<16xf32>
        %parallel_loop3A_1027 = arith.cmpf oeq, %parallel_loop3A_1017, %parallel_loop3A_1026 : vector<16xf32>
        %parallel_loop3A_1028 = arith.select %parallel_loop3A_1027, %parallel_loop3A_1017, %parallel_loop3A_1024 : vector<16xi1>, vector<16xf32>
        %parallel_loop3A_1029 = arith.constant 3 : i32
        %parallel_loop3A_1030 = arith.index_cast %parallel_loop3A_1029 : i32 to index
        %parallel_loop3A_1031 = arith.index_cast %parallel_loop3A_956 : i32 to index
        %parallel_loop3A_1032 = tpu.vector_load %arg13[%parallel_loop3A_1030, %parallel_loop3A_1031] {strides = array<i32>} : memref<8x1024xf32, #tpu.memory_space<vmem>>, vector<16xf32>,
        tpu.vector_store %arg13[%parallel_loop3A_1030, %parallel_loop3A_1031], %parallel_loop3A_1028 {strides = array<i32>} : memref<8x1024xf32, #tpu.memory_space<vmem>>, vector<16xf32>,
        %parallel_loop3A_1033 = arith.constant 4 : i32
        %parallel_loop3A_1034 = arith.index_cast %parallel_loop3A_1033 : i32 to index
        %parallel_loop3A_1035 = arith.index_cast %parallel_loop3A_956 : i32 to index
        %parallel_loop3A_1036 = tpu.vector_load %arg13[%parallel_loop3A_1034, %parallel_loop3A_1035] {strides = array<i32>} : memref<8x1024xf32, #tpu.memory_space<vmem>>, vector<16xf32>,
        %parallel_loop3A_1037 = arith.addf %parallel_loop3A_1036, %get3A_3 : vector<16xf32>
        %parallel_loop3A_1038 = arith.constant 0.000000e+00 : f32
        %parallel_loop3A_1039 = vector.broadcast %parallel_loop3A_1038 : f32 to vector<16xf32>
        %parallel_loop3A_1040 = arith.maximumf %parallel_loop3A_1037, %parallel_loop3A_1039 : vector<16xf32>
        %parallel_loop3A_1041 = arith.constant 1.000000e+00 : f32
        %parallel_loop3A_1042 = vector.broadcast %parallel_loop3A_1041 : f32 to vector<16xf32>
        %parallel_loop3A_1043 = arith.minimumf %parallel_loop3A_1040, %parallel_loop3A_1042 : vector<16xf32>
        %parallel_loop3A_1044 = arith.constant 0.000000e+00 : f32
        %parallel_loop3A_1045 = vector.broadcast %parallel_loop3A_1044 : f32 to vector<16xf32>
        %parallel_loop3A_1046 = arith.cmpf oeq, %parallel_loop3A_1036, %parallel_loop3A_1045 : vector<16xf32>
        %parallel_loop3A_1047 = arith.select %parallel_loop3A_1046, %parallel_loop3A_1036, %parallel_loop3A_1043 : vector<16xi1>, vector<16xf32>
        %parallel_loop3A_1048 = arith.constant 4 : i32
        %parallel_loop3A_1049 = arith.index_cast %parallel_loop3A_1048 : i32 to index
        %parallel_loop3A_1050 = arith.index_cast %parallel_loop3A_956 : i32 to index
        %parallel_loop3A_1051 = tpu.vector_load %arg13[%parallel_loop3A_1049, %parallel_loop3A_1050] {strides = array<i32>} : memref<8x1024xf32, #tpu.memory_space<vmem>>, vector<16xf32>,
        tpu.vector_store %arg13[%parallel_loop3A_1049, %parallel_loop3A_1050], %parallel_loop3A_1047 {strides = array<i32>} : memref<8x1024xf32, #tpu.memory_space<vmem>>, vector<16xf32>,
        %parallel_loop3A_1052 = arith.constant 5 : i32
        %parallel_loop3A_1053 = arith.index_cast %parallel_loop3A_1052 : i32 to index
        %parallel_loop3A_1054 = arith.index_cast %parallel_loop3A_956 : i32 to index
        %parallel_loop3A_1055 = tpu.vector_load %arg13[%parallel_loop3A_1053, %parallel_loop3A_1054] {strides = array<i32>} : memref<8x1024xf32, #tpu.memory_space<vmem>>, vector<16xf32>,
        %parallel_loop3A_1056 = arith.addf %parallel_loop3A_1055, %get3A_3 : vector<16xf32>
        %parallel_loop3A_1057 = arith.constant 0.000000e+00 : f32
        %parallel_loop3A_1058 = vector.broadcast %parallel_loop3A_1057 : f32 to vector<16xf32>
        %parallel_loop3A_1059 = arith.maximumf %parallel_loop3A_1056, %parallel_loop3A_1058 : vector<16xf32>
        %parallel_loop3A_1060 = arith.constant 1.000000e+00 : f32
        %parallel_loop3A_1061 = vector.broadcast %parallel_loop3A_1060 : f32 to vector<16xf32>
        %parallel_loop3A_1062 = arith.minimumf %parallel_loop3A_1059, %parallel_loop3A_1061 : vector<16xf32>
        %parallel_loop3A_1063 = arith.constant 0.000000e+00 : f32
        %parallel_loop3A_1064 = vector.broadcast %parallel_loop3A_1063 : f32 to vector<16xf32>
        %parallel_loop3A_1065 = arith.cmpf oeq, %parallel_loop3A_1055, %parallel_loop3A_1064 : vector<16xf32>
        %parallel_loop3A_1066 = arith.select %parallel_loop3A_1065, %parallel_loop3A_1055, %parallel_loop3A_1062 : vector<16xi1>, vector<16xf32>
        %parallel_loop3A_1067 = arith.constant 5 : i32
        %parallel_loop3A_1068 = arith.index_cast %parallel_loop3A_1067 : i32 to index
        %parallel_loop3A_1069 = arith.index_cast %parallel_loop3A_956 : i32 to index
        %parallel_loop3A_1070 = tpu.vector_load %arg13[%parallel_loop3A_1068, %parallel_loop3A_1069] {strides = array<i32>} : memref<8x1024xf32, #tpu.memory_space<vmem>>, vector<16xf32>,
        tpu.vector_store %arg13[%parallel_loop3A_1068, %parallel_loop3A_1069], %parallel_loop3A_1066 {strides = array<i32>} : memref<8x1024xf32, #tpu.memory_space<vmem>>, vector<16xf32>,
        %parallel_loop3A_1071 = arith.constant 6 : i32
        %parallel_loop3A_1072 = arith.index_cast %parallel_loop3A_1071 : i32 to index
        %parallel_loop3A_1073 = arith.index_cast %parallel_loop3A_956 : i32 to index
        %parallel_loop3A_1074 = tpu.vector_load %arg13[%parallel_loop3A_1072, %parallel_loop3A_1073] {strides = array<i32>} : memref<8x1024xf32, #tpu.memory_space<vmem>>, vector<16xf32>,
        %parallel_loop3A_1075 = arith.addf %parallel_loop3A_1074, %get3A_3 : vector<16xf32>
        %parallel_loop3A_1076 = arith.constant 0.000000e+00 : f32
        %parallel_loop3A_1077 = vector.broadcast %parallel_loop3A_1076 : f32 to vector<16xf32>
        %parallel_loop3A_1078 = arith.maximumf %parallel_loop3A_1075, %parallel_loop3A_1077 : vector<16xf32>
        %parallel_loop3A_1079 = arith.constant 1.000000e+00 : f32
        %parallel_loop3A_1080 = vector.broadcast %parallel_loop3A_1079 : f32 to vector<16xf32>
        %parallel_loop3A_1081 = arith.minimumf %parallel_loop3A_1078, %parallel_loop3A_1080 : vector<16xf32>
        %parallel_loop3A_1082 = arith.constant 0.000000e+00 : f32
        %parallel_loop3A_1083 = vector.broadcast %parallel_loop3A_1082 : f32 to vector<16xf32>
        %parallel_loop3A_1084 = arith.cmpf oeq, %parallel_loop3A_1074, %parallel_loop3A_1083 : vector<16xf32>
        %parallel_loop3A_1085 = arith.select %parallel_loop3A_1084, %parallel_loop3A_1074, %parallel_loop3A_1081 : vector<16xi1>, vector<16xf32>
        %parallel_loop3A_1086 = arith.constant 6 : i32
        %parallel_loop3A_1087 = arith.index_cast %parallel_loop3A_1086 : i32 to index
        %parallel_loop3A_1088 = arith.index_cast %parallel_loop3A_956 : i32 to index
        %parallel_loop3A_1089 = tpu.vector_load %arg13[%parallel_loop3A_1087, %parallel_loop3A_1088] {strides = array<i32>} : memref<8x1024xf32, #tpu.memory_space<vmem>>, vector<16xf32>,
        tpu.vector_store %arg13[%parallel_loop3A_1087, %parallel_loop3A_1088], %parallel_loop3A_1085 {strides = array<i32>} : memref<8x1024xf32, #tpu.memory_space<vmem>>, vector<16xf32>,
        %parallel_loop3A_1090 = arith.constant 7 : i32
        %parallel_loop3A_1091 = arith.index_cast %parallel_loop3A_1090 : i32 to index
        %parallel_loop3A_1092 = arith.index_cast %parallel_loop3A_956 : i32 to index
        %parallel_loop3A_1093 = tpu.vector_load %arg13[%parallel_loop3A_1091, %parallel_loop3A_1092] {strides = array<i32>} : memref<8x1024xf32, #tpu.memory_space<vmem>>, vector<16xf32>,
        %parallel_loop3A_1094 = arith.addf %parallel_loop3A_1093, %get3A_3 : vector<16xf32>
        %parallel_loop3A_1095 = arith.constant 0.000000e+00 : f32
        %parallel_loop3A_1096 = vector.broadcast %parallel_loop3A_1095 : f32 to vector<16xf32>
        %parallel_loop3A_1097 = arith.maximumf %parallel_loop3A_1094, %parallel_loop3A_1096 : vector<16xf32>
        %parallel_loop3A_1098 = arith.constant 1.000000e+00 : f32
        %parallel_loop3A_1099 = vector.broadcast %parallel_loop3A_1098 : f32 to vector<16xf32>
        %parallel_loop3A_1100 = arith.minimumf %parallel_loop3A_1097, %parallel_loop3A_1099 : vector<16xf32>
        %parallel_loop3A_1101 = arith.constant 0.000000e+00 : f32
        %parallel_loop3A_1102 = vector.broadcast %parallel_loop3A_1101 : f32 to vector<16xf32>
        %parallel_loop3A_1103 = arith.cmpf oeq, %parallel_loop3A_1093, %parallel_loop3A_1102 : vector<16xf32>
        %parallel_loop3A_1104 = arith.select %parallel_loop3A_1103, %parallel_loop3A_1093, %parallel_loop3A_1100 : vector<16xi1>, vector<16xf32>
        %parallel_loop3A_1105 = arith.constant 7 : i32
        %parallel_loop3A_1106 = arith.index_cast %parallel_loop3A_1105 : i32 to index
        %parallel_loop3A_1107 = arith.index_cast %parallel_loop3A_956 : i32 to index
        %parallel_loop3A_1108 = tpu.vector_load %arg13[%parallel_loop3A_1106, %parallel_loop3A_1107] {strides = array<i32>} : memref<8x1024xf32, #tpu.memory_space<vmem>>, vector<16xf32>,
        tpu.vector_store %arg13[%parallel_loop3A_1106, %parallel_loop3A_1107], %parallel_loop3A_1104 {strides = array<i32>} : memref<8x1024xf32, #tpu.memory_space<vmem>>, vector<16xf32>,
      } {sc.loop_unroll_factor = 1 : i64, sc.parallel_access}
      %mul3A_791 = arith.constant 1024 : i32
      %mul3A_792 = arith.muli %scan3A_169, %mul3A_791 : i32
      %add3A_793 = arith.addi %mul3A_2, %mul3A_792 : i32
      %dma_start3A_794 = arith.constant 168 : i32
      %dma_start3A_795 = tpu.memref_slice %arg4[%dma_start3A_794, %add3A_793] : memref<204x262144xf32, #tpu.memory_space<hbm>> -> memref<8x1024xf32, #tpu.memory_space<hbm>>
      %dma_start3A_796 = arith.constant 168 : i32
      %dma_start3A_797 = tpu.memref_slice %arg4[%dma_start3A_796, %add3A_793] : memref<204x262144xf32, #tpu.memory_space<hbm>> -> memref<8x1024xf32, #tpu.memory_space<hbm>>
      tpu.enqueue_dma source(%arg13 : memref<8x1024xf32, #tpu.memory_space<vmem>>) target(%dma_start3A_797 : memref<8x1024xf32, #tpu.memory_space<hbm>>) target_semaphore(%arg40 : memref<!tpu.dma_semaphore, #tpu.memory_space<semaphore_mem>>)
      %mul3A_798 = arith.constant 26 : i32
      %mul3A_799 = arith.muli %scan3A_169, %mul3A_798 : i32
      %add3A_800 = arith.constant 21 : i32
      %add3A_801 = arith.addi %mul3A_799, %add3A_800 : i32
      %add3A_802 = arith.constant 11 : i32
      %add3A_803 = arith.addi %add3A_801, %add3A_802 : i32
      %add3A_804 = arith.constant 1 : i32
      %add3A_805 = arith.addi %scan3A_169, %add3A_804 : i32
      %ge3A_806 = arith.constant 13 : i32
      %ge3A_807 = arith.cmpi sge, %add3A_803, %ge3A_806 : i32
      %lt3A_808 = arith.constant 208 : i32
      %lt3A_809 = arith.cmpi slt, %add3A_803, %lt3A_808 : i32
      %and3A_810 = arith.andi %ge3A_807, %lt3A_809 : i1
      %convert_element_type3A_811 = arith.extui %and3A_810 : i1 to i32
      %cond3A_812 = arith.constant 0 : i32
      %cond3A_813 = arith.cmpi ne, %convert_element_type3A_811, %cond3A_812 : i32
      scf.if %cond3A_813 {
        %add3A_954 = arith.constant 0 : i32
        %add3A_955 = arith.addi %mul3A_2, %add3A_954 : i32
        %dma_wait3A_956 = arith.constant 152 : i32
        %dma_wait3A_957 = tpu.memref_slice %arg4[%dma_wait3A_956, %add3A_955] : memref<204x262144xf32, #tpu.memory_space<hbm>> -> memref<8x1024xf32, #tpu.memory_space<hbm>>
        %dma_wait3A_958 = arith.constant 152 : i32
        %dma_wait3A_959 = tpu.memref_slice %arg4[%dma_wait3A_958, %add3A_955] : memref<204x262144xf32, #tpu.memory_space<hbm>> -> memref<8x1024xf32, #tpu.memory_space<hbm>>
        tpu.wait_dma2 semaphore(%arg38 : memref<!tpu.dma_semaphore, #tpu.memory_space<semaphore_mem>>) src(%arg11 : memref<8x1024xf32, #tpu.memory_space<vmem>>) dst(%dma_wait3A_959 : memref<8x1024xf32, #tpu.memory_space<hbm>>)
        %mul3A_960 = arith.constant 1024 : i32
        %mul3A_961 = arith.muli %add3A_805, %mul3A_960 : i32
        %add3A_962 = arith.addi %mul3A_2, %mul3A_961 : i32
        %dma_start3A_963 = arith.constant 48 : i32
        %dma_start3A_964 = tpu.memref_slice %arg2[%dma_start3A_963, %add3A_962] : memref<204x262144xf32, #tpu.memory_space<hbm>> -> memref<8x1024xf32, #tpu.memory_space<hbm>>
        %dma_start3A_965 = arith.constant 48 : i32
        %dma_start3A_966 = tpu.memref_slice %arg2[%dma_start3A_965, %add3A_962] : memref<204x262144xf32, #tpu.memory_space<hbm>> -> memref<8x1024xf32, #tpu.memory_space<hbm>>
        tpu.enqueue_dma source(%dma_start3A_966 : memref<8x1024xf32, #tpu.memory_space<hbm>>) target(%arg11 : memref<8x1024xf32, #tpu.memory_space<vmem>>) target_semaphore(%arg25 : memref<!tpu.dma_semaphore, #tpu.memory_space<semaphore_mem>>)
      } else {
      }
      %add3A_814 = arith.constant 0 : i32
      %add3A_815 = arith.addi %mul3A_2, %add3A_814 : i32
      %dma_wait3A_816 = arith.constant 176 : i32
      %dma_wait3A_817 = tpu.memref_slice %arg2[%dma_wait3A_816, %add3A_815] : memref<204x262144xf32, #tpu.memory_space<hbm>> -> memref<8x1024xf32, #tpu.memory_space<hbm>>
      %dma_wait3A_818 = arith.constant 176 : i32
      %dma_wait3A_819 = tpu.memref_slice %arg2[%dma_wait3A_818, %add3A_815] : memref<204x262144xf32, #tpu.memory_space<hbm>> -> memref<8x1024xf32, #tpu.memory_space<hbm>>
      tpu.wait_dma2 semaphore(%arg28 : memref<!tpu.dma_semaphore, #tpu.memory_space<semaphore_mem>>) src(%dma_wait3A_819 : memref<8x1024xf32, #tpu.memory_space<hbm>>) dst(%arg14 : memref<8x1024xf32, #tpu.memory_space<vmem>>)
      %parallel_loop3A_820 = arith.constant 0 : i32
      %parallel_loop3A_821 = arith.constant 64 : i32
      %parallel_loop3A_822 = arith.constant 1 : i32
      scf.for %parallel_loop3A_954 = %parallel_loop3A_820 to %parallel_loop3A_821 step %parallel_loop3A_822  : i32 {
        %parallel_loop3A_955 = arith.constant 16 : i32
        %parallel_loop3A_956 = arith.muli %parallel_loop3A_954, %parallel_loop3A_955 : i32
        %parallel_loop3A_957 = arith.constant 0 : i32
        %parallel_loop3A_958 = arith.index_cast %parallel_loop3A_957 : i32 to index
        %parallel_loop3A_959 = arith.index_cast %parallel_loop3A_956 : i32 to index
        %parallel_loop3A_960 = tpu.vector_load %arg14[%parallel_loop3A_958, %parallel_loop3A_959] {strides = array<i32>} : memref<8x1024xf32, #tpu.memory_space<vmem>>, vector<16xf32>,
        %parallel_loop3A_961 = arith.addf %parallel_loop3A_960, %get3A_3 : vector<16xf32>
        %parallel_loop3A_962 = arith.constant 0.000000e+00 : f32
        %parallel_loop3A_963 = vector.broadcast %parallel_loop3A_962 : f32 to vector<16xf32>
        %parallel_loop3A_964 = arith.maximumf %parallel_loop3A_961, %parallel_loop3A_963 : vector<16xf32>
        %parallel_loop3A_965 = arith.constant 1.000000e+00 : f32
        %parallel_loop3A_966 = vector.broadcast %parallel_loop3A_965 : f32 to vector<16xf32>
        %parallel_loop3A_967 = arith.minimumf %parallel_loop3A_964, %parallel_loop3A_966 : vector<16xf32>
        %parallel_loop3A_968 = arith.constant 0.000000e+00 : f32
        %parallel_loop3A_969 = vector.broadcast %parallel_loop3A_968 : f32 to vector<16xf32>
        %parallel_loop3A_970 = arith.cmpf oeq, %parallel_loop3A_960, %parallel_loop3A_969 : vector<16xf32>
        %parallel_loop3A_971 = arith.select %parallel_loop3A_970, %parallel_loop3A_960, %parallel_loop3A_967 : vector<16xi1>, vector<16xf32>
        %parallel_loop3A_972 = arith.constant 0 : i32
        %parallel_loop3A_973 = arith.index_cast %parallel_loop3A_972 : i32 to index
        %parallel_loop3A_974 = arith.index_cast %parallel_loop3A_956 : i32 to index
        %parallel_loop3A_975 = tpu.vector_load %arg14[%parallel_loop3A_973, %parallel_loop3A_974] {strides = array<i32>} : memref<8x1024xf32, #tpu.memory_space<vmem>>, vector<16xf32>,
        tpu.vector_store %arg14[%parallel_loop3A_973, %parallel_loop3A_974], %parallel_loop3A_971 {strides = array<i32>} : memref<8x1024xf32, #tpu.memory_space<vmem>>, vector<16xf32>,
        %parallel_loop3A_976 = arith.constant 1 : i32
        %parallel_loop3A_977 = arith.index_cast %parallel_loop3A_976 : i32 to index
        %parallel_loop3A_978 = arith.index_cast %parallel_loop3A_956 : i32 to index
        %parallel_loop3A_979 = tpu.vector_load %arg14[%parallel_loop3A_977, %parallel_loop3A_978] {strides = array<i32>} : memref<8x1024xf32, #tpu.memory_space<vmem>>, vector<16xf32>,
        %parallel_loop3A_980 = arith.addf %parallel_loop3A_979, %get3A_3 : vector<16xf32>
        %parallel_loop3A_981 = arith.constant 0.000000e+00 : f32
        %parallel_loop3A_982 = vector.broadcast %parallel_loop3A_981 : f32 to vector<16xf32>
        %parallel_loop3A_983 = arith.maximumf %parallel_loop3A_980, %parallel_loop3A_982 : vector<16xf32>
        %parallel_loop3A_984 = arith.constant 1.000000e+00 : f32
        %parallel_loop3A_985 = vector.broadcast %parallel_loop3A_984 : f32 to vector<16xf32>
        %parallel_loop3A_986 = arith.minimumf %parallel_loop3A_983, %parallel_loop3A_985 : vector<16xf32>
        %parallel_loop3A_987 = arith.constant 0.000000e+00 : f32
        %parallel_loop3A_988 = vector.broadcast %parallel_loop3A_987 : f32 to vector<16xf32>
        %parallel_loop3A_989 = arith.cmpf oeq, %parallel_loop3A_979, %parallel_loop3A_988 : vector<16xf32>
        %parallel_loop3A_990 = arith.select %parallel_loop3A_989, %parallel_loop3A_979, %parallel_loop3A_986 : vector<16xi1>, vector<16xf32>
        %parallel_loop3A_991 = arith.constant 1 : i32
        %parallel_loop3A_992 = arith.index_cast %parallel_loop3A_991 : i32 to index
        %parallel_loop3A_993 = arith.index_cast %parallel_loop3A_956 : i32 to index
        %parallel_loop3A_994 = tpu.vector_load %arg14[%parallel_loop3A_992, %parallel_loop3A_993] {strides = array<i32>} : memref<8x1024xf32, #tpu.memory_space<vmem>>, vector<16xf32>,
        tpu.vector_store %arg14[%parallel_loop3A_992, %parallel_loop3A_993], %parallel_loop3A_990 {strides = array<i32>} : memref<8x1024xf32, #tpu.memory_space<vmem>>, vector<16xf32>,
        %parallel_loop3A_995 = arith.constant 2 : i32
        %parallel_loop3A_996 = arith.index_cast %parallel_loop3A_995 : i32 to index
        %parallel_loop3A_997 = arith.index_cast %parallel_loop3A_956 : i32 to index
        %parallel_loop3A_998 = tpu.vector_load %arg14[%parallel_loop3A_996, %parallel_loop3A_997] {strides = array<i32>} : memref<8x1024xf32, #tpu.memory_space<vmem>>, vector<16xf32>,
        %parallel_loop3A_999 = arith.addf %parallel_loop3A_998, %get3A_3 : vector<16xf32>
        %parallel_loop3A_1000 = arith.constant 0.000000e+00 : f32
        %parallel_loop3A_1001 = vector.broadcast %parallel_loop3A_1000 : f32 to vector<16xf32>
        %parallel_loop3A_1002 = arith.maximumf %parallel_loop3A_999, %parallel_loop3A_1001 : vector<16xf32>
        %parallel_loop3A_1003 = arith.constant 1.000000e+00 : f32
        %parallel_loop3A_1004 = vector.broadcast %parallel_loop3A_1003 : f32 to vector<16xf32>
        %parallel_loop3A_1005 = arith.minimumf %parallel_loop3A_1002, %parallel_loop3A_1004 : vector<16xf32>
        %parallel_loop3A_1006 = arith.constant 0.000000e+00 : f32
        %parallel_loop3A_1007 = vector.broadcast %parallel_loop3A_1006 : f32 to vector<16xf32>
        %parallel_loop3A_1008 = arith.cmpf oeq, %parallel_loop3A_998, %parallel_loop3A_1007 : vector<16xf32>
        %parallel_loop3A_1009 = arith.select %parallel_loop3A_1008, %parallel_loop3A_998, %parallel_loop3A_1005 : vector<16xi1>, vector<16xf32>
        %parallel_loop3A_1010 = arith.constant 2 : i32
        %parallel_loop3A_1011 = arith.index_cast %parallel_loop3A_1010 : i32 to index
        %parallel_loop3A_1012 = arith.index_cast %parallel_loop3A_956 : i32 to index
        %parallel_loop3A_1013 = tpu.vector_load %arg14[%parallel_loop3A_1011, %parallel_loop3A_1012] {strides = array<i32>} : memref<8x1024xf32, #tpu.memory_space<vmem>>, vector<16xf32>,
        tpu.vector_store %arg14[%parallel_loop3A_1011, %parallel_loop3A_1012], %parallel_loop3A_1009 {strides = array<i32>} : memref<8x1024xf32, #tpu.memory_space<vmem>>, vector<16xf32>,
        %parallel_loop3A_1014 = arith.constant 3 : i32
        %parallel_loop3A_1015 = arith.index_cast %parallel_loop3A_1014 : i32 to index
        %parallel_loop3A_1016 = arith.index_cast %parallel_loop3A_956 : i32 to index
        %parallel_loop3A_1017 = tpu.vector_load %arg14[%parallel_loop3A_1015, %parallel_loop3A_1016] {strides = array<i32>} : memref<8x1024xf32, #tpu.memory_space<vmem>>, vector<16xf32>,
        %parallel_loop3A_1018 = arith.addf %parallel_loop3A_1017, %get3A_3 : vector<16xf32>
        %parallel_loop3A_1019 = arith.constant 0.000000e+00 : f32
        %parallel_loop3A_1020 = vector.broadcast %parallel_loop3A_1019 : f32 to vector<16xf32>
        %parallel_loop3A_1021 = arith.maximumf %parallel_loop3A_1018, %parallel_loop3A_1020 : vector<16xf32>
        %parallel_loop3A_1022 = arith.constant 1.000000e+00 : f32
        %parallel_loop3A_1023 = vector.broadcast %parallel_loop3A_1022 : f32 to vector<16xf32>
        %parallel_loop3A_1024 = arith.minimumf %parallel_loop3A_1021, %parallel_loop3A_1023 : vector<16xf32>
        %parallel_loop3A_1025 = arith.constant 0.000000e+00 : f32
        %parallel_loop3A_1026 = vector.broadcast %parallel_loop3A_1025 : f32 to vector<16xf32>
        %parallel_loop3A_1027 = arith.cmpf oeq, %parallel_loop3A_1017, %parallel_loop3A_1026 : vector<16xf32>
        %parallel_loop3A_1028 = arith.select %parallel_loop3A_1027, %parallel_loop3A_1017, %parallel_loop3A_1024 : vector<16xi1>, vector<16xf32>
        %parallel_loop3A_1029 = arith.constant 3 : i32
        %parallel_loop3A_1030 = arith.index_cast %parallel_loop3A_1029 : i32 to index
        %parallel_loop3A_1031 = arith.index_cast %parallel_loop3A_956 : i32 to index
        %parallel_loop3A_1032 = tpu.vector_load %arg14[%parallel_loop3A_1030, %parallel_loop3A_1031] {strides = array<i32>} : memref<8x1024xf32, #tpu.memory_space<vmem>>, vector<16xf32>,
        tpu.vector_store %arg14[%parallel_loop3A_1030, %parallel_loop3A_1031], %parallel_loop3A_1028 {strides = array<i32>} : memref<8x1024xf32, #tpu.memory_space<vmem>>, vector<16xf32>,
        %parallel_loop3A_1033 = arith.constant 4 : i32
        %parallel_loop3A_1034 = arith.index_cast %parallel_loop3A_1033 : i32 to index
        %parallel_loop3A_1035 = arith.index_cast %parallel_loop3A_956 : i32 to index
        %parallel_loop3A_1036 = tpu.vector_load %arg14[%parallel_loop3A_1034, %parallel_loop3A_1035] {strides = array<i32>} : memref<8x1024xf32, #tpu.memory_space<vmem>>, vector<16xf32>,
        %parallel_loop3A_1037 = arith.addf %parallel_loop3A_1036, %get3A_3 : vector<16xf32>
        %parallel_loop3A_1038 = arith.constant 0.000000e+00 : f32
        %parallel_loop3A_1039 = vector.broadcast %parallel_loop3A_1038 : f32 to vector<16xf32>
        %parallel_loop3A_1040 = arith.maximumf %parallel_loop3A_1037, %parallel_loop3A_1039 : vector<16xf32>
        %parallel_loop3A_1041 = arith.constant 1.000000e+00 : f32
        %parallel_loop3A_1042 = vector.broadcast %parallel_loop3A_1041 : f32 to vector<16xf32>
        %parallel_loop3A_1043 = arith.minimumf %parallel_loop3A_1040, %parallel_loop3A_1042 : vector<16xf32>
        %parallel_loop3A_1044 = arith.constant 0.000000e+00 : f32
        %parallel_loop3A_1045 = vector.broadcast %parallel_loop3A_1044 : f32 to vector<16xf32>
        %parallel_loop3A_1046 = arith.cmpf oeq, %parallel_loop3A_1036, %parallel_loop3A_1045 : vector<16xf32>
        %parallel_loop3A_1047 = arith.select %parallel_loop3A_1046, %parallel_loop3A_1036, %parallel_loop3A_1043 : vector<16xi1>, vector<16xf32>
        %parallel_loop3A_1048 = arith.constant 4 : i32
        %parallel_loop3A_1049 = arith.index_cast %parallel_loop3A_1048 : i32 to index
        %parallel_loop3A_1050 = arith.index_cast %parallel_loop3A_956 : i32 to index
        %parallel_loop3A_1051 = tpu.vector_load %arg14[%parallel_loop3A_1049, %parallel_loop3A_1050] {strides = array<i32>} : memref<8x1024xf32, #tpu.memory_space<vmem>>, vector<16xf32>,
        tpu.vector_store %arg14[%parallel_loop3A_1049, %parallel_loop3A_1050], %parallel_loop3A_1047 {strides = array<i32>} : memref<8x1024xf32, #tpu.memory_space<vmem>>, vector<16xf32>,
        %parallel_loop3A_1052 = arith.constant 5 : i32
        %parallel_loop3A_1053 = arith.index_cast %parallel_loop3A_1052 : i32 to index
        %parallel_loop3A_1054 = arith.index_cast %parallel_loop3A_956 : i32 to index
        %parallel_loop3A_1055 = tpu.vector_load %arg14[%parallel_loop3A_1053, %parallel_loop3A_1054] {strides = array<i32>} : memref<8x1024xf32, #tpu.memory_space<vmem>>, vector<16xf32>,
        %parallel_loop3A_1056 = arith.addf %parallel_loop3A_1055, %get3A_3 : vector<16xf32>
        %parallel_loop3A_1057 = arith.constant 0.000000e+00 : f32
        %parallel_loop3A_1058 = vector.broadcast %parallel_loop3A_1057 : f32 to vector<16xf32>
        %parallel_loop3A_1059 = arith.maximumf %parallel_loop3A_1056, %parallel_loop3A_1058 : vector<16xf32>
        %parallel_loop3A_1060 = arith.constant 1.000000e+00 : f32
        %parallel_loop3A_1061 = vector.broadcast %parallel_loop3A_1060 : f32 to vector<16xf32>
        %parallel_loop3A_1062 = arith.minimumf %parallel_loop3A_1059, %parallel_loop3A_1061 : vector<16xf32>
        %parallel_loop3A_1063 = arith.constant 0.000000e+00 : f32
        %parallel_loop3A_1064 = vector.broadcast %parallel_loop3A_1063 : f32 to vector<16xf32>
        %parallel_loop3A_1065 = arith.cmpf oeq, %parallel_loop3A_1055, %parallel_loop3A_1064 : vector<16xf32>
        %parallel_loop3A_1066 = arith.select %parallel_loop3A_1065, %parallel_loop3A_1055, %parallel_loop3A_1062 : vector<16xi1>, vector<16xf32>
        %parallel_loop3A_1067 = arith.constant 5 : i32
        %parallel_loop3A_1068 = arith.index_cast %parallel_loop3A_1067 : i32 to index
        %parallel_loop3A_1069 = arith.index_cast %parallel_loop3A_956 : i32 to index
        %parallel_loop3A_1070 = tpu.vector_load %arg14[%parallel_loop3A_1068, %parallel_loop3A_1069] {strides = array<i32>} : memref<8x1024xf32, #tpu.memory_space<vmem>>, vector<16xf32>,
        tpu.vector_store %arg14[%parallel_loop3A_1068, %parallel_loop3A_1069], %parallel_loop3A_1066 {strides = array<i32>} : memref<8x1024xf32, #tpu.memory_space<vmem>>, vector<16xf32>,
        %parallel_loop3A_1071 = arith.constant 6 : i32
        %parallel_loop3A_1072 = arith.index_cast %parallel_loop3A_1071 : i32 to index
        %parallel_loop3A_1073 = arith.index_cast %parallel_loop3A_956 : i32 to index
        %parallel_loop3A_1074 = tpu.vector_load %arg14[%parallel_loop3A_1072, %parallel_loop3A_1073] {strides = array<i32>} : memref<8x1024xf32, #tpu.memory_space<vmem>>, vector<16xf32>,
        %parallel_loop3A_1075 = arith.addf %parallel_loop3A_1074, %get3A_3 : vector<16xf32>
        %parallel_loop3A_1076 = arith.constant 0.000000e+00 : f32
        %parallel_loop3A_1077 = vector.broadcast %parallel_loop3A_1076 : f32 to vector<16xf32>
        %parallel_loop3A_1078 = arith.maximumf %parallel_loop3A_1075, %parallel_loop3A_1077 : vector<16xf32>
        %parallel_loop3A_1079 = arith.constant 1.000000e+00 : f32
        %parallel_loop3A_1080 = vector.broadcast %parallel_loop3A_1079 : f32 to vector<16xf32>
        %parallel_loop3A_1081 = arith.minimumf %parallel_loop3A_1078, %parallel_loop3A_1080 : vector<16xf32>
        %parallel_loop3A_1082 = arith.constant 0.000000e+00 : f32
        %parallel_loop3A_1083 = vector.broadcast %parallel_loop3A_1082 : f32 to vector<16xf32>
        %parallel_loop3A_1084 = arith.cmpf oeq, %parallel_loop3A_1074, %parallel_loop3A_1083 : vector<16xf32>
        %parallel_loop3A_1085 = arith.select %parallel_loop3A_1084, %parallel_loop3A_1074, %parallel_loop3A_1081 : vector<16xi1>, vector<16xf32>
        %parallel_loop3A_1086 = arith.constant 6 : i32
        %parallel_loop3A_1087 = arith.index_cast %parallel_loop3A_1086 : i32 to index
        %parallel_loop3A_1088 = arith.index_cast %parallel_loop3A_956 : i32 to index
        %parallel_loop3A_1089 = tpu.vector_load %arg14[%parallel_loop3A_1087, %parallel_loop3A_1088] {strides = array<i32>} : memref<8x1024xf32, #tpu.memory_space<vmem>>, vector<16xf32>,
        tpu.vector_store %arg14[%parallel_loop3A_1087, %parallel_loop3A_1088], %parallel_loop3A_1085 {strides = array<i32>} : memref<8x1024xf32, #tpu.memory_space<vmem>>, vector<16xf32>,
        %parallel_loop3A_1090 = arith.constant 7 : i32
        %parallel_loop3A_1091 = arith.index_cast %parallel_loop3A_1090 : i32 to index
        %parallel_loop3A_1092 = arith.index_cast %parallel_loop3A_956 : i32 to index
        %parallel_loop3A_1093 = tpu.vector_load %arg14[%parallel_loop3A_1091, %parallel_loop3A_1092] {strides = array<i32>} : memref<8x1024xf32, #tpu.memory_space<vmem>>, vector<16xf32>,
        %parallel_loop3A_1094 = arith.addf %parallel_loop3A_1093, %get3A_3 : vector<16xf32>
        %parallel_loop3A_1095 = arith.constant 0.000000e+00 : f32
        %parallel_loop3A_1096 = vector.broadcast %parallel_loop3A_1095 : f32 to vector<16xf32>
        %parallel_loop3A_1097 = arith.maximumf %parallel_loop3A_1094, %parallel_loop3A_1096 : vector<16xf32>
        %parallel_loop3A_1098 = arith.constant 1.000000e+00 : f32
        %parallel_loop3A_1099 = vector.broadcast %parallel_loop3A_1098 : f32 to vector<16xf32>
        %parallel_loop3A_1100 = arith.minimumf %parallel_loop3A_1097, %parallel_loop3A_1099 : vector<16xf32>
        %parallel_loop3A_1101 = arith.constant 0.000000e+00 : f32
        %parallel_loop3A_1102 = vector.broadcast %parallel_loop3A_1101 : f32 to vector<16xf32>
        %parallel_loop3A_1103 = arith.cmpf oeq, %parallel_loop3A_1093, %parallel_loop3A_1102 : vector<16xf32>
        %parallel_loop3A_1104 = arith.select %parallel_loop3A_1103, %parallel_loop3A_1093, %parallel_loop3A_1100 : vector<16xi1>, vector<16xf32>
        %parallel_loop3A_1105 = arith.constant 7 : i32
        %parallel_loop3A_1106 = arith.index_cast %parallel_loop3A_1105 : i32 to index
        %parallel_loop3A_1107 = arith.index_cast %parallel_loop3A_956 : i32 to index
        %parallel_loop3A_1108 = tpu.vector_load %arg14[%parallel_loop3A_1106, %parallel_loop3A_1107] {strides = array<i32>} : memref<8x1024xf32, #tpu.memory_space<vmem>>, vector<16xf32>,
        tpu.vector_store %arg14[%parallel_loop3A_1106, %parallel_loop3A_1107], %parallel_loop3A_1104 {strides = array<i32>} : memref<8x1024xf32, #tpu.memory_space<vmem>>, vector<16xf32>,
      } {sc.loop_unroll_factor = 1 : i64, sc.parallel_access}
      %mul3A_823 = arith.constant 1024 : i32
      %mul3A_824 = arith.muli %scan3A_169, %mul3A_823 : i32
      %add3A_825 = arith.addi %mul3A_2, %mul3A_824 : i32
      %dma_start3A_826 = arith.constant 176 : i32
      %dma_start3A_827 = tpu.memref_slice %arg4[%dma_start3A_826, %add3A_825] : memref<204x262144xf32, #tpu.memory_space<hbm>> -> memref<8x1024xf32, #tpu.memory_space<hbm>>
      %dma_start3A_828 = arith.constant 176 : i32
      %dma_start3A_829 = tpu.memref_slice %arg4[%dma_start3A_828, %add3A_825] : memref<204x262144xf32, #tpu.memory_space<hbm>> -> memref<8x1024xf32, #tpu.memory_space<hbm>>
      tpu.enqueue_dma source(%arg14 : memref<8x1024xf32, #tpu.memory_space<vmem>>) target(%dma_start3A_829 : memref<8x1024xf32, #tpu.memory_space<hbm>>) target_semaphore(%arg41 : memref<!tpu.dma_semaphore, #tpu.memory_space<semaphore_mem>>)
      %mul3A_830 = arith.constant 26 : i32
      %mul3A_831 = arith.muli %scan3A_169, %mul3A_830 : i32
      %add3A_832 = arith.constant 22 : i32
      %add3A_833 = arith.addi %mul3A_831, %add3A_832 : i32
      %add3A_834 = arith.constant 11 : i32
      %add3A_835 = arith.addi %add3A_833, %add3A_834 : i32
      %add3A_836 = arith.constant 1 : i32
      %add3A_837 = arith.addi %scan3A_169, %add3A_836 : i32
      %ge3A_838 = arith.constant 13 : i32
      %ge3A_839 = arith.cmpi sge, %add3A_835, %ge3A_838 : i32
      %lt3A_840 = arith.constant 208 : i32
      %lt3A_841 = arith.cmpi slt, %add3A_835, %lt3A_840 : i32
      %and3A_842 = arith.andi %ge3A_839, %lt3A_841 : i1
      %convert_element_type3A_843 = arith.extui %and3A_842 : i1 to i32
      %cond3A_844 = arith.constant 0 : i32
      %cond3A_845 = arith.cmpi ne, %convert_element_type3A_843, %cond3A_844 : i32
      scf.if %cond3A_845 {
        %add3A_954 = arith.constant 0 : i32
        %add3A_955 = arith.addi %mul3A_2, %add3A_954 : i32
        %dma_wait3A_956 = arith.constant 160 : i32
        %dma_wait3A_957 = tpu.memref_slice %arg4[%dma_wait3A_956, %add3A_955] : memref<204x262144xf32, #tpu.memory_space<hbm>> -> memref<8x1024xf32, #tpu.memory_space<hbm>>
        %dma_wait3A_958 = arith.constant 160 : i32
        %dma_wait3A_959 = tpu.memref_slice %arg4[%dma_wait3A_958, %add3A_955] : memref<204x262144xf32, #tpu.memory_space<hbm>> -> memref<8x1024xf32, #tpu.memory_space<hbm>>
        tpu.wait_dma2 semaphore(%arg39 : memref<!tpu.dma_semaphore, #tpu.memory_space<semaphore_mem>>) src(%arg12 : memref<8x1024xf32, #tpu.memory_space<vmem>>) dst(%dma_wait3A_959 : memref<8x1024xf32, #tpu.memory_space<hbm>>)
        %mul3A_960 = arith.constant 1024 : i32
        %mul3A_961 = arith.muli %add3A_837, %mul3A_960 : i32
        %add3A_962 = arith.addi %mul3A_2, %mul3A_961 : i32
        %dma_start3A_963 = arith.constant 56 : i32
        %dma_start3A_964 = tpu.memref_slice %arg2[%dma_start3A_963, %add3A_962] : memref<204x262144xf32, #tpu.memory_space<hbm>> -> memref<8x1024xf32, #tpu.memory_space<hbm>>
        %dma_start3A_965 = arith.constant 56 : i32
        %dma_start3A_966 = tpu.memref_slice %arg2[%dma_start3A_965, %add3A_962] : memref<204x262144xf32, #tpu.memory_space<hbm>> -> memref<8x1024xf32, #tpu.memory_space<hbm>>
        tpu.enqueue_dma source(%dma_start3A_966 : memref<8x1024xf32, #tpu.memory_space<hbm>>) target(%arg12 : memref<8x1024xf32, #tpu.memory_space<vmem>>) target_semaphore(%arg26 : memref<!tpu.dma_semaphore, #tpu.memory_space<semaphore_mem>>)
      } else {
      }
      %add3A_846 = arith.constant 0 : i32
      %add3A_847 = arith.addi %mul3A_2, %add3A_846 : i32
      %dma_wait3A_848 = arith.constant 184 : i32
      %dma_wait3A_849 = tpu.memref_slice %arg2[%dma_wait3A_848, %add3A_847] : memref<204x262144xf32, #tpu.memory_space<hbm>> -> memref<8x1024xf32, #tpu.memory_space<hbm>>
      %dma_wait3A_850 = arith.constant 184 : i32
      %dma_wait3A_851 = tpu.memref_slice %arg2[%dma_wait3A_850, %add3A_847] : memref<204x262144xf32, #tpu.memory_space<hbm>> -> memref<8x1024xf32, #tpu.memory_space<hbm>>
      tpu.wait_dma2 semaphore(%arg29 : memref<!tpu.dma_semaphore, #tpu.memory_space<semaphore_mem>>) src(%dma_wait3A_851 : memref<8x1024xf32, #tpu.memory_space<hbm>>) dst(%arg15 : memref<8x1024xf32, #tpu.memory_space<vmem>>)
      %parallel_loop3A_852 = arith.constant 0 : i32
      %parallel_loop3A_853 = arith.constant 64 : i32
      %parallel_loop3A_854 = arith.constant 1 : i32
      scf.for %parallel_loop3A_954 = %parallel_loop3A_852 to %parallel_loop3A_853 step %parallel_loop3A_854  : i32 {
        %parallel_loop3A_955 = arith.constant 16 : i32
        %parallel_loop3A_956 = arith.muli %parallel_loop3A_954, %parallel_loop3A_955 : i32
        %parallel_loop3A_957 = arith.constant 0 : i32
        %parallel_loop3A_958 = arith.index_cast %parallel_loop3A_957 : i32 to index
        %parallel_loop3A_959 = arith.index_cast %parallel_loop3A_956 : i32 to index
        %parallel_loop3A_960 = tpu.vector_load %arg15[%parallel_loop3A_958, %parallel_loop3A_959] {strides = array<i32>} : memref<8x1024xf32, #tpu.memory_space<vmem>>, vector<16xf32>,
        %parallel_loop3A_961 = arith.addf %parallel_loop3A_960, %get3A_3 : vector<16xf32>
        %parallel_loop3A_962 = arith.constant 0.000000e+00 : f32
        %parallel_loop3A_963 = vector.broadcast %parallel_loop3A_962 : f32 to vector<16xf32>
        %parallel_loop3A_964 = arith.maximumf %parallel_loop3A_961, %parallel_loop3A_963 : vector<16xf32>
        %parallel_loop3A_965 = arith.constant 1.000000e+00 : f32
        %parallel_loop3A_966 = vector.broadcast %parallel_loop3A_965 : f32 to vector<16xf32>
        %parallel_loop3A_967 = arith.minimumf %parallel_loop3A_964, %parallel_loop3A_966 : vector<16xf32>
        %parallel_loop3A_968 = arith.constant 0.000000e+00 : f32
        %parallel_loop3A_969 = vector.broadcast %parallel_loop3A_968 : f32 to vector<16xf32>
        %parallel_loop3A_970 = arith.cmpf oeq, %parallel_loop3A_960, %parallel_loop3A_969 : vector<16xf32>
        %parallel_loop3A_971 = arith.select %parallel_loop3A_970, %parallel_loop3A_960, %parallel_loop3A_967 : vector<16xi1>, vector<16xf32>
        %parallel_loop3A_972 = arith.constant 0 : i32
        %parallel_loop3A_973 = arith.index_cast %parallel_loop3A_972 : i32 to index
        %parallel_loop3A_974 = arith.index_cast %parallel_loop3A_956 : i32 to index
        %parallel_loop3A_975 = tpu.vector_load %arg15[%parallel_loop3A_973, %parallel_loop3A_974] {strides = array<i32>} : memref<8x1024xf32, #tpu.memory_space<vmem>>, vector<16xf32>,
        tpu.vector_store %arg15[%parallel_loop3A_973, %parallel_loop3A_974], %parallel_loop3A_971 {strides = array<i32>} : memref<8x1024xf32, #tpu.memory_space<vmem>>, vector<16xf32>,
        %parallel_loop3A_976 = arith.constant 1 : i32
        %parallel_loop3A_977 = arith.index_cast %parallel_loop3A_976 : i32 to index
        %parallel_loop3A_978 = arith.index_cast %parallel_loop3A_956 : i32 to index
        %parallel_loop3A_979 = tpu.vector_load %arg15[%parallel_loop3A_977, %parallel_loop3A_978] {strides = array<i32>} : memref<8x1024xf32, #tpu.memory_space<vmem>>, vector<16xf32>,
        %parallel_loop3A_980 = arith.addf %parallel_loop3A_979, %get3A_3 : vector<16xf32>
        %parallel_loop3A_981 = arith.constant 0.000000e+00 : f32
        %parallel_loop3A_982 = vector.broadcast %parallel_loop3A_981 : f32 to vector<16xf32>
        %parallel_loop3A_983 = arith.maximumf %parallel_loop3A_980, %parallel_loop3A_982 : vector<16xf32>
        %parallel_loop3A_984 = arith.constant 1.000000e+00 : f32
        %parallel_loop3A_985 = vector.broadcast %parallel_loop3A_984 : f32 to vector<16xf32>
        %parallel_loop3A_986 = arith.minimumf %parallel_loop3A_983, %parallel_loop3A_985 : vector<16xf32>
        %parallel_loop3A_987 = arith.constant 0.000000e+00 : f32
        %parallel_loop3A_988 = vector.broadcast %parallel_loop3A_987 : f32 to vector<16xf32>
        %parallel_loop3A_989 = arith.cmpf oeq, %parallel_loop3A_979, %parallel_loop3A_988 : vector<16xf32>
        %parallel_loop3A_990 = arith.select %parallel_loop3A_989, %parallel_loop3A_979, %parallel_loop3A_986 : vector<16xi1>, vector<16xf32>
        %parallel_loop3A_991 = arith.constant 1 : i32
        %parallel_loop3A_992 = arith.index_cast %parallel_loop3A_991 : i32 to index
        %parallel_loop3A_993 = arith.index_cast %parallel_loop3A_956 : i32 to index
        %parallel_loop3A_994 = tpu.vector_load %arg15[%parallel_loop3A_992, %parallel_loop3A_993] {strides = array<i32>} : memref<8x1024xf32, #tpu.memory_space<vmem>>, vector<16xf32>,
        tpu.vector_store %arg15[%parallel_loop3A_992, %parallel_loop3A_993], %parallel_loop3A_990 {strides = array<i32>} : memref<8x1024xf32, #tpu.memory_space<vmem>>, vector<16xf32>,
        %parallel_loop3A_995 = arith.constant 2 : i32
        %parallel_loop3A_996 = arith.index_cast %parallel_loop3A_995 : i32 to index
        %parallel_loop3A_997 = arith.index_cast %parallel_loop3A_956 : i32 to index
        %parallel_loop3A_998 = tpu.vector_load %arg15[%parallel_loop3A_996, %parallel_loop3A_997] {strides = array<i32>} : memref<8x1024xf32, #tpu.memory_space<vmem>>, vector<16xf32>,
        %parallel_loop3A_999 = arith.addf %parallel_loop3A_998, %get3A_3 : vector<16xf32>
        %parallel_loop3A_1000 = arith.constant 0.000000e+00 : f32
        %parallel_loop3A_1001 = vector.broadcast %parallel_loop3A_1000 : f32 to vector<16xf32>
        %parallel_loop3A_1002 = arith.maximumf %parallel_loop3A_999, %parallel_loop3A_1001 : vector<16xf32>
        %parallel_loop3A_1003 = arith.constant 1.000000e+00 : f32
        %parallel_loop3A_1004 = vector.broadcast %parallel_loop3A_1003 : f32 to vector<16xf32>
        %parallel_loop3A_1005 = arith.minimumf %parallel_loop3A_1002, %parallel_loop3A_1004 : vector<16xf32>
        %parallel_loop3A_1006 = arith.constant 0.000000e+00 : f32
        %parallel_loop3A_1007 = vector.broadcast %parallel_loop3A_1006 : f32 to vector<16xf32>
        %parallel_loop3A_1008 = arith.cmpf oeq, %parallel_loop3A_998, %parallel_loop3A_1007 : vector<16xf32>
        %parallel_loop3A_1009 = arith.select %parallel_loop3A_1008, %parallel_loop3A_998, %parallel_loop3A_1005 : vector<16xi1>, vector<16xf32>
        %parallel_loop3A_1010 = arith.constant 2 : i32
        %parallel_loop3A_1011 = arith.index_cast %parallel_loop3A_1010 : i32 to index
        %parallel_loop3A_1012 = arith.index_cast %parallel_loop3A_956 : i32 to index
        %parallel_loop3A_1013 = tpu.vector_load %arg15[%parallel_loop3A_1011, %parallel_loop3A_1012] {strides = array<i32>} : memref<8x1024xf32, #tpu.memory_space<vmem>>, vector<16xf32>,
        tpu.vector_store %arg15[%parallel_loop3A_1011, %parallel_loop3A_1012], %parallel_loop3A_1009 {strides = array<i32>} : memref<8x1024xf32, #tpu.memory_space<vmem>>, vector<16xf32>,
        %parallel_loop3A_1014 = arith.constant 3 : i32
        %parallel_loop3A_1015 = arith.index_cast %parallel_loop3A_1014 : i32 to index
        %parallel_loop3A_1016 = arith.index_cast %parallel_loop3A_956 : i32 to index
        %parallel_loop3A_1017 = tpu.vector_load %arg15[%parallel_loop3A_1015, %parallel_loop3A_1016] {strides = array<i32>} : memref<8x1024xf32, #tpu.memory_space<vmem>>, vector<16xf32>,
        %parallel_loop3A_1018 = arith.addf %parallel_loop3A_1017, %get3A_3 : vector<16xf32>
        %parallel_loop3A_1019 = arith.constant 0.000000e+00 : f32
        %parallel_loop3A_1020 = vector.broadcast %parallel_loop3A_1019 : f32 to vector<16xf32>
        %parallel_loop3A_1021 = arith.maximumf %parallel_loop3A_1018, %parallel_loop3A_1020 : vector<16xf32>
        %parallel_loop3A_1022 = arith.constant 1.000000e+00 : f32
        %parallel_loop3A_1023 = vector.broadcast %parallel_loop3A_1022 : f32 to vector<16xf32>
        %parallel_loop3A_1024 = arith.minimumf %parallel_loop3A_1021, %parallel_loop3A_1023 : vector<16xf32>
        %parallel_loop3A_1025 = arith.constant 0.000000e+00 : f32
        %parallel_loop3A_1026 = vector.broadcast %parallel_loop3A_1025 : f32 to vector<16xf32>
        %parallel_loop3A_1027 = arith.cmpf oeq, %parallel_loop3A_1017, %parallel_loop3A_1026 : vector<16xf32>
        %parallel_loop3A_1028 = arith.select %parallel_loop3A_1027, %parallel_loop3A_1017, %parallel_loop3A_1024 : vector<16xi1>, vector<16xf32>
        %parallel_loop3A_1029 = arith.constant 3 : i32
        %parallel_loop3A_1030 = arith.index_cast %parallel_loop3A_1029 : i32 to index
        %parallel_loop3A_1031 = arith.index_cast %parallel_loop3A_956 : i32 to index
        %parallel_loop3A_1032 = tpu.vector_load %arg15[%parallel_loop3A_1030, %parallel_loop3A_1031] {strides = array<i32>} : memref<8x1024xf32, #tpu.memory_space<vmem>>, vector<16xf32>,
        tpu.vector_store %arg15[%parallel_loop3A_1030, %parallel_loop3A_1031], %parallel_loop3A_1028 {strides = array<i32>} : memref<8x1024xf32, #tpu.memory_space<vmem>>, vector<16xf32>,
        %parallel_loop3A_1033 = arith.constant 4 : i32
        %parallel_loop3A_1034 = arith.index_cast %parallel_loop3A_1033 : i32 to index
        %parallel_loop3A_1035 = arith.index_cast %parallel_loop3A_956 : i32 to index
        %parallel_loop3A_1036 = tpu.vector_load %arg15[%parallel_loop3A_1034, %parallel_loop3A_1035] {strides = array<i32>} : memref<8x1024xf32, #tpu.memory_space<vmem>>, vector<16xf32>,
        %parallel_loop3A_1037 = arith.addf %parallel_loop3A_1036, %get3A_3 : vector<16xf32>
        %parallel_loop3A_1038 = arith.constant 0.000000e+00 : f32
        %parallel_loop3A_1039 = vector.broadcast %parallel_loop3A_1038 : f32 to vector<16xf32>
        %parallel_loop3A_1040 = arith.maximumf %parallel_loop3A_1037, %parallel_loop3A_1039 : vector<16xf32>
        %parallel_loop3A_1041 = arith.constant 1.000000e+00 : f32
        %parallel_loop3A_1042 = vector.broadcast %parallel_loop3A_1041 : f32 to vector<16xf32>
        %parallel_loop3A_1043 = arith.minimumf %parallel_loop3A_1040, %parallel_loop3A_1042 : vector<16xf32>
        %parallel_loop3A_1044 = arith.constant 0.000000e+00 : f32
        %parallel_loop3A_1045 = vector.broadcast %parallel_loop3A_1044 : f32 to vector<16xf32>
        %parallel_loop3A_1046 = arith.cmpf oeq, %parallel_loop3A_1036, %parallel_loop3A_1045 : vector<16xf32>
        %parallel_loop3A_1047 = arith.select %parallel_loop3A_1046, %parallel_loop3A_1036, %parallel_loop3A_1043 : vector<16xi1>, vector<16xf32>
        %parallel_loop3A_1048 = arith.constant 4 : i32
        %parallel_loop3A_1049 = arith.index_cast %parallel_loop3A_1048 : i32 to index
        %parallel_loop3A_1050 = arith.index_cast %parallel_loop3A_956 : i32 to index
        %parallel_loop3A_1051 = tpu.vector_load %arg15[%parallel_loop3A_1049, %parallel_loop3A_1050] {strides = array<i32>} : memref<8x1024xf32, #tpu.memory_space<vmem>>, vector<16xf32>,
        tpu.vector_store %arg15[%parallel_loop3A_1049, %parallel_loop3A_1050], %parallel_loop3A_1047 {strides = array<i32>} : memref<8x1024xf32, #tpu.memory_space<vmem>>, vector<16xf32>,
        %parallel_loop3A_1052 = arith.constant 5 : i32
        %parallel_loop3A_1053 = arith.index_cast %parallel_loop3A_1052 : i32 to index
        %parallel_loop3A_1054 = arith.index_cast %parallel_loop3A_956 : i32 to index
        %parallel_loop3A_1055 = tpu.vector_load %arg15[%parallel_loop3A_1053, %parallel_loop3A_1054] {strides = array<i32>} : memref<8x1024xf32, #tpu.memory_space<vmem>>, vector<16xf32>,
        %parallel_loop3A_1056 = arith.addf %parallel_loop3A_1055, %get3A_3 : vector<16xf32>
        %parallel_loop3A_1057 = arith.constant 0.000000e+00 : f32
        %parallel_loop3A_1058 = vector.broadcast %parallel_loop3A_1057 : f32 to vector<16xf32>
        %parallel_loop3A_1059 = arith.maximumf %parallel_loop3A_1056, %parallel_loop3A_1058 : vector<16xf32>
        %parallel_loop3A_1060 = arith.constant 1.000000e+00 : f32
        %parallel_loop3A_1061 = vector.broadcast %parallel_loop3A_1060 : f32 to vector<16xf32>
        %parallel_loop3A_1062 = arith.minimumf %parallel_loop3A_1059, %parallel_loop3A_1061 : vector<16xf32>
        %parallel_loop3A_1063 = arith.constant 0.000000e+00 : f32
        %parallel_loop3A_1064 = vector.broadcast %parallel_loop3A_1063 : f32 to vector<16xf32>
        %parallel_loop3A_1065 = arith.cmpf oeq, %parallel_loop3A_1055, %parallel_loop3A_1064 : vector<16xf32>
        %parallel_loop3A_1066 = arith.select %parallel_loop3A_1065, %parallel_loop3A_1055, %parallel_loop3A_1062 : vector<16xi1>, vector<16xf32>
        %parallel_loop3A_1067 = arith.constant 5 : i32
        %parallel_loop3A_1068 = arith.index_cast %parallel_loop3A_1067 : i32 to index
        %parallel_loop3A_1069 = arith.index_cast %parallel_loop3A_956 : i32 to index
        %parallel_loop3A_1070 = tpu.vector_load %arg15[%parallel_loop3A_1068, %parallel_loop3A_1069] {strides = array<i32>} : memref<8x1024xf32, #tpu.memory_space<vmem>>, vector<16xf32>,
        tpu.vector_store %arg15[%parallel_loop3A_1068, %parallel_loop3A_1069], %parallel_loop3A_1066 {strides = array<i32>} : memref<8x1024xf32, #tpu.memory_space<vmem>>, vector<16xf32>,
        %parallel_loop3A_1071 = arith.constant 6 : i32
        %parallel_loop3A_1072 = arith.index_cast %parallel_loop3A_1071 : i32 to index
        %parallel_loop3A_1073 = arith.index_cast %parallel_loop3A_956 : i32 to index
        %parallel_loop3A_1074 = tpu.vector_load %arg15[%parallel_loop3A_1072, %parallel_loop3A_1073] {strides = array<i32>} : memref<8x1024xf32, #tpu.memory_space<vmem>>, vector<16xf32>,
        %parallel_loop3A_1075 = arith.addf %parallel_loop3A_1074, %get3A_3 : vector<16xf32>
        %parallel_loop3A_1076 = arith.constant 0.000000e+00 : f32
        %parallel_loop3A_1077 = vector.broadcast %parallel_loop3A_1076 : f32 to vector<16xf32>
        %parallel_loop3A_1078 = arith.maximumf %parallel_loop3A_1075, %parallel_loop3A_1077 : vector<16xf32>
        %parallel_loop3A_1079 = arith.constant 1.000000e+00 : f32
        %parallel_loop3A_1080 = vector.broadcast %parallel_loop3A_1079 : f32 to vector<16xf32>
        %parallel_loop3A_1081 = arith.minimumf %parallel_loop3A_1078, %parallel_loop3A_1080 : vector<16xf32>
        %parallel_loop3A_1082 = arith.constant 0.000000e+00 : f32
        %parallel_loop3A_1083 = vector.broadcast %parallel_loop3A_1082 : f32 to vector<16xf32>
        %parallel_loop3A_1084 = arith.cmpf oeq, %parallel_loop3A_1074, %parallel_loop3A_1083 : vector<16xf32>
        %parallel_loop3A_1085 = arith.select %parallel_loop3A_1084, %parallel_loop3A_1074, %parallel_loop3A_1081 : vector<16xi1>, vector<16xf32>
        %parallel_loop3A_1086 = arith.constant 6 : i32
        %parallel_loop3A_1087 = arith.index_cast %parallel_loop3A_1086 : i32 to index
        %parallel_loop3A_1088 = arith.index_cast %parallel_loop3A_956 : i32 to index
        %parallel_loop3A_1089 = tpu.vector_load %arg15[%parallel_loop3A_1087, %parallel_loop3A_1088] {strides = array<i32>} : memref<8x1024xf32, #tpu.memory_space<vmem>>, vector<16xf32>,
        tpu.vector_store %arg15[%parallel_loop3A_1087, %parallel_loop3A_1088], %parallel_loop3A_1085 {strides = array<i32>} : memref<8x1024xf32, #tpu.memory_space<vmem>>, vector<16xf32>,
        %parallel_loop3A_1090 = arith.constant 7 : i32
        %parallel_loop3A_1091 = arith.index_cast %parallel_loop3A_1090 : i32 to index
        %parallel_loop3A_1092 = arith.index_cast %parallel_loop3A_956 : i32 to index
        %parallel_loop3A_1093 = tpu.vector_load %arg15[%parallel_loop3A_1091, %parallel_loop3A_1092] {strides = array<i32>} : memref<8x1024xf32, #tpu.memory_space<vmem>>, vector<16xf32>,
        %parallel_loop3A_1094 = arith.addf %parallel_loop3A_1093, %get3A_3 : vector<16xf32>
        %parallel_loop3A_1095 = arith.constant 0.000000e+00 : f32
        %parallel_loop3A_1096 = vector.broadcast %parallel_loop3A_1095 : f32 to vector<16xf32>
        %parallel_loop3A_1097 = arith.maximumf %parallel_loop3A_1094, %parallel_loop3A_1096 : vector<16xf32>
        %parallel_loop3A_1098 = arith.constant 1.000000e+00 : f32
        %parallel_loop3A_1099 = vector.broadcast %parallel_loop3A_1098 : f32 to vector<16xf32>
        %parallel_loop3A_1100 = arith.minimumf %parallel_loop3A_1097, %parallel_loop3A_1099 : vector<16xf32>
        %parallel_loop3A_1101 = arith.constant 0.000000e+00 : f32
        %parallel_loop3A_1102 = vector.broadcast %parallel_loop3A_1101 : f32 to vector<16xf32>
        %parallel_loop3A_1103 = arith.cmpf oeq, %parallel_loop3A_1093, %parallel_loop3A_1102 : vector<16xf32>
        %parallel_loop3A_1104 = arith.select %parallel_loop3A_1103, %parallel_loop3A_1093, %parallel_loop3A_1100 : vector<16xi1>, vector<16xf32>
        %parallel_loop3A_1105 = arith.constant 7 : i32
        %parallel_loop3A_1106 = arith.index_cast %parallel_loop3A_1105 : i32 to index
        %parallel_loop3A_1107 = arith.index_cast %parallel_loop3A_956 : i32 to index
        %parallel_loop3A_1108 = tpu.vector_load %arg15[%parallel_loop3A_1106, %parallel_loop3A_1107] {strides = array<i32>} : memref<8x1024xf32, #tpu.memory_space<vmem>>, vector<16xf32>,
        tpu.vector_store %arg15[%parallel_loop3A_1106, %parallel_loop3A_1107], %parallel_loop3A_1104 {strides = array<i32>} : memref<8x1024xf32, #tpu.memory_space<vmem>>, vector<16xf32>,
      } {sc.loop_unroll_factor = 1 : i64, sc.parallel_access}
      %mul3A_855 = arith.constant 1024 : i32
      %mul3A_856 = arith.muli %scan3A_169, %mul3A_855 : i32
      %add3A_857 = arith.addi %mul3A_2, %mul3A_856 : i32
      %dma_start3A_858 = arith.constant 184 : i32
      %dma_start3A_859 = tpu.memref_slice %arg4[%dma_start3A_858, %add3A_857] : memref<204x262144xf32, #tpu.memory_space<hbm>> -> memref<8x1024xf32, #tpu.memory_space<hbm>>
      %dma_start3A_860 = arith.constant 184 : i32
      %dma_start3A_861 = tpu.memref_slice %arg4[%dma_start3A_860, %add3A_857] : memref<204x262144xf32, #tpu.memory_space<hbm>> -> memref<8x1024xf32, #tpu.memory_space<hbm>>
      tpu.enqueue_dma source(%arg15 : memref<8x1024xf32, #tpu.memory_space<vmem>>) target(%dma_start3A_861 : memref<8x1024xf32, #tpu.memory_space<hbm>>) target_semaphore(%arg42 : memref<!tpu.dma_semaphore, #tpu.memory_space<semaphore_mem>>)
      %mul3A_862 = arith.constant 26 : i32
      %mul3A_863 = arith.muli %scan3A_169, %mul3A_862 : i32
      %add3A_864 = arith.constant 23 : i32
      %add3A_865 = arith.addi %mul3A_863, %add3A_864 : i32
      %add3A_866 = arith.constant 11 : i32
      %add3A_867 = arith.addi %add3A_865, %add3A_866 : i32
      %add3A_868 = arith.constant 1 : i32
      %add3A_869 = arith.addi %scan3A_169, %add3A_868 : i32
      %ge3A_870 = arith.constant 13 : i32
      %ge3A_871 = arith.cmpi sge, %add3A_867, %ge3A_870 : i32
      %lt3A_872 = arith.constant 208 : i32
      %lt3A_873 = arith.cmpi slt, %add3A_867, %lt3A_872 : i32
      %and3A_874 = arith.andi %ge3A_871, %lt3A_873 : i1
      %convert_element_type3A_875 = arith.extui %and3A_874 : i1 to i32
      %cond3A_876 = arith.constant 0 : i32
      %cond3A_877 = arith.cmpi ne, %convert_element_type3A_875, %cond3A_876 : i32
      scf.if %cond3A_877 {
        %add3A_954 = arith.constant 0 : i32
        %add3A_955 = arith.addi %mul3A_2, %add3A_954 : i32
        %dma_wait3A_956 = arith.constant 168 : i32
        %dma_wait3A_957 = tpu.memref_slice %arg4[%dma_wait3A_956, %add3A_955] : memref<204x262144xf32, #tpu.memory_space<hbm>> -> memref<8x1024xf32, #tpu.memory_space<hbm>>
        %dma_wait3A_958 = arith.constant 168 : i32
        %dma_wait3A_959 = tpu.memref_slice %arg4[%dma_wait3A_958, %add3A_955] : memref<204x262144xf32, #tpu.memory_space<hbm>> -> memref<8x1024xf32, #tpu.memory_space<hbm>>
        tpu.wait_dma2 semaphore(%arg40 : memref<!tpu.dma_semaphore, #tpu.memory_space<semaphore_mem>>) src(%arg13 : memref<8x1024xf32, #tpu.memory_space<vmem>>) dst(%dma_wait3A_959 : memref<8x1024xf32, #tpu.memory_space<hbm>>)
        %mul3A_960 = arith.constant 1024 : i32
        %mul3A_961 = arith.muli %add3A_869, %mul3A_960 : i32
        %add3A_962 = arith.addi %mul3A_2, %mul3A_961 : i32
        %dma_start3A_963 = arith.constant 64 : i32
        %dma_start3A_964 = tpu.memref_slice %arg2[%dma_start3A_963, %add3A_962] : memref<204x262144xf32, #tpu.memory_space<hbm>> -> memref<8x1024xf32, #tpu.memory_space<hbm>>
        %dma_start3A_965 = arith.constant 64 : i32
        %dma_start3A_966 = tpu.memref_slice %arg2[%dma_start3A_965, %add3A_962] : memref<204x262144xf32, #tpu.memory_space<hbm>> -> memref<8x1024xf32, #tpu.memory_space<hbm>>
        tpu.enqueue_dma source(%dma_start3A_966 : memref<8x1024xf32, #tpu.memory_space<hbm>>) target(%arg13 : memref<8x1024xf32, #tpu.memory_space<vmem>>) target_semaphore(%arg27 : memref<!tpu.dma_semaphore, #tpu.memory_space<semaphore_mem>>)
      } else {
      }
      %add3A_878 = arith.constant 0 : i32
      %add3A_879 = arith.addi %mul3A_2, %add3A_878 : i32
      %dma_wait3A_880 = arith.constant 192 : i32
      %dma_wait3A_881 = tpu.memref_slice %arg2[%dma_wait3A_880, %add3A_879] : memref<204x262144xf32, #tpu.memory_space<hbm>> -> memref<8x1024xf32, #tpu.memory_space<hbm>>
      %dma_wait3A_882 = arith.constant 192 : i32
      %dma_wait3A_883 = tpu.memref_slice %arg2[%dma_wait3A_882, %add3A_879] : memref<204x262144xf32, #tpu.memory_space<hbm>> -> memref<8x1024xf32, #tpu.memory_space<hbm>>
      tpu.wait_dma2 semaphore(%arg30 : memref<!tpu.dma_semaphore, #tpu.memory_space<semaphore_mem>>) src(%dma_wait3A_883 : memref<8x1024xf32, #tpu.memory_space<hbm>>) dst(%arg16 : memref<8x1024xf32, #tpu.memory_space<vmem>>)
      %parallel_loop3A_884 = arith.constant 0 : i32
      %parallel_loop3A_885 = arith.constant 64 : i32
      %parallel_loop3A_886 = arith.constant 1 : i32
      scf.for %parallel_loop3A_954 = %parallel_loop3A_884 to %parallel_loop3A_885 step %parallel_loop3A_886  : i32 {
        %parallel_loop3A_955 = arith.constant 16 : i32
        %parallel_loop3A_956 = arith.muli %parallel_loop3A_954, %parallel_loop3A_955 : i32
        %parallel_loop3A_957 = arith.constant 0 : i32
        %parallel_loop3A_958 = arith.index_cast %parallel_loop3A_957 : i32 to index
        %parallel_loop3A_959 = arith.index_cast %parallel_loop3A_956 : i32 to index
        %parallel_loop3A_960 = tpu.vector_load %arg16[%parallel_loop3A_958, %parallel_loop3A_959] {strides = array<i32>} : memref<8x1024xf32, #tpu.memory_space<vmem>>, vector<16xf32>,
        %parallel_loop3A_961 = arith.addf %parallel_loop3A_960, %get3A_3 : vector<16xf32>
        %parallel_loop3A_962 = arith.constant 0.000000e+00 : f32
        %parallel_loop3A_963 = vector.broadcast %parallel_loop3A_962 : f32 to vector<16xf32>
        %parallel_loop3A_964 = arith.maximumf %parallel_loop3A_961, %parallel_loop3A_963 : vector<16xf32>
        %parallel_loop3A_965 = arith.constant 1.000000e+00 : f32
        %parallel_loop3A_966 = vector.broadcast %parallel_loop3A_965 : f32 to vector<16xf32>
        %parallel_loop3A_967 = arith.minimumf %parallel_loop3A_964, %parallel_loop3A_966 : vector<16xf32>
        %parallel_loop3A_968 = arith.constant 0.000000e+00 : f32
        %parallel_loop3A_969 = vector.broadcast %parallel_loop3A_968 : f32 to vector<16xf32>
        %parallel_loop3A_970 = arith.cmpf oeq, %parallel_loop3A_960, %parallel_loop3A_969 : vector<16xf32>
        %parallel_loop3A_971 = arith.select %parallel_loop3A_970, %parallel_loop3A_960, %parallel_loop3A_967 : vector<16xi1>, vector<16xf32>
        %parallel_loop3A_972 = arith.constant 0 : i32
        %parallel_loop3A_973 = arith.index_cast %parallel_loop3A_972 : i32 to index
        %parallel_loop3A_974 = arith.index_cast %parallel_loop3A_956 : i32 to index
        %parallel_loop3A_975 = tpu.vector_load %arg16[%parallel_loop3A_973, %parallel_loop3A_974] {strides = array<i32>} : memref<8x1024xf32, #tpu.memory_space<vmem>>, vector<16xf32>,
        tpu.vector_store %arg16[%parallel_loop3A_973, %parallel_loop3A_974], %parallel_loop3A_971 {strides = array<i32>} : memref<8x1024xf32, #tpu.memory_space<vmem>>, vector<16xf32>,
        %parallel_loop3A_976 = arith.constant 1 : i32
        %parallel_loop3A_977 = arith.index_cast %parallel_loop3A_976 : i32 to index
        %parallel_loop3A_978 = arith.index_cast %parallel_loop3A_956 : i32 to index
        %parallel_loop3A_979 = tpu.vector_load %arg16[%parallel_loop3A_977, %parallel_loop3A_978] {strides = array<i32>} : memref<8x1024xf32, #tpu.memory_space<vmem>>, vector<16xf32>,
        %parallel_loop3A_980 = arith.addf %parallel_loop3A_979, %get3A_3 : vector<16xf32>
        %parallel_loop3A_981 = arith.constant 0.000000e+00 : f32
        %parallel_loop3A_982 = vector.broadcast %parallel_loop3A_981 : f32 to vector<16xf32>
        %parallel_loop3A_983 = arith.maximumf %parallel_loop3A_980, %parallel_loop3A_982 : vector<16xf32>
        %parallel_loop3A_984 = arith.constant 1.000000e+00 : f32
        %parallel_loop3A_985 = vector.broadcast %parallel_loop3A_984 : f32 to vector<16xf32>
        %parallel_loop3A_986 = arith.minimumf %parallel_loop3A_983, %parallel_loop3A_985 : vector<16xf32>
        %parallel_loop3A_987 = arith.constant 0.000000e+00 : f32
        %parallel_loop3A_988 = vector.broadcast %parallel_loop3A_987 : f32 to vector<16xf32>
        %parallel_loop3A_989 = arith.cmpf oeq, %parallel_loop3A_979, %parallel_loop3A_988 : vector<16xf32>
        %parallel_loop3A_990 = arith.select %parallel_loop3A_989, %parallel_loop3A_979, %parallel_loop3A_986 : vector<16xi1>, vector<16xf32>
        %parallel_loop3A_991 = arith.constant 1 : i32
        %parallel_loop3A_992 = arith.index_cast %parallel_loop3A_991 : i32 to index
        %parallel_loop3A_993 = arith.index_cast %parallel_loop3A_956 : i32 to index
        %parallel_loop3A_994 = tpu.vector_load %arg16[%parallel_loop3A_992, %parallel_loop3A_993] {strides = array<i32>} : memref<8x1024xf32, #tpu.memory_space<vmem>>, vector<16xf32>,
        tpu.vector_store %arg16[%parallel_loop3A_992, %parallel_loop3A_993], %parallel_loop3A_990 {strides = array<i32>} : memref<8x1024xf32, #tpu.memory_space<vmem>>, vector<16xf32>,
        %parallel_loop3A_995 = arith.constant 2 : i32
        %parallel_loop3A_996 = arith.index_cast %parallel_loop3A_995 : i32 to index
        %parallel_loop3A_997 = arith.index_cast %parallel_loop3A_956 : i32 to index
        %parallel_loop3A_998 = tpu.vector_load %arg16[%parallel_loop3A_996, %parallel_loop3A_997] {strides = array<i32>} : memref<8x1024xf32, #tpu.memory_space<vmem>>, vector<16xf32>,
        %parallel_loop3A_999 = arith.addf %parallel_loop3A_998, %get3A_3 : vector<16xf32>
        %parallel_loop3A_1000 = arith.constant 0.000000e+00 : f32
        %parallel_loop3A_1001 = vector.broadcast %parallel_loop3A_1000 : f32 to vector<16xf32>
        %parallel_loop3A_1002 = arith.maximumf %parallel_loop3A_999, %parallel_loop3A_1001 : vector<16xf32>
        %parallel_loop3A_1003 = arith.constant 1.000000e+00 : f32
        %parallel_loop3A_1004 = vector.broadcast %parallel_loop3A_1003 : f32 to vector<16xf32>
        %parallel_loop3A_1005 = arith.minimumf %parallel_loop3A_1002, %parallel_loop3A_1004 : vector<16xf32>
        %parallel_loop3A_1006 = arith.constant 0.000000e+00 : f32
        %parallel_loop3A_1007 = vector.broadcast %parallel_loop3A_1006 : f32 to vector<16xf32>
        %parallel_loop3A_1008 = arith.cmpf oeq, %parallel_loop3A_998, %parallel_loop3A_1007 : vector<16xf32>
        %parallel_loop3A_1009 = arith.select %parallel_loop3A_1008, %parallel_loop3A_998, %parallel_loop3A_1005 : vector<16xi1>, vector<16xf32>
        %parallel_loop3A_1010 = arith.constant 2 : i32
        %parallel_loop3A_1011 = arith.index_cast %parallel_loop3A_1010 : i32 to index
        %parallel_loop3A_1012 = arith.index_cast %parallel_loop3A_956 : i32 to index
        %parallel_loop3A_1013 = tpu.vector_load %arg16[%parallel_loop3A_1011, %parallel_loop3A_1012] {strides = array<i32>} : memref<8x1024xf32, #tpu.memory_space<vmem>>, vector<16xf32>,
        tpu.vector_store %arg16[%parallel_loop3A_1011, %parallel_loop3A_1012], %parallel_loop3A_1009 {strides = array<i32>} : memref<8x1024xf32, #tpu.memory_space<vmem>>, vector<16xf32>,
        %parallel_loop3A_1014 = arith.constant 3 : i32
        %parallel_loop3A_1015 = arith.index_cast %parallel_loop3A_1014 : i32 to index
        %parallel_loop3A_1016 = arith.index_cast %parallel_loop3A_956 : i32 to index
        %parallel_loop3A_1017 = tpu.vector_load %arg16[%parallel_loop3A_1015, %parallel_loop3A_1016] {strides = array<i32>} : memref<8x1024xf32, #tpu.memory_space<vmem>>, vector<16xf32>,
        %parallel_loop3A_1018 = arith.addf %parallel_loop3A_1017, %get3A_3 : vector<16xf32>
        %parallel_loop3A_1019 = arith.constant 0.000000e+00 : f32
        %parallel_loop3A_1020 = vector.broadcast %parallel_loop3A_1019 : f32 to vector<16xf32>
        %parallel_loop3A_1021 = arith.maximumf %parallel_loop3A_1018, %parallel_loop3A_1020 : vector<16xf32>
        %parallel_loop3A_1022 = arith.constant 1.000000e+00 : f32
        %parallel_loop3A_1023 = vector.broadcast %parallel_loop3A_1022 : f32 to vector<16xf32>
        %parallel_loop3A_1024 = arith.minimumf %parallel_loop3A_1021, %parallel_loop3A_1023 : vector<16xf32>
        %parallel_loop3A_1025 = arith.constant 0.000000e+00 : f32
        %parallel_loop3A_1026 = vector.broadcast %parallel_loop3A_1025 : f32 to vector<16xf32>
        %parallel_loop3A_1027 = arith.cmpf oeq, %parallel_loop3A_1017, %parallel_loop3A_1026 : vector<16xf32>
        %parallel_loop3A_1028 = arith.select %parallel_loop3A_1027, %parallel_loop3A_1017, %parallel_loop3A_1024 : vector<16xi1>, vector<16xf32>
        %parallel_loop3A_1029 = arith.constant 3 : i32
        %parallel_loop3A_1030 = arith.index_cast %parallel_loop3A_1029 : i32 to index
        %parallel_loop3A_1031 = arith.index_cast %parallel_loop3A_956 : i32 to index
        %parallel_loop3A_1032 = tpu.vector_load %arg16[%parallel_loop3A_1030, %parallel_loop3A_1031] {strides = array<i32>} : memref<8x1024xf32, #tpu.memory_space<vmem>>, vector<16xf32>,
        tpu.vector_store %arg16[%parallel_loop3A_1030, %parallel_loop3A_1031], %parallel_loop3A_1028 {strides = array<i32>} : memref<8x1024xf32, #tpu.memory_space<vmem>>, vector<16xf32>,
        %parallel_loop3A_1033 = arith.constant 4 : i32
        %parallel_loop3A_1034 = arith.index_cast %parallel_loop3A_1033 : i32 to index
        %parallel_loop3A_1035 = arith.index_cast %parallel_loop3A_956 : i32 to index
        %parallel_loop3A_1036 = tpu.vector_load %arg16[%parallel_loop3A_1034, %parallel_loop3A_1035] {strides = array<i32>} : memref<8x1024xf32, #tpu.memory_space<vmem>>, vector<16xf32>,
        %parallel_loop3A_1037 = arith.addf %parallel_loop3A_1036, %get3A_3 : vector<16xf32>
        %parallel_loop3A_1038 = arith.constant 0.000000e+00 : f32
        %parallel_loop3A_1039 = vector.broadcast %parallel_loop3A_1038 : f32 to vector<16xf32>
        %parallel_loop3A_1040 = arith.maximumf %parallel_loop3A_1037, %parallel_loop3A_1039 : vector<16xf32>
        %parallel_loop3A_1041 = arith.constant 1.000000e+00 : f32
        %parallel_loop3A_1042 = vector.broadcast %parallel_loop3A_1041 : f32 to vector<16xf32>
        %parallel_loop3A_1043 = arith.minimumf %parallel_loop3A_1040, %parallel_loop3A_1042 : vector<16xf32>
        %parallel_loop3A_1044 = arith.constant 0.000000e+00 : f32
        %parallel_loop3A_1045 = vector.broadcast %parallel_loop3A_1044 : f32 to vector<16xf32>
        %parallel_loop3A_1046 = arith.cmpf oeq, %parallel_loop3A_1036, %parallel_loop3A_1045 : vector<16xf32>
        %parallel_loop3A_1047 = arith.select %parallel_loop3A_1046, %parallel_loop3A_1036, %parallel_loop3A_1043 : vector<16xi1>, vector<16xf32>
        %parallel_loop3A_1048 = arith.constant 4 : i32
        %parallel_loop3A_1049 = arith.index_cast %parallel_loop3A_1048 : i32 to index
        %parallel_loop3A_1050 = arith.index_cast %parallel_loop3A_956 : i32 to index
        %parallel_loop3A_1051 = tpu.vector_load %arg16[%parallel_loop3A_1049, %parallel_loop3A_1050] {strides = array<i32>} : memref<8x1024xf32, #tpu.memory_space<vmem>>, vector<16xf32>,
        tpu.vector_store %arg16[%parallel_loop3A_1049, %parallel_loop3A_1050], %parallel_loop3A_1047 {strides = array<i32>} : memref<8x1024xf32, #tpu.memory_space<vmem>>, vector<16xf32>,
        %parallel_loop3A_1052 = arith.constant 5 : i32
        %parallel_loop3A_1053 = arith.index_cast %parallel_loop3A_1052 : i32 to index
        %parallel_loop3A_1054 = arith.index_cast %parallel_loop3A_956 : i32 to index
        %parallel_loop3A_1055 = tpu.vector_load %arg16[%parallel_loop3A_1053, %parallel_loop3A_1054] {strides = array<i32>} : memref<8x1024xf32, #tpu.memory_space<vmem>>, vector<16xf32>,
        %parallel_loop3A_1056 = arith.addf %parallel_loop3A_1055, %get3A_3 : vector<16xf32>
        %parallel_loop3A_1057 = arith.constant 0.000000e+00 : f32
        %parallel_loop3A_1058 = vector.broadcast %parallel_loop3A_1057 : f32 to vector<16xf32>
        %parallel_loop3A_1059 = arith.maximumf %parallel_loop3A_1056, %parallel_loop3A_1058 : vector<16xf32>
        %parallel_loop3A_1060 = arith.constant 1.000000e+00 : f32
        %parallel_loop3A_1061 = vector.broadcast %parallel_loop3A_1060 : f32 to vector<16xf32>
        %parallel_loop3A_1062 = arith.minimumf %parallel_loop3A_1059, %parallel_loop3A_1061 : vector<16xf32>
        %parallel_loop3A_1063 = arith.constant 0.000000e+00 : f32
        %parallel_loop3A_1064 = vector.broadcast %parallel_loop3A_1063 : f32 to vector<16xf32>
        %parallel_loop3A_1065 = arith.cmpf oeq, %parallel_loop3A_1055, %parallel_loop3A_1064 : vector<16xf32>
        %parallel_loop3A_1066 = arith.select %parallel_loop3A_1065, %parallel_loop3A_1055, %parallel_loop3A_1062 : vector<16xi1>, vector<16xf32>
        %parallel_loop3A_1067 = arith.constant 5 : i32
        %parallel_loop3A_1068 = arith.index_cast %parallel_loop3A_1067 : i32 to index
        %parallel_loop3A_1069 = arith.index_cast %parallel_loop3A_956 : i32 to index
        %parallel_loop3A_1070 = tpu.vector_load %arg16[%parallel_loop3A_1068, %parallel_loop3A_1069] {strides = array<i32>} : memref<8x1024xf32, #tpu.memory_space<vmem>>, vector<16xf32>,
        tpu.vector_store %arg16[%parallel_loop3A_1068, %parallel_loop3A_1069], %parallel_loop3A_1066 {strides = array<i32>} : memref<8x1024xf32, #tpu.memory_space<vmem>>, vector<16xf32>,
        %parallel_loop3A_1071 = arith.constant 6 : i32
        %parallel_loop3A_1072 = arith.index_cast %parallel_loop3A_1071 : i32 to index
        %parallel_loop3A_1073 = arith.index_cast %parallel_loop3A_956 : i32 to index
        %parallel_loop3A_1074 = tpu.vector_load %arg16[%parallel_loop3A_1072, %parallel_loop3A_1073] {strides = array<i32>} : memref<8x1024xf32, #tpu.memory_space<vmem>>, vector<16xf32>,
        %parallel_loop3A_1075 = arith.addf %parallel_loop3A_1074, %get3A_3 : vector<16xf32>
        %parallel_loop3A_1076 = arith.constant 0.000000e+00 : f32
        %parallel_loop3A_1077 = vector.broadcast %parallel_loop3A_1076 : f32 to vector<16xf32>
        %parallel_loop3A_1078 = arith.maximumf %parallel_loop3A_1075, %parallel_loop3A_1077 : vector<16xf32>
        %parallel_loop3A_1079 = arith.constant 1.000000e+00 : f32
        %parallel_loop3A_1080 = vector.broadcast %parallel_loop3A_1079 : f32 to vector<16xf32>
        %parallel_loop3A_1081 = arith.minimumf %parallel_loop3A_1078, %parallel_loop3A_1080 : vector<16xf32>
        %parallel_loop3A_1082 = arith.constant 0.000000e+00 : f32
        %parallel_loop3A_1083 = vector.broadcast %parallel_loop3A_1082 : f32 to vector<16xf32>
        %parallel_loop3A_1084 = arith.cmpf oeq, %parallel_loop3A_1074, %parallel_loop3A_1083 : vector<16xf32>
        %parallel_loop3A_1085 = arith.select %parallel_loop3A_1084, %parallel_loop3A_1074, %parallel_loop3A_1081 : vector<16xi1>, vector<16xf32>
        %parallel_loop3A_1086 = arith.constant 6 : i32
        %parallel_loop3A_1087 = arith.index_cast %parallel_loop3A_1086 : i32 to index
        %parallel_loop3A_1088 = arith.index_cast %parallel_loop3A_956 : i32 to index
        %parallel_loop3A_1089 = tpu.vector_load %arg16[%parallel_loop3A_1087, %parallel_loop3A_1088] {strides = array<i32>} : memref<8x1024xf32, #tpu.memory_space<vmem>>, vector<16xf32>,
        tpu.vector_store %arg16[%parallel_loop3A_1087, %parallel_loop3A_1088], %parallel_loop3A_1085 {strides = array<i32>} : memref<8x1024xf32, #tpu.memory_space<vmem>>, vector<16xf32>,
        %parallel_loop3A_1090 = arith.constant 7 : i32
        %parallel_loop3A_1091 = arith.index_cast %parallel_loop3A_1090 : i32 to index
        %parallel_loop3A_1092 = arith.index_cast %parallel_loop3A_956 : i32 to index
        %parallel_loop3A_1093 = tpu.vector_load %arg16[%parallel_loop3A_1091, %parallel_loop3A_1092] {strides = array<i32>} : memref<8x1024xf32, #tpu.memory_space<vmem>>, vector<16xf32>,
        %parallel_loop3A_1094 = arith.addf %parallel_loop3A_1093, %get3A_3 : vector<16xf32>
        %parallel_loop3A_1095 = arith.constant 0.000000e+00 : f32
        %parallel_loop3A_1096 = vector.broadcast %parallel_loop3A_1095 : f32 to vector<16xf32>
        %parallel_loop3A_1097 = arith.maximumf %parallel_loop3A_1094, %parallel_loop3A_1096 : vector<16xf32>
        %parallel_loop3A_1098 = arith.constant 1.000000e+00 : f32
        %parallel_loop3A_1099 = vector.broadcast %parallel_loop3A_1098 : f32 to vector<16xf32>
        %parallel_loop3A_1100 = arith.minimumf %parallel_loop3A_1097, %parallel_loop3A_1099 : vector<16xf32>
        %parallel_loop3A_1101 = arith.constant 0.000000e+00 : f32
        %parallel_loop3A_1102 = vector.broadcast %parallel_loop3A_1101 : f32 to vector<16xf32>
        %parallel_loop3A_1103 = arith.cmpf oeq, %parallel_loop3A_1093, %parallel_loop3A_1102 : vector<16xf32>
        %parallel_loop3A_1104 = arith.select %parallel_loop3A_1103, %parallel_loop3A_1093, %parallel_loop3A_1100 : vector<16xi1>, vector<16xf32>
        %parallel_loop3A_1105 = arith.constant 7 : i32
        %parallel_loop3A_1106 = arith.index_cast %parallel_loop3A_1105 : i32 to index
        %parallel_loop3A_1107 = arith.index_cast %parallel_loop3A_956 : i32 to index
        %parallel_loop3A_1108 = tpu.vector_load %arg16[%parallel_loop3A_1106, %parallel_loop3A_1107] {strides = array<i32>} : memref<8x1024xf32, #tpu.memory_space<vmem>>, vector<16xf32>,
        tpu.vector_store %arg16[%parallel_loop3A_1106, %parallel_loop3A_1107], %parallel_loop3A_1104 {strides = array<i32>} : memref<8x1024xf32, #tpu.memory_space<vmem>>, vector<16xf32>,
      } {sc.loop_unroll_factor = 1 : i64, sc.parallel_access}
      %mul3A_887 = arith.constant 1024 : i32
      %mul3A_888 = arith.muli %scan3A_169, %mul3A_887 : i32
      %add3A_889 = arith.addi %mul3A_2, %mul3A_888 : i32
      %dma_start3A_890 = arith.constant 192 : i32
      %dma_start3A_891 = tpu.memref_slice %arg4[%dma_start3A_890, %add3A_889] : memref<204x262144xf32, #tpu.memory_space<hbm>> -> memref<8x1024xf32, #tpu.memory_space<hbm>>
      %dma_start3A_892 = arith.constant 192 : i32
      %dma_start3A_893 = tpu.memref_slice %arg4[%dma_start3A_892, %add3A_889] : memref<204x262144xf32, #tpu.memory_space<hbm>> -> memref<8x1024xf32, #tpu.memory_space<hbm>>
      tpu.enqueue_dma source(%arg16 : memref<8x1024xf32, #tpu.memory_space<vmem>>) target(%dma_start3A_893 : memref<8x1024xf32, #tpu.memory_space<hbm>>) target_semaphore(%arg43 : memref<!tpu.dma_semaphore, #tpu.memory_space<semaphore_mem>>)
      %mul3A_894 = arith.constant 26 : i32
      %mul3A_895 = arith.muli %scan3A_169, %mul3A_894 : i32
      %add3A_896 = arith.constant 24 : i32
      %add3A_897 = arith.addi %mul3A_895, %add3A_896 : i32
      %add3A_898 = arith.constant 11 : i32
      %add3A_899 = arith.addi %add3A_897, %add3A_898 : i32
      %add3A_900 = arith.constant 1 : i32
      %add3A_901 = arith.addi %scan3A_169, %add3A_900 : i32
      %ge3A_902 = arith.constant 13 : i32
      %ge3A_903 = arith.cmpi sge, %add3A_899, %ge3A_902 : i32
      %lt3A_904 = arith.constant 208 : i32
      %lt3A_905 = arith.cmpi slt, %add3A_899, %lt3A_904 : i32
      %and3A_906 = arith.andi %ge3A_903, %lt3A_905 : i1
      %convert_element_type3A_907 = arith.extui %and3A_906 : i1 to i32
      %cond3A_908 = arith.constant 0 : i32
      %cond3A_909 = arith.cmpi ne, %convert_element_type3A_907, %cond3A_908 : i32
      scf.if %cond3A_909 {
        %add3A_954 = arith.constant 0 : i32
        %add3A_955 = arith.addi %mul3A_2, %add3A_954 : i32
        %dma_wait3A_956 = arith.constant 176 : i32
        %dma_wait3A_957 = tpu.memref_slice %arg4[%dma_wait3A_956, %add3A_955] : memref<204x262144xf32, #tpu.memory_space<hbm>> -> memref<8x1024xf32, #tpu.memory_space<hbm>>
        %dma_wait3A_958 = arith.constant 176 : i32
        %dma_wait3A_959 = tpu.memref_slice %arg4[%dma_wait3A_958, %add3A_955] : memref<204x262144xf32, #tpu.memory_space<hbm>> -> memref<8x1024xf32, #tpu.memory_space<hbm>>
        tpu.wait_dma2 semaphore(%arg41 : memref<!tpu.dma_semaphore, #tpu.memory_space<semaphore_mem>>) src(%arg14 : memref<8x1024xf32, #tpu.memory_space<vmem>>) dst(%dma_wait3A_959 : memref<8x1024xf32, #tpu.memory_space<hbm>>)
        %mul3A_960 = arith.constant 1024 : i32
        %mul3A_961 = arith.muli %add3A_901, %mul3A_960 : i32
        %add3A_962 = arith.addi %mul3A_2, %mul3A_961 : i32
        %dma_start3A_963 = arith.constant 72 : i32
        %dma_start3A_964 = tpu.memref_slice %arg2[%dma_start3A_963, %add3A_962] : memref<204x262144xf32, #tpu.memory_space<hbm>> -> memref<8x1024xf32, #tpu.memory_space<hbm>>
        %dma_start3A_965 = arith.constant 72 : i32
        %dma_start3A_966 = tpu.memref_slice %arg2[%dma_start3A_965, %add3A_962] : memref<204x262144xf32, #tpu.memory_space<hbm>> -> memref<8x1024xf32, #tpu.memory_space<hbm>>
        tpu.enqueue_dma source(%dma_start3A_966 : memref<8x1024xf32, #tpu.memory_space<hbm>>) target(%arg14 : memref<8x1024xf32, #tpu.memory_space<vmem>>) target_semaphore(%arg28 : memref<!tpu.dma_semaphore, #tpu.memory_space<semaphore_mem>>)
      } else {
      }
      %add3A_910 = arith.constant 0 : i32
      %add3A_911 = arith.addi %mul3A_2, %add3A_910 : i32
      %dma_wait3A_912 = arith.constant 0 : i32
      %dma_wait3A_913 = arith.constant 0 : i32
      %dma_wait3A_914 = tpu.memref_slice %arg17[%dma_wait3A_912, %dma_wait3A_913] : memref<8x1024xf32, #tpu.memory_space<vmem>> -> memref<4x1024xf32, #tpu.memory_space<vmem>>
      %dma_wait3A_915 = arith.constant 200 : i32
      %dma_wait3A_916 = tpu.memref_slice %arg2[%dma_wait3A_915, %add3A_911] : memref<204x262144xf32, #tpu.memory_space<hbm>> -> memref<4x1024xf32, #tpu.memory_space<hbm>>
      %dma_wait3A_917 = arith.constant 0 : i32
      %dma_wait3A_918 = arith.constant 0 : i32
      %dma_wait3A_919 = tpu.memref_slice %arg17[%dma_wait3A_917, %dma_wait3A_918] : memref<8x1024xf32, #tpu.memory_space<vmem>> -> memref<4x1024xf32, #tpu.memory_space<vmem>>
      %dma_wait3A_920 = arith.constant 200 : i32
      %dma_wait3A_921 = tpu.memref_slice %arg2[%dma_wait3A_920, %add3A_911] : memref<204x262144xf32, #tpu.memory_space<hbm>> -> memref<4x1024xf32, #tpu.memory_space<hbm>>
      tpu.wait_dma2 semaphore(%arg31 : memref<!tpu.dma_semaphore, #tpu.memory_space<semaphore_mem>>) src(%dma_wait3A_921 : memref<4x1024xf32, #tpu.memory_space<hbm>>) dst(%dma_wait3A_919 : memref<4x1024xf32, #tpu.memory_space<vmem>>)
      %parallel_loop3A_922 = arith.constant 0 : i32
      %parallel_loop3A_923 = arith.constant 64 : i32
      %parallel_loop3A_924 = arith.constant 1 : i32
      scf.for %parallel_loop3A_954 = %parallel_loop3A_922 to %parallel_loop3A_923 step %parallel_loop3A_924  : i32 {
        %parallel_loop3A_955 = arith.constant 16 : i32
        %parallel_loop3A_956 = arith.muli %parallel_loop3A_954, %parallel_loop3A_955 : i32
        %parallel_loop3A_957 = arith.constant 0 : i32
        %parallel_loop3A_958 = arith.index_cast %parallel_loop3A_957 : i32 to index
        %parallel_loop3A_959 = arith.index_cast %parallel_loop3A_956 : i32 to index
        %parallel_loop3A_960 = tpu.vector_load %arg17[%parallel_loop3A_958, %parallel_loop3A_959] {strides = array<i32>} : memref<8x1024xf32, #tpu.memory_space<vmem>>, vector<16xf32>,
        %parallel_loop3A_961 = arith.addf %parallel_loop3A_960, %get3A_3 : vector<16xf32>
        %parallel_loop3A_962 = arith.constant 0.000000e+00 : f32
        %parallel_loop3A_963 = vector.broadcast %parallel_loop3A_962 : f32 to vector<16xf32>
        %parallel_loop3A_964 = arith.maximumf %parallel_loop3A_961, %parallel_loop3A_963 : vector<16xf32>
        %parallel_loop3A_965 = arith.constant 1.000000e+00 : f32
        %parallel_loop3A_966 = vector.broadcast %parallel_loop3A_965 : f32 to vector<16xf32>
        %parallel_loop3A_967 = arith.minimumf %parallel_loop3A_964, %parallel_loop3A_966 : vector<16xf32>
        %parallel_loop3A_968 = arith.constant 0.000000e+00 : f32
        %parallel_loop3A_969 = vector.broadcast %parallel_loop3A_968 : f32 to vector<16xf32>
        %parallel_loop3A_970 = arith.cmpf oeq, %parallel_loop3A_960, %parallel_loop3A_969 : vector<16xf32>
        %parallel_loop3A_971 = arith.select %parallel_loop3A_970, %parallel_loop3A_960, %parallel_loop3A_967 : vector<16xi1>, vector<16xf32>
        %parallel_loop3A_972 = arith.constant 0 : i32
        %parallel_loop3A_973 = arith.index_cast %parallel_loop3A_972 : i32 to index
        %parallel_loop3A_974 = arith.index_cast %parallel_loop3A_956 : i32 to index
        %parallel_loop3A_975 = tpu.vector_load %arg17[%parallel_loop3A_973, %parallel_loop3A_974] {strides = array<i32>} : memref<8x1024xf32, #tpu.memory_space<vmem>>, vector<16xf32>,
        tpu.vector_store %arg17[%parallel_loop3A_973, %parallel_loop3A_974], %parallel_loop3A_971 {strides = array<i32>} : memref<8x1024xf32, #tpu.memory_space<vmem>>, vector<16xf32>,
        %parallel_loop3A_976 = arith.constant 1 : i32
        %parallel_loop3A_977 = arith.index_cast %parallel_loop3A_976 : i32 to index
        %parallel_loop3A_978 = arith.index_cast %parallel_loop3A_956 : i32 to index
        %parallel_loop3A_979 = tpu.vector_load %arg17[%parallel_loop3A_977, %parallel_loop3A_978] {strides = array<i32>} : memref<8x1024xf32, #tpu.memory_space<vmem>>, vector<16xf32>,
        %parallel_loop3A_980 = arith.addf %parallel_loop3A_979, %get3A_3 : vector<16xf32>
        %parallel_loop3A_981 = arith.constant 0.000000e+00 : f32
        %parallel_loop3A_982 = vector.broadcast %parallel_loop3A_981 : f32 to vector<16xf32>
        %parallel_loop3A_983 = arith.maximumf %parallel_loop3A_980, %parallel_loop3A_982 : vector<16xf32>
        %parallel_loop3A_984 = arith.constant 1.000000e+00 : f32
        %parallel_loop3A_985 = vector.broadcast %parallel_loop3A_984 : f32 to vector<16xf32>
        %parallel_loop3A_986 = arith.minimumf %parallel_loop3A_983, %parallel_loop3A_985 : vector<16xf32>
        %parallel_loop3A_987 = arith.constant 0.000000e+00 : f32
        %parallel_loop3A_988 = vector.broadcast %parallel_loop3A_987 : f32 to vector<16xf32>
        %parallel_loop3A_989 = arith.cmpf oeq, %parallel_loop3A_979, %parallel_loop3A_988 : vector<16xf32>
        %parallel_loop3A_990 = arith.select %parallel_loop3A_989, %parallel_loop3A_979, %parallel_loop3A_986 : vector<16xi1>, vector<16xf32>
        %parallel_loop3A_991 = arith.constant 1 : i32
        %parallel_loop3A_992 = arith.index_cast %parallel_loop3A_991 : i32 to index
        %parallel_loop3A_993 = arith.index_cast %parallel_loop3A_956 : i32 to index
        %parallel_loop3A_994 = tpu.vector_load %arg17[%parallel_loop3A_992, %parallel_loop3A_993] {strides = array<i32>} : memref<8x1024xf32, #tpu.memory_space<vmem>>, vector<16xf32>,
        tpu.vector_store %arg17[%parallel_loop3A_992, %parallel_loop3A_993], %parallel_loop3A_990 {strides = array<i32>} : memref<8x1024xf32, #tpu.memory_space<vmem>>, vector<16xf32>,
        %parallel_loop3A_995 = arith.constant 2 : i32
        %parallel_loop3A_996 = arith.index_cast %parallel_loop3A_995 : i32 to index
        %parallel_loop3A_997 = arith.index_cast %parallel_loop3A_956 : i32 to index
        %parallel_loop3A_998 = tpu.vector_load %arg17[%parallel_loop3A_996, %parallel_loop3A_997] {strides = array<i32>} : memref<8x1024xf32, #tpu.memory_space<vmem>>, vector<16xf32>,
        %parallel_loop3A_999 = arith.addf %parallel_loop3A_998, %get3A_3 : vector<16xf32>
        %parallel_loop3A_1000 = arith.constant 0.000000e+00 : f32
        %parallel_loop3A_1001 = vector.broadcast %parallel_loop3A_1000 : f32 to vector<16xf32>
        %parallel_loop3A_1002 = arith.maximumf %parallel_loop3A_999, %parallel_loop3A_1001 : vector<16xf32>
        %parallel_loop3A_1003 = arith.constant 1.000000e+00 : f32
        %parallel_loop3A_1004 = vector.broadcast %parallel_loop3A_1003 : f32 to vector<16xf32>
        %parallel_loop3A_1005 = arith.minimumf %parallel_loop3A_1002, %parallel_loop3A_1004 : vector<16xf32>
        %parallel_loop3A_1006 = arith.constant 0.000000e+00 : f32
        %parallel_loop3A_1007 = vector.broadcast %parallel_loop3A_1006 : f32 to vector<16xf32>
        %parallel_loop3A_1008 = arith.cmpf oeq, %parallel_loop3A_998, %parallel_loop3A_1007 : vector<16xf32>
        %parallel_loop3A_1009 = arith.select %parallel_loop3A_1008, %parallel_loop3A_998, %parallel_loop3A_1005 : vector<16xi1>, vector<16xf32>
        %parallel_loop3A_1010 = arith.constant 2 : i32
        %parallel_loop3A_1011 = arith.index_cast %parallel_loop3A_1010 : i32 to index
        %parallel_loop3A_1012 = arith.index_cast %parallel_loop3A_956 : i32 to index
        %parallel_loop3A_1013 = tpu.vector_load %arg17[%parallel_loop3A_1011, %parallel_loop3A_1012] {strides = array<i32>} : memref<8x1024xf32, #tpu.memory_space<vmem>>, vector<16xf32>,
        tpu.vector_store %arg17[%parallel_loop3A_1011, %parallel_loop3A_1012], %parallel_loop3A_1009 {strides = array<i32>} : memref<8x1024xf32, #tpu.memory_space<vmem>>, vector<16xf32>,
        %parallel_loop3A_1014 = arith.constant 3 : i32
        %parallel_loop3A_1015 = arith.index_cast %parallel_loop3A_1014 : i32 to index
        %parallel_loop3A_1016 = arith.index_cast %parallel_loop3A_956 : i32 to index
        %parallel_loop3A_1017 = tpu.vector_load %arg17[%parallel_loop3A_1015, %parallel_loop3A_1016] {strides = array<i32>} : memref<8x1024xf32, #tpu.memory_space<vmem>>, vector<16xf32>,
        %parallel_loop3A_1018 = arith.addf %parallel_loop3A_1017, %get3A_3 : vector<16xf32>
        %parallel_loop3A_1019 = arith.constant 0.000000e+00 : f32
        %parallel_loop3A_1020 = vector.broadcast %parallel_loop3A_1019 : f32 to vector<16xf32>
        %parallel_loop3A_1021 = arith.maximumf %parallel_loop3A_1018, %parallel_loop3A_1020 : vector<16xf32>
        %parallel_loop3A_1022 = arith.constant 1.000000e+00 : f32
        %parallel_loop3A_1023 = vector.broadcast %parallel_loop3A_1022 : f32 to vector<16xf32>
        %parallel_loop3A_1024 = arith.minimumf %parallel_loop3A_1021, %parallel_loop3A_1023 : vector<16xf32>
        %parallel_loop3A_1025 = arith.constant 0.000000e+00 : f32
        %parallel_loop3A_1026 = vector.broadcast %parallel_loop3A_1025 : f32 to vector<16xf32>
        %parallel_loop3A_1027 = arith.cmpf oeq, %parallel_loop3A_1017, %parallel_loop3A_1026 : vector<16xf32>
        %parallel_loop3A_1028 = arith.select %parallel_loop3A_1027, %parallel_loop3A_1017, %parallel_loop3A_1024 : vector<16xi1>, vector<16xf32>
        %parallel_loop3A_1029 = arith.constant 3 : i32
        %parallel_loop3A_1030 = arith.index_cast %parallel_loop3A_1029 : i32 to index
        %parallel_loop3A_1031 = arith.index_cast %parallel_loop3A_956 : i32 to index
        %parallel_loop3A_1032 = tpu.vector_load %arg17[%parallel_loop3A_1030, %parallel_loop3A_1031] {strides = array<i32>} : memref<8x1024xf32, #tpu.memory_space<vmem>>, vector<16xf32>,
        tpu.vector_store %arg17[%parallel_loop3A_1030, %parallel_loop3A_1031], %parallel_loop3A_1028 {strides = array<i32>} : memref<8x1024xf32, #tpu.memory_space<vmem>>, vector<16xf32>,
      } {sc.loop_unroll_factor = 1 : i64, sc.parallel_access}
      %mul3A_925 = arith.constant 1024 : i32
      %mul3A_926 = arith.muli %scan3A_169, %mul3A_925 : i32
      %add3A_927 = arith.addi %mul3A_2, %mul3A_926 : i32
      %dma_start3A_928 = arith.constant 0 : i32
      %dma_start3A_929 = arith.constant 0 : i32
      %dma_start3A_930 = tpu.memref_slice %arg17[%dma_start3A_928, %dma_start3A_929] : memref<8x1024xf32, #tpu.memory_space<vmem>> -> memref<4x1024xf32, #tpu.memory_space<vmem>>
      %dma_start3A_931 = arith.constant 200 : i32
      %dma_start3A_932 = tpu.memref_slice %arg4[%dma_start3A_931, %add3A_927] : memref<204x262144xf32, #tpu.memory_space<hbm>> -> memref<4x1024xf32, #tpu.memory_space<hbm>>
      %dma_start3A_933 = arith.constant 200 : i32
      %dma_start3A_934 = tpu.memref_slice %arg4[%dma_start3A_933, %add3A_927] : memref<204x262144xf32, #tpu.memory_space<hbm>> -> memref<4x1024xf32, #tpu.memory_space<hbm>>
      %dma_start3A_935 = arith.constant 0 : i32
      %dma_start3A_936 = arith.constant 0 : i32
      %dma_start3A_937 = tpu.memref_slice %arg17[%dma_start3A_935, %dma_start3A_936] : memref<8x1024xf32, #tpu.memory_space<vmem>> -> memref<4x1024xf32, #tpu.memory_space<vmem>>
      tpu.enqueue_dma source(%dma_start3A_937 : memref<4x1024xf32, #tpu.memory_space<vmem>>) target(%dma_start3A_934 : memref<4x1024xf32, #tpu.memory_space<hbm>>) target_semaphore(%arg44 : memref<!tpu.dma_semaphore, #tpu.memory_space<semaphore_mem>>)
      %mul3A_938 = arith.constant 26 : i32
      %mul3A_939 = arith.muli %scan3A_169, %mul3A_938 : i32
      %add3A_940 = arith.constant 25 : i32
      %add3A_941 = arith.addi %mul3A_939, %add3A_940 : i32
      %add3A_942 = arith.constant 11 : i32
      %add3A_943 = arith.addi %add3A_941, %add3A_942 : i32
      %add3A_944 = arith.constant 1 : i32
      %add3A_945 = arith.addi %scan3A_169, %add3A_944 : i32
      %ge3A_946 = arith.constant 13 : i32
      %ge3A_947 = arith.cmpi sge, %add3A_943, %ge3A_946 : i32
      %lt3A_948 = arith.constant 208 : i32
      %lt3A_949 = arith.cmpi slt, %add3A_943, %lt3A_948 : i32
      %and3A_950 = arith.andi %ge3A_947, %lt3A_949 : i1
      %convert_element_type3A_951 = arith.extui %and3A_950 : i1 to i32
      %cond3A_952 = arith.constant 0 : i32
      %cond3A_953 = arith.cmpi ne, %convert_element_type3A_951, %cond3A_952 : i32
      scf.if %cond3A_953 {
        %add3A_954 = arith.constant 0 : i32
        %add3A_955 = arith.addi %mul3A_2, %add3A_954 : i32
        %dma_wait3A_956 = arith.constant 184 : i32
        %dma_wait3A_957 = tpu.memref_slice %arg4[%dma_wait3A_956, %add3A_955] : memref<204x262144xf32, #tpu.memory_space<hbm>> -> memref<8x1024xf32, #tpu.memory_space<hbm>>
        %dma_wait3A_958 = arith.constant 184 : i32
        %dma_wait3A_959 = tpu.memref_slice %arg4[%dma_wait3A_958, %add3A_955] : memref<204x262144xf32, #tpu.memory_space<hbm>> -> memref<8x1024xf32, #tpu.memory_space<hbm>>
        tpu.wait_dma2 semaphore(%arg42 : memref<!tpu.dma_semaphore, #tpu.memory_space<semaphore_mem>>) src(%arg15 : memref<8x1024xf32, #tpu.memory_space<vmem>>) dst(%dma_wait3A_959 : memref<8x1024xf32, #tpu.memory_space<hbm>>)
        %mul3A_960 = arith.constant 1024 : i32
        %mul3A_961 = arith.muli %add3A_945, %mul3A_960 : i32
        %add3A_962 = arith.addi %mul3A_2, %mul3A_961 : i32
        %dma_start3A_963 = arith.constant 80 : i32
        %dma_start3A_964 = tpu.memref_slice %arg2[%dma_start3A_963, %add3A_962] : memref<204x262144xf32, #tpu.memory_space<hbm>> -> memref<8x1024xf32, #tpu.memory_space<hbm>>
        %dma_start3A_965 = arith.constant 80 : i32
        %dma_start3A_966 = tpu.memref_slice %arg2[%dma_start3A_965, %add3A_962] : memref<204x262144xf32, #tpu.memory_space<hbm>> -> memref<8x1024xf32, #tpu.memory_space<hbm>>
        tpu.enqueue_dma source(%dma_start3A_966 : memref<8x1024xf32, #tpu.memory_space<hbm>>) target(%arg15 : memref<8x1024xf32, #tpu.memory_space<vmem>>) target_semaphore(%arg29 : memref<!tpu.dma_semaphore, #tpu.memory_space<semaphore_mem>>)
      } else {
      }
    }
    %scan3A_85 = arith.constant 8 : i32
    %add3A_86 = arith.constant 0 : i32
    %add3A_87 = arith.addi %mul3A_2, %add3A_86 : i32
    %dma_wait3A = arith.constant 104 : i32
    %dma_wait3A_88 = tpu.memref_slice %arg4[%dma_wait3A, %add3A_87] : memref<204x262144xf32, #tpu.memory_space<hbm>> -> memref<8x1024xf32, #tpu.memory_space<hbm>>
    %dma_wait3A_89 = arith.constant 104 : i32
    %dma_wait3A_90 = tpu.memref_slice %arg4[%dma_wait3A_89, %add3A_87] : memref<204x262144xf32, #tpu.memory_space<hbm>> -> memref<8x1024xf32, #tpu.memory_space<hbm>>
    tpu.wait_dma2 semaphore(%arg32 : memref<!tpu.dma_semaphore, #tpu.memory_space<semaphore_mem>>) src(%arg5 : memref<8x1024xf32, #tpu.memory_space<vmem>>) dst(%dma_wait3A_90 : memref<8x1024xf32, #tpu.memory_space<hbm>>)
    %add3A_91 = arith.constant 0 : i32
    %add3A_92 = arith.addi %mul3A_2, %add3A_91 : i32
    %dma_wait3A_93 = arith.constant 112 : i32
    %dma_wait3A_94 = tpu.memref_slice %arg4[%dma_wait3A_93, %add3A_92] : memref<204x262144xf32, #tpu.memory_space<hbm>> -> memref<8x1024xf32, #tpu.memory_space<hbm>>
    %dma_wait3A_95 = arith.constant 112 : i32
    %dma_wait3A_96 = tpu.memref_slice %arg4[%dma_wait3A_95, %add3A_92] : memref<204x262144xf32, #tpu.memory_space<hbm>> -> memref<8x1024xf32, #tpu.memory_space<hbm>>
    tpu.wait_dma2 semaphore(%arg33 : memref<!tpu.dma_semaphore, #tpu.memory_space<semaphore_mem>>) src(%arg6 : memref<8x1024xf32, #tpu.memory_space<vmem>>) dst(%dma_wait3A_96 : memref<8x1024xf32, #tpu.memory_space<hbm>>)
    %add3A_97 = arith.constant 0 : i32
    %add3A_98 = arith.addi %mul3A_2, %add3A_97 : i32
    %dma_wait3A_99 = arith.constant 120 : i32
    %dma_wait3A_100 = tpu.memref_slice %arg4[%dma_wait3A_99, %add3A_98] : memref<204x262144xf32, #tpu.memory_space<hbm>> -> memref<8x1024xf32, #tpu.memory_space<hbm>>
    %dma_wait3A_101 = arith.constant 120 : i32
    %dma_wait3A_102 = tpu.memref_slice %arg4[%dma_wait3A_101, %add3A_98] : memref<204x262144xf32, #tpu.memory_space<hbm>> -> memref<8x1024xf32, #tpu.memory_space<hbm>>
    tpu.wait_dma2 semaphore(%arg34 : memref<!tpu.dma_semaphore, #tpu.memory_space<semaphore_mem>>) src(%arg7 : memref<8x1024xf32, #tpu.memory_space<vmem>>) dst(%dma_wait3A_102 : memref<8x1024xf32, #tpu.memory_space<hbm>>)
    %add3A_103 = arith.constant 0 : i32
    %add3A_104 = arith.addi %mul3A_2, %add3A_103 : i32
    %dma_wait3A_105 = arith.constant 128 : i32
    %dma_wait3A_106 = tpu.memref_slice %arg4[%dma_wait3A_105, %add3A_104] : memref<204x262144xf32, #tpu.memory_space<hbm>> -> memref<8x1024xf32, #tpu.memory_space<hbm>>
    %dma_wait3A_107 = arith.constant 128 : i32
    %dma_wait3A_108 = tpu.memref_slice %arg4[%dma_wait3A_107, %add3A_104] : memref<204x262144xf32, #tpu.memory_space<hbm>> -> memref<8x1024xf32, #tpu.memory_space<hbm>>
    tpu.wait_dma2 semaphore(%arg35 : memref<!tpu.dma_semaphore, #tpu.memory_space<semaphore_mem>>) src(%arg8 : memref<8x1024xf32, #tpu.memory_space<vmem>>) dst(%dma_wait3A_108 : memref<8x1024xf32, #tpu.memory_space<hbm>>)
    %add3A_109 = arith.constant 0 : i32
    %add3A_110 = arith.addi %mul3A_2, %add3A_109 : i32
    %dma_wait3A_111 = arith.constant 136 : i32
    %dma_wait3A_112 = tpu.memref_slice %arg4[%dma_wait3A_111, %add3A_110] : memref<204x262144xf32, #tpu.memory_space<hbm>> -> memref<8x1024xf32, #tpu.memory_space<hbm>>
    %dma_wait3A_113 = arith.constant 136 : i32
    %dma_wait3A_114 = tpu.memref_slice %arg4[%dma_wait3A_113, %add3A_110] : memref<204x262144xf32, #tpu.memory_space<hbm>> -> memref<8x1024xf32, #tpu.memory_space<hbm>>
    tpu.wait_dma2 semaphore(%arg36 : memref<!tpu.dma_semaphore, #tpu.memory_space<semaphore_mem>>) src(%arg9 : memref<8x1024xf32, #tpu.memory_space<vmem>>) dst(%dma_wait3A_114 : memref<8x1024xf32, #tpu.memory_space<hbm>>)
    %add3A_115 = arith.constant 0 : i32
    %add3A_116 = arith.addi %mul3A_2, %add3A_115 : i32
    %dma_wait3A_117 = arith.constant 144 : i32
    %dma_wait3A_118 = tpu.memref_slice %arg4[%dma_wait3A_117, %add3A_116] : memref<204x262144xf32, #tpu.memory_space<hbm>> -> memref<8x1024xf32, #tpu.memory_space<hbm>>
    %dma_wait3A_119 = arith.constant 144 : i32
    %dma_wait3A_120 = tpu.memref_slice %arg4[%dma_wait3A_119, %add3A_116] : memref<204x262144xf32, #tpu.memory_space<hbm>> -> memref<8x1024xf32, #tpu.memory_space<hbm>>
    tpu.wait_dma2 semaphore(%arg37 : memref<!tpu.dma_semaphore, #tpu.memory_space<semaphore_mem>>) src(%arg10 : memref<8x1024xf32, #tpu.memory_space<vmem>>) dst(%dma_wait3A_120 : memref<8x1024xf32, #tpu.memory_space<hbm>>)
    %add3A_121 = arith.constant 0 : i32
    %add3A_122 = arith.addi %mul3A_2, %add3A_121 : i32
    %dma_wait3A_123 = arith.constant 152 : i32
    %dma_wait3A_124 = tpu.memref_slice %arg4[%dma_wait3A_123, %add3A_122] : memref<204x262144xf32, #tpu.memory_space<hbm>> -> memref<8x1024xf32, #tpu.memory_space<hbm>>
    %dma_wait3A_125 = arith.constant 152 : i32
    %dma_wait3A_126 = tpu.memref_slice %arg4[%dma_wait3A_125, %add3A_122] : memref<204x262144xf32, #tpu.memory_space<hbm>> -> memref<8x1024xf32, #tpu.memory_space<hbm>>
    tpu.wait_dma2 semaphore(%arg38 : memref<!tpu.dma_semaphore, #tpu.memory_space<semaphore_mem>>) src(%arg11 : memref<8x1024xf32, #tpu.memory_space<vmem>>) dst(%dma_wait3A_126 : memref<8x1024xf32, #tpu.memory_space<hbm>>)
    %add3A_127 = arith.constant 0 : i32
    %add3A_128 = arith.addi %mul3A_2, %add3A_127 : i32
    %dma_wait3A_129 = arith.constant 160 : i32
    %dma_wait3A_130 = tpu.memref_slice %arg4[%dma_wait3A_129, %add3A_128] : memref<204x262144xf32, #tpu.memory_space<hbm>> -> memref<8x1024xf32, #tpu.memory_space<hbm>>
    %dma_wait3A_131 = arith.constant 160 : i32
    %dma_wait3A_132 = tpu.memref_slice %arg4[%dma_wait3A_131, %add3A_128] : memref<204x262144xf32, #tpu.memory_space<hbm>> -> memref<8x1024xf32, #tpu.memory_space<hbm>>
    tpu.wait_dma2 semaphore(%arg39 : memref<!tpu.dma_semaphore, #tpu.memory_space<semaphore_mem>>) src(%arg12 : memref<8x1024xf32, #tpu.memory_space<vmem>>) dst(%dma_wait3A_132 : memref<8x1024xf32, #tpu.memory_space<hbm>>)
    %add3A_133 = arith.constant 0 : i32
    %add3A_134 = arith.addi %mul3A_2, %add3A_133 : i32
    %dma_wait3A_135 = arith.constant 168 : i32
    %dma_wait3A_136 = tpu.memref_slice %arg4[%dma_wait3A_135, %add3A_134] : memref<204x262144xf32, #tpu.memory_space<hbm>> -> memref<8x1024xf32, #tpu.memory_space<hbm>>
    %dma_wait3A_137 = arith.constant 168 : i32
    %dma_wait3A_138 = tpu.memref_slice %arg4[%dma_wait3A_137, %add3A_134] : memref<204x262144xf32, #tpu.memory_space<hbm>> -> memref<8x1024xf32, #tpu.memory_space<hbm>>
    tpu.wait_dma2 semaphore(%arg40 : memref<!tpu.dma_semaphore, #tpu.memory_space<semaphore_mem>>) src(%arg13 : memref<8x1024xf32, #tpu.memory_space<vmem>>) dst(%dma_wait3A_138 : memref<8x1024xf32, #tpu.memory_space<hbm>>)
    %add3A_139 = arith.constant 0 : i32
    %add3A_140 = arith.addi %mul3A_2, %add3A_139 : i32
    %dma_wait3A_141 = arith.constant 176 : i32
    %dma_wait3A_142 = tpu.memref_slice %arg4[%dma_wait3A_141, %add3A_140] : memref<204x262144xf32, #tpu.memory_space<hbm>> -> memref<8x1024xf32, #tpu.memory_space<hbm>>
    %dma_wait3A_143 = arith.constant 176 : i32
    %dma_wait3A_144 = tpu.memref_slice %arg4[%dma_wait3A_143, %add3A_140] : memref<204x262144xf32, #tpu.memory_space<hbm>> -> memref<8x1024xf32, #tpu.memory_space<hbm>>
    tpu.wait_dma2 semaphore(%arg41 : memref<!tpu.dma_semaphore, #tpu.memory_space<semaphore_mem>>) src(%arg14 : memref<8x1024xf32, #tpu.memory_space<vmem>>) dst(%dma_wait3A_144 : memref<8x1024xf32, #tpu.memory_space<hbm>>)
    %add3A_145 = arith.constant 0 : i32
    %add3A_146 = arith.addi %mul3A_2, %add3A_145 : i32
    %dma_wait3A_147 = arith.constant 184 : i32
    %dma_wait3A_148 = tpu.memref_slice %arg4[%dma_wait3A_147, %add3A_146] : memref<204x262144xf32, #tpu.memory_space<hbm>> -> memref<8x1024xf32, #tpu.memory_space<hbm>>
    %dma_wait3A_149 = arith.constant 184 : i32
    %dma_wait3A_150 = tpu.memref_slice %arg4[%dma_wait3A_149, %add3A_146] : memref<204x262144xf32, #tpu.memory_space<hbm>> -> memref<8x1024xf32, #tpu.memory_space<hbm>>
    tpu.wait_dma2 semaphore(%arg42 : memref<!tpu.dma_semaphore, #tpu.memory_space<semaphore_mem>>) src(%arg15 : memref<8x1024xf32, #tpu.memory_space<vmem>>) dst(%dma_wait3A_150 : memref<8x1024xf32, #tpu.memory_space<hbm>>)
    %add3A_151 = arith.constant 0 : i32
    %add3A_152 = arith.addi %mul3A_2, %add3A_151 : i32
    %dma_wait3A_153 = arith.constant 192 : i32
    %dma_wait3A_154 = tpu.memref_slice %arg4[%dma_wait3A_153, %add3A_152] : memref<204x262144xf32, #tpu.memory_space<hbm>> -> memref<8x1024xf32, #tpu.memory_space<hbm>>
    %dma_wait3A_155 = arith.constant 192 : i32
    %dma_wait3A_156 = tpu.memref_slice %arg4[%dma_wait3A_155, %add3A_152] : memref<204x262144xf32, #tpu.memory_space<hbm>> -> memref<8x1024xf32, #tpu.memory_space<hbm>>
    tpu.wait_dma2 semaphore(%arg43 : memref<!tpu.dma_semaphore, #tpu.memory_space<semaphore_mem>>) src(%arg16 : memref<8x1024xf32, #tpu.memory_space<vmem>>) dst(%dma_wait3A_156 : memref<8x1024xf32, #tpu.memory_space<hbm>>)
    %add3A_157 = arith.constant 0 : i32
    %add3A_158 = arith.addi %mul3A_2, %add3A_157 : i32
    %dma_wait3A_159 = arith.constant 0 : i32
    %dma_wait3A_160 = arith.constant 0 : i32
    %dma_wait3A_161 = tpu.memref_slice %arg17[%dma_wait3A_159, %dma_wait3A_160] : memref<8x1024xf32, #tpu.memory_space<vmem>> -> memref<4x1024xf32, #tpu.memory_space<vmem>>
    %dma_wait3A_162 = arith.constant 200 : i32
    %dma_wait3A_163 = tpu.memref_slice %arg4[%dma_wait3A_162, %add3A_158] : memref<204x262144xf32, #tpu.memory_space<hbm>> -> memref<4x1024xf32, #tpu.memory_space<hbm>>
    %dma_wait3A_164 = arith.constant 200 : i32
    %dma_wait3A_165 = tpu.memref_slice %arg4[%dma_wait3A_164, %add3A_158] : memref<204x262144xf32, #tpu.memory_space<hbm>> -> memref<4x1024xf32, #tpu.memory_space<hbm>>
    %dma_wait3A_166 = arith.constant 0 : i32
    %dma_wait3A_167 = arith.constant 0 : i32
    %dma_wait3A_168 = tpu.memref_slice %arg17[%dma_wait3A_166, %dma_wait3A_167] : memref<8x1024xf32, #tpu.memory_space<vmem>> -> memref<4x1024xf32, #tpu.memory_space<vmem>>
    tpu.wait_dma2 semaphore(%arg44 : memref<!tpu.dma_semaphore, #tpu.memory_space<semaphore_mem>>) src(%dma_wait3A_168 : memref<4x1024xf32, #tpu.memory_space<vmem>>) dst(%dma_wait3A_165 : memref<4x1024xf32, #tpu.memory_space<hbm>>)
    return
  }
}

</mosaic_0001>

<sc_bundles>
// kernel: kernel.3.cloned.1.call-start
scs
__scs_entry_jumppad:
0x0: {  	(pc) =	sbr.rel $0x88, $3  }
0x1: {  	(tag) =	ssettag $0x0;
	lr =	simm.s32 $0x1  }
0x2: {  	[smem:$0x3FA0] =	sst lr;
	_ =	strace $0xD0000000  }
0x3: {  	_ = 	snop  }
0x4: {  	_ = 	snop  }
0x5: {  	_ = 	snop  }
0x6: {  	_ = 	snop  }
0x7: {  	_ = 	snop  }
__scs_overlays_trampoline_lowered:
0x8: {  	[smem:$0x3FAF] =	sst s0  }
0x9: {  	[smem:$0x3FB0] =	sst s1  }
0xa: {  	[smem:$0x3FB1] =	sst s2  }
0xb: {  	[smem:$0x3FB2] =	sst s3  }
0xc: {  	[smem:$0x3FB3] =	sst s4  }
0xd: {  	[smem:$0x3FB4] =	sst s5  }
0xe: {  	[smem:$0x3FB5] =	sst s6  }
0xf: {  	[smem:$0x3FB6] =	sst s7  }
0x10: {  	[smem:$0x3FB7] =	sst s8  }
0x11: {  	[smem:$0x3FB8] =	sst s9;
	s0 =	simm.s32 @!p0 $0x0  }
0x12: {  	s1 =	sld [smem:$0x3F9E];
	s0 =	simm.s32 @p0 $0x1  }
0x13: {  	[smem:$0x3FB9] =	sst s0;
	s0 =	simm.s32 @!p1 $0x0  }
0x14: {  	s2 =	sld [smem:$0x3F9D];
	s0 =	simm.s32 @p1 $0x1  }
0x15: {  	[smem:$0x3FBA] =	sst s0;
	s0 =	simm.s32 @!p2 $0x0  }
0x16: {  	s3 =	sld [smem:$0x3FDB];
	s0 =	simm.s32 @p2 $0x1  }
0x17: {  	s4 =	simm.s32 $0x1BF5;
	[smem:$0x3FBC] =	sst s0  }
0x18: {  	s0 =	sld [smem:$0x3F9F];
	_ =	swait.ge [sflag:s4], $0x0  }
0x19: {  	s7 =	sld [smem:$0x3FA0]  }
0x1a: {  	s8 =	sadd.s32 $0xFFFFE003, lr  }
0x1b: {  	s9 =	sadd.s32 $0xFFFFFEF7, lr;
	s5 =	simm.s32 $0xFFFFFFFF;
	p2 =	slt.u32 s8, $0xFFFFF086  }
0x1c: {  	p1 =	slt.u32 s9, $0xF7A;
	s5 =	simm.s32 @!p2 $0x0  }
0x1d: {  	s5 =	simm.s32 @p1 $0x1;
	p0 =	seq.s32 s7, s2  }
0x1e: {  	s7 =	smul.u32 @!p0 $0xF7A, s2;
	p2 =	seq.s32 @!p0 s5, $0x0  }
0x1f: {  	s9 =	smul.u32 $0xF7A, s1;
	s8 =	simm.s32 @!p0 $0x1BF5;
	p2 =	por !p2, p0  }
0x20: {  	[sflag:s8] =	ssyncset.s32 @!p0 $0xFFFFF086;
	s6 =	sadd.s32 @!p0 s3, s7;
	s7 =	simm.s32 @!p0 $0x108  }
0x21: {  	s3 =	sadd.s32 s3, s9;
	s6 =	sadd.s32 @!p0 $0x88, s6;
	s7 =	simm.s32 @p2 $0x1082  }
0x22: {  	[simem:s7], [sflag:s8] =	dma.local @!p0 [hbm:s6], $0xF7A  }
0x23: {  	s9 =	sor.u32 $0xD0000000, s2;
	s6 =	simm.s32 $0x108;
	_ =	swait.ge @!p0 [sflag:s8], $0x0  }
0x24: {  	s3 =	sadd.s32 $0x88, s3;
	s6 =	simm.s32 @!p1 $0x1082;
	[sflag:s4] =	ssyncset.s32 $0xFFFFF086  }
0x25: {  	[simem:s6], [sflag:s4] =	dma.local [hbm:s3], $0xF7A  }
0x26: {  	[smem:$0x3FA0] =	sst s1;
	(tag) =	ssettag s2;
	_ =	strace s9  }
0x27: {  	s1 =	sld [smem:$0x3FB0]  }
0x28: {  	s2 =	sld [smem:$0x3FB1]  }
0x29: {  	s4 =	sld [smem:$0x3FB3]  }
0x2a: {  	p0 =	seq.s32 s5, $0x0;
	s5 =	sld [smem:$0x3FB4]  }
0x2b: {  	s6 =	sld [smem:$0x3FB5]  }
0x2c: {  	s7 =	sld [smem:$0x3FB6]  }
0x2d: {  	s3 =	simm.s32 $0x108;
	s8 =	sld [smem:$0x3FB7]  }
0x2e: {  	s3 =	simm.s32 @!p0 $0x1082;
	s9 =	sld [smem:$0x3FB8]  }
0x2f: {  	lr =	sadd.s32 s0, s3;
	s0 =	sld [smem:$0x3FAF]  }
0x30: {  	s3 =	sld [smem:$0x3FB2]  }
0x31: {  	[smem:$0x3FBB] =	sst s10  }
0x32: {  	s10 =	sld [smem:$0x3FB9];
	_ =	sdelay $0x3  }
0x33: {  	p0 =	seq.s32 s10, $0x1;
	s10 =	sld [smem:$0x3FBB];
	_ =	sdelay $0x3  }
0x34: {  	[smem:$0x3FBB] =	sst s10  }
0x35: {  	s10 =	sld [smem:$0x3FBA];
	_ =	sdelay $0x3  }
0x36: {  	p1 =	seq.s32 s10, $0x1;
	s10 =	sld [smem:$0x3FBB];
	_ =	sdelay $0x3  }
0x37: {  	[smem:$0x3FBB] =	sst s10  }
0x38: {  	s10 =	sld [smem:$0x3FBC]  }
0x39: {  	_ = 	snop;
	(pc) =	sbr.ind lr, $3  }
0x3a: {  	_ = 	snop  }
0x3b: {  	_ = 	snop  }
0x3c: {  	p2 =	seq.s32 s10, $0x1;
	s10 =	sld [smem:$0x3FBB]  }
0x3d: {  	_ =	shalt  }
0x3e: {  	_ =	shalt  }
0x3f: {  	_ =	shalt  }
0x40: {  	_ =	shalt  }
0x41: {  	_ =	shalt  }
0x42: {  	_ =	shalt  }
0x43: {  	_ =	shalt  }
0x44: {  	_ =	shalt  }
0x45: {  	_ =	shalt  }
0x46: {  	_ =	shalt  }
0x47: {  	_ =	shalt  }
0x48: {  	_ =	shalt  }
0x49: {  	_ =	shalt  }
0x4a: {  	_ =	shalt  }
0x4b: {  	_ =	shalt  }
0x4c: {  	_ =	shalt  }
0x4d: {  	_ =	shalt  }
0x4e: {  	_ =	shalt  }
0x4f: {  	_ =	shalt  }
0x50: {  	_ =	shalt  }
0x51: {  	_ =	shalt  }
0x52: {  	_ =	shalt  }
0x53: {  	_ =	shalt  }
0x54: {  	_ =	shalt  }
0x55: {  	_ =	shalt  }
0x56: {  	_ =	shalt  }
0x57: {  	_ =	shalt  }
0x58: {  	_ =	shalt  }
0x59: {  	_ =	shalt  }
0x5a: {  	_ =	shalt  }
0x5b: {  	_ =	shalt  }
0x5c: {  	_ =	shalt  }
0x5d: {  	_ =	shalt  }
0x5e: {  	_ =	shalt  }
0x5f: {  	_ =	shalt  }
0x60: {  	_ =	shalt  }
0x61: {  	_ =	shalt  }
0x62: {  	_ =	shalt  }
0x63: {  	_ =	shalt  }
0x64: {  	_ =	shalt  }
0x65: {  	_ =	shalt  }
0x66: {  	_ =	shalt  }
0x67: {  	_ =	shalt  }
0x68: {  	_ =	shalt  }
0x69: {  	_ =	shalt  }
0x6a: {  	_ =	shalt  }
0x6b: {  	_ =	shalt  }
0x6c: {  	_ =	shalt  }
0x6d: {  	_ =	shalt  }
0x6e: {  	_ =	shalt  }
0x6f: {  	_ =	shalt  }
0x70: {  	_ =	shalt  }
0x71: {  	_ =	shalt  }
0x72: {  	_ =	shalt  }
0x73: {  	_ =	shalt  }
0x74: {  	_ =	shalt  }
0x75: {  	_ =	shalt  }
0x76: {  	_ =	shalt  }
0x77: {  	_ =	shalt  }
0x78: {  	_ =	shalt  }
0x79: {  	_ =	shalt  }
0x7a: {  	_ =	shalt  }
0x7b: {  	_ =	shalt  }
0x7c: {  	_ =	shalt  }
0x7d: {  	_ =	shalt  }
0x7e: {  	_ =	shalt  }
0x7f: {  	_ =	shalt  }
0x80: {  	_ =	shalt  }
0x81: {  	_ =	shalt  }
0x82: {  	_ =	shalt  }
0x83: {  	_ =	shalt  }
0x84: {  	_ =	shalt  }
0x85: {  	_ =	shalt  }
0x86: {  	_ =	shalt  }
0x87: {  	_ =	shalt  }
.Lfunc_end0:
.L_simem_size_0:
called_computation_lowered:
.L_overlay_start_0:
0x88: {  	s2 =	sld [smem:$0x3FD9]  }
0x89: {  	s3 =	sld [smem:$0x3FFE];
	_ =	sdelay $0x1  }
0x8a: {  	s1 =	srdreg.scid  }
0x8b: {  	s0 =	sand.u32 $0x1, s1  }
0x8c: {  	s17 =	sshll.u32 s0, $0xA;
	s2 =	sadd.s32 s3, s2  }
0x8d: {  	s2 =	sadd.s32 s2, s17  }
0x8e: {  	[smem:$0x3FC7] =	sst s2  }
0x8f: {  	_ = 	snop  }
0x90: {  	s2 =	sld [smem:$0x3FC9]  }
0x91: {  	s18 =	sld [smem:$0x3FD0];
	(tm) =	ssettm $0x1  }
0x92: {  	s4 =	sld [smem:$0x3FFB];
	_ =	sdelay $0x3  }
0x93: {  	_ =	strace s4  }
0x94: {  	s4 =	sld [smem:$0x3FFC];
	_ =	sdelay $0x3  }
0x95: {  	_ =	strace s4  }
0x96: {  	s4 =	sld [smem:$0x3FFD];
	_ =	sdelay $0x3  }
0x97: {  	_ =	strace s4  }
0x98: {  	_ =	strace $0x8FFFFFFF  }
0x99: {  	s19 =	sld [smem:$0x3FDB];
	_ =	sdelay $0x1  }
0x9a: {  	s5 =	simm.s32 $_scs_section_size  }
0x9b: {  	s6 =	simm.s32 $_size__tile_overlayer_lowered;
	s7 =	simm.s32 $_tile_overlayer_lowered  }
0x9c: {  	s22 =	simm.s32 $0x1BFF;
	s21 =	sshll.u32 s7, $0x1;
	s4 =	sadd.s32 s5, s19  }
0x9d: {  	s8 =	simm.s32 $0x0;
	s20 =	sshll.u32 s6, $0x1;
	s6 =	sadd.s32 s21, s4  }
0x9e: {  	[timem:s8], [sflag:s22] =	dma.local [hbm:s6], s20  }
0x9f: {  	_ =	swait.ge [sflag:s22], s20  }
0xa0: {  	s5 =	ssub.s32 $0x0, s20;
	[sflag:s22] =	ssyncset.done $0x0  }
0xa1: {  	[sflag:s22] =	ssyncadd.s32 s5;
	_ =	sdelay $0x1  }
0xa2: {  	s23 =	simm.s32 $0x1B8B  }
0xa3: {  	_ =	swait.ge [sflag:s23], $0x1  }
0xa4: {  	[sflag:s23] =	ssyncset.done $0x0  }
0xa5: {  	s25 =	simm.s32 $0x1B8E;
	s24 =	sld [smem:$0x3FFE];
	[sflag:s23] =	ssyncadd.s32 $0xFFFFFFFF  }
0xa6: {  	s26 =	simm.s32 $execute0_lowered;
	[smem:$0x3FD2] =	sst s25  }
0xa7: {  	s6 =	sshll.u32 s26, $0x1;
	_ =	strace $0x80000046;
	[dreg:$0x1] =	wrdreg $0xFFFFFFFF  }
0xa8: {  	s28 =	simm.s32 $_size_execute0_lowered;
	s4 =	sadd.s32 s4, s6;
	[dreg:$0x0] =	wrdreg $0x0  }
0xa9: {  	s6 =	sshll.u32 s28, $0x1;
	[dreg:$0x2] =	wrdreg s4  }
0xaa: {  	[dreg:$0x3] =	wrdreg s6  }
0xab: {  	[dreg:$0x4] =	wrdreg $0xC0  }
0xac: {  	_ =	task [dreg:s8], $0x5FFFF  }
0xad: {  	[dreg:$0x1] =	wrdreg $0xFFFFFFFF  }
0xae: {  	[dreg:$0x0] =	wrdreg $0x60  }
0xaf: {  	[dreg:$0x2] =	wrdreg s2  }
0xb0: {  	[dreg:$0x3] =	wrdreg s24  }
0xb1: {  	[dreg:$0x4] =	wrdreg s18  }
0xb2: {  	[dreg:$0x5] =	wrdreg $0x9  }
0xb3: {  	_ =	task.clear_ibuf [dreg:s8], $0x6FFFF;
	_ =	strace $0x90000046  }
0xb4: {  	s29 =	simm.s32 $0x9;
	_ =	strace $0x80000048  }
0xb5: {  	_ =	swait.ge [sflag:s29], $0x1  }
0xb6: {  	[sflag:s29] =	ssyncadd.s32 $0xFFFFFFFF  }
0xb7: {  	_ =	strace $0x90000048  }
0xb8: {  	_ =	sfence  }
0xb9: {  	s30 =	sld [smem:$0x0];
	_ =	sdelay $0x2  }
0xba: {  	s31 =	sshll.u32 s1, $0xD;
	s1 =	sshrl.u32 s1, $0x2  }
0xbb: {  	s3 =	sand.u32 $0x4000, s31;
	s1 =	sadd.s32 s1, s30  }
0xbc: {  	s0 =	sor.u32 s3, s0;
	s1 =	sshll.u32 s1, $0x11  }
0xbd: {  	s0 =	sor.u32 s1, s0  }
0xbe: {  	s0 =	sadd.s32 $0x8F2B, s0  }
0xbf: {  	[sflag:s0] =	ssyncadd.remote.s32 $0x1  }
0xc0: {  	_ =	sfence.sel $0xFFFF  }
0xc1: {  	[dreg:$0x0] =	wrdreg $0xFFFFFFFF;
	(pc) =	sbr.abs _section_cstart, $3  }
0xc2: {  	[dreg:$0x1] =	wrdreg $0xFFFFFFFF  }
0xc3: {  	_ =	task.clear_ibuf [dreg:s8], $0x2FFFF;
	_ =	strace $0x9FFFFFFF  }
0xc4: {  	(tm) =	ssettm $0x7FFFFFFF  }
0xc5: {  	_ =	shalt  }
tec
execute0_lowered:
.L_overlay_start_1:
0x0: {  	(tag) =	ssettag $0x1  }
0x1: {  	s1 =	rddreg [dreg:$0x0]  }
0x2: {  	s0 =	rddreg [dreg:$0x1]  }
0x3: {  	s3 =	rddreg [dreg:$0x2];
	s4 =	simm.s32 $0x0  }
0x4: {  	[smem:$0x7FF] =	sst s4;
	s0 =	sadd.s32 $0x400, s0  }
0x5: {  	s14 =	sadd.s32 $0x2C0000, s1;
	_ =	strace $0x80000047;
	[dreg:$0x5] =	wrdreg s0  }
0x6: {  	s16 =	sadd.s32 $0x40000, s3;
	[dreg:$0x10] =	wrdreg s14  }
0x7: {  	s17 =	sadd.s32 $0x80000, s3;
	[dreg:$0x15] =	wrdreg s16  }
0x8: {  	s18 =	sadd.s32 $0xC0000, s3;
	[dreg:$0x16] =	wrdreg s17  }
0x9: {  	s19 =	sadd.s32 $0x380000, s1;
	[dreg:$0x17] =	wrdreg s18  }
0xa: {  	s20 =	sadd.s32 $0x100000, s3;
	[dreg:$0x19] =	wrdreg s19  }
0xb: {  	s21 =	sadd.s32 $0x140000, s3;
	[dreg:$0x1a] =	wrdreg s20  }
0xc: {  	s2 =	srdreg.scid;
	s22 =	sadd.s32 $0x180000, s3;
	[dreg:$0x1b] =	wrdreg s21  }
0xd: {  	s6 =	stileid.u32;
	s23 =	sadd.s32 $0x1C0000, s3;
	[dreg:$0x1c] =	wrdreg s22  }
0xe: {  	s2 =	sand.u32 $0x1, s2;
	s24 =	sadd.s32 $0x200000, s3;
	[dreg:$0x1d] =	wrdreg s23  }
0xf: {  	s6 =	sshll.u32 s6, $0xD;
	s25 =	sadd.s32 $0x240000, s3;
	[dreg:$0x1e] =	wrdreg s24  }
0x10: {  	s26 =	sadd.s32 $0x280000, s3;
	s5 =	sshll.u32 s2, $0x11;
	[dreg:$0x1f] =	wrdreg s25  }
0x11: {  	s2 =	ssub.s32 $0x2, s2;
	[smem:$0x7FA] =	sst s26;
	s5 =	sor.u32 s6, s5  }
0x12: {  	s29 =	sshrl.u32 s2, $0x1;
	s6 =	sadd.s32 s1, s5;
	[dreg:$0x4] =	wrdreg s5  }
0x13: {  	s0 =	ssub.s32 s2, s29;
	s2 =	sadd.s32 s5, s14;
	[dreg:$0x6] =	wrdreg s6  }
0x14: {  	s29 =	sadd.s32 $0x2C0000, s3;
	[dreg:$0x13] =	wrdreg s2  }
0x15: {  	s30 =	sadd.s32 $0x40000, s6;
	[smem:$0x7FB] =	sst s29  }
0x16: {  	s31 =	sadd.s32 $0x80000, s6;
	[dreg:$0x7] =	wrdreg s30  }
0x17: {  	s7 =	sadd.s32 $0xC0000, s6;
	[dreg:$0x8] =	wrdreg s31  }
0x18: {  	s28 =	simm.s32 $0xC000;
	s8 =	sadd.s32 $0x100000, s6;
	[dreg:$0x9] =	wrdreg s7  }
0x19: {  	s24 =	simm.s32 $0x4000;
	s9 =	sadd.s32 $0x140000, s6;
	[dreg:$0xa] =	wrdreg s8  }
0x1a: {  	s26 =	simm.s32 $0x8000;
	s10 =	sadd.s32 $0x180000, s6;
	[dreg:$0xb] =	wrdreg s9  }
0x1b: {  	s20 =	simm.s32 $0x18000;
	s11 =	sadd.s32 $0x1C0000, s6;
	[dreg:$0xc] =	wrdreg s10  }
0x1c: {  	s18 =	simm.s32 $0x7;
	s12 =	sadd.s32 $0x200000, s6;
	[dreg:$0xd] =	wrdreg s11  }
0x1d: {  	s19 =	simm.s32 $0xA;
	s13 =	sadd.s32 $0x240000, s6;
	[dreg:$0xe] =	wrdreg s12  }
0x1e: {  	s25 =	simm.s32 $0xB;
	s6 =	sadd.s32 $0x280000, s6;
	[dreg:$0xf] =	wrdreg s13  }
0x1f: {  	s17 =	simm.s32 $0xC;
	s0 =	smax.u32 s0, $0x1;
	[dreg:$0x12] =	wrdreg s6  }
0x20: {  	s22 =	simm.s32 $0xD;
	s7 =	sadd.s32 $0x300000, s1;
	[dreg:$0x18] =	wrdreg s0  }
0x21: {  	s14 =	simm.s32 $0x8;
	s30 =	sadd.s32 $0x300000, s3;
	[dreg:$0x11] =	wrdreg s7  }
0x22: {  	s31 =	sadd.s32 $0x380000, s3;
	s6 =	simm.s32 $0x2000;
	[smem:$0x7FC] =	sst s30  }
0x23: {  	s9 =	simm.s32 $0x5;
	s15 =	sadd.s32 s5, s7;
	[smem:$0x7FD] =	sst s31  }
0x24: {  	s5 =	simm.s32 $0x0;
	[dreg:$0x14] =	wrdreg s15;
	s15 =	simm.s32 $0x9  }
.LBB2_1:
0x25: {  	[smem:$0x7F9] =	sst s5  }
0x26: {  	s0 =	rddreg [dreg:$0x5];
	s2 =	simm.s32 $0x1A000;
	s10 =	simm.s32 $0x1B  }
0x27: {  	[tilespmem:s2], [sflag:$0x1B] =	stream.linear.gather [hbm4b:s0+s4], $0x80, $0x38;
	[tilespmem:$0x1A080] =	vst v63  }
0x28: {  	_ =	swait.ge [sflag:s10], $0x80  }
0x29: {  	[sflag:s10] =	ssyncset.done $0x0  }
0x2a: {  	s11 =	rddreg [dreg:$0x6];
	[sflag:s10] =	ssyncadd.s32 $0xFFFFFF80  }
0x2b: {  	v0 =	vld [tilespmem:$0x1A000];
	[tilespmem:s4], [sflag:$0x1] =	stream.linear.gather [hbm4b:s11+s4], $0x2000, $0x38  }
0x2c: {  	s12 =	rddreg [dreg:$0x7]  }
0x2d: {  	[tilespmem:s6], [sflag:$0x2] =	stream.linear.gather [hbm4b:s12+s4], $0x2000, $0x38;
	[tilespmem:$0x1A080] =	vst v63  }
0x2e: {  	s13 =	rddreg [dreg:$0x8]  }
0x2f: {  	[tilespmem:s24], [sflag:$0x3] =	stream.linear.gather [hbm4b:s13+s4], $0x2000, $0x38;
	[tilespmem:$0x1A080] =	vst v63  }
0x30: {  	s21 =	simm.s32 $0x6000;
	s16 =	rddreg [dreg:$0x9]  }
0x31: {  	[tilespmem:s21], [sflag:$0x4] =	stream.linear.gather [hbm4b:s16+s4], $0x2000, $0x38;
	[tilespmem:$0x1A080] =	vst v63  }
0x32: {  	s23 =	rddreg [dreg:$0xa]  }
0x33: {  	[tilespmem:s26], [sflag:$0x5] =	stream.linear.gather [hbm4b:s23+s4], $0x2000, $0x38;
	[tilespmem:$0x1A080] =	vst v63  }
0x34: {  	s31 =	simm.s32 $0xA000;
	s29 =	rddreg [dreg:$0xb]  }
0x35: {  	[tilespmem:s31], [sflag:$0x6] =	stream.linear.gather [hbm4b:s29+s4], $0x2000, $0x38;
	[tilespmem:$0x1A080] =	vst v63  }
0x36: {  	s5 =	rddreg [dreg:$0xc]  }
0x37: {  	[tilespmem:s28], [sflag:$0x7] =	stream.linear.gather [hbm4b:s5+s4], $0x2000, $0x38;
	[tilespmem:$0x1A080] =	vst v63  }
0x38: {  	s8 =	simm.s32 $0xE000;
	s7 =	rddreg [dreg:$0xd]  }
0x39: {  	[tilespmem:s8], [sflag:$0x8] =	stream.linear.gather [hbm4b:s7+s4], $0x2000, $0x38;
	[tilespmem:$0x1A080] =	vst v63  }
0x3a: {  	s10 =	rddreg [dreg:$0xe];
	s11 =	simm.s32 $0x10000  }
0x3b: {  	[tilespmem:s11], [sflag:$0x9] =	stream.linear.gather [hbm4b:s10+s4], $0x2000, $0x38;
	[tilespmem:$0x1A080] =	vst v63  }
0x3c: {  	s12 =	rddreg [dreg:$0xf];
	s13 =	simm.s32 $0x12000  }
0x3d: {  	[tilespmem:s13], [sflag:$0xA] =	stream.linear.gather [hbm4b:s12+s4], $0x2000, $0x38;
	[tilespmem:$0x1A080] =	vst v63  }
0x3e: {  	s16 =	rddreg [dreg:$0x12];
	s21 =	simm.s32 $0x14000  }
0x3f: {  	[tilespmem:s21], [sflag:$0xB] =	stream.linear.gather [hbm4b:s16+s4], $0x2000, $0x38;
	[tilespmem:$0x1A080] =	vst v63  }
0x40: {  	s23 =	rddreg [dreg:$0x13];
	s29 =	simm.s32 $0x16000  }
0x41: {  	[tilespmem:s29], [sflag:$0xC] =	stream.linear.gather [hbm4b:s23+s4], $0x2000, $0x38;
	[tilespmem:$0x1A080] =	vst v63  }
0x42: {  	s30 =	simm.s32 $0x0;
	s31 =	rddreg [dreg:$0x14]  }
0x43: {  	[tilespmem:s20], [sflag:$0xD] =	stream.linear.gather [hbm4b:s31+s4], $0x2000, $0x38;
	[tilespmem:$0x1A080] =	vst v63  }
.LBB2_2:
0x44: {  	s5 =	simm.s32 $0x1  }
0x45: {  	s0 =	simm.s32 $0x0;
	_ =	swait.ge [sflag:s5], $0x2000  }
0x46: {  	s2 =	sand.u32 $0x70, s0;
	s0 =	sand.u32 $0x1C00, s0;
	[sflag:s5] =	ssyncset.done $0x0  }
0x47: {  	s0 =	sor.u32 s2, s0;
	[sflag:s5] =	ssyncadd.s32 $0xFFFFE000  }
0x48: {  	v1 =	vld [tilespmem:s0+$0x0];
	_ =	sdelay $0x3  }
0x49: {  	s31 =	simm.s32 $0x10;
	s5 =	simm.s32 $0x80  }
0x4a: {  	s2 =	sand.u32 $0x70, s31;
	s7 =	sand.u32 $0x1C00, s5;
	v2 =	vadd.f32 v1, v0  }
0x4b: {  	s2 =	sor.u32 s2, s7  }
0x4c: {  	v3 =	vmax.f32 v2, $0.0e+00;
	v2 =	vld [tilespmem:s2+$0x0];
	_ =	sdelay $0x1  }
0x4d: {  	s7 =	simm.s32 $0x20;
	vm0 =	veq.f32 v1, $0.0e+00;
	v3 =	vmin.f32 v3, $1.000000000e+00  }
.LBB2_3:
0x4e: {  	s8 =	sand.u32 $0x70, s7;
	s5 =	sadd.s32 $0x80, s5;
	v4 =	vsel vm0, v1, v3;
	p0 =	sne.s32 s7, $0x3F0  }
.Ltmp0:
0x4f: {  	s7 =	sadd.s32 $0x10, s7;
	s10 =	sand.u32 $0x1C00, s5;
	[tilespmem:s0+$0x0] =	vst v4;
	(pc) =	sbr.rel @p0 .LBB2_3-.Ltmp0, $4  }
0x50: {  	s0 =	smov.u32 s2;
	v3 =	vadd.f32 v2, v0;
	v1 =	vmov v2;
	s2 =	sor.u32 s8, s10  }
0x51: {  	v2 =	vld [tilespmem:s2+$0x0]  }
0x52: {  	v3 =	vmax.f32 v3, $0.0e+00  }
0x53: {  	vm0 =	veq.f32 v1, $0.0e+00;
	v3 =	vmin.f32 v3, $1.000000000e+00  }
0x54: {  	_ =	sdelay $0x1  }
0x55: {  	v4 =	vadd.f32 v2, v0  }
0x56: {  	v1 =	vsel vm0, v1, v3  }
0x57: {  	s21 =	smul.u32 $0x1A, s30;
	[tilespmem:s0+$0x0] =	vst v1;
	v4 =	vmax.f32 v4, $0.0e+00  }
0x58: {  	s5 =	sshll.u32 s30, $0xA;
	vm0 =	veq.f32 v2, $0.0e+00;
	s0 =	rddreg [dreg:$0x4];
	v3 =	vmin.f32 v4, $1.000000000e+00  }
0x59: {  	s23 =	sadd.s32 $0xFFFFFFFE, s21;
	s29 =	sadd.s32 s0, s5;
	v1 =	vsel vm0, v2, v3  }
0x5a: {  	p0 =	sgt.u32 s23, $0xC2;
	s0 =	sadd.s32 s3, s29;
	[tilespmem:s2+$0x0] =	vst v1  }
0x5b: {  	[hbm4b:s0+s4] =	stream.linear.scatter [tilespmem:s4], [sflag:$0xE], $0x2000, $0x38;
	[tilespmem:$0x1A080] =	vst v63  }
0x5c: {  	s0 =	simm.s32 @!p0 $0x19  }
0x5d: {  	_ =	swait.ge @!p0 [sflag:s0], $0x2000  }
0x5e: {  	[sflag:s0] =	ssyncset.done @!p0 $0x0  }
0x5f: {  	[sflag:s0] =	ssyncadd.s32 @!p0 $0xFFFFE000;
	s0 =	rddreg [dreg:$0x10]  }
0x60: {  	s5 =	simm.s32 @!p0 $0x0;
	s7 =	simm.s32 @!p0 $0x16000;
	s0 =	sadd.s32 @!p0 s29, s0  }
0x61: {  	[tilespmem:s7], [sflag:$0xC] =	stream.linear.gather @!p0 [hbm4b:s0+s5], $0x2000, $0x38;
	[tilespmem:$0x1A080] =	vst v63  }
0x62: {  	s5 =	simm.s32 $0x2  }
0x63: {  	_ =	swait.ge [sflag:s5], $0x2000  }
0x64: {  	s8 =	sadd.s32 $0xFFFFFFFF, s21;
	[sflag:s5] =	ssyncset.done $0x0;
	s7 =	rddreg [dreg:$0x15]  }
0x65: {  	p0 =	sgt.u32 s8, $0xC2;
	[sflag:s5] =	ssyncadd.s32 $0xFFFFE000;
	s0 =	sadd.s32 s29, s7  }
0x66: {  	[hbm4b:s0+s4] =	stream.linear.scatter [tilespmem:s6], [sflag:$0xF], $0x2000, $0x38;
	[tilespmem:$0x1A080] =	vst v63  }
0x67: {  	s0 =	simm.s32 @!p0 $0x1A  }
0x68: {  	_ =	swait.ge @!p0 [sflag:s0], $0x1000  }
0x69: {  	[sflag:s0] =	ssyncset.done @!p0 $0x0  }
0x6a: {  	s10 =	simm.s32 $0x3;
	[sflag:s0] =	ssyncadd.s32 @!p0 $0xFFFFF000;
	s0 =	rddreg [dreg:$0x11]  }
0x6b: {  	s2 =	simm.s32 @!p0 $0x0;
	s5 =	simm.s32 @!p0 $0x18000;
	s0 =	sadd.s32 @!p0 s29, s0  }
0x6c: {  	[tilespmem:s5], [sflag:$0xD] =	stream.linear.gather @!p0 [hbm4b:s0+s2], $0x2000, $0x38;
	[tilespmem:$0x1A080] =	vst v63  }
0x6d: {  	_ =	swait.ge [sflag:s10], $0x2000  }
0x6e: {  	s12 =	simm.s32 $0xE;
	[sflag:s10] =	ssyncset.done $0x0;
	s11 =	rddreg [dreg:$0x16]  }
0x6f: {  	s5 =	simm.s32 $0x0;
	[sflag:s10] =	ssyncadd.s32 $0xFFFFE000;
	s0 =	sadd.s32 s29, s11  }
0x70: {  	[hbm4b:s0+s5] =	stream.linear.scatter [tilespmem:s24], [sflag:$0x10], $0x2000, $0x38;
	[tilespmem:$0x1A080] =	vst v63  }
0x71: {  	_ =	swait.ge [sflag:s12], $0x2000  }
0x72: {  	s0 =	sor.u32 $0x340000, s29;
	[sflag:s12] =	ssyncset.done $0x0  }
0x73: {  	s16 =	simm.s32 $0x4;
	s13 =	sadd.s32 s1, s0;
	[sflag:s12] =	ssyncadd.s32 $0xFFFFE000  }
0x74: {  	[tilespmem:s5], [sflag:$0x1] =	stream.linear.gather [hbm4b:s13+s5], $0x2000, $0x38;
	[tilespmem:$0x1A080] =	vst v63  }
0x75: {  	_ =	swait.ge [sflag:s16], $0x2000  }
0x76: {  	s21 =	simm.s32 $0xF;
	[sflag:s16] =	ssyncset.done $0x0;
	s20 =	rddreg [dreg:$0x17]  }
0x77: {  	s8 =	simm.s32 $0x6000;
	[sflag:s16] =	ssyncadd.s32 $0xFFFFE000;
	s2 =	sadd.s32 s29, s20  }
0x78: {  	[hbm4b:s2+s5] =	stream.linear.scatter [tilespmem:s8], [sflag:$0x11], $0x2000, $0x38;
	[tilespmem:$0x1A080] =	vst v63  }
0x79: {  	_ =	swait.ge [sflag:s21], $0x2000  }
0x7a: {  	[sflag:s21] =	ssyncset.done $0x0;
	s23 =	rddreg [dreg:$0x19]  }
0x7b: {  	[sflag:s21] =	ssyncadd.s32 $0xFFFFE000;
	s2 =	sadd.s32 s29, s23  }
0x7c: {  	[tilespmem:s6], [sflag:$0x2] =	stream.linear.gather [hbm4b:s2+s5], $0x2000, $0x38;
	[tilespmem:$0x1A080] =	vst v63  }
0x7d: {  	_ =	swait.ge [sflag:s9], $0x2000  }
0x7e: {  	[sflag:s9] =	ssyncset.done $0x0;
	s7 =	rddreg [dreg:$0x1a]  }
0x7f: {  	s10 =	simm.s32 $0x10;
	[sflag:s9] =	ssyncadd.s32 $0xFFFFE000;
	s2 =	sadd.s32 s29, s7  }
0x80: {  	[hbm4b:s2+s5] =	stream.linear.scatter [tilespmem:s26], [sflag:$0x12], $0x2000, $0x38;
	[tilespmem:$0x1A080] =	vst v63  }
0x81: {  	_ =	swait.ge [sflag:s10], $0x2000  }
0x82: {  	s31 =	sor.u32 $0x3C0000, s29;
	[sflag:s10] =	ssyncset.done $0x0  }
0x83: {  	s11 =	sadd.s32 s1, s31;
	s12 =	simm.s32 $0x6;
	[sflag:s10] =	ssyncadd.s32 $0xFFFFE000  }
0x84: {  	[tilespmem:s24], [sflag:$0x3] =	stream.linear.gather [hbm4b:s11+s5], $0x2000, $0x38;
	[tilespmem:$0x1A080] =	vst v63  }
0x85: {  	_ =	swait.ge [sflag:s12], $0x2000  }
0x86: {  	s16 =	simm.s32 $0x11;
	[sflag:s12] =	ssyncset.done $0x0;
	s13 =	rddreg [dreg:$0x1b]  }
0x87: {  	s10 =	simm.s32 $0xA000;
	[sflag:s12] =	ssyncadd.s32 $0xFFFFE000;
	s2 =	sadd.s32 s29, s13  }
0x88: {  	[hbm4b:s2+s5] =	stream.linear.scatter [tilespmem:s10], [sflag:$0x13], $0x2000, $0x38;
	[tilespmem:$0x1A080] =	vst v63  }
0x89: {  	_ =	swait.ge [sflag:s16], $0x2000  }
0x8a: {  	s7 =	sor.u32 $0x400000, s29;
	[sflag:s16] =	ssyncset.done $0x0  }
0x8b: {  	s20 =	sadd.s32 s1, s7;
	[sflag:s16] =	ssyncadd.s32 $0xFFFFE000  }
0x8c: {  	[tilespmem:s8], [sflag:$0x4] =	stream.linear.gather [hbm4b:s20+s5], $0x2000, $0x38;
	[tilespmem:$0x1A080] =	vst v63  }
0x8d: {  	_ =	swait.ge [sflag:s18], $0x2000  }
0x8e: {  	[sflag:s18] =	ssyncset.done $0x0;
	s21 =	rddreg [dreg:$0x1c]  }
0x8f: {  	s23 =	simm.s32 $0x12;
	[sflag:s18] =	ssyncadd.s32 $0xFFFFE000;
	s2 =	sadd.s32 s29, s21  }
0x90: {  	[hbm4b:s2+s5] =	stream.linear.scatter [tilespmem:s28], [sflag:$0x14], $0x2000, $0x38;
	[tilespmem:$0x1A080] =	vst v63  }
0x91: {  	_ =	swait.ge [sflag:s23], $0x2000  }
0x92: {  	s16 =	sor.u32 $0x440000, s29;
	[sflag:s23] =	ssyncset.done $0x0  }
0x93: {  	s8 =	sadd.s32 s1, s16;
	[sflag:s23] =	ssyncadd.s32 $0xFFFFE000  }
0x94: {  	[tilespmem:s26], [sflag:$0x5] =	stream.linear.gather [hbm4b:s8+s5], $0x2000, $0x38;
	[tilespmem:$0x1A080] =	vst v63  }
0x95: {  	_ =	swait.ge [sflag:s14], $0x2000  }
0x96: {  	s12 =	simm.s32 $0x13;
	[sflag:s14] =	ssyncset.done $0x0;
	s11 =	rddreg [dreg:$0x1d]  }
0x97: {  	s8 =	simm.s32 $0xE000;
	[sflag:s14] =	ssyncadd.s32 $0xFFFFE000;
	s2 =	sadd.s32 s29, s11  }
0x98: {  	[hbm4b:s2+s5] =	stream.linear.scatter [tilespmem:s8], [sflag:$0x15], $0x2000, $0x38;
	[tilespmem:$0x1A080] =	vst v63  }
0x99: {  	_ =	swait.ge [sflag:s12], $0x2000  }
0x9a: {  	s23 =	sor.u32 $0x480000, s29;
	[sflag:s12] =	ssyncset.done $0x0  }
0x9b: {  	s13 =	sadd.s32 s1, s23;
	[sflag:s12] =	ssyncadd.s32 $0xFFFFE000  }
0x9c: {  	[tilespmem:s10], [sflag:$0x6] =	stream.linear.gather [hbm4b:s13+s5], $0x2000, $0x38;
	[tilespmem:$0x1A080] =	vst v63  }
0x9d: {  	_ =	swait.ge [sflag:s15], $0x2000  }
0x9e: {  	s21 =	simm.s32 $0x10000;
	[sflag:s15] =	ssyncset.done $0x0;
	s20 =	rddreg [dreg:$0x1e]  }
0x9f: {  	s10 =	simm.s32 $0x14;
	[sflag:s15] =	ssyncadd.s32 $0xFFFFE000;
	s2 =	sadd.s32 s29, s20  }
0xa0: {  	[hbm4b:s2+s5] =	stream.linear.scatter [tilespmem:s21], [sflag:$0x16], $0x2000, $0x38;
	[tilespmem:$0x1A080] =	vst v63  }
0xa1: {  	_ =	swait.ge [sflag:s10], $0x2000  }
0xa2: {  	s13 =	sor.u32 $0x4C0000, s29;
	[sflag:s10] =	ssyncset.done $0x0  }
0xa3: {  	s11 =	sadd.s32 s1, s13;
	[sflag:s10] =	ssyncadd.s32 $0xFFFFE000  }
0xa4: {  	[tilespmem:s28], [sflag:$0x7] =	stream.linear.gather [hbm4b:s11+s5], $0x2000, $0x38;
	[tilespmem:$0x1A080] =	vst v63  }
0xa5: {  	_ =	swait.ge [sflag:s19], $0x2000  }
0xa6: {  	s20 =	simm.s32 $0x12000;
	[sflag:s19] =	ssyncset.done $0x0;
	s12 =	rddreg [dreg:$0x1f]  }
0xa7: {  	s21 =	simm.s32 $0x15;
	[sflag:s19] =	ssyncadd.s32 $0xFFFFE000;
	s2 =	sadd.s32 s29, s12  }
0xa8: {  	[hbm4b:s2+s5] =	stream.linear.scatter [tilespmem:s20], [sflag:$0x17], $0x2000, $0x38;
	[tilespmem:$0x1A080] =	vst v63  }
0xa9: {  	_ =	swait.ge [sflag:s21], $0x2000  }
0xaa: {  	s12 =	sor.u32 $0x500000, s29;
	[sflag:s21] =	ssyncset.done $0x0  }
0xab: {  	s10 =	sadd.s32 s1, s12;
	[sflag:s21] =	ssyncadd.s32 $0xFFFFE000  }
0xac: {  	[tilespmem:s8], [sflag:$0x8] =	stream.linear.gather [hbm4b:s10+s5], $0x2000, $0x38;
	[tilespmem:$0x1A080] =	vst v63  }
0xad: {  	_ =	swait.ge [sflag:s25], $0x2000  }
0xae: {  	s11 =	sand.u32 $0x70, s5;
	s5 =	sand.u32 $0x1C00, s5;
	[sflag:s25] =	ssyncset.done $0x0  }
0xaf: {  	s2 =	sor.u32 s11, s5;
	[sflag:s25] =	ssyncadd.s32 $0xFFFFE000  }
0xb0: {  	v1 =	vld [tilespmem:s2+$0x14080];
	_ =	sdelay $0x3  }
0xb1: {  	s20 =	simm.s32 $0x10;
	s8 =	simm.s32 $0x80  }
0xb2: {  	s5 =	sand.u32 $0x70, s20;
	s21 =	sand.u32 $0x1C00, s8;
	v2 =	vadd.f32 v1, v0  }
0xb3: {  	s5 =	sor.u32 s5, s21  }
0xb4: {  	v3 =	vmax.f32 v2, $0.0e+00;
	v2 =	vld [tilespmem:s5+$0x14080];
	_ =	sdelay $0x1  }
0xb5: {  	s10 =	simm.s32 $0x20;
	vm0 =	veq.f32 v1, $0.0e+00;
	v3 =	vmin.f32 v3, $1.000000000e+00  }
.LBB2_5:
0xb6: {  	s11 =	sand.u32 $0x70, s10;
	s8 =	sadd.s32 $0x80, s8;
	v4 =	vsel vm0, v1, v3;
	p0 =	sne.s32 s10, $0x3F0  }
.Ltmp1:
0xb7: {  	s10 =	sadd.s32 $0x10, s10;
	s21 =	sand.u32 $0x1C00, s8;
	[tilespmem:s2+$0x14080] =	vst v4;
	(pc) =	sbr.rel @p0 .LBB2_5-.Ltmp1, $4  }
0xb8: {  	s2 =	smov.u32 s5;
	v3 =	vadd.f32 v2, v0;
	v1 =	vmov v2;
	s5 =	sor.u32 s11, s21  }
0xb9: {  	v2 =	vld [tilespmem:s5+$0x14080]  }
0xba: {  	v3 =	vmax.f32 v3, $0.0e+00  }
0xbb: {  	vm0 =	veq.f32 v1, $0.0e+00;
	v3 =	vmin.f32 v3, $1.000000000e+00  }
0xbc: {  	_ =	sdelay $0x1  }
0xbd: {  	v4 =	vadd.f32 v2, v0;
	_ =	sdelay $0x1  }
0xbe: {  	v4 =	vmax.f32 v4, $0.0e+00  }
0xbf: {  	v1 =	vsel vm0, v1, v3;
	vm0 =	veq.f32 v2, $0.0e+00;
	v3 =	vmin.f32 v4, $1.000000000e+00  }
0xc0: {  	[tilespmem:s2+$0x14080] =	vst v1;
	v1 =	vsel vm0, v2, v3  }
0xc1: {  	[tilespmem:s5+$0x14080] =	vst v1  }
0xc2: {  	s2 =	sld [smem:$0x7FA];
	_ =	sdelay $0x2  }
0xc3: {  	s11 =	simm.s32 $0x14000;
	s21 =	simm.s32 $0x16;
	s2 =	sadd.s32 s29, s2  }
0xc4: {  	[hbm4b:s2+s4] =	stream.linear.scatter [tilespmem:s11], [sflag:$0x18], $0x2000, $0x38;
	[tilespmem:$0x1A080] =	vst v63  }
0xc5: {  	_ =	swait.ge [sflag:s21], $0x2000  }
0xc6: {  	s10 =	sor.u32 $0x540000, s29;
	[sflag:s21] =	ssyncset.done $0x0  }
0xc7: {  	s8 =	simm.s32 $0x10000;
	s5 =	sadd.s32 s1, s10;
	[sflag:s21] =	ssyncadd.s32 $0xFFFFE000  }
0xc8: {  	[tilespmem:s8], [sflag:$0x9] =	stream.linear.gather [hbm4b:s5+s4], $0x2000, $0x38;
	[tilespmem:$0x1A080] =	vst v63  }
0xc9: {  	_ =	swait.ge [sflag:s17], $0x2000  }
0xca: {  	s20 =	sld [smem:$0x7FB];
	_ =	sdelay $0x1  }
0xcb: {  	s21 =	simm.s32 $0x17;
	[sflag:s17] =	ssyncset.done $0x0  }
0xcc: {  	[sflag:s17] =	ssyncadd.s32 $0xFFFFE000;
	s2 =	sadd.s32 s29, s20;
	s20 =	simm.s32 $0x16000  }
0xcd: {  	[hbm4b:s2+s4] =	stream.linear.scatter [tilespmem:s20], [sflag:$0x19], $0x2000, $0x38;
	[tilespmem:$0x1A080] =	vst v63  }
0xce: {  	_ =	swait.ge [sflag:s21], $0x2000  }
0xcf: {  	s8 =	sor.u32 $0x580000, s29;
	[sflag:s21] =	ssyncset.done $0x0  }
0xd0: {  	s5 =	sadd.s32 s1, s8;
	[sflag:s21] =	ssyncadd.s32 $0xFFFFE000;
	s21 =	simm.s32 $0x12000  }
0xd1: {  	[tilespmem:s21], [sflag:$0xA] =	stream.linear.gather [hbm4b:s5+s4], $0x2000, $0x38;
	[tilespmem:$0x1A080] =	vst v63  }
0xd2: {  	_ =	swait.ge [sflag:s22], $0x2000  }
0xd3: {  	s5 =	sld [smem:$0x7FC];
	_ =	sdelay $0x1  }
0xd4: {  	[sflag:s22] =	ssyncset.done $0x0  }
0xd5: {  	[sflag:s22] =	ssyncadd.s32 $0xFFFFE000;
	s2 =	sadd.s32 s29, s5;
	s5 =	simm.s32 $0x18000  }
0xd6: {  	[hbm4b:s2+s4] =	stream.linear.scatter [tilespmem:s5], [sflag:$0x1A], $0x2000, $0x38;
	[tilespmem:$0x1A080] =	vst v63  }
0xd7: {  	s2 =	simm.s32 $0x18  }
0xd8: {  	_ =	swait.ge [sflag:s2], $0x2000  }
0xd9: {  	s21 =	sor.u32 $0x5C0000, s29;
	[sflag:s2] =	ssyncset.done $0x0  }
0xda: {  	[sflag:s2] =	ssyncadd.s32 $0xFFFFE000;
	s2 =	sadd.s32 s1, s21  }
0xdb: {  	[tilespmem:s11], [sflag:$0xB] =	stream.linear.gather [hbm4b:s2+s4], $0x2000, $0x38;
	[tilespmem:$0x1A080] =	vst v63  }
0xdc: {  	s11 =	simm.s32 $0x1  }
0xdd: {  	_ =	swait.ge [sflag:s11], $0x2000  }
0xde: {  	[sflag:s11] =	ssyncset.done $0x0  }
0xdf: {  	s0 =	sadd.s32 s3, s0;
	[sflag:s11] =	ssyncadd.s32 $0xFFFFE000;
	s11 =	simm.s32 $0x19  }
0xe0: {  	[hbm4b:s0+s4] =	stream.linear.scatter [tilespmem:s4], [sflag:$0xE], $0x2000, $0x38;
	[tilespmem:$0x1A080] =	vst v63  }
0xe1: {  	_ =	swait.ge [sflag:s11], $0x2000  }
0xe2: {  	s0 =	sor.u32 $0x600000, s29;
	[sflag:s11] =	ssyncset.done $0x0  }
0xe3: {  	[sflag:s11] =	ssyncadd.s32 $0xFFFFE000;
	s11 =	sadd.s32 s1, s0  }
0xe4: {  	[tilespmem:s20], [sflag:$0xC] =	stream.linear.gather [hbm4b:s11+s4], $0x2000, $0x38;
	[tilespmem:$0x1A080] =	vst v63  }
0xe5: {  	s20 =	simm.s32 $0x2  }
0xe6: {  	_ =	swait.ge [sflag:s20], $0x2000  }
0xe7: {  	s11 =	sld [smem:$0x7FD];
	_ =	sdelay $0x1  }
0xe8: {  	[sflag:s20] =	ssyncset.done $0x0  }
0xe9: {  	[sflag:s20] =	ssyncadd.s32 $0xFFFFE000;
	s20 =	simm.s32 $0x1A;
	s2 =	sadd.s32 s29, s11  }
0xea: {  	[hbm4b:s2+s4] =	stream.linear.scatter [tilespmem:s6], [sflag:$0xF], $0x2000, $0x38;
	[tilespmem:$0x1A080] =	vst v63  }
0xeb: {  	_ =	swait.ge [sflag:s20], $0x2000  }
0xec: {  	s29 =	sor.u32 $0x640000, s29;
	[sflag:s20] =	ssyncset.done $0x0  }
0xed: {  	s2 =	sadd.s32 s1, s29;
	[sflag:s20] =	ssyncadd.s32 $0xFFFFE000  }
0xee: {  	[tilespmem:s5], [sflag:$0xD] =	stream.linear.gather [hbm4b:s2+s4], $0x200, $0x38;
	[tilespmem:$0x1A080] =	vst v63  }
0xef: {  	s11 =	simm.s32 $0x18400;
	s6 =	sadd.s32 $0x80, s2  }
0xf0: {  	[tilespmem:s11], [sflag:$0xD] =	stream.linear.gather [hbm4b:s6+s4], $0x200, $0x38;
	[tilespmem:$0x1A080] =	vst v63  }
0xf1: {  	s6 =	sadd.s32 $0x100, s2;
	s11 =	simm.s32 $0x18800  }
0xf2: {  	[tilespmem:s11], [sflag:$0xD] =	stream.linear.gather [hbm4b:s6+s4], $0x200, $0x38;
	[tilespmem:$0x1A080] =	vst v63  }
0xf3: {  	s6 =	sadd.s32 $0x180, s2;
	s11 =	simm.s32 $0x18C00  }
0xf4: {  	[tilespmem:s11], [sflag:$0xD] =	stream.linear.gather [hbm4b:s6+s4], $0x200, $0x38;
	[tilespmem:$0x1A080] =	vst v63  }
0xf5: {  	s6 =	sadd.s32 $0x200, s2;
	s11 =	simm.s32 $0x19000  }
0xf6: {  	[tilespmem:s11], [sflag:$0xD] =	stream.linear.gather [hbm4b:s6+s4], $0x200, $0x38;
	[tilespmem:$0x1A080] =	vst v63  }
0xf7: {  	s6 =	sadd.s32 $0x280, s2;
	s11 =	simm.s32 $0x19400  }
0xf8: {  	[tilespmem:s11], [sflag:$0xD] =	stream.linear.gather [hbm4b:s6+s4], $0x200, $0x38;
	[tilespmem:$0x1A080] =	vst v63  }
0xf9: {  	s6 =	sadd.s32 $0x300, s2;
	s11 =	simm.s32 $0x19800  }
0xfa: {  	[tilespmem:s11], [sflag:$0xD] =	stream.linear.gather [hbm4b:s6+s4], $0x200, $0x38;
	[tilespmem:$0x1A080] =	vst v63  }
0xfb: {  	s2 =	sadd.s32 $0x380, s2;
	s6 =	simm.s32 $0x19C00;
	s11 =	simm.s32 $0x3  }
0xfc: {  	[tilespmem:s6], [sflag:$0xD] =	stream.linear.gather [hbm4b:s2+s4], $0x200, $0x38;
	[tilespmem:$0x1A080] =	vst v63  }
0xfd: {  	_ =	swait.ge [sflag:s11], $0x2000  }
0xfe: {  	p0 =	seq.s32 s30, $0x7;
	[sflag:s11] =	ssyncset.done $0x0  }
0xff: {  	s5 =	sadd.s32 s3, s31;
	s2 =	simm.s32 @p0 $0x4;
	[sflag:s11] =	ssyncadd.s32 $0xFFFFE000  }
0x100: {  	[hbm4b:s5+s4] =	stream.linear.scatter [tilespmem:s24], [sflag:$0x10], $0x2000, $0x38;
	[tilespmem:$0x1A080] =	vst v63  }
0x101: {  	_ =	swait.ge @p0 [sflag:s2], $0x2000  }
0x102: {  	s11 =	simm.s32 @p0 $0x6000;
	[sflag:s2] =	ssyncset.done @p0 $0x0  }
0x103: {  	s5 =	simm.s32 @p0 $0x0;
	[sflag:s2] =	ssyncadd.s32 @p0 $0xFFFFE000;
	s2 =	sadd.s32 @p0 s3, s7  }
0x104: {  	[hbm4b:s2+s5] =	stream.linear.scatter @p0 [tilespmem:s11], [sflag:$0x11], $0x2000, $0x38;
	[tilespmem:$0x1A080] =	vst v63  }
0x105: {  	s2 =	simm.s32 @!p0 $0xE  }
0x106: {  	_ =	swait.ge @!p0 [sflag:s2], $0x2000  }
0x107: {  	s30 =	sadd.s32 $0x1, s30;
	[sflag:s2] =	ssyncset.done @!p0 $0x0  }
0x108: {  	s31 =	sshll.u32 @!p0 s30, $0xA;
	[sflag:s2] =	ssyncadd.s32 @!p0 $0xFFFFE000;
	s2 =	rddreg [dreg:$0x6]  }
0x109: {  	s11 =	simm.s32 @!p0 $0x0;
	s2 =	sadd.s32 @!p0 s31, s2  }
0x10a: {  	[tilespmem:s11], [sflag:$0x1] =	stream.linear.gather @!p0 [hbm4b:s2+s11], $0x2000, $0x38;
	[tilespmem:$0x1A080] =	vst v63  }
0x10b: {  	s2 =	simm.s32 @!p0 $0x4  }
0x10c: {  	_ =	swait.ge @!p0 [sflag:s2], $0x2000  }
0x10d: {  	[sflag:s2] =	ssyncset.done @!p0 $0x0  }
0x10e: {  	[sflag:s2] =	ssyncadd.s32 @!p0 $0xFFFFE000;
	s2 =	sadd.s32 @!p0 s3, s7;
	s7 =	simm.s32 @!p0 $0x6000  }
0x10f: {  	[hbm4b:s2+s11] =	stream.linear.scatter @!p0 [tilespmem:s7], [sflag:$0x11], $0x2000, $0x38;
	[tilespmem:$0x1A080] =	vst v63  }
0x110: {  	s2 =	simm.s32 @!p0 $0xF  }
0x111: {  	_ =	swait.ge @!p0 [sflag:s2], $0x2000  }
0x112: {  	[sflag:s2] =	ssyncset.done @!p0 $0x0  }
0x113: {  	[sflag:s2] =	ssyncadd.s32 @!p0 $0xFFFFE000;
	s2 =	rddreg [dreg:$0x7]  }
0x114: {  	s24 =	simm.s32 @!p0 $0x2000;
	s2 =	sadd.s32 @!p0 s31, s2  }
0x115: {  	[tilespmem:s24], [sflag:$0x2] =	stream.linear.gather @!p0 [hbm4b:s2+s11], $0x2000, $0x38;
	[tilespmem:$0x1A080] =	vst v63  }
0x116: {  	_ =	swait.ge [sflag:s9], $0x2000  }
0x117: {  	[sflag:s9] =	ssyncset.done $0x0  }
0x118: {  	s6 =	sadd.s32 s3, s16;
	s2 =	simm.s32 @p0 $0x6;
	[sflag:s9] =	ssyncadd.s32 $0xFFFFE000  }
0x119: {  	[hbm4b:s6+s4] =	stream.linear.scatter [tilespmem:s26], [sflag:$0x12], $0x2000, $0x38;
	[tilespmem:$0x1A080] =	vst v63  }
0x11a: {  	_ =	swait.ge @p0 [sflag:s2], $0x2000  }
0x11b: {  	[sflag:s2] =	ssyncset.done @p0 $0x0  }
0x11c: {  	s16 =	simm.s32 @p0 $0xA000;
	[sflag:s2] =	ssyncadd.s32 @p0 $0xFFFFE000;
	s2 =	sadd.s32 @p0 s3, s23  }
0x11d: {  	[hbm4b:s2+s5] =	stream.linear.scatter @p0 [tilespmem:s16], [sflag:$0x13], $0x2000, $0x38;
	[tilespmem:$0x1A080] =	vst v63  }
0x11e: {  	s2 =	simm.s32 @!p0 $0x10  }
0x11f: {  	_ =	swait.ge @!p0 [sflag:s2], $0x2000  }
0x120: {  	[sflag:s2] =	ssyncset.done @!p0 $0x0  }
0x121: {  	[sflag:s2] =	ssyncadd.s32 @!p0 $0xFFFFE000;
	s2 =	rddreg [dreg:$0x8]  }
0x122: {  	s5 =	simm.s32 @!p0 $0x4000;
	s2 =	sadd.s32 @!p0 s31, s2  }
0x123: {  	[tilespmem:s5], [sflag:$0x3] =	stream.linear.gather @!p0 [hbm4b:s2+s11], $0x2000, $0x38;
	[tilespmem:$0x1A080] =	vst v63  }
0x124: {  	s2 =	simm.s32 @!p0 $0x6  }
0x125: {  	_ =	swait.ge @!p0 [sflag:s2], $0x2000  }
0x126: {  	[sflag:s2] =	ssyncset.done @!p0 $0x0  }
0x127: {  	s5 =	simm.s32 @!p0 $0xA000;
	[sflag:s2] =	ssyncadd.s32 @!p0 $0xFFFFE000;
	s2 =	sadd.s32 @!p0 s3, s23  }
0x128: {  	[hbm4b:s2+s11] =	stream.linear.scatter @!p0 [tilespmem:s5], [sflag:$0x13], $0x2000, $0x38;
	[tilespmem:$0x1A080] =	vst v63  }
0x129: {  	s2 =	simm.s32 @!p0 $0x11  }
0x12a: {  	_ =	swait.ge @!p0 [sflag:s2], $0x2000  }
0x12b: {  	[sflag:s2] =	ssyncset.done @!p0 $0x0  }
0x12c: {  	[sflag:s2] =	ssyncadd.s32 @!p0 $0xFFFFE000;
	s2 =	rddreg [dreg:$0x9]  }
0x12d: {  	s2 =	sadd.s32 @!p0 s31, s2  }
0x12e: {  	[tilespmem:s7], [sflag:$0x4] =	stream.linear.gather @!p0 [hbm4b:s2+s11], $0x2000, $0x38;
	[tilespmem:$0x1A080] =	vst v63  }
0x12f: {  	_ =	swait.ge [sflag:s18], $0x2000  }
0x130: {  	[sflag:s18] =	ssyncset.done $0x0  }
0x131: {  	s16 =	sadd.s32 s3, s13;
	s2 =	simm.s32 @!p0 $0x12;
	[sflag:s18] =	ssyncadd.s32 $0xFFFFE000  }
0x132: {  	[hbm4b:s16+s4] =	stream.linear.scatter [tilespmem:s28], [sflag:$0x14], $0x2000, $0x38;
	[tilespmem:$0x1A080] =	vst v63  }
0x133: {  	_ =	swait.ge @!p0 [sflag:s2], $0x2000  }
0x134: {  	[sflag:s2] =	ssyncset.done @!p0 $0x0  }
0x135: {  	[sflag:s2] =	ssyncadd.s32 @!p0 $0xFFFFE000;
	s2 =	rddreg [dreg:$0xa]  }
0x136: {  	s5 =	simm.s32 @!p0 $0x8000;
	s2 =	sadd.s32 @!p0 s31, s2  }
0x137: {  	[tilespmem:s5], [sflag:$0x5] =	stream.linear.gather @!p0 [hbm4b:s2+s11], $0x2000, $0x38;
	[tilespmem:$0x1A080] =	vst v63  }
0x138: {  	s2 =	simm.s32 $0x0;
	_ =	swait.ge [sflag:s14], $0x2000  }
0x139: {  	s23 =	sand.u32 $0x70, s2;
	s24 =	sand.u32 $0x1C00, s2;
	[sflag:s14] =	ssyncset.done $0x0  }
0x13a: {  	s5 =	sor.u32 s23, s24;
	[sflag:s14] =	ssyncadd.s32 $0xFFFFE000  }
0x13b: {  	v1 =	vld [tilespmem:s5+$0xE200]  }
0x13c: {  	v2 =	vld [tilespmem:s5+$0xE280]  }
0x13d: {  	v3 =	vld [tilespmem:s5+$0xE300];
	_ =	sdelay $0x1  }
0x13e: {  	s28 =	simm.s32 $0x80;
	s24 =	simm.s32 $0x10  }
0x13f: {  	s6 =	sand.u32 $0x1C00, s28;
	s26 =	sand.u32 $0x70, s24;
	v4 =	vadd.f32 v1, v0  }
0x140: {  	s6 =	sor.u32 s26, s6;
	v5 =	vadd.f32 v2, v0  }
0x141: {  	v7 =	vld [tilespmem:s6+$0xE200];
	vm0 =	veq.f32 v1, $0.0e+00;
	v6 =	vadd.f32 v3, v0;
	v4 =	vmax.f32 v4, $0.0e+00  }
0x142: {  	v8 =	vld [tilespmem:s6+$0xE280];
	vm1 =	veq.f32 v2, $0.0e+00;
	v5 =	vmax.f32 v5, $0.0e+00;
	v4 =	vmin.f32 v4, $1.000000000e+00  }
0x143: {  	s13 =	simm.s32 $0x100;
	s23 =	simm.s32 $0x20;
	v9 =	vld [tilespmem:s6+$0xE300];
	v1 =	vsel vm0, v1, v4;
	v4 =	vmin.f32 v5, $1.000000000e+00;
	v5 =	vmax.f32 v6, $0.0e+00  }
0x144: {  	s16 =	sand.u32 $0x1C00, s13;
	s11 =	sand.u32 $0x70, s23;
	vm0 =	veq.f32 v3, $0.0e+00;
	[tilespmem:s5+$0xE200] =	vst v1;
	v1 =	vsel vm1, v2, v4;
	v2 =	vmin.f32 v5, $1.000000000e+00  }
0x145: {  	s2 =	sor.u32 s2, s2;
	s16 =	sor.u32 s11, s16;
	[tilespmem:s5+$0xE280] =	vst v1;
	v1 =	vsel vm0, v3, v2  }
0x146: {  	s7 =	sor.u32 $0x380, s2;
	v4 =	vld [tilespmem:s16+$0xE280];
	v3 =	vadd.f32 v7, v0;
	[tilespmem:s5+$0xE300] =	vst v1  }
0x147: {  	v5 =	vadd.f32 v8, v0;
	v1 =	vld [tilespmem:s7+$0xE000]  }
0x148: {  	v10 =	vadd.f32 v9, v0;
	vm1 =	veq.f32 v8, $0.0e+00;
	v2 =	vld [tilespmem:s16+$0xE200];
	v3 =	vmax.f32 v3, $0.0e+00  }
0x149: {  	v6 =	vld [tilespmem:s16+$0xE300];
	vm0 =	veq.f32 v7, $0.0e+00;
	v5 =	vmax.f32 v5, $0.0e+00;
	v3 =	vmin.f32 v3, $1.000000000e+00  }
0x14a: {  	s26 =	simm.s32 $0x180;
	s5 =	simm.s32 $0x30;
	v5 =	vmin.f32 v5, $1.000000000e+00;
	v3 =	vsel vm0, v7, v3;
	v7 =	vmax.f32 v10, $0.0e+00  }
0x14b: {  	s11 =	sand.u32 $0x1C00, s26;
	s2 =	sand.u32 $0x70, s5;
	vm0 =	veq.f32 v9, $0.0e+00;
	[tilespmem:s6+$0xE200] =	vst v3;
	v3 =	vsel vm1, v8, v5;
	v5 =	vmin.f32 v7, $1.000000000e+00  }
0x14c: {  	s24 =	sor.u32 s28, s24;
	s11 =	sor.u32 s2, s11;
	[tilespmem:s6+$0xE280] =	vst v3;
	v3 =	vsel vm0, v9, v5;
	v7 =	vadd.f32 v1, v0  }
0x14d: {  	s24 =	sor.u32 $0x380, s24;
	v10 =	vadd.f32 v4, v0;
	v8 =	vadd.f32 v2, v0;
	vm2 =	veq.f32 v2, $0.0e+00;
	v5 =	vld [tilespmem:s11+$0xE200];
	[tilespmem:s6+$0xE300] =	vst v3  }
0x14e: {  	vm0 =	veq.f32 v4, $0.0e+00;
	v9 =	vadd.f32 v6, v0;
	v3 =	vld [tilespmem:s24+$0xE000];
	v12 =	vmax.f32 v7, $0.0e+00  }
0x14f: {  	s20 =	simm.s32 $0x18000;
	s28 =	simm.s32 $0x180;
	s2 =	simm.s32 $0x40;
	v11 =	vmax.f32 v8, $0.0e+00;
	vm1 =	veq.f32 v1, $0.0e+00;
	v7 =	vld [tilespmem:s11+$0xE280];
	v8 =	vmin.f32 v12, $1.000000000e+00  }
.LBB2_7:
0x150: {  	p1 =	sne.s32 s2, $0x3F0;
	v12 =	vld [tilespmem:s11+$0xE300];
	v11 =	vmin.f32 v11, $1.000000000e+00;
	v10 =	vmax.f32 v10, $0.0e+00;
	v1 =	vsel vm1, v1, v8  }
0x151: {  	s26 =	sadd.s32 $0x80, s26;
	v9 =	vmax.f32 v9, $0.0e+00;
	v11 =	vsel vm2, v2, v11;
	v8 =	vmin.f32 v10, $1.000000000e+00;
	[tilespmem:s7+$0xE000] =	vst v1;
	s7 =	smov.u32 s24  }
.Ltmp2:
0x152: {  	s6 =	sand.u32 $0x70, s2;
	s24 =	sand.u32 $0x1C00, s26;
	v10 =	vmin.f32 v9, $1.000000000e+00;
	[tilespmem:s16+$0xE200] =	vst v11;
	v8 =	vsel vm0, v4, v8;
	vm0 =	veq.f32 v6, $0.0e+00;
	v2 =	vmovc v5;
	(pc) =	sbr.rel @p1 .LBB2_7-.Ltmp2, $4  }
0x153: {  	s23 =	sor.u32 s13, s23;
	s13 =	smov.u32 s28;
	s6 =	sor.u32 s6, s24;
	[tilespmem:s16+$0xE280] =	vst v8;
	v9 =	vsel vm0, v6, v10;
	v11 =	vadd.f32 v3, v0;
	v1 =	vmov v3  }
0x154: {  	s28 =	smov.u32 s26;
	s24 =	sor.u32 $0x380, s23;
	v8 =	vadd.f32 v2, v0;
	vm2 =	veq.f32 v2, $0.0e+00;
	v5 =	vld [tilespmem:s6+$0xE200];
	vm0 =	veq.f32 v7, $0.0e+00;
	[tilespmem:s16+$0xE300] =	vst v9;
	v4 =	vmovc v7;
	s16 =	smov.u32 s11  }
0x155: {  	s23 =	smov.u32 s5;
	s5 =	smov.u32 s2;
	s11 =	smov.u32 s6;
	v10 =	vadd.f32 v4, v0;
	v9 =	vadd.f32 v12, v0;
	v3 =	vld [tilespmem:s24+$0xE000];
	v13 =	vmax.f32 v11, $0.0e+00;
	v6 =	vmovc v12  }
0x156: {  	s2 =	sadd.s32 $0x10, s2;
	vm1 =	veq.f32 v1, $0.0e+00;
	v11 =	vmax.f32 v8, $0.0e+00;
	v7 =	vld [tilespmem:s11+$0xE280];
	v8 =	vmin.f32 v13, $1.000000000e+00  }
0x157: {  	v12 =	vld [tilespmem:s11+$0xE300]  }
0x158: {  	v11 =	vmin.f32 v11, $1.000000000e+00;
	v10 =	vmax.f32 v10, $0.0e+00  }
0x159: {  	v9 =	vmax.f32 v9, $0.0e+00;
	v2 =	vsel vm2, v2, v11;
	v10 =	vmin.f32 v10, $1.000000000e+00  }
0x15a: {  	v9 =	vmin.f32 v9, $1.000000000e+00;
	vm2 =	veq.f32 v6, $0.0e+00;
	v11 =	vadd.f32 v5, v0  }
0x15b: {  	v4 =	vsel vm0, v4, v10;
	v6 =	vsel vm2, v6, v9;
	v9 =	vadd.f32 v7, v0  }
0x15c: {  	[tilespmem:s16+$0xE200] =	vst v2;
	vm0 =	veq.f32 v5, $0.0e+00;
	v10 =	vmax.f32 v11, $0.0e+00;
	v2 =	vadd.f32 v12, v0  }
0x15d: {  	[tilespmem:s16+$0xE280] =	vst v4;
	vm2 =	veq.f32 v7, $0.0e+00;
	v4 =	vmin.f32 v10, $1.000000000e+00;
	v9 =	vmax.f32 v9, $0.0e+00  }
0x15e: {  	[tilespmem:s16+$0xE300] =	vst v6;
	v4 =	vsel vm0, v5, v4;
	v5 =	vmin.f32 v9, $1.000000000e+00;
	v2 =	vmax.f32 v2, $0.0e+00  }
0x15f: {  	s2 =	sor.u32 s13, s23;
	vm0 =	veq.f32 v12, $0.0e+00;
	[tilespmem:s11+$0xE200] =	vst v4;
	v4 =	vsel vm2, v7, v5;
	v2 =	vmin.f32 v2, $1.000000000e+00  }
0x160: {  	s5 =	sor.u32 s28, s5;
	s2 =	sor.u32 $0x380, s2;
	[tilespmem:s11+$0xE280] =	vst v4;
	v2 =	vsel vm0, v12, v2  }
0x161: {  	s5 =	sor.u32 $0x380, s5;
	v4 =	vld [tilespmem:s2+$0xE000];
	[tilespmem:s11+$0xE300] =	vst v2  }
0x162: {  	v2 =	vld [tilespmem:s5+$0xE000];
	_ =	sdelay $0x1  }
0x163: {  	v5 =	vadd.f32 v3, v0;
	_ =	sdelay $0x1  }
0x164: {  	v5 =	vmax.f32 v5, $0.0e+00;
	v6 =	vadd.f32 v4, v0  }
0x165: {  	vm0 =	veq.f32 v3, $0.0e+00;
	v5 =	vmin.f32 v5, $1.000000000e+00;
	v7 =	vadd.f32 v2, v0  }
0x166: {  	v1 =	vsel vm1, v1, v8;
	v3 =	vsel vm0, v3, v5;
	v5 =	vmax.f32 v6, $0.0e+00  }
0x167: {  	[tilespmem:s7+$0xE000] =	vst v1;
	vm0 =	veq.f32 v4, $0.0e+00;
	v1 =	vmin.f32 v5, $1.000000000e+00;
	v5 =	vmax.f32 v7, $0.0e+00  }
0x168: {  	[tilespmem:s24+$0xE000] =	vst v3;
	v1 =	vsel vm0, v4, v1;
	vm0 =	veq.f32 v2, $0.0e+00;
	v3 =	vmin.f32 v5, $1.000000000e+00  }
0x169: {  	[tilespmem:s2+$0xE000] =	vst v1;
	v1 =	vsel vm0, v2, v3  }
0x16a: {  	s6 =	sadd.s32 s3, s12;
	s7 =	simm.s32 $0xE000;
	s2 =	simm.s32 @!p0 $0x13;
	[tilespmem:s5+$0xE000] =	vst v1  }
0x16b: {  	[hbm4b:s6+s4] =	stream.linear.scatter [tilespmem:s7], [sflag:$0x15], $0x2000, $0x38;
	[tilespmem:$0x1A080] =	vst v63  }
0x16c: {  	_ =	swait.ge @!p0 [sflag:s2], $0x2000  }
0x16d: {  	[sflag:s2] =	ssyncset.done @!p0 $0x0  }
0x16e: {  	[sflag:s2] =	ssyncadd.s32 @!p0 $0xFFFFE000;
	s2 =	rddreg [dreg:$0xb]  }
0x16f: {  	s5 =	simm.s32 @!p0 $0x0;
	s6 =	simm.s32 @!p0 $0xA000;
	s2 =	sadd.s32 @!p0 s31, s2  }
0x170: {  	[tilespmem:s6], [sflag:$0x6] =	stream.linear.gather @!p0 [hbm4b:s2+s5], $0x2000, $0x38;
	[tilespmem:$0x1A080] =	vst v63  }
0x171: {  	s11 =	simm.s32 $0x0;
	_ =	swait.ge [sflag:s15], $0x2000  }
0x172: {  	s13 =	sand.u32 $0x70, s11;
	s16 =	sand.u32 $0x1C00, s11;
	[sflag:s15] =	ssyncset.done $0x0  }
0x173: {  	s23 =	sor.u32 s13, s16;
	[sflag:s15] =	ssyncadd.s32 $0xFFFFE000  }
0x174: {  	v1 =	vld [tilespmem:s23+$0x10000]  }
0x175: {  	v3 =	vld [tilespmem:s23+$0x10080]  }
0x176: {  	v5 =	vld [tilespmem:s23+$0x10100]  }
0x177: {  	v6 =	vld [tilespmem:s23+$0x10180]  }
0x178: {  	v7 =	vld [tilespmem:s23+$0x10200]  }
0x179: {  	v8 =	vld [tilespmem:s23+$0x10280]  }
0x17a: {  	v9 =	vld [tilespmem:s23+$0x10300];
	vm1 =	veq.f32 v1, $0.0e+00  }
0x17b: {  	vm2 =	veq.f32 v3, $0.0e+00;
	vm3 =	veq.f32 v5, $0.0e+00;
	v2 =	vadd.f32 v1, v0  }
0x17c: {  	v4 =	vadd.f32 v3, v0;
	vm4 =	veq.f32 v6, $0.0e+00;
	v10 =	vadd.f32 v5, v0  }
0x17d: {  	s13 =	simm.s32 $0x80;
	s7 =	simm.s32 $0x10;
	v11 =	vadd.f32 v6, v0;
	vm0 =	veq.f32 v7, $0.0e+00;
	v12 =	vadd.f32 v7, v0  }
0x17e: {  	s26 =	sand.u32 $0x1C00, s13;
	s24 =	sand.u32 $0x70, s7;
	v13 =	vadd.f32 v8, v0;
	vm5 =	veq.f32 v8, $0.0e+00;
	v2 =	vmax.f32 v2, $0.0e+00  }
0x17f: {  	s12 =	sor.u32 s24, s26;
	v14 =	vadd.f32 v9, v0;
	v4 =	vmax.f32 v4, $0.0e+00;
	v2 =	vmin.f32 v2, $1.000000000e+00  }
0x180: {  	v11 =	vmax.f32 v11, $0.0e+00;
	v4 =	vmin.f32 v4, $1.000000000e+00;
	v1 =	vsel vm1, v1, v2;
	v2 =	vld [tilespmem:s12+$0x10000]  }
0x181: {  	v10 =	vmax.f32 v10, $0.0e+00;
	v11 =	vmin.f32 v11, $1.000000000e+00;
	v15 =	vsel vm2, v3, v4;
	v3 =	vld [tilespmem:s12+$0x10080];
	[tilespmem:s23+$0x10000] =	vst v1  }
0x182: {  	v4 =	vld [tilespmem:s12+$0x10100];
	v6 =	vsel vm4, v6, v11;
	v1 =	vmin.f32 v10, $1.000000000e+00;
	v10 =	vmax.f32 v12, $0.0e+00;
	[tilespmem:s23+$0x10080] =	vst v15  }
0x183: {  	v11 =	vmax.f32 v13, $0.0e+00;
	[tilespmem:s23+$0x10180] =	vst v6;
	v1 =	vsel vm3, v5, v1;
	v5 =	vld [tilespmem:s12+$0x10180];
	v10 =	vmin.f32 v10, $1.000000000e+00  }
0x184: {  	v6 =	vmin.f32 v11, $1.000000000e+00;
	[tilespmem:s23+$0x10100] =	vst v1;
	v1 =	vld [tilespmem:s12+$0x10200];
	v7 =	vsel vm0, v7, v10;
	v10 =	vmax.f32 v14, $0.0e+00  }
0x185: {  	vm0 =	veq.f32 v9, $0.0e+00;
	v10 =	vmin.f32 v10, $1.000000000e+00;
	[tilespmem:s23+$0x10200] =	vst v7;
	v7 =	vsel vm5, v8, v6;
	v6 =	vld [tilespmem:s12+$0x10280]  }
0x186: {  	s28 =	sor.u32 s11, s11;
	v8 =	vsel vm0, v9, v10;
	[tilespmem:s23+$0x10280] =	vst v7;
	v7 =	vld [tilespmem:s12+$0x10300]  }
0x187: {  	s5 =	sor.u32 $0x380, s28;
	vm4 =	veq.f32 v2, $0.0e+00;
	vm3 =	veq.f32 v3, $0.0e+00;
	v11 =	vadd.f32 v2, v0;
	[tilespmem:s23+$0x10300] =	vst v8  }
0x188: {  	vm1 =	veq.f32 v4, $0.0e+00;
	v12 =	vadd.f32 v3, v0;
	v10 =	vadd.f32 v4, v0;
	v8 =	vld [tilespmem:s5+$0x10000]  }
0x189: {  	s11 =	simm.s32 $0x20;
	s16 =	simm.s32 $0x80;
	vm2 =	veq.f32 v5, $0.0e+00;
	v9 =	vadd.f32 v5, v0;
	vm0 =	veq.f32 v1, $0.0e+00  }
.LBB2_9:
0x18a: {  	p1 =	sne.s32 s11, $0x3F0;
	v13 =	vadd.f32 v1, v0;
	v14 =	vadd.f32 v6, v0;
	vm5 =	veq.f32 v6, $0.0e+00  }
0x18b: {  	v11 =	vmax.f32 v11, $0.0e+00;
	v12 =	vmax.f32 v12, $0.0e+00;
	s13 =	sadd.s32 $0x80, s13;
	v15 =	vadd.f32 v7, v0  }
0x18c: {  	s2 =	sand.u32 $0x70, s11;
	s6 =	sand.u32 $0x1C00, s13;
	v11 =	vmin.f32 v11, $1.000000000e+00;
	v10 =	vmax.f32 v10, $0.0e+00;
	v9 =	vmax.f32 v9, $0.0e+00  }
0x18d: {  	v12 =	vmin.f32 v12, $1.000000000e+00;
	s2 =	sor.u32 s2, s6;
	v11 =	vsel vm4, v2, v11;
	v16 =	vadd.f32 v8, v0  }
0x18e: {  	v10 =	vmin.f32 v10, $1.000000000e+00;
	v2 =	vld [tilespmem:s2+$0x10000];
	[tilespmem:s12+$0x10000] =	vst v11;
	v11 =	vsel vm3, v3, v12;
	v12 =	vmax.f32 v13, $0.0e+00  }
0x18f: {  	v9 =	vmin.f32 v9, $1.000000000e+00;
	v10 =	vsel vm1, v4, v10;
	v3 =	vld [tilespmem:s2+$0x10080];
	[tilespmem:s12+$0x10080] =	vst v11;
	v11 =	vmax.f32 v16, $0.0e+00  }
0x190: {  	v9 =	vsel vm2, v5, v9;
	vm1 =	veq.f32 v8, $0.0e+00;
	v4 =	vld [tilespmem:s2+$0x10100];
	[tilespmem:s12+$0x10100] =	vst v10;
	v10 =	vmin.f32 v11, $1.000000000e+00  }
0x191: {  	v11 =	vmax.f32 v14, $0.0e+00;
	v5 =	vld [tilespmem:s2+$0x10180];
	[tilespmem:s12+$0x10180] =	vst v9;
	v9 =	vmin.f32 v12, $1.000000000e+00;
	v8 =	vsel vm1, v8, v10  }
0x192: {  	v10 =	vmin.f32 v11, $1.000000000e+00;
	v11 =	vmax.f32 v15, $0.0e+00;
	v9 =	vsel vm0, v1, v9;
	v1 =	vld [tilespmem:s2+$0x10200];
	[tilespmem:s5+$0x10000] =	vst v8  }
.Ltmp3:
0x193: {  	v8 =	vsel vm5, v6, v10;
	vm0 =	veq.f32 v7, $0.0e+00;
	[tilespmem:s12+$0x10200] =	vst v9;
	v6 =	vld [tilespmem:s2+$0x10280];
	v9 =	vmin.f32 v11, $1.000000000e+00;
	(pc) =	sbr.rel @p1 .LBB2_9-.Ltmp3, $4  }
0x194: {  	s5 =	sor.u32 s16, s7;
	s16 =	smov.u32 s13;
	s7 =	smov.u32 s11;
	[tilespmem:s12+$0x10280] =	vst v8;
	v8 =	vsel vm0, v7, v9;
	v7 =	vld [tilespmem:s2+$0x10300]  }
0x195: {  	vm4 =	veq.f32 v2, $0.0e+00;
	s5 =	sor.u32 $0x380, s5;
	vm3 =	veq.f32 v3, $0.0e+00;
	vm1 =	veq.f32 v4, $0.0e+00;
	[tilespmem:s12+$0x10300] =	vst v8;
	s12 =	smov.u32 s2  }
0x196: {  	v11 =	vadd.f32 v2, v0;
	v12 =	vadd.f32 v3, v0;
	vm2 =	veq.f32 v5, $0.0e+00;
	v8 =	vld [tilespmem:s5+$0x10000]  }
0x197: {  	s11 =	sadd.s32 $0x10, s11;
	v10 =	vadd.f32 v4, v0;
	v9 =	vadd.f32 v5, v0;
	vm0 =	veq.f32 v1, $0.0e+00  }
0x198: {  	v13 =	vadd.f32 v1, v0  }
0x199: {  	v14 =	vadd.f32 v6, v0;
	vm5 =	veq.f32 v6, $0.0e+00;
	v11 =	vmax.f32 v11, $0.0e+00  }
0x19a: {  	v12 =	vmax.f32 v12, $0.0e+00;
	v15 =	vadd.f32 v7, v0;
	v11 =	vmin.f32 v11, $1.000000000e+00  }
0x19b: {  	v10 =	vmax.f32 v10, $0.0e+00;
	v2 =	vsel vm4, v2, v11;
	v11 =	vmin.f32 v12, $1.000000000e+00  }
0x19c: {  	v9 =	vmax.f32 v9, $0.0e+00;
	[tilespmem:s12+$0x10000] =	vst v2;
	v2 =	vsel vm3, v3, v11;
	v3 =	vmin.f32 v10, $1.000000000e+00  }
0x19d: {  	v10 =	vmax.f32 v13, $0.0e+00;
	[tilespmem:s12+$0x10080] =	vst v2;
	v2 =	vsel vm1, v4, v3;
	v3 =	vmin.f32 v9, $1.000000000e+00  }
0x19e: {  	v4 =	vmax.f32 v14, $0.0e+00;
	[tilespmem:s12+$0x10100] =	vst v2;
	v2 =	vsel vm2, v5, v3;
	v3 =	vmin.f32 v10, $1.000000000e+00  }
0x19f: {  	[tilespmem:s12+$0x10180] =	vst v2;
	v1 =	vsel vm0, v1, v3;
	v2 =	vmin.f32 v4, $1.000000000e+00;
	v3 =	vmax.f32 v15, $0.0e+00  }
0x1a0: {  	vm0 =	veq.f32 v7, $0.0e+00;
	[tilespmem:s12+$0x10200] =	vst v1;
	v1 =	vsel vm5, v6, v2;
	v2 =	vmin.f32 v3, $1.000000000e+00  }
0x1a1: {  	s2 =	sor.u32 s16, s7;
	[tilespmem:s12+$0x10280] =	vst v1;
	v1 =	vsel vm0, v7, v2  }
0x1a2: {  	s2 =	sor.u32 $0x380, s2;
	[tilespmem:s12+$0x10300] =	vst v1  }
0x1a3: {  	v1 =	vld [tilespmem:s2+$0x10000];
	_ =	sdelay $0x3  }
0x1a4: {  	v2 =	vadd.f32 v8, v0  }
0x1a5: {  	v3 =	vadd.f32 v1, v0  }
0x1a6: {  	v2 =	vmax.f32 v2, $0.0e+00  }
0x1a7: {  	vm0 =	veq.f32 v8, $0.0e+00;
	v2 =	vmin.f32 v2, $1.000000000e+00;
	v3 =	vmax.f32 v3, $0.0e+00  }
0x1a8: {  	v2 =	vsel vm0, v8, v2;
	vm0 =	veq.f32 v1, $0.0e+00;
	v3 =	vmin.f32 v3, $1.000000000e+00  }
0x1a9: {  	[tilespmem:s5+$0x10000] =	vst v2;
	v1 =	vsel vm0, v1, v3  }
0x1aa: {  	s23 =	sadd.s32 s3, s10;
	s24 =	simm.s32 $0x10000;
	[tilespmem:s2+$0x10000] =	vst v1;
	s2 =	simm.s32 @!p0 $0x14  }
0x1ab: {  	[hbm4b:s23+s4] =	stream.linear.scatter [tilespmem:s24], [sflag:$0x16], $0x2000, $0x38;
	[tilespmem:$0x1A080] =	vst v63  }
0x1ac: {  	_ =	swait.ge @!p0 [sflag:s2], $0x2000  }
0x1ad: {  	[sflag:s2] =	ssyncset.done @!p0 $0x0  }
0x1ae: {  	[sflag:s2] =	ssyncadd.s32 @!p0 $0xFFFFE000;
	s2 =	rddreg [dreg:$0xc]  }
0x1af: {  	s6 =	simm.s32 @!p0 $0xC000;
	s5 =	simm.s32 @!p0 $0x0;
	s2 =	sadd.s32 @!p0 s31, s2  }
0x1b0: {  	[tilespmem:s6], [sflag:$0x7] =	stream.linear.gather @!p0 [hbm4b:s2+s5], $0x2000, $0x38;
	[tilespmem:$0x1A080] =	vst v63  }
0x1b1: {  	s26 =	simm.s32 $0x0;
	_ =	swait.ge [sflag:s19], $0x2000  }
0x1b2: {  	s13 =	sand.u32 $0x70, s26;
	s16 =	sand.u32 $0x1C00, s26;
	[sflag:s19] =	ssyncset.done $0x0  }
0x1b3: {  	s11 =	sor.u32 s13, s16;
	[sflag:s19] =	ssyncadd.s32 $0xFFFFE000  }
0x1b4: {  	v1 =	vld [tilespmem:s11+$0x12000]  }
0x1b5: {  	v3 =	vld [tilespmem:s11+$0x12080]  }
0x1b6: {  	v5 =	vld [tilespmem:s11+$0x12100]  }
0x1b7: {  	v6 =	vld [tilespmem:s11+$0x12180]  }
0x1b8: {  	v7 =	vld [tilespmem:s11+$0x12200]  }
0x1b9: {  	v8 =	vld [tilespmem:s11+$0x12280]  }
0x1ba: {  	v9 =	vld [tilespmem:s11+$0x12300];
	vm2 =	veq.f32 v1, $0.0e+00  }
0x1bb: {  	vm3 =	veq.f32 v3, $0.0e+00;
	vm4 =	veq.f32 v5, $0.0e+00;
	v2 =	vadd.f32 v1, v0  }
0x1bc: {  	v4 =	vadd.f32 v3, v0;
	vm5 =	veq.f32 v6, $0.0e+00;
	v10 =	vadd.f32 v5, v0  }
0x1bd: {  	s7 =	simm.s32 $0x10;
	s12 =	simm.s32 $0x80;
	v11 =	vadd.f32 v6, v0;
	vm1 =	veq.f32 v7, $0.0e+00;
	v12 =	vadd.f32 v7, v0  }
0x1be: {  	s23 =	sand.u32 $0x70, s7;
	s24 =	sand.u32 $0x1C00, s12;
	v13 =	vadd.f32 v8, v0;
	vm0 =	veq.f32 v8, $0.0e+00;
	v2 =	vmax.f32 v2, $0.0e+00  }
0x1bf: {  	s10 =	sor.u32 s23, s24;
	v14 =	vadd.f32 v9, v0;
	v4 =	vmax.f32 v4, $0.0e+00;
	v15 =	vmin.f32 v2, $1.000000000e+00  }
0x1c0: {  	v11 =	vmax.f32 v11, $0.0e+00;
	v4 =	vmin.f32 v4, $1.000000000e+00;
	v2 =	vld [tilespmem:s10+$0x12000];
	v1 =	vsel vm2, v1, v15  }
0x1c1: {  	v10 =	vmax.f32 v10, $0.0e+00;
	v11 =	vmin.f32 v11, $1.000000000e+00;
	v15 =	vsel vm3, v3, v4;
	v3 =	vld [tilespmem:s10+$0x12080];
	[tilespmem:s11+$0x12000] =	vst v1  }
0x1c2: {  	v4 =	vld [tilespmem:s10+$0x12100];
	v6 =	vsel vm5, v6, v11;
	v1 =	vmin.f32 v10, $1.000000000e+00;
	v10 =	vmax.f32 v12, $0.0e+00;
	[tilespmem:s11+$0x12080] =	vst v15  }
0x1c3: {  	v11 =	vmax.f32 v13, $0.0e+00;
	[tilespmem:s11+$0x12180] =	vst v6;
	v1 =	vsel vm4, v5, v1;
	v5 =	vld [tilespmem:s10+$0x12180];
	v10 =	vmin.f32 v10, $1.000000000e+00  }
0x1c4: {  	v6 =	vmin.f32 v11, $1.000000000e+00;
	[tilespmem:s11+$0x12100] =	vst v1;
	v1 =	vld [tilespmem:s10+$0x12200];
	v7 =	vsel vm1, v7, v10;
	v10 =	vmax.f32 v14, $0.0e+00  }
0x1c5: {  	vm1 =	veq.f32 v9, $0.0e+00;
	v10 =	vmin.f32 v10, $1.000000000e+00;
	[tilespmem:s11+$0x12200] =	vst v7;
	v7 =	vsel vm0, v8, v6;
	v6 =	vld [tilespmem:s10+$0x12280]  }
0x1c6: {  	s26 =	sor.u32 s26, s26;
	v8 =	vsel vm1, v9, v10;
	[tilespmem:s11+$0x12280] =	vst v7;
	v7 =	vld [tilespmem:s10+$0x12300]  }
0x1c7: {  	s5 =	sor.u32 $0x380, s26;
	vm4 =	veq.f32 v2, $0.0e+00;
	v11 =	vadd.f32 v2, v0;
	vm3 =	veq.f32 v3, $0.0e+00;
	[tilespmem:s11+$0x12300] =	vst v8  }
0x1c8: {  	s28 =	simm.s32 $0xC000;
	s13 =	simm.s32 $0x80;
	vm1 =	veq.f32 v4, $0.0e+00;
	v12 =	vadd.f32 v3, v0;
	v10 =	vadd.f32 v4, v0;
	v8 =	vld [tilespmem:s5+$0x12000]  }
0x1c9: {  	s24 =	simm.s32 $0x4000;
	s26 =	simm.s32 $0x8000;
	s11 =	simm.s32 $0x20;
	vm2 =	veq.f32 v5, $0.0e+00;
	v9 =	vadd.f32 v5, v0;
	vm0 =	veq.f32 v1, $0.0e+00  }
.LBB2_11:
0x1ca: {  	p1 =	sne.s32 s11, $0x3F0;
	v13 =	vadd.f32 v1, v0;
	v14 =	vadd.f32 v6, v0;
	vm5 =	veq.f32 v6, $0.0e+00  }
0x1cb: {  	v11 =	vmax.f32 v11, $0.0e+00;
	v12 =	vmax.f32 v12, $0.0e+00;
	s12 =	sadd.s32 $0x80, s12;
	v15 =	vadd.f32 v7, v0  }
0x1cc: {  	s2 =	sand.u32 $0x70, s11;
	s6 =	sand.u32 $0x1C00, s12;
	v11 =	vmin.f32 v11, $1.000000000e+00;
	v10 =	vmax.f32 v10, $0.0e+00;
	v9 =	vmax.f32 v9, $0.0e+00  }
0x1cd: {  	v12 =	vmin.f32 v12, $1.000000000e+00;
	s2 =	sor.u32 s2, s6;
	v11 =	vsel vm4, v2, v11;
	v16 =	vadd.f32 v8, v0  }
0x1ce: {  	v10 =	vmin.f32 v10, $1.000000000e+00;
	v2 =	vld [tilespmem:s2+$0x12000];
	[tilespmem:s10+$0x12000] =	vst v11;
	v11 =	vsel vm3, v3, v12;
	v12 =	vmax.f32 v13, $0.0e+00  }
0x1cf: {  	v9 =	vmin.f32 v9, $1.000000000e+00;
	v10 =	vsel vm1, v4, v10;
	v3 =	vld [tilespmem:s2+$0x12080];
	[tilespmem:s10+$0x12080] =	vst v11;
	v11 =	vmax.f32 v16, $0.0e+00  }
0x1d0: {  	v9 =	vsel vm2, v5, v9;
	vm1 =	veq.f32 v8, $0.0e+00;
	v4 =	vld [tilespmem:s2+$0x12100];
	[tilespmem:s10+$0x12100] =	vst v10;
	v10 =	vmin.f32 v11, $1.000000000e+00  }
0x1d1: {  	v11 =	vmax.f32 v14, $0.0e+00;
	v5 =	vld [tilespmem:s2+$0x12180];
	[tilespmem:s10+$0x12180] =	vst v9;
	v9 =	vmin.f32 v12, $1.000000000e+00;
	v8 =	vsel vm1, v8, v10  }
0x1d2: {  	v10 =	vmin.f32 v11, $1.000000000e+00;
	v11 =	vmax.f32 v15, $0.0e+00;
	v9 =	vsel vm0, v1, v9;
	v1 =	vld [tilespmem:s2+$0x12200];
	[tilespmem:s5+$0x12000] =	vst v8  }
.Ltmp4:
0x1d3: {  	v8 =	vsel vm5, v6, v10;
	vm0 =	veq.f32 v7, $0.0e+00;
	[tilespmem:s10+$0x12200] =	vst v9;
	v6 =	vld [tilespmem:s2+$0x12280];
	v9 =	vmin.f32 v11, $1.000000000e+00;
	(pc) =	sbr.rel @p1 .LBB2_11-.Ltmp4, $4  }
0x1d4: {  	s5 =	sor.u32 s13, s7;
	s13 =	smov.u32 s12;
	s7 =	smov.u32 s11;
	[tilespmem:s10+$0x12280] =	vst v8;
	v8 =	vsel vm0, v7, v9;
	v7 =	vld [tilespmem:s2+$0x12300]  }
0x1d5: {  	vm4 =	veq.f32 v2, $0.0e+00;
	s5 =	sor.u32 $0x380, s5;
	vm3 =	veq.f32 v3, $0.0e+00;
	vm1 =	veq.f32 v4, $0.0e+00;
	[tilespmem:s10+$0x12300] =	vst v8;
	s10 =	smov.u32 s2  }
0x1d6: {  	v11 =	vadd.f32 v2, v0;
	v12 =	vadd.f32 v3, v0;
	vm2 =	veq.f32 v5, $0.0e+00;
	v8 =	vld [tilespmem:s5+$0x12000]  }
0x1d7: {  	s11 =	sadd.s32 $0x10, s11;
	v10 =	vadd.f32 v4, v0;
	v9 =	vadd.f32 v5, v0;
	vm0 =	veq.f32 v1, $0.0e+00  }
0x1d8: {  	v13 =	vadd.f32 v1, v0  }
0x1d9: {  	v14 =	vadd.f32 v6, v0;
	vm5 =	veq.f32 v6, $0.0e+00;
	v11 =	vmax.f32 v11, $0.0e+00  }
0x1da: {  	v12 =	vmax.f32 v12, $0.0e+00;
	v15 =	vadd.f32 v7, v0;
	v11 =	vmin.f32 v11, $1.000000000e+00  }
0x1db: {  	v10 =	vmax.f32 v10, $0.0e+00;
	v2 =	vsel vm4, v2, v11;
	v11 =	vmin.f32 v12, $1.000000000e+00  }
0x1dc: {  	v9 =	vmax.f32 v9, $0.0e+00;
	[tilespmem:s10+$0x12000] =	vst v2;
	v2 =	vsel vm3, v3, v11;
	v3 =	vmin.f32 v10, $1.000000000e+00  }
0x1dd: {  	v10 =	vmax.f32 v13, $0.0e+00;
	[tilespmem:s10+$0x12080] =	vst v2;
	v2 =	vsel vm1, v4, v3;
	v3 =	vmin.f32 v9, $1.000000000e+00  }
0x1de: {  	v4 =	vmax.f32 v14, $0.0e+00;
	[tilespmem:s10+$0x12100] =	vst v2;
	v2 =	vsel vm2, v5, v3;
	v3 =	vmin.f32 v10, $1.000000000e+00  }
0x1df: {  	[tilespmem:s10+$0x12180] =	vst v2;
	v1 =	vsel vm0, v1, v3;
	v2 =	vmin.f32 v4, $1.000000000e+00;
	v3 =	vmax.f32 v15, $0.0e+00  }
0x1e0: {  	vm0 =	veq.f32 v7, $0.0e+00;
	[tilespmem:s10+$0x12200] =	vst v1;
	v1 =	vsel vm5, v6, v2;
	v2 =	vmin.f32 v3, $1.000000000e+00  }
0x1e1: {  	s2 =	sor.u32 s13, s7;
	[tilespmem:s10+$0x12280] =	vst v1;
	v1 =	vsel vm0, v7, v2  }
0x1e2: {  	s2 =	sor.u32 $0x380, s2;
	[tilespmem:s10+$0x12300] =	vst v1  }
0x1e3: {  	v1 =	vld [tilespmem:s2+$0x12000];
	_ =	sdelay $0x3  }
0x1e4: {  	v2 =	vadd.f32 v8, v0  }
0x1e5: {  	v3 =	vadd.f32 v1, v0  }
0x1e6: {  	v2 =	vmax.f32 v2, $0.0e+00  }
0x1e7: {  	vm0 =	veq.f32 v8, $0.0e+00;
	v2 =	vmin.f32 v2, $1.000000000e+00;
	v3 =	vmax.f32 v3, $0.0e+00  }
0x1e8: {  	v2 =	vsel vm0, v8, v2;
	vm0 =	veq.f32 v1, $0.0e+00;
	v3 =	vmin.f32 v3, $1.000000000e+00  }
0x1e9: {  	[tilespmem:s5+$0x12000] =	vst v2;
	v1 =	vsel vm0, v1, v3  }
0x1ea: {  	s13 =	sadd.s32 s3, s8;
	s16 =	simm.s32 $0x12000;
	[tilespmem:s2+$0x12000] =	vst v1;
	s2 =	simm.s32 @!p0 $0x15  }
0x1eb: {  	[hbm4b:s13+s4] =	stream.linear.scatter [tilespmem:s16], [sflag:$0x17], $0x2000, $0x38;
	[tilespmem:$0x1A080] =	vst v63  }
0x1ec: {  	_ =	swait.ge @!p0 [sflag:s2], $0x2000  }
0x1ed: {  	[sflag:s2] =	ssyncset.done @!p0 $0x0  }
0x1ee: {  	[sflag:s2] =	ssyncadd.s32 @!p0 $0xFFFFE000;
	s2 =	rddreg [dreg:$0xd]  }
0x1ef: {  	s6 =	simm.s32 @!p0 $0xE000;
	s5 =	simm.s32 @!p0 $0x0;
	s2 =	sadd.s32 @!p0 s31, s2  }
0x1f0: {  	[tilespmem:s6], [sflag:$0x8] =	stream.linear.gather @!p0 [hbm4b:s2+s5], $0x2000, $0x38;
	[tilespmem:$0x1A080] =	vst v63  }
0x1f1: {  	s23 =	simm.s32 $0x0;
	_ =	swait.ge [sflag:s25], $0x2000  }
0x1f2: {  	s11 =	sand.u32 $0x70, s23;
	s12 =	sand.u32 $0x1C00, s23;
	[sflag:s25] =	ssyncset.done $0x0  }
0x1f3: {  	s11 =	sor.u32 s11, s12;
	[sflag:s25] =	ssyncadd.s32 $0xFFFFE000  }
0x1f4: {  	v1 =	vld [tilespmem:s11+$0x14000]  }
0x1f5: {  	v3 =	vld [tilespmem:s11+$0x14080]  }
0x1f6: {  	v5 =	vld [tilespmem:s11+$0x14100]  }
0x1f7: {  	v6 =	vld [tilespmem:s11+$0x14180]  }
0x1f8: {  	v7 =	vld [tilespmem:s11+$0x14200]  }
0x1f9: {  	v8 =	vld [tilespmem:s11+$0x14280]  }
0x1fa: {  	v9 =	vld [tilespmem:s11+$0x14300];
	vm2 =	veq.f32 v1, $0.0e+00  }
0x1fb: {  	vm3 =	veq.f32 v3, $0.0e+00;
	vm4 =	veq.f32 v5, $0.0e+00;
	v2 =	vadd.f32 v1, v0  }
0x1fc: {  	v4 =	vadd.f32 v3, v0;
	vm5 =	veq.f32 v6, $0.0e+00;
	v10 =	vadd.f32 v5, v0  }
0x1fd: {  	s7 =	simm.s32 $0x10;
	s10 =	simm.s32 $0x80;
	v11 =	vadd.f32 v6, v0;
	vm1 =	veq.f32 v7, $0.0e+00;
	v12 =	vadd.f32 v7, v0  }
0x1fe: {  	s13 =	sand.u32 $0x70, s7;
	s16 =	sand.u32 $0x1C00, s10;
	v13 =	vadd.f32 v8, v0;
	vm0 =	veq.f32 v8, $0.0e+00;
	v2 =	vmax.f32 v2, $0.0e+00  }
0x1ff: {  	s8 =	sor.u32 s13, s16;
	v14 =	vadd.f32 v9, v0;
	v4 =	vmax.f32 v4, $0.0e+00;
	v15 =	vmin.f32 v2, $1.000000000e+00  }
0x200: {  	v11 =	vmax.f32 v11, $0.0e+00;
	v4 =	vmin.f32 v4, $1.000000000e+00;
	v2 =	vld [tilespmem:s8+$0x14000];
	v1 =	vsel vm2, v1, v15  }
0x201: {  	v10 =	vmax.f32 v10, $0.0e+00;
	v11 =	vmin.f32 v11, $1.000000000e+00;
	v15 =	vsel vm3, v3, v4;
	v3 =	vld [tilespmem:s8+$0x14080];
	[tilespmem:s11+$0x14000] =	vst v1  }
0x202: {  	v4 =	vld [tilespmem:s8+$0x14100];
	v6 =	vsel vm5, v6, v11;
	v1 =	vmin.f32 v10, $1.000000000e+00;
	v10 =	vmax.f32 v12, $0.0e+00;
	[tilespmem:s11+$0x14080] =	vst v15  }
0x203: {  	v11 =	vmax.f32 v13, $0.0e+00;
	[tilespmem:s11+$0x14180] =	vst v6;
	v1 =	vsel vm4, v5, v1;
	v5 =	vld [tilespmem:s8+$0x14180];
	v10 =	vmin.f32 v10, $1.000000000e+00  }
0x204: {  	v6 =	vmin.f32 v11, $1.000000000e+00;
	[tilespmem:s11+$0x14100] =	vst v1;
	v1 =	vld [tilespmem:s8+$0x14200];
	v7 =	vsel vm1, v7, v10;
	v10 =	vmax.f32 v14, $0.0e+00  }
0x205: {  	vm1 =	veq.f32 v9, $0.0e+00;
	v10 =	vmin.f32 v10, $1.000000000e+00;
	[tilespmem:s11+$0x14200] =	vst v7;
	v7 =	vsel vm0, v8, v6;
	v6 =	vld [tilespmem:s8+$0x14280]  }
0x206: {  	s23 =	sor.u32 s23, s23;
	v8 =	vsel vm1, v9, v10;
	[tilespmem:s11+$0x14280] =	vst v7;
	v7 =	vld [tilespmem:s8+$0x14300]  }
0x207: {  	s5 =	sor.u32 $0x380, s23;
	vm4 =	veq.f32 v2, $0.0e+00;
	v11 =	vadd.f32 v2, v0;
	vm3 =	veq.f32 v3, $0.0e+00;
	[tilespmem:s11+$0x14300] =	vst v8  }
0x208: {  	vm1 =	veq.f32 v4, $0.0e+00;
	v12 =	vadd.f32 v3, v0;
	v10 =	vadd.f32 v4, v0;
	v8 =	vld [tilespmem:s5+$0x14000]  }
0x209: {  	s12 =	simm.s32 $0x80;
	s11 =	simm.s32 $0x20;
	vm2 =	veq.f32 v5, $0.0e+00;
	v9 =	vadd.f32 v5, v0;
	vm0 =	veq.f32 v1, $0.0e+00  }
.LBB2_13:
0x20a: {  	p1 =	sne.s32 s11, $0x3F0;
	v13 =	vadd.f32 v1, v0;
	v14 =	vadd.f32 v6, v0;
	vm5 =	veq.f32 v6, $0.0e+00  }
0x20b: {  	v11 =	vmax.f32 v11, $0.0e+00;
	v12 =	vmax.f32 v12, $0.0e+00;
	s10 =	sadd.s32 $0x80, s10;
	v15 =	vadd.f32 v7, v0  }
0x20c: {  	s2 =	sand.u32 $0x70, s11;
	s6 =	sand.u32 $0x1C00, s10;
	v11 =	vmin.f32 v11, $1.000000000e+00;
	v10 =	vmax.f32 v10, $0.0e+00;
	v9 =	vmax.f32 v9, $0.0e+00  }
0x20d: {  	v12 =	vmin.f32 v12, $1.000000000e+00;
	s2 =	sor.u32 s2, s6;
	v11 =	vsel vm4, v2, v11;
	v16 =	vadd.f32 v8, v0  }
0x20e: {  	v10 =	vmin.f32 v10, $1.000000000e+00;
	v2 =	vld [tilespmem:s2+$0x14000];
	[tilespmem:s8+$0x14000] =	vst v11;
	v11 =	vsel vm3, v3, v12;
	v12 =	vmax.f32 v13, $0.0e+00  }
0x20f: {  	v9 =	vmin.f32 v9, $1.000000000e+00;
	v10 =	vsel vm1, v4, v10;
	v3 =	vld [tilespmem:s2+$0x14080];
	[tilespmem:s8+$0x14080] =	vst v11;
	v11 =	vmax.f32 v16, $0.0e+00  }
0x210: {  	v9 =	vsel vm2, v5, v9;
	vm1 =	veq.f32 v8, $0.0e+00;
	v4 =	vld [tilespmem:s2+$0x14100];
	[tilespmem:s8+$0x14100] =	vst v10;
	v10 =	vmin.f32 v11, $1.000000000e+00  }
0x211: {  	v11 =	vmax.f32 v14, $0.0e+00;
	v5 =	vld [tilespmem:s2+$0x14180];
	[tilespmem:s8+$0x14180] =	vst v9;
	v9 =	vmin.f32 v12, $1.000000000e+00;
	v8 =	vsel vm1, v8, v10  }
0x212: {  	v10 =	vmin.f32 v11, $1.000000000e+00;
	v11 =	vmax.f32 v15, $0.0e+00;
	v9 =	vsel vm0, v1, v9;
	v1 =	vld [tilespmem:s2+$0x14200];
	[tilespmem:s5+$0x14000] =	vst v8  }
.Ltmp5:
0x213: {  	v8 =	vsel vm5, v6, v10;
	vm0 =	veq.f32 v7, $0.0e+00;
	[tilespmem:s8+$0x14200] =	vst v9;
	v6 =	vld [tilespmem:s2+$0x14280];
	v9 =	vmin.f32 v11, $1.000000000e+00;
	(pc) =	sbr.rel @p1 .LBB2_13-.Ltmp5, $4  }
0x214: {  	s5 =	sor.u32 s12, s7;
	s12 =	smov.u32 s10;
	s7 =	smov.u32 s11;
	[tilespmem:s8+$0x14280] =	vst v8;
	v8 =	vsel vm0, v7, v9;
	v7 =	vld [tilespmem:s2+$0x14300]  }
0x215: {  	vm4 =	veq.f32 v2, $0.0e+00;
	s5 =	sor.u32 $0x380, s5;
	vm3 =	veq.f32 v3, $0.0e+00;
	vm1 =	veq.f32 v4, $0.0e+00;
	[tilespmem:s8+$0x14300] =	vst v8;
	s8 =	smov.u32 s2  }
0x216: {  	v11 =	vadd.f32 v2, v0;
	v12 =	vadd.f32 v3, v0;
	vm2 =	veq.f32 v5, $0.0e+00;
	v8 =	vld [tilespmem:s5+$0x14000]  }
0x217: {  	s11 =	sadd.s32 $0x10, s11;
	v10 =	vadd.f32 v4, v0;
	v9 =	vadd.f32 v5, v0;
	vm0 =	veq.f32 v1, $0.0e+00  }
0x218: {  	v13 =	vadd.f32 v1, v0  }
0x219: {  	v14 =	vadd.f32 v6, v0;
	vm5 =	veq.f32 v6, $0.0e+00;
	v11 =	vmax.f32 v11, $0.0e+00  }
0x21a: {  	v12 =	vmax.f32 v12, $0.0e+00;
	v15 =	vadd.f32 v7, v0;
	v11 =	vmin.f32 v11, $1.000000000e+00  }
0x21b: {  	v10 =	vmax.f32 v10, $0.0e+00;
	v2 =	vsel vm4, v2, v11;
	v11 =	vmin.f32 v12, $1.000000000e+00  }
0x21c: {  	v9 =	vmax.f32 v9, $0.0e+00;
	[tilespmem:s8+$0x14000] =	vst v2;
	v2 =	vsel vm3, v3, v11;
	v3 =	vmin.f32 v10, $1.000000000e+00  }
0x21d: {  	v10 =	vmax.f32 v13, $0.0e+00;
	[tilespmem:s8+$0x14080] =	vst v2;
	v2 =	vsel vm1, v4, v3;
	v3 =	vmin.f32 v9, $1.000000000e+00  }
0x21e: {  	v4 =	vmax.f32 v14, $0.0e+00;
	[tilespmem:s8+$0x14100] =	vst v2;
	v2 =	vsel vm2, v5, v3;
	v3 =	vmin.f32 v10, $1.000000000e+00  }
0x21f: {  	[tilespmem:s8+$0x14180] =	vst v2;
	v1 =	vsel vm0, v1, v3;
	v2 =	vmin.f32 v4, $1.000000000e+00;
	v3 =	vmax.f32 v15, $0.0e+00  }
0x220: {  	vm0 =	veq.f32 v7, $0.0e+00;
	[tilespmem:s8+$0x14200] =	vst v1;
	v1 =	vsel vm5, v6, v2;
	v2 =	vmin.f32 v3, $1.000000000e+00  }
0x221: {  	s2 =	sor.u32 s12, s7;
	[tilespmem:s8+$0x14280] =	vst v1;
	v1 =	vsel vm0, v7, v2  }
0x222: {  	s2 =	sor.u32 $0x380, s2;
	[tilespmem:s8+$0x14300] =	vst v1  }
0x223: {  	v1 =	vld [tilespmem:s2+$0x14000];
	_ =	sdelay $0x3  }
0x224: {  	v2 =	vadd.f32 v8, v0  }
0x225: {  	v3 =	vadd.f32 v1, v0  }
0x226: {  	v2 =	vmax.f32 v2, $0.0e+00  }
0x227: {  	vm0 =	veq.f32 v8, $0.0e+00;
	v2 =	vmin.f32 v2, $1.000000000e+00;
	v3 =	vmax.f32 v3, $0.0e+00  }
0x228: {  	v2 =	vsel vm0, v8, v2;
	vm0 =	veq.f32 v1, $0.0e+00;
	v3 =	vmin.f32 v3, $1.000000000e+00  }
0x229: {  	[tilespmem:s5+$0x14000] =	vst v2;
	v1 =	vsel vm0, v1, v3  }
0x22a: {  	s16 =	sadd.s32 s3, s21;
	s21 =	simm.s32 $0x14000;
	[tilespmem:s2+$0x14000] =	vst v1;
	s2 =	simm.s32 @!p0 $0x16  }
0x22b: {  	[hbm4b:s16+s4] =	stream.linear.scatter [tilespmem:s21], [sflag:$0x18], $0x2000, $0x38;
	[tilespmem:$0x1A080] =	vst v63  }
0x22c: {  	_ =	swait.ge @!p0 [sflag:s2], $0x2000  }
0x22d: {  	[sflag:s2] =	ssyncset.done @!p0 $0x0  }
0x22e: {  	[sflag:s2] =	ssyncadd.s32 @!p0 $0xFFFFE000;
	s2 =	rddreg [dreg:$0xe]  }
0x22f: {  	s6 =	simm.s32 @!p0 $0x10000;
	s5 =	simm.s32 @!p0 $0x0;
	s2 =	sadd.s32 @!p0 s31, s2  }
0x230: {  	[tilespmem:s6], [sflag:$0x9] =	stream.linear.gather @!p0 [hbm4b:s2+s5], $0x2000, $0x38;
	[tilespmem:$0x1A080] =	vst v63  }
0x231: {  	s23 =	simm.s32 $0x0;
	_ =	swait.ge [sflag:s17], $0x2000  }
0x232: {  	s12 =	sand.u32 $0x70, s23;
	s13 =	sand.u32 $0x1C00, s23;
	[sflag:s17] =	ssyncset.done $0x0  }
0x233: {  	s11 =	sor.u32 s12, s13;
	[sflag:s17] =	ssyncadd.s32 $0xFFFFE000  }
0x234: {  	v1 =	vld [tilespmem:s11+$0x16000]  }
0x235: {  	v3 =	vld [tilespmem:s11+$0x16080]  }
0x236: {  	v5 =	vld [tilespmem:s11+$0x16100]  }
0x237: {  	v6 =	vld [tilespmem:s11+$0x16180]  }
0x238: {  	v7 =	vld [tilespmem:s11+$0x16200]  }
0x239: {  	v8 =	vld [tilespmem:s11+$0x16280]  }
0x23a: {  	v9 =	vld [tilespmem:s11+$0x16300];
	vm2 =	veq.f32 v1, $0.0e+00  }
0x23b: {  	vm3 =	veq.f32 v3, $0.0e+00;
	vm4 =	veq.f32 v5, $0.0e+00;
	v2 =	vadd.f32 v1, v0  }
0x23c: {  	v4 =	vadd.f32 v3, v0;
	vm5 =	veq.f32 v6, $0.0e+00;
	v10 =	vadd.f32 v5, v0  }
0x23d: {  	s7 =	simm.s32 $0x10;
	s10 =	simm.s32 $0x80;
	v11 =	vadd.f32 v6, v0;
	vm1 =	veq.f32 v7, $0.0e+00;
	v12 =	vadd.f32 v7, v0  }
0x23e: {  	s16 =	sand.u32 $0x70, s7;
	s21 =	sand.u32 $0x1C00, s10;
	v13 =	vadd.f32 v8, v0;
	vm0 =	veq.f32 v8, $0.0e+00;
	v2 =	vmax.f32 v2, $0.0e+00  }
0x23f: {  	s8 =	sor.u32 s16, s21;
	v14 =	vadd.f32 v9, v0;
	v4 =	vmax.f32 v4, $0.0e+00;
	v15 =	vmin.f32 v2, $1.000000000e+00  }
0x240: {  	v11 =	vmax.f32 v11, $0.0e+00;
	v4 =	vmin.f32 v4, $1.000000000e+00;
	v2 =	vld [tilespmem:s8+$0x16000];
	v1 =	vsel vm2, v1, v15  }
0x241: {  	v10 =	vmax.f32 v10, $0.0e+00;
	v11 =	vmin.f32 v11, $1.000000000e+00;
	v15 =	vsel vm3, v3, v4;
	v3 =	vld [tilespmem:s8+$0x16080];
	[tilespmem:s11+$0x16000] =	vst v1  }
0x242: {  	v4 =	vld [tilespmem:s8+$0x16100];
	v6 =	vsel vm5, v6, v11;
	v1 =	vmin.f32 v10, $1.000000000e+00;
	v10 =	vmax.f32 v12, $0.0e+00;
	[tilespmem:s11+$0x16080] =	vst v15  }
0x243: {  	v11 =	vmax.f32 v13, $0.0e+00;
	[tilespmem:s11+$0x16180] =	vst v6;
	v1 =	vsel vm4, v5, v1;
	v5 =	vld [tilespmem:s8+$0x16180];
	v10 =	vmin.f32 v10, $1.000000000e+00  }
0x244: {  	v6 =	vmin.f32 v11, $1.000000000e+00;
	[tilespmem:s11+$0x16100] =	vst v1;
	v1 =	vld [tilespmem:s8+$0x16200];
	v7 =	vsel vm1, v7, v10;
	v10 =	vmax.f32 v14, $0.0e+00  }
0x245: {  	vm1 =	veq.f32 v9, $0.0e+00;
	v10 =	vmin.f32 v10, $1.000000000e+00;
	[tilespmem:s11+$0x16200] =	vst v7;
	v7 =	vsel vm0, v8, v6;
	v6 =	vld [tilespmem:s8+$0x16280]  }
0x246: {  	s23 =	sor.u32 s23, s23;
	v8 =	vsel vm1, v9, v10;
	[tilespmem:s11+$0x16280] =	vst v7;
	v7 =	vld [tilespmem:s8+$0x16300]  }
0x247: {  	s5 =	sor.u32 $0x380, s23;
	vm4 =	veq.f32 v2, $0.0e+00;
	v11 =	vadd.f32 v2, v0;
	vm3 =	veq.f32 v3, $0.0e+00;
	[tilespmem:s11+$0x16300] =	vst v8  }
0x248: {  	vm1 =	veq.f32 v4, $0.0e+00;
	v12 =	vadd.f32 v3, v0;
	v10 =	vadd.f32 v4, v0;
	v8 =	vld [tilespmem:s5+$0x16000]  }
0x249: {  	s12 =	simm.s32 $0x80;
	s11 =	simm.s32 $0x20;
	vm2 =	veq.f32 v5, $0.0e+00;
	v9 =	vadd.f32 v5, v0;
	vm0 =	veq.f32 v1, $0.0e+00  }
.LBB2_15:
0x24a: {  	p1 =	sne.s32 s11, $0x3F0;
	v13 =	vadd.f32 v1, v0;
	v14 =	vadd.f32 v6, v0;
	vm5 =	veq.f32 v6, $0.0e+00  }
0x24b: {  	v11 =	vmax.f32 v11, $0.0e+00;
	v12 =	vmax.f32 v12, $0.0e+00;
	s10 =	sadd.s32 $0x80, s10;
	v15 =	vadd.f32 v7, v0  }
0x24c: {  	s2 =	sand.u32 $0x70, s11;
	s6 =	sand.u32 $0x1C00, s10;
	v11 =	vmin.f32 v11, $1.000000000e+00;
	v10 =	vmax.f32 v10, $0.0e+00;
	v9 =	vmax.f32 v9, $0.0e+00  }
0x24d: {  	v12 =	vmin.f32 v12, $1.000000000e+00;
	s2 =	sor.u32 s2, s6;
	v11 =	vsel vm4, v2, v11;
	v16 =	vadd.f32 v8, v0  }
0x24e: {  	v10 =	vmin.f32 v10, $1.000000000e+00;
	v2 =	vld [tilespmem:s2+$0x16000];
	[tilespmem:s8+$0x16000] =	vst v11;
	v11 =	vsel vm3, v3, v12;
	v12 =	vmax.f32 v13, $0.0e+00  }
0x24f: {  	v9 =	vmin.f32 v9, $1.000000000e+00;
	v10 =	vsel vm1, v4, v10;
	v3 =	vld [tilespmem:s2+$0x16080];
	[tilespmem:s8+$0x16080] =	vst v11;
	v11 =	vmax.f32 v16, $0.0e+00  }
0x250: {  	v9 =	vsel vm2, v5, v9;
	vm1 =	veq.f32 v8, $0.0e+00;
	v4 =	vld [tilespmem:s2+$0x16100];
	[tilespmem:s8+$0x16100] =	vst v10;
	v10 =	vmin.f32 v11, $1.000000000e+00  }
0x251: {  	v11 =	vmax.f32 v14, $0.0e+00;
	v5 =	vld [tilespmem:s2+$0x16180];
	[tilespmem:s8+$0x16180] =	vst v9;
	v9 =	vmin.f32 v12, $1.000000000e+00;
	v8 =	vsel vm1, v8, v10  }
0x252: {  	v10 =	vmin.f32 v11, $1.000000000e+00;
	v11 =	vmax.f32 v15, $0.0e+00;
	v9 =	vsel vm0, v1, v9;
	v1 =	vld [tilespmem:s2+$0x16200];
	[tilespmem:s5+$0x16000] =	vst v8  }
.Ltmp6:
0x253: {  	v8 =	vsel vm5, v6, v10;
	vm0 =	veq.f32 v7, $0.0e+00;
	[tilespmem:s8+$0x16200] =	vst v9;
	v6 =	vld [tilespmem:s2+$0x16280];
	v9 =	vmin.f32 v11, $1.000000000e+00;
	(pc) =	sbr.rel @p1 .LBB2_15-.Ltmp6, $4  }
0x254: {  	s5 =	sor.u32 s12, s7;
	s12 =	smov.u32 s10;
	s7 =	smov.u32 s11;
	[tilespmem:s8+$0x16280] =	vst v8;
	v8 =	vsel vm0, v7, v9;
	v7 =	vld [tilespmem:s2+$0x16300]  }
0x255: {  	vm4 =	veq.f32 v2, $0.0e+00;
	s5 =	sor.u32 $0x380, s5;
	vm3 =	veq.f32 v3, $0.0e+00;
	vm1 =	veq.f32 v4, $0.0e+00;
	[tilespmem:s8+$0x16300] =	vst v8;
	s8 =	smov.u32 s2  }
0x256: {  	v11 =	vadd.f32 v2, v0;
	v12 =	vadd.f32 v3, v0;
	vm2 =	veq.f32 v5, $0.0e+00;
	v8 =	vld [tilespmem:s5+$0x16000]  }
0x257: {  	s11 =	sadd.s32 $0x10, s11;
	v10 =	vadd.f32 v4, v0;
	v9 =	vadd.f32 v5, v0;
	vm0 =	veq.f32 v1, $0.0e+00  }
0x258: {  	v13 =	vadd.f32 v1, v0  }
0x259: {  	v14 =	vadd.f32 v6, v0;
	vm5 =	veq.f32 v6, $0.0e+00;
	v11 =	vmax.f32 v11, $0.0e+00  }
0x25a: {  	v12 =	vmax.f32 v12, $0.0e+00;
	v15 =	vadd.f32 v7, v0;
	v11 =	vmin.f32 v11, $1.000000000e+00  }
0x25b: {  	v10 =	vmax.f32 v10, $0.0e+00;
	v59 =	vmin.f32 v12, $1.000000000e+00;
	v2 =	vsel vm4, v2, v11  }
0x25c: {  	v9 =	vmax.f32 v9, $0.0e+00;
	[tilespmem:s8+$0x16000] =	vst v2;
	v2 =	vsel vm3, v3, v59;
	v3 =	vmin.f32 v10, $1.000000000e+00  }
0x25d: {  	v60 =	vmax.f32 v13, $0.0e+00;
	[tilespmem:s8+$0x16080] =	vst v2;
	v2 =	vsel vm1, v4, v3;
	v3 =	vmin.f32 v9, $1.000000000e+00  }
0x25e: {  	v4 =	vmax.f32 v14, $0.0e+00;
	[tilespmem:s8+$0x16100] =	vst v2;
	v2 =	vsel vm2, v5, v3;
	v3 =	vmin.f32 v60, $1.000000000e+00  }
0x25f: {  	[tilespmem:s8+$0x16180] =	vst v2;
	v1 =	vsel vm0, v1, v3;
	v2 =	vmin.f32 v4, $1.000000000e+00;
	v3 =	vmax.f32 v15, $0.0e+00  }
0x260: {  	vm9 =	veq.f32 v7, $0.0e+00;
	[tilespmem:s8+$0x16200] =	vst v1;
	v1 =	vsel vm5, v6, v2;
	v2 =	vmin.f32 v3, $1.000000000e+00  }
0x261: {  	s2 =	sor.u32 s12, s7;
	[tilespmem:s8+$0x16280] =	vst v1;
	v1 =	vsel vm9, v7, v2  }
0x262: {  	s2 =	sor.u32 $0x380, s2;
	[tilespmem:s8+$0x16300] =	vst v1  }
0x263: {  	v1 =	vld [tilespmem:s2+$0x16000];
	_ =	sdelay $0x3  }
0x264: {  	v2 =	vadd.f32 v8, v0  }
0x265: {  	v3 =	vadd.f32 v1, v0  }
0x266: {  	v2 =	vmax.f32 v2, $0.0e+00  }
0x267: {  	vm10 =	veq.f32 v8, $0.0e+00;
	v2 =	vmin.f32 v2, $1.000000000e+00;
	v3 =	vmax.f32 v3, $0.0e+00  }
0x268: {  	v2 =	vsel vm10, v8, v2;
	vm11 =	veq.f32 v1, $0.0e+00;
	v3 =	vmin.f32 v3, $1.000000000e+00  }
0x269: {  	[tilespmem:s5+$0x16000] =	vst v2;
	v1 =	vsel vm11, v1, v3  }
0x26a: {  	s0 =	sadd.s32 s3, s0;
	s12 =	simm.s32 $0x16000;
	[tilespmem:s2+$0x16000] =	vst v1  }
0x26b: {  	[hbm4b:s0+s4] =	stream.linear.scatter [tilespmem:s12], [sflag:$0x19], $0x2000, $0x38;
	[tilespmem:$0x1A080] =	vst v63  }
0x26c: {  	s0 =	simm.s32 @!p0 $0x17  }
0x26d: {  	_ =	swait.ge @!p0 [sflag:s0], $0x2000  }
0x26e: {  	[sflag:s0] =	ssyncset.done @!p0 $0x0  }
0x26f: {  	[sflag:s0] =	ssyncadd.s32 @!p0 $0xFFFFE000;
	s0 =	rddreg [dreg:$0xf]  }
0x270: {  	s5 =	simm.s32 @!p0 $0x12000;
	s2 =	simm.s32 @!p0 $0x0;
	s0 =	sadd.s32 @!p0 s31, s0  }
0x271: {  	[tilespmem:s5], [sflag:$0xA] =	stream.linear.gather @!p0 [hbm4b:s0+s2], $0x2000, $0x38;
	[tilespmem:$0x1A080] =	vst v63  }
0x272: {  	s13 =	simm.s32 $0x0;
	_ =	swait.ge [sflag:s22], $0x1000  }
0x273: {  	s16 =	sand.u32 $0x70, s13;
	s0 =	sand.u32 $0x1C00, s13;
	[sflag:s22] =	ssyncset.done $0x0  }
0x274: {  	s5 =	sor.u32 s16, s0;
	[sflag:s22] =	ssyncadd.s32 $0xFFFFF000  }
0x275: {  	v2 =	vld [tilespmem:s5+$0x18180];
	_ =	sdelay $0x1  }
0x276: {  	v3 =	vld [tilespmem:s5+$0x18000]  }
0x277: {  	v5 =	vld [tilespmem:s5+$0x18080]  }
0x278: {  	v8 =	vld [tilespmem:s5+$0x18100]  }
0x279: {  	s21 =	simm.s32 $0x10;
	s23 =	simm.s32 $0x80;
	v4 =	vadd.f32 v2, v0  }
0x27a: {  	s2 =	sand.u32 $0x1C00, s23;
	s0 =	sand.u32 $0x70, s21  }
0x27b: {  	s0 =	sor.u32 s0, s2;
	v6 =	vadd.f32 v3, v0;
	v4 =	vmax.f32 v4, $0.0e+00  }
0x27c: {  	v1 =	vld [tilespmem:s0+$0x18180];
	v7 =	vadd.f32 v5, v0;
	vm14 =	veq.f32 v2, $0.0e+00;
	v4 =	vmin.f32 v4, $1.000000000e+00  }
0x27d: {  	v61 =	vadd.f32 v8, v0;
	v6 =	vmax.f32 v6, $0.0e+00;
	v62 =	vsel vm14, v2, v4;
	v4 =	vld [tilespmem:s0+$0x18000]  }
0x27e: {  	vm12 =	veq.f32 v3, $0.0e+00;
	v7 =	vmax.f32 v7, $0.0e+00;
	v6 =	vmin.f32 v6, $1.000000000e+00;
	v2 =	vld [tilespmem:s0+$0x18080]  }
0x27f: {  	v63 =	vmin.f32 v7, $1.000000000e+00;
	v7 =	vmax.f32 v61, $0.0e+00;
	v6 =	vsel vm12, v3, v6;
	v3 =	vld [tilespmem:s0+$0x18100]  }
0x280: {  	s6 =	simm.s32 $0x20;
	s2 =	simm.s32 $0x100;
	vm13 =	veq.f32 v5, $0.0e+00;
	vm15 =	veq.f32 v8, $0.0e+00;
	v9 =	vmin.f32 v7, $1.000000000e+00;
	[tilespmem:s5+$0x18180] =	vst v62  }
0x281: {  	s7 =	simm.s32 $0x30;
	s8 =	sand.u32 $0x70, s6;
	s10 =	sand.u32 $0x1C00, s2;
	v7 =	vadd.f32 v1, v0;
	[tilespmem:s5+$0x18000] =	vst v6;
	v6 =	vsel vm13, v5, v63;
	v5 =	vsel vm15, v8, v9  }
.LBB2_17:
0x282: {  	p1 =	sne.s32 s7, $0x3F0;
	s6 =	sor.u32 s8, s10;
	v8 =	vadd.f32 v4, v0;
	vm1 =	veq.f32 v4, $0.0e+00;
	[tilespmem:s5+$0x18080] =	vst v6;
	v6 =	vmovc v1;
	v9 =	vmov v4  }
0x283: {  	v1 =	vld [tilespmem:s6+$0x18180];
	v10 =	vadd.f32 v2, v0;
	vm0 =	veq.f32 v2, $0.0e+00;
	v7 =	vmax.f32 v7, $0.0e+00;
	[tilespmem:s5+$0x18100] =	vst v5;
	v5 =	vmovc v2;
	s5 =	smov.u32 s0;
	s0 =	smov.u32 s6  }
.Ltmp7:
0x284: {  	vm2 =	veq.f32 v6, $0.0e+00;
	v4 =	vld [tilespmem:s0+$0x18000];
	v11 =	vadd.f32 v3, v0;
	v7 =	vmin.f32 v7, $1.000000000e+00;
	v12 =	vmovc v3;
	(pc) =	sbr.rel @p1 .LBB2_17-.Ltmp7, $4  }
0x285: {  	v8 =	vmax.f32 v8, $0.0e+00;
	v2 =	vld [tilespmem:s0+$0x18080];
	v10 =	vmax.f32 v10, $0.0e+00;
	v6 =	vsel vm2, v6, v7  }
0x286: {  	v7 =	vmin.f32 v8, $1.000000000e+00;
	v3 =	vld [tilespmem:s0+$0x18100];
	v8 =	vmin.f32 v10, $1.000000000e+00;
	v10 =	vmax.f32 v11, $0.0e+00;
	[tilespmem:s5+$0x18180] =	vst v6  }
0x287: {  	s2 =	sadd.s32 $0x80, s2;
	v6 =	vsel vm1, v9, v7;
	vm1 =	veq.f32 v12, $0.0e+00;
	v9 =	vmin.f32 v10, $1.000000000e+00  }
0x288: {  	s8 =	sand.u32 $0x70, s7;
	s7 =	sadd.s32 $0x10, s7;
	s10 =	sand.u32 $0x1C00, s2;
	v7 =	vadd.f32 v1, v0;
	[tilespmem:s5+$0x18000] =	vst v6;
	v6 =	vsel vm0, v5, v8;
	v5 =	vsel vm1, v12, v9  }
0x289: {  	s2 =	sor.u32 s8, s10  }
0x28a: {  	v8 =	vadd.f32 v4, v0;
	vm0 =	veq.f32 v4, $0.0e+00;
	v9 =	vld [tilespmem:s2+$0x18180]  }
0x28b: {  	vm1 =	veq.f32 v1, $0.0e+00;
	v10 =	vadd.f32 v2, v0;
	v7 =	vmax.f32 v7, $0.0e+00;
	v11 =	vld [tilespmem:s2+$0x18000]  }
0x28c: {  	v13 =	vld [tilespmem:s2+$0x18080];
	vm11 =	veq.f32 v2, $0.0e+00;
	v12 =	vadd.f32 v3, v0;
	v8 =	vmax.f32 v8, $0.0e+00  }
0x28d: {  	v54 =	vld [tilespmem:s2+$0x18100];
	v7 =	vmin.f32 v7, $1.000000000e+00;
	vm12 =	veq.f32 v3, $0.0e+00;
	v8 =	vmin.f32 v8, $1.000000000e+00  }
0x28e: {  	v1 =	vsel vm1, v1, v7;
	v55 =	vmax.f32 v10, $0.0e+00;
	v56 =	vmax.f32 v12, $0.0e+00  }
0x28f: {  	[tilespmem:s5+$0x18080] =	vst v6;
	v4 =	vsel vm0, v4, v8;
	v57 =	vmin.f32 v55, $1.000000000e+00;
	v58 =	vmin.f32 v56, $1.000000000e+00  }
0x290: {  	[tilespmem:s5+$0x18100] =	vst v5;
	v2 =	vsel vm11, v2, v57;
	v59 =	vadd.f32 v9, v0;
	v3 =	vsel vm12, v3, v58  }
0x291: {  	[tilespmem:s0+$0x18180] =	vst v1;
	v1 =	vadd.f32 v11, v0;
	vm13 =	veq.f32 v11, $0.0e+00;
	v60 =	vadd.f32 v13, v0  }
0x292: {  	[tilespmem:s0+$0x18000] =	vst v4;
	vm14 =	veq.f32 v13, $0.0e+00;
	v62 =	vadd.f32 v54, v0;
	v61 =	vmax.f32 v59, $0.0e+00  }
0x293: {  	[tilespmem:s0+$0x18080] =	vst v2;
	vm2 =	veq.f32 v9, $0.0e+00;
	v1 =	vmax.f32 v1, $0.0e+00;
	v2 =	vmin.f32 v61, $1.000000000e+00  }
0x294: {  	[tilespmem:s0+$0x18100] =	vst v3;
	v3 =	vmax.f32 v60, $0.0e+00;
	v1 =	vmin.f32 v1, $1.000000000e+00;
	v2 =	vsel vm2, v9, v2  }
0x295: {  	v63 =	vmax.f32 v62, $0.0e+00;
	v3 =	vmin.f32 v3, $1.000000000e+00;
	v1 =	vsel vm13, v11, v1;
	[tilespmem:s2+$0x18180] =	vst v2  }
0x296: {  	vm15 =	veq.f32 v54, $0.0e+00;
	v2 =	vmin.f32 v63, $1.000000000e+00;
	[tilespmem:s2+$0x18000] =	vst v1;
	v1 =	vsel vm14, v13, v3  }
0x297: {  	v2 =	vsel vm15, v54, v2;
	[tilespmem:s2+$0x18080] =	vst v1  }
0x298: {  	s0 =	sadd.s32 s3, s29;
	[tilespmem:s2+$0x18100] =	vst v2  }
0x299: {  	[hbm4b:s0+s4] =	stream.linear.scatter [tilespmem:s20], [sflag:$0x1A], $0x200, $0x38;
	[tilespmem:$0x1A080] =	vst v63  }
0x29a: {  	s29 =	simm.s32 $0x18400;
	s23 =	sadd.s32 $0x80, s0  }
0x29b: {  	[hbm4b:s23+s4] =	stream.linear.scatter [tilespmem:s29], [sflag:$0x1A], $0x200, $0x38;
	[tilespmem:$0x1A080] =	vst v63  }
0x29c: {  	s7 =	simm.s32 $0x18800;
	s6 =	sadd.s32 $0x100, s0  }
0x29d: {  	[hbm4b:s6+s4] =	stream.linear.scatter [tilespmem:s7], [sflag:$0x1A], $0x200, $0x38;
	[tilespmem:$0x1A080] =	vst v63  }
0x29e: {  	s10 =	simm.s32 $0x18C00;
	s8 =	sadd.s32 $0x180, s0  }
0x29f: {  	[hbm4b:s8+s4] =	stream.linear.scatter [tilespmem:s10], [sflag:$0x1A], $0x200, $0x38;
	[tilespmem:$0x1A080] =	vst v63  }
0x2a0: {  	s12 =	simm.s32 $0x19000;
	s11 =	sadd.s32 $0x200, s0  }
0x2a1: {  	[hbm4b:s11+s4] =	stream.linear.scatter [tilespmem:s12], [sflag:$0x1A], $0x200, $0x38;
	[tilespmem:$0x1A080] =	vst v63  }
0x2a2: {  	s16 =	simm.s32 $0x19400;
	s13 =	sadd.s32 $0x280, s0  }
0x2a3: {  	[hbm4b:s13+s4] =	stream.linear.scatter [tilespmem:s16], [sflag:$0x1A], $0x200, $0x38;
	[tilespmem:$0x1A080] =	vst v63  }
0x2a4: {  	s21 =	sadd.s32 $0x300, s0;
	s23 =	simm.s32 $0x19800  }
0x2a5: {  	[hbm4b:s21+s4] =	stream.linear.scatter [tilespmem:s23], [sflag:$0x1A], $0x200, $0x38;
	[tilespmem:$0x1A080] =	vst v63  }
0x2a6: {  	s0 =	sadd.s32 $0x380, s0;
	s29 =	simm.s32 $0x19C00  }
0x2a7: {  	[hbm4b:s0+s4] =	stream.linear.scatter [tilespmem:s29], [sflag:$0x1A], $0x200, $0x38;
	[tilespmem:$0x1A080] =	vst v63  }
0x2a8: {  	s0 =	simm.s32 @!p0 $0x18  }
0x2a9: {  	_ =	swait.ge @!p0 [sflag:s0], $0x2000  }
0x2aa: {  	[sflag:s0] =	ssyncset.done @!p0 $0x0  }
0x2ab: {  	s5 =	simm.s32 @!p0 $0x14000;
	[sflag:s0] =	ssyncadd.s32 @!p0 $0xFFFFE000;
	s0 =	rddreg [dreg:$0x12]  }
0x2ac: {  	p1 =	sne.s32 @!p0 s30, $0x8;
	s2 =	simm.s32 @!p0 $0x0;
	s0 =	sadd.s32 @!p0 s31, s0  }
0x2ad: {  	[tilespmem:s5], [sflag:$0xB] =	stream.linear.gather @!p0 [hbm4b:s0+s2], $0x2000, $0x38;
	[tilespmem:$0x1A080] =	vst v63  }
0x2ae: {  	p0 =	por p0, !p1  }
.Ltmp8:
0x2af: {  	_ = 	snop;
	(pc) =	sbr.rel @!p0 .LBB2_2-.Ltmp8, $2  }
0x2b0: {  	_ =	sdelay $0x2  }
0x2b1: {  	s6 =	simm.s32 $0x2000  }
0x2b2: {  	s0 =	simm.s32 $0xE  }
0x2b3: {  	_ =	swait.ge [sflag:s0], $0x2000  }
0x2b4: {  	[sflag:s0] =	ssyncset.done $0x0  }
0x2b5: {  	s7 =	simm.s32 $0xF;
	[sflag:s0] =	ssyncadd.s32 $0xFFFFE000  }
0x2b6: {  	_ =	swait.ge [sflag:s7], $0x2000  }
0x2b7: {  	[sflag:s7] =	ssyncset.done $0x0  }
0x2b8: {  	s8 =	simm.s32 $0x10;
	[sflag:s7] =	ssyncadd.s32 $0xFFFFE000  }
0x2b9: {  	_ =	swait.ge [sflag:s8], $0x2000  }
0x2ba: {  	[sflag:s8] =	ssyncset.done $0x0  }
0x2bb: {  	s10 =	simm.s32 $0x11;
	[sflag:s8] =	ssyncadd.s32 $0xFFFFE000  }
0x2bc: {  	_ =	swait.ge [sflag:s10], $0x2000  }
0x2bd: {  	[sflag:s10] =	ssyncset.done $0x0  }
0x2be: {  	s11 =	simm.s32 $0x12;
	[sflag:s10] =	ssyncadd.s32 $0xFFFFE000  }
0x2bf: {  	_ =	swait.ge [sflag:s11], $0x2000  }
0x2c0: {  	[sflag:s11] =	ssyncset.done $0x0  }
0x2c1: {  	s12 =	simm.s32 $0x13;
	[sflag:s11] =	ssyncadd.s32 $0xFFFFE000  }
0x2c2: {  	_ =	swait.ge [sflag:s12], $0x2000  }
0x2c3: {  	[sflag:s12] =	ssyncset.done $0x0  }
0x2c4: {  	s13 =	simm.s32 $0x14;
	[sflag:s12] =	ssyncadd.s32 $0xFFFFE000  }
0x2c5: {  	_ =	swait.ge [sflag:s13], $0x2000  }
0x2c6: {  	[sflag:s13] =	ssyncset.done $0x0  }
0x2c7: {  	s16 =	simm.s32 $0x15;
	[sflag:s13] =	ssyncadd.s32 $0xFFFFE000  }
0x2c8: {  	_ =	swait.ge [sflag:s16], $0x2000  }
0x2c9: {  	[sflag:s16] =	ssyncset.done $0x0  }
0x2ca: {  	s21 =	simm.s32 $0x16;
	[sflag:s16] =	ssyncadd.s32 $0xFFFFE000  }
0x2cb: {  	_ =	swait.ge [sflag:s21], $0x2000  }
0x2cc: {  	[sflag:s21] =	ssyncset.done $0x0  }
0x2cd: {  	s23 =	simm.s32 $0x17;
	[sflag:s21] =	ssyncadd.s32 $0xFFFFE000  }
0x2ce: {  	_ =	swait.ge [sflag:s23], $0x2000  }
0x2cf: {  	[sflag:s23] =	ssyncset.done $0x0  }
0x2d0: {  	s29 =	simm.s32 $0x18;
	[sflag:s23] =	ssyncadd.s32 $0xFFFFE000  }
0x2d1: {  	_ =	swait.ge [sflag:s29], $0x2000  }
0x2d2: {  	[sflag:s29] =	ssyncset.done $0x0  }
0x2d3: {  	s30 =	simm.s32 $0x19;
	[sflag:s29] =	ssyncadd.s32 $0xFFFFE000  }
0x2d4: {  	_ =	swait.ge [sflag:s30], $0x2000  }
0x2d5: {  	[sflag:s30] =	ssyncset.done $0x0  }
0x2d6: {  	s2 =	simm.s32 $0x1A;
	[sflag:s30] =	ssyncadd.s32 $0xFFFFE000  }
0x2d7: {  	_ =	swait.ge [sflag:s2], $0x1000  }
0x2d8: {  	s5 =	sld [smem:$0x7F9];
	_ =	sdelay $0x2  }
0x2d9: {  	s31 =	rddreg [dreg:$0x18];
	s5 =	sadd.s32 $0x1, s5  }
0x2da: {  	p0 =	sne.s32 s5, s31  }
.Ltmp9:
0x2db: {  	_ = 	snop;
	(pc) =	sbr.rel @p0 .LBB2_1-.Ltmp9, $3  }
0x2dc: {  	_ =	sdelay $0x1  }
0x2dd: {  	[sflag:s2] =	ssyncset.done $0x0  }
0x2de: {  	[sflag:s2] =	ssyncadd.s32 $0xFFFFF000  }
0x2df: {  	_ =	sfence.sel $0x180000  }
0x2e0: {  	[bflag:$0x0] =	sbarrier.arrive $0xFFFF  }
0x2e1: {  	_ =	strace $0x90000047  }
0x2e2: {  	s0 =	stileid.u32;
	[bflag:$0x2] =	sbarrier.arrive $0xFFFF  }
0x2e3: {  	p0 =	sne.s32 s0, $0x0;
	s0 =	rddreg [dreg:$0x3]  }
0x2e4: {  	s0 =	sadd.s32 @!p0 $0x100000, s0  }
0x2e5: {  	[sflag:s0] =	ssyncadd.tile.s32 @!p0 $0x1;
	_ =	shalt  }
.Lfunc_end2:
_tile_overlayer_lowered:
.L_overlay_start_2:
0x2e6: {  	(tag) =	ssettag $0x2  }
0x2e7: {  	s0 =	rddreg [dreg:$0x0];
	s2 =	stileid.u32  }
0x2e8: {  	s1 =	rddreg [dreg:$0x1];
	p0 =	sne.s32 s2, $0x0  }
0x2e9: {  	s3 =	rddreg [dreg:$0x2];
	[bflag:$0x3] =	sbarrier.arrive $0xFFFF;
	s2 =	simm.s32 @!p0 $0x1C1B  }
0x2ea: {  	[timem:s3], [sflag:s2] =	dma.local @!p0 [hbm:s0], s1  }
0x2eb: {  	s0 =	simm.s32 @!p0 $0x1B  }
0x2ec: {  	_ =	swait.ge @!p0 [sflag:s0], s1  }
0x2ed: {  	s1 =	ssub.s32 @!p0 $0x0, s1;
	[sflag:s0] =	ssyncset.done @!p0 $0x0  }
0x2ee: {  	[sflag:s0] =	ssyncadd.s32 @!p0 s1  }
0x2ef: {  	[bflag:$0x3] =	sbarrier.arrive $0xFFFF  }
0x2f0: {  	_ =	shalt  }

</sc_bundles>
